<compile_context>
chip_gen: v7x
topology: tpu7x:2x2x1
jax: 0.10.2.dev20260603
libtpu: 0.0.44.dev20260713+nightly
codegen_flags: <defaults>
</compile_context>

<pallas_src>
import functools

import jax
import jax.numpy as jnp
from jax import lax
from jax.experimental import pallas as pl
from jax.experimental.pallas import tpu as pltpu
from jax.experimental.pallas import tpu_sc as plsc

B = 4096
C = 30
CPAD = 32
EDIM = 64
NT = 113
NW = 32
RPW = B // NW
CBI = CPAD
NCHUNK = RPW
L = 16


def _sc_body(base_hbm, sub_hbm, ctx_hbm, tab_hbm, sco_hbm, prb_hbm,
             base_v, sub_v, ctx_v, emb_v, sco_v, prb_v, semg0, semg1):
    wid = lax.axis_index("s") * 2 + lax.axis_index("c")
    row0 = wid * RPW
    nidx = NCHUNK * CBI
    ibase = pl.multiple_of(wid * nidx, nidx)

    pltpu.sync_copy(base_hbm.at[pl.ds(ibase, nidx)], base_v)
    pltpu.sync_copy(sub_hbm.at[pl.ds(ibase, nidx)], sub_v)
    pltpu.sync_copy(
        ctx_hbm.at[pl.ds(pl.multiple_of(wid * (RPW // 2), RPW // 2),
                         RPW // 2)], ctx_v)

    iota = lax.iota(jnp.int32, L)
    iota8 = iota * 8
    semg = (semg0, semg1)

    def issue_gathers(k, p):
        for g in range(2):
            vb = base_v[pl.ds(k * CBI + g * L, L)]
            for j in range(L):
                t = vb[j]
                s = g * L + j
                pltpu.async_copy(
                    tab_hbm.at[pl.ds(pl.multiple_of(t, 8), 8)],
                    emb_v.at[p, pl.ds(s * 8, 8)], semg[p])

    def wait_gathers(p):
        pltpu.make_async_copy(tab_hbm.at[pl.ds(0, CBI * 8)], emb_v.at[p],
                              semg[p]).wait()

    def compute_chunk(row, embp):
        coff = (row & 1) * EDIM
        rowv = jnp.broadcast_to(row >> 1, (L,))
        coffv = jnp.broadcast_to(coff, (L,))
        rows0 = iota8 + sub_v[pl.ds(row * CPAD, L)]
        rows1 = iota8 + jnp.broadcast_to(L * 8, (L,)) \
            + sub_v[pl.ds(row * CPAD + L, L)]

        def d_body(d, accs):
            a0, a1, b0, b1 = accs
            dc = jnp.broadcast_to(d + coff, (L,))
            dv = dc - coffv
            cb = plsc.load_gather(ctx_v, [rowv, dc])
            e0 = plsc.load_gather(embp, [rows0, dv])
            e1 = plsc.load_gather(embp, [rows1, dv])
            dc2 = dc + 1
            dv2 = dv + 1
            cb2 = plsc.load_gather(ctx_v, [rowv, dc2])
            e0b = plsc.load_gather(embp, [rows0, dv2])
            e1b = plsc.load_gather(embp, [rows1, dv2])
            return (a0 + cb * e0, a1 + cb * e1,
                    b0 + cb2 * e0b, b1 + cb2 * e1b)

        z = jnp.zeros((L,), jnp.float32)
        a0, a1, b0, b1 = lax.fori_loop(0, EDIM // 2,
                                       lambda i, acc: d_body(2 * i, acc),
                                       (z, z, z, z), unroll=8)
        s0 = a0 + b0
        s1 = a1 + b1

        m = jnp.maximum(jnp.max(s0), jnp.max(s1))
        mb = jnp.broadcast_to(m, (L,))
        e0 = jnp.exp(s0 - mb)
        e1 = jnp.where(iota < (C - L), jnp.exp(s1 - mb),
                       jnp.zeros((L,), jnp.float32))
        t = jnp.sum(e0) + jnp.sum(e1)
        invb = jnp.ones((L,), jnp.float32) / jnp.broadcast_to(t, (L,))
        base = row * CPAD
        sco_v[pl.ds(base, L)] = s0
        sco_v[pl.ds(base + L, L)] = s1
        prb_v[pl.ds(base, L)] = e0 * invb
        prb_v[pl.ds(base + L, L)] = e1 * invb

    issue_gathers(0, 0)
    issue_gathers(1, 1)

    def pair_body(kk, carry):
        for p in (0, 1):
            k = 2 * kk + p
            wait_gathers(p)
            compute_chunk(k, emb_v.at[p])

            @pl.when(k + 2 < NCHUNK)
            def _():
                issue_gathers(k + 2, p)
        return carry

    lax.fori_loop(0, NCHUNK // 2, pair_body, 0)

    obase = pl.multiple_of(row0 * CPAD, RPW * CPAD)
    pltpu.sync_copy(sco_v, sco_hbm.at[pl.ds(obase, RPW * CPAD)])
    pltpu.sync_copy(prb_v, prb_hbm.at[pl.ds(obase, RPW * CPAD)])


@functools.partial(
    pl.kernel,
    mesh=plsc.VectorSubcoreMesh(core_axis_name="c", subcore_axis_name="s"),
    compiler_params=pltpu.CompilerParams(needs_layout_passes=False),
    out_type=[
        jax.ShapeDtypeStruct((B * CPAD,), jnp.float32),
        jax.ShapeDtypeStruct((B * CPAD,), jnp.float32),
    ],
    scratch_types=[
        pltpu.VMEM((NCHUNK * CBI,), jnp.int32),
        pltpu.VMEM((NCHUNK * CBI,), jnp.int32),
        pltpu.VMEM((RPW // 2, 2 * EDIM), jnp.float32),
        pltpu.VMEM((2, CBI * 8, EDIM), jnp.float32),
        pltpu.VMEM((RPW * CPAD,), jnp.float32),
        pltpu.VMEM((RPW * CPAD,), jnp.float32),
        pltpu.SemaphoreType.DMA,
        pltpu.SemaphoreType.DMA,
    ],
)
def _sc_scores(base_hbm, sub_hbm, ctx_hbm, tab_hbm, sco_hbm, prb_hbm,
               *scratch):
    _sc_body(base_hbm, sub_hbm, ctx_hbm, tab_hbm, sco_hbm, prb_hbm, *scratch)


def _tc_body(ctx_ref, w_ref, b_ref, o_ref):
    y = jnp.dot(ctx_ref[...], w_ref[...],
                preferred_element_type=jnp.float32) + b_ref[...]
    o_ref[...] = jax.nn.sigmoid(y)


def _mentype(ctx, w, b2d):
    return pl.pallas_call(
        _tc_body,
        out_shape=jax.ShapeDtypeStruct((B, NT), jnp.float32),
    )(ctx, w, b2d)


def kernel(leftb, rightb, leftlens, rightlens, docb, wididxsb,
           entity_table, context_encoded, type_W, type_b):
    idx_pad = jnp.concatenate([wididxsb, wididxsb[:, C - 2:]], axis=1)
    base1d = (idx_pad & ~7).reshape(-1)
    sub1d = (idx_pad & 7).reshape(-1)
    ctx2 = context_encoded.reshape(B // 2, 2 * EDIM)
    sco_f, prb_f = _sc_scores(base1d, sub1d, ctx2, entity_table)
    sco = sco_f.reshape(B, CPAD)[:, :C]
    prb = prb_f.reshape(B, CPAD)[:, :C]
    ment = _mentype(context_encoded, type_W, type_b.reshape(1, NT))
    return sco, prb, ment

# --- scband reference (transcript-rebuilt; emitter-appended) ---
"""Pipeline reference for scband-elmodel-5428838662684 (READ-ONLY COPY).

The authoritative reference and input builder live on the scoring server;
editing this copy changes nothing except your own understanding.
"""

import jax, jax.numpy as jnp
import numpy as np

BATCH = 4096
HIST = 50
WORDVOCAB = 100000
ENVOCAB = 1000000
EDIM = 64
NUMCANDS = 30
NUMTYPES = 113
INIT_RANGE = 0.01


def setup_inputs(seed: int = 0) -> dict:
    key = jax.random.key(seed)
    ks = jax.random.split(key, 10)
    leftb = jax.random.randint(ks[0], (BATCH, HIST), 0, WORDVOCAB, dtype=jnp.int32)
    rightb = jax.random.randint(ks[1], (BATCH, HIST), 0, WORDVOCAB, dtype=jnp.int32)
    leftlens = jax.random.randint(ks[2], (BATCH,), 1, HIST, dtype=jnp.int32)
    rightlens = jax.random.randint(ks[3], (BATCH,), 1, HIST, dtype=jnp.int32)
    docb = jax.random.uniform(ks[4], (BATCH, NUMTYPES), dtype=jnp.float32)
    wididxsb = jax.random.randint(ks[5], (BATCH, NUMCANDS), 0, ENVOCAB, dtype=jnp.int32)
    # learned parameters
    entity_table = jax.random.uniform(ks[6], (ENVOCAB, EDIM), minval=-INIT_RANGE, maxval=INIT_RANGE, dtype=jnp.float32)
    # the original forward replaces the context encoder output with torch.randn(bs, edim);
    # we materialize that random context vector deterministically as an input
    context_encoded = jax.random.normal(ks[7], (BATCH, EDIM), dtype=jnp.float32)
    # TypeEncoder modeled as a single linear layer + sigmoid (multi-label mention typing)
    type_W = jax.random.normal(ks[8], (EDIM, NUMTYPES), dtype=jnp.float32) * 0.02
    type_b = jnp.zeros((NUMTYPES,), dtype=jnp.float32)
    return {
        'leftb': leftb, 'rightb': rightb, 'leftlens': leftlens, 'rightlens': rightlens,
        'docb': docb, 'wididxsb': wididxsb,
        'entity_table': entity_table, 'context_encoded': context_encoded,
        'type_W': type_W, 'type_b': type_b,
    }


def reference(leftb, rightb, leftlens, rightlens, docb, wididxsb,
              entity_table, context_encoded, type_W, type_b):
    bs = context_encoded.shape[0]
    # mention type probabilities (TypeEncoder)
    mentype_probs = jax.nn.sigmoid(context_encoded @ type_W + type_b)
    # entity embedding lookup: [B, C, edim]
    cand_entities_embed = jnp.take(entity_table, wididxsb, axis=0)
    # expand context and dot with each candidate embedding
    context_expanded = jnp.broadcast_to(context_encoded[:, None, :], (bs, NUMCANDS, EDIM))
    cand_en_scores = jnp.sum(context_expanded * cand_entities_embed, axis=2)
    cand_en_probs = jax.nn.softmax(cand_en_scores, axis=1)
    return cand_en_scores, cand_en_probs, mentype_probs

if __name__ == "__main__":
    import jax
    _d = setup_inputs()
    print(jax.jit(kernel)(*tuple(_d.values())))

</pallas_src>

<mosaic_0001>
#map = affine_map<(d0, d1) -> (0)>
#map1 = affine_map<(d0, d1) -> (0, 0)>
module attributes {stable_mosaic.version = 14 : i64} {
  func.func @_sc_scores(%arg0: i32, %arg1: i32, %arg2: memref<131072xi32, #tpu.memory_space<hbm>>, %arg3: memref<131072xi32, #tpu.memory_space<hbm>>, %arg4: memref<2048x128xf32, #tpu.memory_space<hbm>>, %arg5: memref<1000000x64xf32, #tpu.memory_space<hbm>>, %arg6: memref<131072xf32, #tpu.memory_space<hbm>>, %arg7: memref<131072xf32, #tpu.memory_space<hbm>>, %arg8: memref<4096xi32, #tpu.memory_space<vmem>>, %arg9: memref<4096xi32, #tpu.memory_space<vmem>>, %arg10: memref<64x128xf32, #tpu.memory_space<vmem>>, %arg11: memref<2x256x64xf32, #tpu.memory_space<vmem>>, %arg12: memref<4096xf32, #tpu.memory_space<vmem>>, %arg13: memref<4096xf32, #tpu.memory_space<vmem>>, %arg14: memref<!tpu.dma_semaphore, #tpu.memory_space<semaphore_mem>>, %arg15: memref<!tpu.dma_semaphore, #tpu.memory_space<semaphore_mem>>) attributes {dimension_semantics = [#tpu.dimension_semantics<core_parallel>, #tpu.dimension_semantics<subcore_parallel>], iteration_bounds = array<i64: 2, 16>, scalar_prefetch = 0 : i64, scratch_operands = 8 : i64, tpu.core_type = #tpu.core_type<sc_vector_subcore>, window_params = [{transform_indices = #map}, {transform_indices = #map}, {transform_indices = #map1}, {transform_indices = #map1}, {transform_indices = #map}, {transform_indices = #map}]} {
    %mul3A = arith.constant 2 : i32
    %mul3A_0 = arith.muli %arg1, %mul3A : i32
    %add3A = arith.addi %mul3A_0, %arg0 : i32
    %mul3A_1 = arith.constant 128 : i32
    %mul3A_2 = arith.muli %add3A, %mul3A_1 : i32
    %mul3A_3 = arith.constant 4096 : i32
    %mul3A_4 = arith.muli %add3A, %mul3A_3 : i32
    %multiple_of3A = tpu.assume_multiple %mul3A_4, 4096 : i32
    "tpu.region"() ({
      %run_scoped3A = tpu.sem_alloc : memref<!tpu.dma_semaphore, #tpu.memory_space<semaphore_mem>>
      %dma_start3A_1047 = tpu.memref_slice %arg2[%multiple_of3A] : memref<131072xi32, #tpu.memory_space<hbm>> -> memref<4096xi32, #tpu.memory_space<hbm>>
      %dma_start3A_1048 = tpu.memref_slice %arg2[%multiple_of3A] : memref<131072xi32, #tpu.memory_space<hbm>> -> memref<4096xi32, #tpu.memory_space<hbm>>
      tpu.enqueue_dma source(%dma_start3A_1048 : memref<4096xi32, #tpu.memory_space<hbm>>) target(%arg8 : memref<4096xi32, #tpu.memory_space<vmem>>) target_semaphore(%run_scoped3A : memref<!tpu.dma_semaphore, #tpu.memory_space<semaphore_mem>>)
      %dma_wait3A = tpu.memref_slice %arg2[%multiple_of3A] : memref<131072xi32, #tpu.memory_space<hbm>> -> memref<4096xi32, #tpu.memory_space<hbm>>
      %dma_wait3A_1049 = tpu.memref_slice %arg2[%multiple_of3A] : memref<131072xi32, #tpu.memory_space<hbm>> -> memref<4096xi32, #tpu.memory_space<hbm>>
      tpu.wait_dma2 semaphore(%run_scoped3A : memref<!tpu.dma_semaphore, #tpu.memory_space<semaphore_mem>>) src(%dma_wait3A_1049 : memref<4096xi32, #tpu.memory_space<hbm>>) dst(%arg8 : memref<4096xi32, #tpu.memory_space<vmem>>)
      tpu.yield
    }) : () -> ()
    "tpu.region"() ({
      %run_scoped3A = tpu.sem_alloc : memref<!tpu.dma_semaphore, #tpu.memory_space<semaphore_mem>>
      %dma_start3A_1047 = tpu.memref_slice %arg3[%multiple_of3A] : memref<131072xi32, #tpu.memory_space<hbm>> -> memref<4096xi32, #tpu.memory_space<hbm>>
      %dma_start3A_1048 = tpu.memref_slice %arg3[%multiple_of3A] : memref<131072xi32, #tpu.memory_space<hbm>> -> memref<4096xi32, #tpu.memory_space<hbm>>
      tpu.enqueue_dma source(%dma_start3A_1048 : memref<4096xi32, #tpu.memory_space<hbm>>) target(%arg9 : memref<4096xi32, #tpu.memory_space<vmem>>) target_semaphore(%run_scoped3A : memref<!tpu.dma_semaphore, #tpu.memory_space<semaphore_mem>>)
      %dma_wait3A = tpu.memref_slice %arg3[%multiple_of3A] : memref<131072xi32, #tpu.memory_space<hbm>> -> memref<4096xi32, #tpu.memory_space<hbm>>
      %dma_wait3A_1049 = tpu.memref_slice %arg3[%multiple_of3A] : memref<131072xi32, #tpu.memory_space<hbm>> -> memref<4096xi32, #tpu.memory_space<hbm>>
      tpu.wait_dma2 semaphore(%run_scoped3A : memref<!tpu.dma_semaphore, #tpu.memory_space<semaphore_mem>>) src(%dma_wait3A_1049 : memref<4096xi32, #tpu.memory_space<hbm>>) dst(%arg9 : memref<4096xi32, #tpu.memory_space<vmem>>)
      tpu.yield
    }) : () -> ()
    %mul3A_5 = arith.constant 64 : i32
    %mul3A_6 = arith.muli %add3A, %mul3A_5 : i32
    %multiple_of3A_7 = tpu.assume_multiple %mul3A_6, 64 : i32
    "tpu.region"() ({
      %run_scoped3A = tpu.sem_alloc : memref<!tpu.dma_semaphore, #tpu.memory_space<semaphore_mem>>
      %dma_start3A_1047 = arith.constant 0 : i32
      %dma_start3A_1048 = tpu.memref_slice %arg4[%multiple_of3A_7, %dma_start3A_1047] : memref<2048x128xf32, #tpu.memory_space<hbm>> -> memref<64x128xf32, #tpu.memory_space<hbm>>
      %dma_start3A_1049 = arith.constant 0 : i32
      %dma_start3A_1050 = tpu.memref_slice %arg4[%multiple_of3A_7, %dma_start3A_1049] : memref<2048x128xf32, #tpu.memory_space<hbm>> -> memref<64x128xf32, #tpu.memory_space<hbm>>
      tpu.enqueue_dma source(%dma_start3A_1050 : memref<64x128xf32, #tpu.memory_space<hbm>>) target(%arg10 : memref<64x128xf32, #tpu.memory_space<vmem>>) target_semaphore(%run_scoped3A : memref<!tpu.dma_semaphore, #tpu.memory_space<semaphore_mem>>)
      %dma_wait3A = arith.constant 0 : i32
      %dma_wait3A_1051 = tpu.memref_slice %arg4[%multiple_of3A_7, %dma_wait3A] : memref<2048x128xf32, #tpu.memory_space<hbm>> -> memref<64x128xf32, #tpu.memory_space<hbm>>
      %dma_wait3A_1052 = arith.constant 0 : i32
      %dma_wait3A_1053 = tpu.memref_slice %arg4[%multiple_of3A_7, %dma_wait3A_1052] : memref<2048x128xf32, #tpu.memory_space<hbm>> -> memref<64x128xf32, #tpu.memory_space<hbm>>
      tpu.wait_dma2 semaphore(%run_scoped3A : memref<!tpu.dma_semaphore, #tpu.memory_space<semaphore_mem>>) src(%dma_wait3A_1053 : memref<64x128xf32, #tpu.memory_space<hbm>>) dst(%arg10 : memref<64x128xf32, #tpu.memory_space<vmem>>)
      tpu.yield
    }) : () -> ()
    %iota3A = tpu.iota {dimensions = array<i32: 0>} : vector<16xi32>
    %mul3A_8 = arith.constant 8 : i32
    %mul3A_9 = vector.broadcast %mul3A_8 : i32 to vector<16xi32>
    %mul3A_10 = arith.muli %iota3A, %mul3A_9 : vector<16xi32>
    %get3A = arith.constant 0 : index
    %get3A_11 = tpu.vector_load %arg8[%get3A] {strides = array<i32>} : memref<4096xi32, #tpu.memory_space<vmem>>, vector<16xi32>,
    %slice3A = vector.extract_strided_slice %get3A_11 {offsets = [0], sizes = [1], strides = [1]} : vector<16xi32> to vector<1xi32>
    %squeeze3A = vector.extract %slice3A[0] : i32 from vector<1xi32>
    %multiple_of3A_12 = tpu.assume_multiple %squeeze3A, 8 : i32
    %dma_start3A = arith.constant 0 : i32
    %dma_start3A_13 = arith.constant 0 : i32
    %dma_start3A_14 = arith.constant 0 : i32
    %dma_start3A_15 = tpu.memref_slice %arg11[%dma_start3A, %dma_start3A_13, %dma_start3A_14] : memref<2x256x64xf32, #tpu.memory_space<vmem>> -> memref<1x8x64xf32, #tpu.memory_space<vmem>>
    %dma_start3A_16 = tpu.memref_squeeze %dma_start3A_15 : memref<1x8x64xf32, #tpu.memory_space<vmem>> -> memref<8x64xf32, #tpu.memory_space<vmem>>
    %dma_start3A_17 = arith.constant 0 : i32
    %dma_start3A_18 = tpu.memref_slice %arg5[%multiple_of3A_12, %dma_start3A_17] : memref<1000000x64xf32, #tpu.memory_space<hbm>> -> memref<8x64xf32, #tpu.memory_space<hbm>>
    %dma_start3A_19 = arith.constant 0 : i32
    %dma_start3A_20 = arith.constant 0 : i32
    %dma_start3A_21 = tpu.memref_slice %arg11[%dma_start3A, %dma_start3A_19, %dma_start3A_20] : memref<2x256x64xf32, #tpu.memory_space<vmem>> -> memref<1x8x64xf32, #tpu.memory_space<vmem>>
    %dma_start3A_22 = tpu.memref_squeeze %dma_start3A_21 : memref<1x8x64xf32, #tpu.memory_space<vmem>> -> memref<8x64xf32, #tpu.memory_space<vmem>>
    %dma_start3A_23 = arith.constant 0 : i32
    %dma_start3A_24 = tpu.memref_slice %arg5[%multiple_of3A_12, %dma_start3A_23] : memref<1000000x64xf32, #tpu.memory_space<hbm>> -> memref<8x64xf32, #tpu.memory_space<hbm>>
    tpu.enqueue_dma source(%dma_start3A_24 : memref<8x64xf32, #tpu.memory_space<hbm>>) target(%dma_start3A_22 : memref<8x64xf32, #tpu.memory_space<vmem>>) target_semaphore(%arg14 : memref<!tpu.dma_semaphore, #tpu.memory_space<semaphore_mem>>)
    %slice3A_25 = vector.extract_strided_slice %get3A_11 {offsets = [1], sizes = [1], strides = [1]} : vector<16xi32> to vector<1xi32>
    %squeeze3A_26 = vector.extract %slice3A_25[0] : i32 from vector<1xi32>
    %multiple_of3A_27 = tpu.assume_multiple %squeeze3A_26, 8 : i32
    %dma_start3A_28 = arith.constant 0 : i32
    %dma_start3A_29 = arith.constant 8 : i32
    %dma_start3A_30 = arith.constant 0 : i32
    %dma_start3A_31 = tpu.memref_slice %arg11[%dma_start3A_28, %dma_start3A_29, %dma_start3A_30] : memref<2x256x64xf32, #tpu.memory_space<vmem>> -> memref<1x8x64xf32, #tpu.memory_space<vmem>>
    %dma_start3A_32 = tpu.memref_squeeze %dma_start3A_31 : memref<1x8x64xf32, #tpu.memory_space<vmem>> -> memref<8x64xf32, #tpu.memory_space<vmem>>
    %dma_start3A_33 = arith.constant 0 : i32
    %dma_start3A_34 = tpu.memref_slice %arg5[%multiple_of3A_27, %dma_start3A_33] : memref<1000000x64xf32, #tpu.memory_space<hbm>> -> memref<8x64xf32, #tpu.memory_space<hbm>>
    %dma_start3A_35 = arith.constant 8 : i32
    %dma_start3A_36 = arith.constant 0 : i32
    %dma_start3A_37 = tpu.memref_slice %arg11[%dma_start3A_28, %dma_start3A_35, %dma_start3A_36] : memref<2x256x64xf32, #tpu.memory_space<vmem>> -> memref<1x8x64xf32, #tpu.memory_space<vmem>>
    %dma_start3A_38 = tpu.memref_squeeze %dma_start3A_37 : memref<1x8x64xf32, #tpu.memory_space<vmem>> -> memref<8x64xf32, #tpu.memory_space<vmem>>
    %dma_start3A_39 = arith.constant 0 : i32
    %dma_start3A_40 = tpu.memref_slice %arg5[%multiple_of3A_27, %dma_start3A_39] : memref<1000000x64xf32, #tpu.memory_space<hbm>> -> memref<8x64xf32, #tpu.memory_space<hbm>>
    tpu.enqueue_dma source(%dma_start3A_40 : memref<8x64xf32, #tpu.memory_space<hbm>>) target(%dma_start3A_38 : memref<8x64xf32, #tpu.memory_space<vmem>>) target_semaphore(%arg14 : memref<!tpu.dma_semaphore, #tpu.memory_space<semaphore_mem>>)
    %slice3A_41 = vector.extract_strided_slice %get3A_11 {offsets = [2], sizes = [1], strides = [1]} : vector<16xi32> to vector<1xi32>
    %squeeze3A_42 = vector.extract %slice3A_41[0] : i32 from vector<1xi32>
    %multiple_of3A_43 = tpu.assume_multiple %squeeze3A_42, 8 : i32
    %dma_start3A_44 = arith.constant 0 : i32
    %dma_start3A_45 = arith.constant 16 : i32
    %dma_start3A_46 = arith.constant 0 : i32
    %dma_start3A_47 = tpu.memref_slice %arg11[%dma_start3A_44, %dma_start3A_45, %dma_start3A_46] : memref<2x256x64xf32, #tpu.memory_space<vmem>> -> memref<1x8x64xf32, #tpu.memory_space<vmem>>
    %dma_start3A_48 = tpu.memref_squeeze %dma_start3A_47 : memref<1x8x64xf32, #tpu.memory_space<vmem>> -> memref<8x64xf32, #tpu.memory_space<vmem>>
    %dma_start3A_49 = arith.constant 0 : i32
    %dma_start3A_50 = tpu.memref_slice %arg5[%multiple_of3A_43, %dma_start3A_49] : memref<1000000x64xf32, #tpu.memory_space<hbm>> -> memref<8x64xf32, #tpu.memory_space<hbm>>
    %dma_start3A_51 = arith.constant 16 : i32
    %dma_start3A_52 = arith.constant 0 : i32
    %dma_start3A_53 = tpu.memref_slice %arg11[%dma_start3A_44, %dma_start3A_51, %dma_start3A_52] : memref<2x256x64xf32, #tpu.memory_space<vmem>> -> memref<1x8x64xf32, #tpu.memory_space<vmem>>
    %dma_start3A_54 = tpu.memref_squeeze %dma_start3A_53 : memref<1x8x64xf32, #tpu.memory_space<vmem>> -> memref<8x64xf32, #tpu.memory_space<vmem>>
    %dma_start3A_55 = arith.constant 0 : i32
    %dma_start3A_56 = tpu.memref_slice %arg5[%multiple_of3A_43, %dma_start3A_55] : memref<1000000x64xf32, #tpu.memory_space<hbm>> -> memref<8x64xf32, #tpu.memory_space<hbm>>
    tpu.enqueue_dma source(%dma_start3A_56 : memref<8x64xf32, #tpu.memory_space<hbm>>) target(%dma_start3A_54 : memref<8x64xf32, #tpu.memory_space<vmem>>) target_semaphore(%arg14 : memref<!tpu.dma_semaphore, #tpu.memory_space<semaphore_mem>>)
    %slice3A_57 = vector.extract_strided_slice %get3A_11 {offsets = [3], sizes = [1], strides = [1]} : vector<16xi32> to vector<1xi32>
    %squeeze3A_58 = vector.extract %slice3A_57[0] : i32 from vector<1xi32>
    %multiple_of3A_59 = tpu.assume_multiple %squeeze3A_58, 8 : i32
    %dma_start3A_60 = arith.constant 0 : i32
    %dma_start3A_61 = arith.constant 24 : i32
    %dma_start3A_62 = arith.constant 0 : i32
    %dma_start3A_63 = tpu.memref_slice %arg11[%dma_start3A_60, %dma_start3A_61, %dma_start3A_62] : memref<2x256x64xf32, #tpu.memory_space<vmem>> -> memref<1x8x64xf32, #tpu.memory_space<vmem>>
    %dma_start3A_64 = tpu.memref_squeeze %dma_start3A_63 : memref<1x8x64xf32, #tpu.memory_space<vmem>> -> memref<8x64xf32, #tpu.memory_space<vmem>>
    %dma_start3A_65 = arith.constant 0 : i32
    %dma_start3A_66 = tpu.memref_slice %arg5[%multiple_of3A_59, %dma_start3A_65] : memref<1000000x64xf32, #tpu.memory_space<hbm>> -> memref<8x64xf32, #tpu.memory_space<hbm>>
    %dma_start3A_67 = arith.constant 24 : i32
    %dma_start3A_68 = arith.constant 0 : i32
    %dma_start3A_69 = tpu.memref_slice %arg11[%dma_start3A_60, %dma_start3A_67, %dma_start3A_68] : memref<2x256x64xf32, #tpu.memory_space<vmem>> -> memref<1x8x64xf32, #tpu.memory_space<vmem>>
    %dma_start3A_70 = tpu.memref_squeeze %dma_start3A_69 : memref<1x8x64xf32, #tpu.memory_space<vmem>> -> memref<8x64xf32, #tpu.memory_space<vmem>>
    %dma_start3A_71 = arith.constant 0 : i32
    %dma_start3A_72 = tpu.memref_slice %arg5[%multiple_of3A_59, %dma_start3A_71] : memref<1000000x64xf32, #tpu.memory_space<hbm>> -> memref<8x64xf32, #tpu.memory_space<hbm>>
    tpu.enqueue_dma source(%dma_start3A_72 : memref<8x64xf32, #tpu.memory_space<hbm>>) target(%dma_start3A_70 : memref<8x64xf32, #tpu.memory_space<vmem>>) target_semaphore(%arg14 : memref<!tpu.dma_semaphore, #tpu.memory_space<semaphore_mem>>)
    %slice3A_73 = vector.extract_strided_slice %get3A_11 {offsets = [4], sizes = [1], strides = [1]} : vector<16xi32> to vector<1xi32>
    %squeeze3A_74 = vector.extract %slice3A_73[0] : i32 from vector<1xi32>
    %multiple_of3A_75 = tpu.assume_multiple %squeeze3A_74, 8 : i32
    %dma_start3A_76 = arith.constant 0 : i32
    %dma_start3A_77 = arith.constant 32 : i32
    %dma_start3A_78 = arith.constant 0 : i32
    %dma_start3A_79 = tpu.memref_slice %arg11[%dma_start3A_76, %dma_start3A_77, %dma_start3A_78] : memref<2x256x64xf32, #tpu.memory_space<vmem>> -> memref<1x8x64xf32, #tpu.memory_space<vmem>>
    %dma_start3A_80 = tpu.memref_squeeze %dma_start3A_79 : memref<1x8x64xf32, #tpu.memory_space<vmem>> -> memref<8x64xf32, #tpu.memory_space<vmem>>
    %dma_start3A_81 = arith.constant 0 : i32
    %dma_start3A_82 = tpu.memref_slice %arg5[%multiple_of3A_75, %dma_start3A_81] : memref<1000000x64xf32, #tpu.memory_space<hbm>> -> memref<8x64xf32, #tpu.memory_space<hbm>>
    %dma_start3A_83 = arith.constant 32 : i32
    %dma_start3A_84 = arith.constant 0 : i32
    %dma_start3A_85 = tpu.memref_slice %arg11[%dma_start3A_76, %dma_start3A_83, %dma_start3A_84] : memref<2x256x64xf32, #tpu.memory_space<vmem>> -> memref<1x8x64xf32, #tpu.memory_space<vmem>>
    %dma_start3A_86 = tpu.memref_squeeze %dma_start3A_85 : memref<1x8x64xf32, #tpu.memory_space<vmem>> -> memref<8x64xf32, #tpu.memory_space<vmem>>
    %dma_start3A_87 = arith.constant 0 : i32
    %dma_start3A_88 = tpu.memref_slice %arg5[%multiple_of3A_75, %dma_start3A_87] : memref<1000000x64xf32, #tpu.memory_space<hbm>> -> memref<8x64xf32, #tpu.memory_space<hbm>>
    tpu.enqueue_dma source(%dma_start3A_88 : memref<8x64xf32, #tpu.memory_space<hbm>>) target(%dma_start3A_86 : memref<8x64xf32, #tpu.memory_space<vmem>>) target_semaphore(%arg14 : memref<!tpu.dma_semaphore, #tpu.memory_space<semaphore_mem>>)
    %slice3A_89 = vector.extract_strided_slice %get3A_11 {offsets = [5], sizes = [1], strides = [1]} : vector<16xi32> to vector<1xi32>
    %squeeze3A_90 = vector.extract %slice3A_89[0] : i32 from vector<1xi32>
    %multiple_of3A_91 = tpu.assume_multiple %squeeze3A_90, 8 : i32
    %dma_start3A_92 = arith.constant 0 : i32
    %dma_start3A_93 = arith.constant 40 : i32
    %dma_start3A_94 = arith.constant 0 : i32
    %dma_start3A_95 = tpu.memref_slice %arg11[%dma_start3A_92, %dma_start3A_93, %dma_start3A_94] : memref<2x256x64xf32, #tpu.memory_space<vmem>> -> memref<1x8x64xf32, #tpu.memory_space<vmem>>
    %dma_start3A_96 = tpu.memref_squeeze %dma_start3A_95 : memref<1x8x64xf32, #tpu.memory_space<vmem>> -> memref<8x64xf32, #tpu.memory_space<vmem>>
    %dma_start3A_97 = arith.constant 0 : i32
    %dma_start3A_98 = tpu.memref_slice %arg5[%multiple_of3A_91, %dma_start3A_97] : memref<1000000x64xf32, #tpu.memory_space<hbm>> -> memref<8x64xf32, #tpu.memory_space<hbm>>
    %dma_start3A_99 = arith.constant 40 : i32
    %dma_start3A_100 = arith.constant 0 : i32
    %dma_start3A_101 = tpu.memref_slice %arg11[%dma_start3A_92, %dma_start3A_99, %dma_start3A_100] : memref<2x256x64xf32, #tpu.memory_space<vmem>> -> memref<1x8x64xf32, #tpu.memory_space<vmem>>
    %dma_start3A_102 = tpu.memref_squeeze %dma_start3A_101 : memref<1x8x64xf32, #tpu.memory_space<vmem>> -> memref<8x64xf32, #tpu.memory_space<vmem>>
    %dma_start3A_103 = arith.constant 0 : i32
    %dma_start3A_104 = tpu.memref_slice %arg5[%multiple_of3A_91, %dma_start3A_103] : memref<1000000x64xf32, #tpu.memory_space<hbm>> -> memref<8x64xf32, #tpu.memory_space<hbm>>
    tpu.enqueue_dma source(%dma_start3A_104 : memref<8x64xf32, #tpu.memory_space<hbm>>) target(%dma_start3A_102 : memref<8x64xf32, #tpu.memory_space<vmem>>) target_semaphore(%arg14 : memref<!tpu.dma_semaphore, #tpu.memory_space<semaphore_mem>>)
    %slice3A_105 = vector.extract_strided_slice %get3A_11 {offsets = [6], sizes = [1], strides = [1]} : vector<16xi32> to vector<1xi32>
    %squeeze3A_106 = vector.extract %slice3A_105[0] : i32 from vector<1xi32>
    %multiple_of3A_107 = tpu.assume_multiple %squeeze3A_106, 8 : i32
    %dma_start3A_108 = arith.constant 0 : i32
    %dma_start3A_109 = arith.constant 48 : i32
    %dma_start3A_110 = arith.constant 0 : i32
    %dma_start3A_111 = tpu.memref_slice %arg11[%dma_start3A_108, %dma_start3A_109, %dma_start3A_110] : memref<2x256x64xf32, #tpu.memory_space<vmem>> -> memref<1x8x64xf32, #tpu.memory_space<vmem>>
    %dma_start3A_112 = tpu.memref_squeeze %dma_start3A_111 : memref<1x8x64xf32, #tpu.memory_space<vmem>> -> memref<8x64xf32, #tpu.memory_space<vmem>>
    %dma_start3A_113 = arith.constant 0 : i32
    %dma_start3A_114 = tpu.memref_slice %arg5[%multiple_of3A_107, %dma_start3A_113] : memref<1000000x64xf32, #tpu.memory_space<hbm>> -> memref<8x64xf32, #tpu.memory_space<hbm>>
    %dma_start3A_115 = arith.constant 48 : i32
    %dma_start3A_116 = arith.constant 0 : i32
    %dma_start3A_117 = tpu.memref_slice %arg11[%dma_start3A_108, %dma_start3A_115, %dma_start3A_116] : memref<2x256x64xf32, #tpu.memory_space<vmem>> -> memref<1x8x64xf32, #tpu.memory_space<vmem>>
    %dma_start3A_118 = tpu.memref_squeeze %dma_start3A_117 : memref<1x8x64xf32, #tpu.memory_space<vmem>> -> memref<8x64xf32, #tpu.memory_space<vmem>>
    %dma_start3A_119 = arith.constant 0 : i32
    %dma_start3A_120 = tpu.memref_slice %arg5[%multiple_of3A_107, %dma_start3A_119] : memref<1000000x64xf32, #tpu.memory_space<hbm>> -> memref<8x64xf32, #tpu.memory_space<hbm>>
    tpu.enqueue_dma source(%dma_start3A_120 : memref<8x64xf32, #tpu.memory_space<hbm>>) target(%dma_start3A_118 : memref<8x64xf32, #tpu.memory_space<vmem>>) target_semaphore(%arg14 : memref<!tpu.dma_semaphore, #tpu.memory_space<semaphore_mem>>)
    %slice3A_121 = vector.extract_strided_slice %get3A_11 {offsets = [7], sizes = [1], strides = [1]} : vector<16xi32> to vector<1xi32>
    %squeeze3A_122 = vector.extract %slice3A_121[0] : i32 from vector<1xi32>
    %multiple_of3A_123 = tpu.assume_multiple %squeeze3A_122, 8 : i32
    %dma_start3A_124 = arith.constant 0 : i32
    %dma_start3A_125 = arith.constant 56 : i32
    %dma_start3A_126 = arith.constant 0 : i32
    %dma_start3A_127 = tpu.memref_slice %arg11[%dma_start3A_124, %dma_start3A_125, %dma_start3A_126] : memref<2x256x64xf32, #tpu.memory_space<vmem>> -> memref<1x8x64xf32, #tpu.memory_space<vmem>>
    %dma_start3A_128 = tpu.memref_squeeze %dma_start3A_127 : memref<1x8x64xf32, #tpu.memory_space<vmem>> -> memref<8x64xf32, #tpu.memory_space<vmem>>
    %dma_start3A_129 = arith.constant 0 : i32
    %dma_start3A_130 = tpu.memref_slice %arg5[%multiple_of3A_123, %dma_start3A_129] : memref<1000000x64xf32, #tpu.memory_space<hbm>> -> memref<8x64xf32, #tpu.memory_space<hbm>>
    %dma_start3A_131 = arith.constant 56 : i32
    %dma_start3A_132 = arith.constant 0 : i32
    %dma_start3A_133 = tpu.memref_slice %arg11[%dma_start3A_124, %dma_start3A_131, %dma_start3A_132] : memref<2x256x64xf32, #tpu.memory_space<vmem>> -> memref<1x8x64xf32, #tpu.memory_space<vmem>>
    %dma_start3A_134 = tpu.memref_squeeze %dma_start3A_133 : memref<1x8x64xf32, #tpu.memory_space<vmem>> -> memref<8x64xf32, #tpu.memory_space<vmem>>
    %dma_start3A_135 = arith.constant 0 : i32
    %dma_start3A_136 = tpu.memref_slice %arg5[%multiple_of3A_123, %dma_start3A_135] : memref<1000000x64xf32, #tpu.memory_space<hbm>> -> memref<8x64xf32, #tpu.memory_space<hbm>>
    tpu.enqueue_dma source(%dma_start3A_136 : memref<8x64xf32, #tpu.memory_space<hbm>>) target(%dma_start3A_134 : memref<8x64xf32, #tpu.memory_space<vmem>>) target_semaphore(%arg14 : memref<!tpu.dma_semaphore, #tpu.memory_space<semaphore_mem>>)
    %slice3A_137 = vector.extract_strided_slice %get3A_11 {offsets = [8], sizes = [1], strides = [1]} : vector<16xi32> to vector<1xi32>
    %squeeze3A_138 = vector.extract %slice3A_137[0] : i32 from vector<1xi32>
    %multiple_of3A_139 = tpu.assume_multiple %squeeze3A_138, 8 : i32
    %dma_start3A_140 = arith.constant 0 : i32
    %dma_start3A_141 = arith.constant 64 : i32
    %dma_start3A_142 = arith.constant 0 : i32
    %dma_start3A_143 = tpu.memref_slice %arg11[%dma_start3A_140, %dma_start3A_141, %dma_start3A_142] : memref<2x256x64xf32, #tpu.memory_space<vmem>> -> memref<1x8x64xf32, #tpu.memory_space<vmem>>
    %dma_start3A_144 = tpu.memref_squeeze %dma_start3A_143 : memref<1x8x64xf32, #tpu.memory_space<vmem>> -> memref<8x64xf32, #tpu.memory_space<vmem>>
    %dma_start3A_145 = arith.constant 0 : i32
    %dma_start3A_146 = tpu.memref_slice %arg5[%multiple_of3A_139, %dma_start3A_145] : memref<1000000x64xf32, #tpu.memory_space<hbm>> -> memref<8x64xf32, #tpu.memory_space<hbm>>
    %dma_start3A_147 = arith.constant 64 : i32
    %dma_start3A_148 = arith.constant 0 : i32
    %dma_start3A_149 = tpu.memref_slice %arg11[%dma_start3A_140, %dma_start3A_147, %dma_start3A_148] : memref<2x256x64xf32, #tpu.memory_space<vmem>> -> memref<1x8x64xf32, #tpu.memory_space<vmem>>
    %dma_start3A_150 = tpu.memref_squeeze %dma_start3A_149 : memref<1x8x64xf32, #tpu.memory_space<vmem>> -> memref<8x64xf32, #tpu.memory_space<vmem>>
    %dma_start3A_151 = arith.constant 0 : i32
    %dma_start3A_152 = tpu.memref_slice %arg5[%multiple_of3A_139, %dma_start3A_151] : memref<1000000x64xf32, #tpu.memory_space<hbm>> -> memref<8x64xf32, #tpu.memory_space<hbm>>
    tpu.enqueue_dma source(%dma_start3A_152 : memref<8x64xf32, #tpu.memory_space<hbm>>) target(%dma_start3A_150 : memref<8x64xf32, #tpu.memory_space<vmem>>) target_semaphore(%arg14 : memref<!tpu.dma_semaphore, #tpu.memory_space<semaphore_mem>>)
    %slice3A_153 = vector.extract_strided_slice %get3A_11 {offsets = [9], sizes = [1], strides = [1]} : vector<16xi32> to vector<1xi32>
    %squeeze3A_154 = vector.extract %slice3A_153[0] : i32 from vector<1xi32>
    %multiple_of3A_155 = tpu.assume_multiple %squeeze3A_154, 8 : i32
    %dma_start3A_156 = arith.constant 0 : i32
    %dma_start3A_157 = arith.constant 72 : i32
    %dma_start3A_158 = arith.constant 0 : i32
    %dma_start3A_159 = tpu.memref_slice %arg11[%dma_start3A_156, %dma_start3A_157, %dma_start3A_158] : memref<2x256x64xf32, #tpu.memory_space<vmem>> -> memref<1x8x64xf32, #tpu.memory_space<vmem>>
    %dma_start3A_160 = tpu.memref_squeeze %dma_start3A_159 : memref<1x8x64xf32, #tpu.memory_space<vmem>> -> memref<8x64xf32, #tpu.memory_space<vmem>>
    %dma_start3A_161 = arith.constant 0 : i32
    %dma_start3A_162 = tpu.memref_slice %arg5[%multiple_of3A_155, %dma_start3A_161] : memref<1000000x64xf32, #tpu.memory_space<hbm>> -> memref<8x64xf32, #tpu.memory_space<hbm>>
    %dma_start3A_163 = arith.constant 72 : i32
    %dma_start3A_164 = arith.constant 0 : i32
    %dma_start3A_165 = tpu.memref_slice %arg11[%dma_start3A_156, %dma_start3A_163, %dma_start3A_164] : memref<2x256x64xf32, #tpu.memory_space<vmem>> -> memref<1x8x64xf32, #tpu.memory_space<vmem>>
    %dma_start3A_166 = tpu.memref_squeeze %dma_start3A_165 : memref<1x8x64xf32, #tpu.memory_space<vmem>> -> memref<8x64xf32, #tpu.memory_space<vmem>>
    %dma_start3A_167 = arith.constant 0 : i32
    %dma_start3A_168 = tpu.memref_slice %arg5[%multiple_of3A_155, %dma_start3A_167] : memref<1000000x64xf32, #tpu.memory_space<hbm>> -> memref<8x64xf32, #tpu.memory_space<hbm>>
    tpu.enqueue_dma source(%dma_start3A_168 : memref<8x64xf32, #tpu.memory_space<hbm>>) target(%dma_start3A_166 : memref<8x64xf32, #tpu.memory_space<vmem>>) target_semaphore(%arg14 : memref<!tpu.dma_semaphore, #tpu.memory_space<semaphore_mem>>)
    %slice3A_169 = vector.extract_strided_slice %get3A_11 {offsets = [10], sizes = [1], strides = [1]} : vector<16xi32> to vector<1xi32>
    %squeeze3A_170 = vector.extract %slice3A_169[0] : i32 from vector<1xi32>
    %multiple_of3A_171 = tpu.assume_multiple %squeeze3A_170, 8 : i32
    %dma_start3A_172 = arith.constant 0 : i32
    %dma_start3A_173 = arith.constant 80 : i32
    %dma_start3A_174 = arith.constant 0 : i32
    %dma_start3A_175 = tpu.memref_slice %arg11[%dma_start3A_172, %dma_start3A_173, %dma_start3A_174] : memref<2x256x64xf32, #tpu.memory_space<vmem>> -> memref<1x8x64xf32, #tpu.memory_space<vmem>>
    %dma_start3A_176 = tpu.memref_squeeze %dma_start3A_175 : memref<1x8x64xf32, #tpu.memory_space<vmem>> -> memref<8x64xf32, #tpu.memory_space<vmem>>
    %dma_start3A_177 = arith.constant 0 : i32
    %dma_start3A_178 = tpu.memref_slice %arg5[%multiple_of3A_171, %dma_start3A_177] : memref<1000000x64xf32, #tpu.memory_space<hbm>> -> memref<8x64xf32, #tpu.memory_space<hbm>>
    %dma_start3A_179 = arith.constant 80 : i32
    %dma_start3A_180 = arith.constant 0 : i32
    %dma_start3A_181 = tpu.memref_slice %arg11[%dma_start3A_172, %dma_start3A_179, %dma_start3A_180] : memref<2x256x64xf32, #tpu.memory_space<vmem>> -> memref<1x8x64xf32, #tpu.memory_space<vmem>>
    %dma_start3A_182 = tpu.memref_squeeze %dma_start3A_181 : memref<1x8x64xf32, #tpu.memory_space<vmem>> -> memref<8x64xf32, #tpu.memory_space<vmem>>
    %dma_start3A_183 = arith.constant 0 : i32
    %dma_start3A_184 = tpu.memref_slice %arg5[%multiple_of3A_171, %dma_start3A_183] : memref<1000000x64xf32, #tpu.memory_space<hbm>> -> memref<8x64xf32, #tpu.memory_space<hbm>>
    tpu.enqueue_dma source(%dma_start3A_184 : memref<8x64xf32, #tpu.memory_space<hbm>>) target(%dma_start3A_182 : memref<8x64xf32, #tpu.memory_space<vmem>>) target_semaphore(%arg14 : memref<!tpu.dma_semaphore, #tpu.memory_space<semaphore_mem>>)
    %slice3A_185 = vector.extract_strided_slice %get3A_11 {offsets = [11], sizes = [1], strides = [1]} : vector<16xi32> to vector<1xi32>
    %squeeze3A_186 = vector.extract %slice3A_185[0] : i32 from vector<1xi32>
    %multiple_of3A_187 = tpu.assume_multiple %squeeze3A_186, 8 : i32
    %dma_start3A_188 = arith.constant 0 : i32
    %dma_start3A_189 = arith.constant 88 : i32
    %dma_start3A_190 = arith.constant 0 : i32
    %dma_start3A_191 = tpu.memref_slice %arg11[%dma_start3A_188, %dma_start3A_189, %dma_start3A_190] : memref<2x256x64xf32, #tpu.memory_space<vmem>> -> memref<1x8x64xf32, #tpu.memory_space<vmem>>
    %dma_start3A_192 = tpu.memref_squeeze %dma_start3A_191 : memref<1x8x64xf32, #tpu.memory_space<vmem>> -> memref<8x64xf32, #tpu.memory_space<vmem>>
    %dma_start3A_193 = arith.constant 0 : i32
    %dma_start3A_194 = tpu.memref_slice %arg5[%multiple_of3A_187, %dma_start3A_193] : memref<1000000x64xf32, #tpu.memory_space<hbm>> -> memref<8x64xf32, #tpu.memory_space<hbm>>
    %dma_start3A_195 = arith.constant 88 : i32
    %dma_start3A_196 = arith.constant 0 : i32
    %dma_start3A_197 = tpu.memref_slice %arg11[%dma_start3A_188, %dma_start3A_195, %dma_start3A_196] : memref<2x256x64xf32, #tpu.memory_space<vmem>> -> memref<1x8x64xf32, #tpu.memory_space<vmem>>
    %dma_start3A_198 = tpu.memref_squeeze %dma_start3A_197 : memref<1x8x64xf32, #tpu.memory_space<vmem>> -> memref<8x64xf32, #tpu.memory_space<vmem>>
    %dma_start3A_199 = arith.constant 0 : i32
    %dma_start3A_200 = tpu.memref_slice %arg5[%multiple_of3A_187, %dma_start3A_199] : memref<1000000x64xf32, #tpu.memory_space<hbm>> -> memref<8x64xf32, #tpu.memory_space<hbm>>
    tpu.enqueue_dma source(%dma_start3A_200 : memref<8x64xf32, #tpu.memory_space<hbm>>) target(%dma_start3A_198 : memref<8x64xf32, #tpu.memory_space<vmem>>) target_semaphore(%arg14 : memref<!tpu.dma_semaphore, #tpu.memory_space<semaphore_mem>>)
    %slice3A_201 = vector.extract_strided_slice %get3A_11 {offsets = [12], sizes = [1], strides = [1]} : vector<16xi32> to vector<1xi32>
    %squeeze3A_202 = vector.extract %slice3A_201[0] : i32 from vector<1xi32>
    %multiple_of3A_203 = tpu.assume_multiple %squeeze3A_202, 8 : i32
    %dma_start3A_204 = arith.constant 0 : i32
    %dma_start3A_205 = arith.constant 96 : i32
    %dma_start3A_206 = arith.constant 0 : i32
    %dma_start3A_207 = tpu.memref_slice %arg11[%dma_start3A_204, %dma_start3A_205, %dma_start3A_206] : memref<2x256x64xf32, #tpu.memory_space<vmem>> -> memref<1x8x64xf32, #tpu.memory_space<vmem>>
    %dma_start3A_208 = tpu.memref_squeeze %dma_start3A_207 : memref<1x8x64xf32, #tpu.memory_space<vmem>> -> memref<8x64xf32, #tpu.memory_space<vmem>>
    %dma_start3A_209 = arith.constant 0 : i32
    %dma_start3A_210 = tpu.memref_slice %arg5[%multiple_of3A_203, %dma_start3A_209] : memref<1000000x64xf32, #tpu.memory_space<hbm>> -> memref<8x64xf32, #tpu.memory_space<hbm>>
    %dma_start3A_211 = arith.constant 96 : i32
    %dma_start3A_212 = arith.constant 0 : i32
    %dma_start3A_213 = tpu.memref_slice %arg11[%dma_start3A_204, %dma_start3A_211, %dma_start3A_212] : memref<2x256x64xf32, #tpu.memory_space<vmem>> -> memref<1x8x64xf32, #tpu.memory_space<vmem>>
    %dma_start3A_214 = tpu.memref_squeeze %dma_start3A_213 : memref<1x8x64xf32, #tpu.memory_space<vmem>> -> memref<8x64xf32, #tpu.memory_space<vmem>>
    %dma_start3A_215 = arith.constant 0 : i32
    %dma_start3A_216 = tpu.memref_slice %arg5[%multiple_of3A_203, %dma_start3A_215] : memref<1000000x64xf32, #tpu.memory_space<hbm>> -> memref<8x64xf32, #tpu.memory_space<hbm>>
    tpu.enqueue_dma source(%dma_start3A_216 : memref<8x64xf32, #tpu.memory_space<hbm>>) target(%dma_start3A_214 : memref<8x64xf32, #tpu.memory_space<vmem>>) target_semaphore(%arg14 : memref<!tpu.dma_semaphore, #tpu.memory_space<semaphore_mem>>)
    %slice3A_217 = vector.extract_strided_slice %get3A_11 {offsets = [13], sizes = [1], strides = [1]} : vector<16xi32> to vector<1xi32>
    %squeeze3A_218 = vector.extract %slice3A_217[0] : i32 from vector<1xi32>
    %multiple_of3A_219 = tpu.assume_multiple %squeeze3A_218, 8 : i32
    %dma_start3A_220 = arith.constant 0 : i32
    %dma_start3A_221 = arith.constant 104 : i32
    %dma_start3A_222 = arith.constant 0 : i32
    %dma_start3A_223 = tpu.memref_slice %arg11[%dma_start3A_220, %dma_start3A_221, %dma_start3A_222] : memref<2x256x64xf32, #tpu.memory_space<vmem>> -> memref<1x8x64xf32, #tpu.memory_space<vmem>>
    %dma_start3A_224 = tpu.memref_squeeze %dma_start3A_223 : memref<1x8x64xf32, #tpu.memory_space<vmem>> -> memref<8x64xf32, #tpu.memory_space<vmem>>
    %dma_start3A_225 = arith.constant 0 : i32
    %dma_start3A_226 = tpu.memref_slice %arg5[%multiple_of3A_219, %dma_start3A_225] : memref<1000000x64xf32, #tpu.memory_space<hbm>> -> memref<8x64xf32, #tpu.memory_space<hbm>>
    %dma_start3A_227 = arith.constant 104 : i32
    %dma_start3A_228 = arith.constant 0 : i32
    %dma_start3A_229 = tpu.memref_slice %arg11[%dma_start3A_220, %dma_start3A_227, %dma_start3A_228] : memref<2x256x64xf32, #tpu.memory_space<vmem>> -> memref<1x8x64xf32, #tpu.memory_space<vmem>>
    %dma_start3A_230 = tpu.memref_squeeze %dma_start3A_229 : memref<1x8x64xf32, #tpu.memory_space<vmem>> -> memref<8x64xf32, #tpu.memory_space<vmem>>
    %dma_start3A_231 = arith.constant 0 : i32
    %dma_start3A_232 = tpu.memref_slice %arg5[%multiple_of3A_219, %dma_start3A_231] : memref<1000000x64xf32, #tpu.memory_space<hbm>> -> memref<8x64xf32, #tpu.memory_space<hbm>>
    tpu.enqueue_dma source(%dma_start3A_232 : memref<8x64xf32, #tpu.memory_space<hbm>>) target(%dma_start3A_230 : memref<8x64xf32, #tpu.memory_space<vmem>>) target_semaphore(%arg14 : memref<!tpu.dma_semaphore, #tpu.memory_space<semaphore_mem>>)
    %slice3A_233 = vector.extract_strided_slice %get3A_11 {offsets = [14], sizes = [1], strides = [1]} : vector<16xi32> to vector<1xi32>
    %squeeze3A_234 = vector.extract %slice3A_233[0] : i32 from vector<1xi32>
    %multiple_of3A_235 = tpu.assume_multiple %squeeze3A_234, 8 : i32
    %dma_start3A_236 = arith.constant 0 : i32
    %dma_start3A_237 = arith.constant 112 : i32
    %dma_start3A_238 = arith.constant 0 : i32
    %dma_start3A_239 = tpu.memref_slice %arg11[%dma_start3A_236, %dma_start3A_237, %dma_start3A_238] : memref<2x256x64xf32, #tpu.memory_space<vmem>> -> memref<1x8x64xf32, #tpu.memory_space<vmem>>
    %dma_start3A_240 = tpu.memref_squeeze %dma_start3A_239 : memref<1x8x64xf32, #tpu.memory_space<vmem>> -> memref<8x64xf32, #tpu.memory_space<vmem>>
    %dma_start3A_241 = arith.constant 0 : i32
    %dma_start3A_242 = tpu.memref_slice %arg5[%multiple_of3A_235, %dma_start3A_241] : memref<1000000x64xf32, #tpu.memory_space<hbm>> -> memref<8x64xf32, #tpu.memory_space<hbm>>
    %dma_start3A_243 = arith.constant 112 : i32
    %dma_start3A_244 = arith.constant 0 : i32
    %dma_start3A_245 = tpu.memref_slice %arg11[%dma_start3A_236, %dma_start3A_243, %dma_start3A_244] : memref<2x256x64xf32, #tpu.memory_space<vmem>> -> memref<1x8x64xf32, #tpu.memory_space<vmem>>
    %dma_start3A_246 = tpu.memref_squeeze %dma_start3A_245 : memref<1x8x64xf32, #tpu.memory_space<vmem>> -> memref<8x64xf32, #tpu.memory_space<vmem>>
    %dma_start3A_247 = arith.constant 0 : i32
    %dma_start3A_248 = tpu.memref_slice %arg5[%multiple_of3A_235, %dma_start3A_247] : memref<1000000x64xf32, #tpu.memory_space<hbm>> -> memref<8x64xf32, #tpu.memory_space<hbm>>
    tpu.enqueue_dma source(%dma_start3A_248 : memref<8x64xf32, #tpu.memory_space<hbm>>) target(%dma_start3A_246 : memref<8x64xf32, #tpu.memory_space<vmem>>) target_semaphore(%arg14 : memref<!tpu.dma_semaphore, #tpu.memory_space<semaphore_mem>>)
    %slice3A_249 = vector.extract_strided_slice %get3A_11 {offsets = [15], sizes = [1], strides = [1]} : vector<16xi32> to vector<1xi32>
    %squeeze3A_250 = vector.extract %slice3A_249[0] : i32 from vector<1xi32>
    %multiple_of3A_251 = tpu.assume_multiple %squeeze3A_250, 8 : i32
    %dma_start3A_252 = arith.constant 0 : i32
    %dma_start3A_253 = arith.constant 120 : i32
    %dma_start3A_254 = arith.constant 0 : i32
    %dma_start3A_255 = tpu.memref_slice %arg11[%dma_start3A_252, %dma_start3A_253, %dma_start3A_254] : memref<2x256x64xf32, #tpu.memory_space<vmem>> -> memref<1x8x64xf32, #tpu.memory_space<vmem>>
    %dma_start3A_256 = tpu.memref_squeeze %dma_start3A_255 : memref<1x8x64xf32, #tpu.memory_space<vmem>> -> memref<8x64xf32, #tpu.memory_space<vmem>>
    %dma_start3A_257 = arith.constant 0 : i32
    %dma_start3A_258 = tpu.memref_slice %arg5[%multiple_of3A_251, %dma_start3A_257] : memref<1000000x64xf32, #tpu.memory_space<hbm>> -> memref<8x64xf32, #tpu.memory_space<hbm>>
    %dma_start3A_259 = arith.constant 120 : i32
    %dma_start3A_260 = arith.constant 0 : i32
    %dma_start3A_261 = tpu.memref_slice %arg11[%dma_start3A_252, %dma_start3A_259, %dma_start3A_260] : memref<2x256x64xf32, #tpu.memory_space<vmem>> -> memref<1x8x64xf32, #tpu.memory_space<vmem>>
    %dma_start3A_262 = tpu.memref_squeeze %dma_start3A_261 : memref<1x8x64xf32, #tpu.memory_space<vmem>> -> memref<8x64xf32, #tpu.memory_space<vmem>>
    %dma_start3A_263 = arith.constant 0 : i32
    %dma_start3A_264 = tpu.memref_slice %arg5[%multiple_of3A_251, %dma_start3A_263] : memref<1000000x64xf32, #tpu.memory_space<hbm>> -> memref<8x64xf32, #tpu.memory_space<hbm>>
    tpu.enqueue_dma source(%dma_start3A_264 : memref<8x64xf32, #tpu.memory_space<hbm>>) target(%dma_start3A_262 : memref<8x64xf32, #tpu.memory_space<vmem>>) target_semaphore(%arg14 : memref<!tpu.dma_semaphore, #tpu.memory_space<semaphore_mem>>)
    %get3A_265 = arith.constant 16 : index
    %get3A_266 = tpu.vector_load %arg8[%get3A_265] {strides = array<i32>} : memref<4096xi32, #tpu.memory_space<vmem>>, vector<16xi32>,
    %slice3A_267 = vector.extract_strided_slice %get3A_266 {offsets = [0], sizes = [1], strides = [1]} : vector<16xi32> to vector<1xi32>
    %squeeze3A_268 = vector.extract %slice3A_267[0] : i32 from vector<1xi32>
    %multiple_of3A_269 = tpu.assume_multiple %squeeze3A_268, 8 : i32
    %dma_start3A_270 = arith.constant 0 : i32
    %dma_start3A_271 = arith.constant 128 : i32
    %dma_start3A_272 = arith.constant 0 : i32
    %dma_start3A_273 = tpu.memref_slice %arg11[%dma_start3A_270, %dma_start3A_271, %dma_start3A_272] : memref<2x256x64xf32, #tpu.memory_space<vmem>> -> memref<1x8x64xf32, #tpu.memory_space<vmem>>
    %dma_start3A_274 = tpu.memref_squeeze %dma_start3A_273 : memref<1x8x64xf32, #tpu.memory_space<vmem>> -> memref<8x64xf32, #tpu.memory_space<vmem>>
    %dma_start3A_275 = arith.constant 0 : i32
    %dma_start3A_276 = tpu.memref_slice %arg5[%multiple_of3A_269, %dma_start3A_275] : memref<1000000x64xf32, #tpu.memory_space<hbm>> -> memref<8x64xf32, #tpu.memory_space<hbm>>
    %dma_start3A_277 = arith.constant 128 : i32
    %dma_start3A_278 = arith.constant 0 : i32
    %dma_start3A_279 = tpu.memref_slice %arg11[%dma_start3A_270, %dma_start3A_277, %dma_start3A_278] : memref<2x256x64xf32, #tpu.memory_space<vmem>> -> memref<1x8x64xf32, #tpu.memory_space<vmem>>
    %dma_start3A_280 = tpu.memref_squeeze %dma_start3A_279 : memref<1x8x64xf32, #tpu.memory_space<vmem>> -> memref<8x64xf32, #tpu.memory_space<vmem>>
    %dma_start3A_281 = arith.constant 0 : i32
    %dma_start3A_282 = tpu.memref_slice %arg5[%multiple_of3A_269, %dma_start3A_281] : memref<1000000x64xf32, #tpu.memory_space<hbm>> -> memref<8x64xf32, #tpu.memory_space<hbm>>
    tpu.enqueue_dma source(%dma_start3A_282 : memref<8x64xf32, #tpu.memory_space<hbm>>) target(%dma_start3A_280 : memref<8x64xf32, #tpu.memory_space<vmem>>) target_semaphore(%arg14 : memref<!tpu.dma_semaphore, #tpu.memory_space<semaphore_mem>>)
    %slice3A_283 = vector.extract_strided_slice %get3A_266 {offsets = [1], sizes = [1], strides = [1]} : vector<16xi32> to vector<1xi32>
    %squeeze3A_284 = vector.extract %slice3A_283[0] : i32 from vector<1xi32>
    %multiple_of3A_285 = tpu.assume_multiple %squeeze3A_284, 8 : i32
    %dma_start3A_286 = arith.constant 0 : i32
    %dma_start3A_287 = arith.constant 136 : i32
    %dma_start3A_288 = arith.constant 0 : i32
    %dma_start3A_289 = tpu.memref_slice %arg11[%dma_start3A_286, %dma_start3A_287, %dma_start3A_288] : memref<2x256x64xf32, #tpu.memory_space<vmem>> -> memref<1x8x64xf32, #tpu.memory_space<vmem>>
    %dma_start3A_290 = tpu.memref_squeeze %dma_start3A_289 : memref<1x8x64xf32, #tpu.memory_space<vmem>> -> memref<8x64xf32, #tpu.memory_space<vmem>>
    %dma_start3A_291 = arith.constant 0 : i32
    %dma_start3A_292 = tpu.memref_slice %arg5[%multiple_of3A_285, %dma_start3A_291] : memref<1000000x64xf32, #tpu.memory_space<hbm>> -> memref<8x64xf32, #tpu.memory_space<hbm>>
    %dma_start3A_293 = arith.constant 136 : i32
    %dma_start3A_294 = arith.constant 0 : i32
    %dma_start3A_295 = tpu.memref_slice %arg11[%dma_start3A_286, %dma_start3A_293, %dma_start3A_294] : memref<2x256x64xf32, #tpu.memory_space<vmem>> -> memref<1x8x64xf32, #tpu.memory_space<vmem>>
    %dma_start3A_296 = tpu.memref_squeeze %dma_start3A_295 : memref<1x8x64xf32, #tpu.memory_space<vmem>> -> memref<8x64xf32, #tpu.memory_space<vmem>>
    %dma_start3A_297 = arith.constant 0 : i32
    %dma_start3A_298 = tpu.memref_slice %arg5[%multiple_of3A_285, %dma_start3A_297] : memref<1000000x64xf32, #tpu.memory_space<hbm>> -> memref<8x64xf32, #tpu.memory_space<hbm>>
    tpu.enqueue_dma source(%dma_start3A_298 : memref<8x64xf32, #tpu.memory_space<hbm>>) target(%dma_start3A_296 : memref<8x64xf32, #tpu.memory_space<vmem>>) target_semaphore(%arg14 : memref<!tpu.dma_semaphore, #tpu.memory_space<semaphore_mem>>)
    %slice3A_299 = vector.extract_strided_slice %get3A_266 {offsets = [2], sizes = [1], strides = [1]} : vector<16xi32> to vector<1xi32>
    %squeeze3A_300 = vector.extract %slice3A_299[0] : i32 from vector<1xi32>
    %multiple_of3A_301 = tpu.assume_multiple %squeeze3A_300, 8 : i32
    %dma_start3A_302 = arith.constant 0 : i32
    %dma_start3A_303 = arith.constant 144 : i32
    %dma_start3A_304 = arith.constant 0 : i32
    %dma_start3A_305 = tpu.memref_slice %arg11[%dma_start3A_302, %dma_start3A_303, %dma_start3A_304] : memref<2x256x64xf32, #tpu.memory_space<vmem>> -> memref<1x8x64xf32, #tpu.memory_space<vmem>>
    %dma_start3A_306 = tpu.memref_squeeze %dma_start3A_305 : memref<1x8x64xf32, #tpu.memory_space<vmem>> -> memref<8x64xf32, #tpu.memory_space<vmem>>
    %dma_start3A_307 = arith.constant 0 : i32
    %dma_start3A_308 = tpu.memref_slice %arg5[%multiple_of3A_301, %dma_start3A_307] : memref<1000000x64xf32, #tpu.memory_space<hbm>> -> memref<8x64xf32, #tpu.memory_space<hbm>>
    %dma_start3A_309 = arith.constant 144 : i32
    %dma_start3A_310 = arith.constant 0 : i32
    %dma_start3A_311 = tpu.memref_slice %arg11[%dma_start3A_302, %dma_start3A_309, %dma_start3A_310] : memref<2x256x64xf32, #tpu.memory_space<vmem>> -> memref<1x8x64xf32, #tpu.memory_space<vmem>>
    %dma_start3A_312 = tpu.memref_squeeze %dma_start3A_311 : memref<1x8x64xf32, #tpu.memory_space<vmem>> -> memref<8x64xf32, #tpu.memory_space<vmem>>
    %dma_start3A_313 = arith.constant 0 : i32
    %dma_start3A_314 = tpu.memref_slice %arg5[%multiple_of3A_301, %dma_start3A_313] : memref<1000000x64xf32, #tpu.memory_space<hbm>> -> memref<8x64xf32, #tpu.memory_space<hbm>>
    tpu.enqueue_dma source(%dma_start3A_314 : memref<8x64xf32, #tpu.memory_space<hbm>>) target(%dma_start3A_312 : memref<8x64xf32, #tpu.memory_space<vmem>>) target_semaphore(%arg14 : memref<!tpu.dma_semaphore, #tpu.memory_space<semaphore_mem>>)
    %slice3A_315 = vector.extract_strided_slice %get3A_266 {offsets = [3], sizes = [1], strides = [1]} : vector<16xi32> to vector<1xi32>
    %squeeze3A_316 = vector.extract %slice3A_315[0] : i32 from vector<1xi32>
    %multiple_of3A_317 = tpu.assume_multiple %squeeze3A_316, 8 : i32
    %dma_start3A_318 = arith.constant 0 : i32
    %dma_start3A_319 = arith.constant 152 : i32
    %dma_start3A_320 = arith.constant 0 : i32
    %dma_start3A_321 = tpu.memref_slice %arg11[%dma_start3A_318, %dma_start3A_319, %dma_start3A_320] : memref<2x256x64xf32, #tpu.memory_space<vmem>> -> memref<1x8x64xf32, #tpu.memory_space<vmem>>
    %dma_start3A_322 = tpu.memref_squeeze %dma_start3A_321 : memref<1x8x64xf32, #tpu.memory_space<vmem>> -> memref<8x64xf32, #tpu.memory_space<vmem>>
    %dma_start3A_323 = arith.constant 0 : i32
    %dma_start3A_324 = tpu.memref_slice %arg5[%multiple_of3A_317, %dma_start3A_323] : memref<1000000x64xf32, #tpu.memory_space<hbm>> -> memref<8x64xf32, #tpu.memory_space<hbm>>
    %dma_start3A_325 = arith.constant 152 : i32
    %dma_start3A_326 = arith.constant 0 : i32
    %dma_start3A_327 = tpu.memref_slice %arg11[%dma_start3A_318, %dma_start3A_325, %dma_start3A_326] : memref<2x256x64xf32, #tpu.memory_space<vmem>> -> memref<1x8x64xf32, #tpu.memory_space<vmem>>
    %dma_start3A_328 = tpu.memref_squeeze %dma_start3A_327 : memref<1x8x64xf32, #tpu.memory_space<vmem>> -> memref<8x64xf32, #tpu.memory_space<vmem>>
    %dma_start3A_329 = arith.constant 0 : i32
    %dma_start3A_330 = tpu.memref_slice %arg5[%multiple_of3A_317, %dma_start3A_329] : memref<1000000x64xf32, #tpu.memory_space<hbm>> -> memref<8x64xf32, #tpu.memory_space<hbm>>
    tpu.enqueue_dma source(%dma_start3A_330 : memref<8x64xf32, #tpu.memory_space<hbm>>) target(%dma_start3A_328 : memref<8x64xf32, #tpu.memory_space<vmem>>) target_semaphore(%arg14 : memref<!tpu.dma_semaphore, #tpu.memory_space<semaphore_mem>>)
    %slice3A_331 = vector.extract_strided_slice %get3A_266 {offsets = [4], sizes = [1], strides = [1]} : vector<16xi32> to vector<1xi32>
    %squeeze3A_332 = vector.extract %slice3A_331[0] : i32 from vector<1xi32>
    %multiple_of3A_333 = tpu.assume_multiple %squeeze3A_332, 8 : i32
    %dma_start3A_334 = arith.constant 0 : i32
    %dma_start3A_335 = arith.constant 160 : i32
    %dma_start3A_336 = arith.constant 0 : i32
    %dma_start3A_337 = tpu.memref_slice %arg11[%dma_start3A_334, %dma_start3A_335, %dma_start3A_336] : memref<2x256x64xf32, #tpu.memory_space<vmem>> -> memref<1x8x64xf32, #tpu.memory_space<vmem>>
    %dma_start3A_338 = tpu.memref_squeeze %dma_start3A_337 : memref<1x8x64xf32, #tpu.memory_space<vmem>> -> memref<8x64xf32, #tpu.memory_space<vmem>>
    %dma_start3A_339 = arith.constant 0 : i32
    %dma_start3A_340 = tpu.memref_slice %arg5[%multiple_of3A_333, %dma_start3A_339] : memref<1000000x64xf32, #tpu.memory_space<hbm>> -> memref<8x64xf32, #tpu.memory_space<hbm>>
    %dma_start3A_341 = arith.constant 160 : i32
    %dma_start3A_342 = arith.constant 0 : i32
    %dma_start3A_343 = tpu.memref_slice %arg11[%dma_start3A_334, %dma_start3A_341, %dma_start3A_342] : memref<2x256x64xf32, #tpu.memory_space<vmem>> -> memref<1x8x64xf32, #tpu.memory_space<vmem>>
    %dma_start3A_344 = tpu.memref_squeeze %dma_start3A_343 : memref<1x8x64xf32, #tpu.memory_space<vmem>> -> memref<8x64xf32, #tpu.memory_space<vmem>>
    %dma_start3A_345 = arith.constant 0 : i32
    %dma_start3A_346 = tpu.memref_slice %arg5[%multiple_of3A_333, %dma_start3A_345] : memref<1000000x64xf32, #tpu.memory_space<hbm>> -> memref<8x64xf32, #tpu.memory_space<hbm>>
    tpu.enqueue_dma source(%dma_start3A_346 : memref<8x64xf32, #tpu.memory_space<hbm>>) target(%dma_start3A_344 : memref<8x64xf32, #tpu.memory_space<vmem>>) target_semaphore(%arg14 : memref<!tpu.dma_semaphore, #tpu.memory_space<semaphore_mem>>)
    %slice3A_347 = vector.extract_strided_slice %get3A_266 {offsets = [5], sizes = [1], strides = [1]} : vector<16xi32> to vector<1xi32>
    %squeeze3A_348 = vector.extract %slice3A_347[0] : i32 from vector<1xi32>
    %multiple_of3A_349 = tpu.assume_multiple %squeeze3A_348, 8 : i32
    %dma_start3A_350 = arith.constant 0 : i32
    %dma_start3A_351 = arith.constant 168 : i32
    %dma_start3A_352 = arith.constant 0 : i32
    %dma_start3A_353 = tpu.memref_slice %arg11[%dma_start3A_350, %dma_start3A_351, %dma_start3A_352] : memref<2x256x64xf32, #tpu.memory_space<vmem>> -> memref<1x8x64xf32, #tpu.memory_space<vmem>>
    %dma_start3A_354 = tpu.memref_squeeze %dma_start3A_353 : memref<1x8x64xf32, #tpu.memory_space<vmem>> -> memref<8x64xf32, #tpu.memory_space<vmem>>
    %dma_start3A_355 = arith.constant 0 : i32
    %dma_start3A_356 = tpu.memref_slice %arg5[%multiple_of3A_349, %dma_start3A_355] : memref<1000000x64xf32, #tpu.memory_space<hbm>> -> memref<8x64xf32, #tpu.memory_space<hbm>>
    %dma_start3A_357 = arith.constant 168 : i32
    %dma_start3A_358 = arith.constant 0 : i32
    %dma_start3A_359 = tpu.memref_slice %arg11[%dma_start3A_350, %dma_start3A_357, %dma_start3A_358] : memref<2x256x64xf32, #tpu.memory_space<vmem>> -> memref<1x8x64xf32, #tpu.memory_space<vmem>>
    %dma_start3A_360 = tpu.memref_squeeze %dma_start3A_359 : memref<1x8x64xf32, #tpu.memory_space<vmem>> -> memref<8x64xf32, #tpu.memory_space<vmem>>
    %dma_start3A_361 = arith.constant 0 : i32
    %dma_start3A_362 = tpu.memref_slice %arg5[%multiple_of3A_349, %dma_start3A_361] : memref<1000000x64xf32, #tpu.memory_space<hbm>> -> memref<8x64xf32, #tpu.memory_space<hbm>>
    tpu.enqueue_dma source(%dma_start3A_362 : memref<8x64xf32, #tpu.memory_space<hbm>>) target(%dma_start3A_360 : memref<8x64xf32, #tpu.memory_space<vmem>>) target_semaphore(%arg14 : memref<!tpu.dma_semaphore, #tpu.memory_space<semaphore_mem>>)
    %slice3A_363 = vector.extract_strided_slice %get3A_266 {offsets = [6], sizes = [1], strides = [1]} : vector<16xi32> to vector<1xi32>
    %squeeze3A_364 = vector.extract %slice3A_363[0] : i32 from vector<1xi32>
    %multiple_of3A_365 = tpu.assume_multiple %squeeze3A_364, 8 : i32
    %dma_start3A_366 = arith.constant 0 : i32
    %dma_start3A_367 = arith.constant 176 : i32
    %dma_start3A_368 = arith.constant 0 : i32
    %dma_start3A_369 = tpu.memref_slice %arg11[%dma_start3A_366, %dma_start3A_367, %dma_start3A_368] : memref<2x256x64xf32, #tpu.memory_space<vmem>> -> memref<1x8x64xf32, #tpu.memory_space<vmem>>
    %dma_start3A_370 = tpu.memref_squeeze %dma_start3A_369 : memref<1x8x64xf32, #tpu.memory_space<vmem>> -> memref<8x64xf32, #tpu.memory_space<vmem>>
    %dma_start3A_371 = arith.constant 0 : i32
    %dma_start3A_372 = tpu.memref_slice %arg5[%multiple_of3A_365, %dma_start3A_371] : memref<1000000x64xf32, #tpu.memory_space<hbm>> -> memref<8x64xf32, #tpu.memory_space<hbm>>
    %dma_start3A_373 = arith.constant 176 : i32
    %dma_start3A_374 = arith.constant 0 : i32
    %dma_start3A_375 = tpu.memref_slice %arg11[%dma_start3A_366, %dma_start3A_373, %dma_start3A_374] : memref<2x256x64xf32, #tpu.memory_space<vmem>> -> memref<1x8x64xf32, #tpu.memory_space<vmem>>
    %dma_start3A_376 = tpu.memref_squeeze %dma_start3A_375 : memref<1x8x64xf32, #tpu.memory_space<vmem>> -> memref<8x64xf32, #tpu.memory_space<vmem>>
    %dma_start3A_377 = arith.constant 0 : i32
    %dma_start3A_378 = tpu.memref_slice %arg5[%multiple_of3A_365, %dma_start3A_377] : memref<1000000x64xf32, #tpu.memory_space<hbm>> -> memref<8x64xf32, #tpu.memory_space<hbm>>
    tpu.enqueue_dma source(%dma_start3A_378 : memref<8x64xf32, #tpu.memory_space<hbm>>) target(%dma_start3A_376 : memref<8x64xf32, #tpu.memory_space<vmem>>) target_semaphore(%arg14 : memref<!tpu.dma_semaphore, #tpu.memory_space<semaphore_mem>>)
    %slice3A_379 = vector.extract_strided_slice %get3A_266 {offsets = [7], sizes = [1], strides = [1]} : vector<16xi32> to vector<1xi32>
    %squeeze3A_380 = vector.extract %slice3A_379[0] : i32 from vector<1xi32>
    %multiple_of3A_381 = tpu.assume_multiple %squeeze3A_380, 8 : i32
    %dma_start3A_382 = arith.constant 0 : i32
    %dma_start3A_383 = arith.constant 184 : i32
    %dma_start3A_384 = arith.constant 0 : i32
    %dma_start3A_385 = tpu.memref_slice %arg11[%dma_start3A_382, %dma_start3A_383, %dma_start3A_384] : memref<2x256x64xf32, #tpu.memory_space<vmem>> -> memref<1x8x64xf32, #tpu.memory_space<vmem>>
    %dma_start3A_386 = tpu.memref_squeeze %dma_start3A_385 : memref<1x8x64xf32, #tpu.memory_space<vmem>> -> memref<8x64xf32, #tpu.memory_space<vmem>>
    %dma_start3A_387 = arith.constant 0 : i32
    %dma_start3A_388 = tpu.memref_slice %arg5[%multiple_of3A_381, %dma_start3A_387] : memref<1000000x64xf32, #tpu.memory_space<hbm>> -> memref<8x64xf32, #tpu.memory_space<hbm>>
    %dma_start3A_389 = arith.constant 184 : i32
    %dma_start3A_390 = arith.constant 0 : i32
    %dma_start3A_391 = tpu.memref_slice %arg11[%dma_start3A_382, %dma_start3A_389, %dma_start3A_390] : memref<2x256x64xf32, #tpu.memory_space<vmem>> -> memref<1x8x64xf32, #tpu.memory_space<vmem>>
    %dma_start3A_392 = tpu.memref_squeeze %dma_start3A_391 : memref<1x8x64xf32, #tpu.memory_space<vmem>> -> memref<8x64xf32, #tpu.memory_space<vmem>>
    %dma_start3A_393 = arith.constant 0 : i32
    %dma_start3A_394 = tpu.memref_slice %arg5[%multiple_of3A_381, %dma_start3A_393] : memref<1000000x64xf32, #tpu.memory_space<hbm>> -> memref<8x64xf32, #tpu.memory_space<hbm>>
    tpu.enqueue_dma source(%dma_start3A_394 : memref<8x64xf32, #tpu.memory_space<hbm>>) target(%dma_start3A_392 : memref<8x64xf32, #tpu.memory_space<vmem>>) target_semaphore(%arg14 : memref<!tpu.dma_semaphore, #tpu.memory_space<semaphore_mem>>)
    %slice3A_395 = vector.extract_strided_slice %get3A_266 {offsets = [8], sizes = [1], strides = [1]} : vector<16xi32> to vector<1xi32>
    %squeeze3A_396 = vector.extract %slice3A_395[0] : i32 from vector<1xi32>
    %multiple_of3A_397 = tpu.assume_multiple %squeeze3A_396, 8 : i32
    %dma_start3A_398 = arith.constant 0 : i32
    %dma_start3A_399 = arith.constant 192 : i32
    %dma_start3A_400 = arith.constant 0 : i32
    %dma_start3A_401 = tpu.memref_slice %arg11[%dma_start3A_398, %dma_start3A_399, %dma_start3A_400] : memref<2x256x64xf32, #tpu.memory_space<vmem>> -> memref<1x8x64xf32, #tpu.memory_space<vmem>>
    %dma_start3A_402 = tpu.memref_squeeze %dma_start3A_401 : memref<1x8x64xf32, #tpu.memory_space<vmem>> -> memref<8x64xf32, #tpu.memory_space<vmem>>
    %dma_start3A_403 = arith.constant 0 : i32
    %dma_start3A_404 = tpu.memref_slice %arg5[%multiple_of3A_397, %dma_start3A_403] : memref<1000000x64xf32, #tpu.memory_space<hbm>> -> memref<8x64xf32, #tpu.memory_space<hbm>>
    %dma_start3A_405 = arith.constant 192 : i32
    %dma_start3A_406 = arith.constant 0 : i32
    %dma_start3A_407 = tpu.memref_slice %arg11[%dma_start3A_398, %dma_start3A_405, %dma_start3A_406] : memref<2x256x64xf32, #tpu.memory_space<vmem>> -> memref<1x8x64xf32, #tpu.memory_space<vmem>>
    %dma_start3A_408 = tpu.memref_squeeze %dma_start3A_407 : memref<1x8x64xf32, #tpu.memory_space<vmem>> -> memref<8x64xf32, #tpu.memory_space<vmem>>
    %dma_start3A_409 = arith.constant 0 : i32
    %dma_start3A_410 = tpu.memref_slice %arg5[%multiple_of3A_397, %dma_start3A_409] : memref<1000000x64xf32, #tpu.memory_space<hbm>> -> memref<8x64xf32, #tpu.memory_space<hbm>>
    tpu.enqueue_dma source(%dma_start3A_410 : memref<8x64xf32, #tpu.memory_space<hbm>>) target(%dma_start3A_408 : memref<8x64xf32, #tpu.memory_space<vmem>>) target_semaphore(%arg14 : memref<!tpu.dma_semaphore, #tpu.memory_space<semaphore_mem>>)
    %slice3A_411 = vector.extract_strided_slice %get3A_266 {offsets = [9], sizes = [1], strides = [1]} : vector<16xi32> to vector<1xi32>
    %squeeze3A_412 = vector.extract %slice3A_411[0] : i32 from vector<1xi32>
    %multiple_of3A_413 = tpu.assume_multiple %squeeze3A_412, 8 : i32
    %dma_start3A_414 = arith.constant 0 : i32
    %dma_start3A_415 = arith.constant 200 : i32
    %dma_start3A_416 = arith.constant 0 : i32
    %dma_start3A_417 = tpu.memref_slice %arg11[%dma_start3A_414, %dma_start3A_415, %dma_start3A_416] : memref<2x256x64xf32, #tpu.memory_space<vmem>> -> memref<1x8x64xf32, #tpu.memory_space<vmem>>
    %dma_start3A_418 = tpu.memref_squeeze %dma_start3A_417 : memref<1x8x64xf32, #tpu.memory_space<vmem>> -> memref<8x64xf32, #tpu.memory_space<vmem>>
    %dma_start3A_419 = arith.constant 0 : i32
    %dma_start3A_420 = tpu.memref_slice %arg5[%multiple_of3A_413, %dma_start3A_419] : memref<1000000x64xf32, #tpu.memory_space<hbm>> -> memref<8x64xf32, #tpu.memory_space<hbm>>
    %dma_start3A_421 = arith.constant 200 : i32
    %dma_start3A_422 = arith.constant 0 : i32
    %dma_start3A_423 = tpu.memref_slice %arg11[%dma_start3A_414, %dma_start3A_421, %dma_start3A_422] : memref<2x256x64xf32, #tpu.memory_space<vmem>> -> memref<1x8x64xf32, #tpu.memory_space<vmem>>
    %dma_start3A_424 = tpu.memref_squeeze %dma_start3A_423 : memref<1x8x64xf32, #tpu.memory_space<vmem>> -> memref<8x64xf32, #tpu.memory_space<vmem>>
    %dma_start3A_425 = arith.constant 0 : i32
    %dma_start3A_426 = tpu.memref_slice %arg5[%multiple_of3A_413, %dma_start3A_425] : memref<1000000x64xf32, #tpu.memory_space<hbm>> -> memref<8x64xf32, #tpu.memory_space<hbm>>
    tpu.enqueue_dma source(%dma_start3A_426 : memref<8x64xf32, #tpu.memory_space<hbm>>) target(%dma_start3A_424 : memref<8x64xf32, #tpu.memory_space<vmem>>) target_semaphore(%arg14 : memref<!tpu.dma_semaphore, #tpu.memory_space<semaphore_mem>>)
    %slice3A_427 = vector.extract_strided_slice %get3A_266 {offsets = [10], sizes = [1], strides = [1]} : vector<16xi32> to vector<1xi32>
    %squeeze3A_428 = vector.extract %slice3A_427[0] : i32 from vector<1xi32>
    %multiple_of3A_429 = tpu.assume_multiple %squeeze3A_428, 8 : i32
    %dma_start3A_430 = arith.constant 0 : i32
    %dma_start3A_431 = arith.constant 208 : i32
    %dma_start3A_432 = arith.constant 0 : i32
    %dma_start3A_433 = tpu.memref_slice %arg11[%dma_start3A_430, %dma_start3A_431, %dma_start3A_432] : memref<2x256x64xf32, #tpu.memory_space<vmem>> -> memref<1x8x64xf32, #tpu.memory_space<vmem>>
    %dma_start3A_434 = tpu.memref_squeeze %dma_start3A_433 : memref<1x8x64xf32, #tpu.memory_space<vmem>> -> memref<8x64xf32, #tpu.memory_space<vmem>>
    %dma_start3A_435 = arith.constant 0 : i32
    %dma_start3A_436 = tpu.memref_slice %arg5[%multiple_of3A_429, %dma_start3A_435] : memref<1000000x64xf32, #tpu.memory_space<hbm>> -> memref<8x64xf32, #tpu.memory_space<hbm>>
    %dma_start3A_437 = arith.constant 208 : i32
    %dma_start3A_438 = arith.constant 0 : i32
    %dma_start3A_439 = tpu.memref_slice %arg11[%dma_start3A_430, %dma_start3A_437, %dma_start3A_438] : memref<2x256x64xf32, #tpu.memory_space<vmem>> -> memref<1x8x64xf32, #tpu.memory_space<vmem>>
    %dma_start3A_440 = tpu.memref_squeeze %dma_start3A_439 : memref<1x8x64xf32, #tpu.memory_space<vmem>> -> memref<8x64xf32, #tpu.memory_space<vmem>>
    %dma_start3A_441 = arith.constant 0 : i32
    %dma_start3A_442 = tpu.memref_slice %arg5[%multiple_of3A_429, %dma_start3A_441] : memref<1000000x64xf32, #tpu.memory_space<hbm>> -> memref<8x64xf32, #tpu.memory_space<hbm>>
    tpu.enqueue_dma source(%dma_start3A_442 : memref<8x64xf32, #tpu.memory_space<hbm>>) target(%dma_start3A_440 : memref<8x64xf32, #tpu.memory_space<vmem>>) target_semaphore(%arg14 : memref<!tpu.dma_semaphore, #tpu.memory_space<semaphore_mem>>)
    %slice3A_443 = vector.extract_strided_slice %get3A_266 {offsets = [11], sizes = [1], strides = [1]} : vector<16xi32> to vector<1xi32>
    %squeeze3A_444 = vector.extract %slice3A_443[0] : i32 from vector<1xi32>
    %multiple_of3A_445 = tpu.assume_multiple %squeeze3A_444, 8 : i32
    %dma_start3A_446 = arith.constant 0 : i32
    %dma_start3A_447 = arith.constant 216 : i32
    %dma_start3A_448 = arith.constant 0 : i32
    %dma_start3A_449 = tpu.memref_slice %arg11[%dma_start3A_446, %dma_start3A_447, %dma_start3A_448] : memref<2x256x64xf32, #tpu.memory_space<vmem>> -> memref<1x8x64xf32, #tpu.memory_space<vmem>>
    %dma_start3A_450 = tpu.memref_squeeze %dma_start3A_449 : memref<1x8x64xf32, #tpu.memory_space<vmem>> -> memref<8x64xf32, #tpu.memory_space<vmem>>
    %dma_start3A_451 = arith.constant 0 : i32
    %dma_start3A_452 = tpu.memref_slice %arg5[%multiple_of3A_445, %dma_start3A_451] : memref<1000000x64xf32, #tpu.memory_space<hbm>> -> memref<8x64xf32, #tpu.memory_space<hbm>>
    %dma_start3A_453 = arith.constant 216 : i32
    %dma_start3A_454 = arith.constant 0 : i32
    %dma_start3A_455 = tpu.memref_slice %arg11[%dma_start3A_446, %dma_start3A_453, %dma_start3A_454] : memref<2x256x64xf32, #tpu.memory_space<vmem>> -> memref<1x8x64xf32, #tpu.memory_space<vmem>>
    %dma_start3A_456 = tpu.memref_squeeze %dma_start3A_455 : memref<1x8x64xf32, #tpu.memory_space<vmem>> -> memref<8x64xf32, #tpu.memory_space<vmem>>
    %dma_start3A_457 = arith.constant 0 : i32
    %dma_start3A_458 = tpu.memref_slice %arg5[%multiple_of3A_445, %dma_start3A_457] : memref<1000000x64xf32, #tpu.memory_space<hbm>> -> memref<8x64xf32, #tpu.memory_space<hbm>>
    tpu.enqueue_dma source(%dma_start3A_458 : memref<8x64xf32, #tpu.memory_space<hbm>>) target(%dma_start3A_456 : memref<8x64xf32, #tpu.memory_space<vmem>>) target_semaphore(%arg14 : memref<!tpu.dma_semaphore, #tpu.memory_space<semaphore_mem>>)
    %slice3A_459 = vector.extract_strided_slice %get3A_266 {offsets = [12], sizes = [1], strides = [1]} : vector<16xi32> to vector<1xi32>
    %squeeze3A_460 = vector.extract %slice3A_459[0] : i32 from vector<1xi32>
    %multiple_of3A_461 = tpu.assume_multiple %squeeze3A_460, 8 : i32
    %dma_start3A_462 = arith.constant 0 : i32
    %dma_start3A_463 = arith.constant 224 : i32
    %dma_start3A_464 = arith.constant 0 : i32
    %dma_start3A_465 = tpu.memref_slice %arg11[%dma_start3A_462, %dma_start3A_463, %dma_start3A_464] : memref<2x256x64xf32, #tpu.memory_space<vmem>> -> memref<1x8x64xf32, #tpu.memory_space<vmem>>
    %dma_start3A_466 = tpu.memref_squeeze %dma_start3A_465 : memref<1x8x64xf32, #tpu.memory_space<vmem>> -> memref<8x64xf32, #tpu.memory_space<vmem>>
    %dma_start3A_467 = arith.constant 0 : i32
    %dma_start3A_468 = tpu.memref_slice %arg5[%multiple_of3A_461, %dma_start3A_467] : memref<1000000x64xf32, #tpu.memory_space<hbm>> -> memref<8x64xf32, #tpu.memory_space<hbm>>
    %dma_start3A_469 = arith.constant 224 : i32
    %dma_start3A_470 = arith.constant 0 : i32
    %dma_start3A_471 = tpu.memref_slice %arg11[%dma_start3A_462, %dma_start3A_469, %dma_start3A_470] : memref<2x256x64xf32, #tpu.memory_space<vmem>> -> memref<1x8x64xf32, #tpu.memory_space<vmem>>
    %dma_start3A_472 = tpu.memref_squeeze %dma_start3A_471 : memref<1x8x64xf32, #tpu.memory_space<vmem>> -> memref<8x64xf32, #tpu.memory_space<vmem>>
    %dma_start3A_473 = arith.constant 0 : i32
    %dma_start3A_474 = tpu.memref_slice %arg5[%multiple_of3A_461, %dma_start3A_473] : memref<1000000x64xf32, #tpu.memory_space<hbm>> -> memref<8x64xf32, #tpu.memory_space<hbm>>
    tpu.enqueue_dma source(%dma_start3A_474 : memref<8x64xf32, #tpu.memory_space<hbm>>) target(%dma_start3A_472 : memref<8x64xf32, #tpu.memory_space<vmem>>) target_semaphore(%arg14 : memref<!tpu.dma_semaphore, #tpu.memory_space<semaphore_mem>>)
    %slice3A_475 = vector.extract_strided_slice %get3A_266 {offsets = [13], sizes = [1], strides = [1]} : vector<16xi32> to vector<1xi32>
    %squeeze3A_476 = vector.extract %slice3A_475[0] : i32 from vector<1xi32>
    %multiple_of3A_477 = tpu.assume_multiple %squeeze3A_476, 8 : i32
    %dma_start3A_478 = arith.constant 0 : i32
    %dma_start3A_479 = arith.constant 232 : i32
    %dma_start3A_480 = arith.constant 0 : i32
    %dma_start3A_481 = tpu.memref_slice %arg11[%dma_start3A_478, %dma_start3A_479, %dma_start3A_480] : memref<2x256x64xf32, #tpu.memory_space<vmem>> -> memref<1x8x64xf32, #tpu.memory_space<vmem>>
    %dma_start3A_482 = tpu.memref_squeeze %dma_start3A_481 : memref<1x8x64xf32, #tpu.memory_space<vmem>> -> memref<8x64xf32, #tpu.memory_space<vmem>>
    %dma_start3A_483 = arith.constant 0 : i32
    %dma_start3A_484 = tpu.memref_slice %arg5[%multiple_of3A_477, %dma_start3A_483] : memref<1000000x64xf32, #tpu.memory_space<hbm>> -> memref<8x64xf32, #tpu.memory_space<hbm>>
    %dma_start3A_485 = arith.constant 232 : i32
    %dma_start3A_486 = arith.constant 0 : i32
    %dma_start3A_487 = tpu.memref_slice %arg11[%dma_start3A_478, %dma_start3A_485, %dma_start3A_486] : memref<2x256x64xf32, #tpu.memory_space<vmem>> -> memref<1x8x64xf32, #tpu.memory_space<vmem>>
    %dma_start3A_488 = tpu.memref_squeeze %dma_start3A_487 : memref<1x8x64xf32, #tpu.memory_space<vmem>> -> memref<8x64xf32, #tpu.memory_space<vmem>>
    %dma_start3A_489 = arith.constant 0 : i32
    %dma_start3A_490 = tpu.memref_slice %arg5[%multiple_of3A_477, %dma_start3A_489] : memref<1000000x64xf32, #tpu.memory_space<hbm>> -> memref<8x64xf32, #tpu.memory_space<hbm>>
    tpu.enqueue_dma source(%dma_start3A_490 : memref<8x64xf32, #tpu.memory_space<hbm>>) target(%dma_start3A_488 : memref<8x64xf32, #tpu.memory_space<vmem>>) target_semaphore(%arg14 : memref<!tpu.dma_semaphore, #tpu.memory_space<semaphore_mem>>)
    %slice3A_491 = vector.extract_strided_slice %get3A_266 {offsets = [14], sizes = [1], strides = [1]} : vector<16xi32> to vector<1xi32>
    %squeeze3A_492 = vector.extract %slice3A_491[0] : i32 from vector<1xi32>
    %multiple_of3A_493 = tpu.assume_multiple %squeeze3A_492, 8 : i32
    %dma_start3A_494 = arith.constant 0 : i32
    %dma_start3A_495 = arith.constant 240 : i32
    %dma_start3A_496 = arith.constant 0 : i32
    %dma_start3A_497 = tpu.memref_slice %arg11[%dma_start3A_494, %dma_start3A_495, %dma_start3A_496] : memref<2x256x64xf32, #tpu.memory_space<vmem>> -> memref<1x8x64xf32, #tpu.memory_space<vmem>>
    %dma_start3A_498 = tpu.memref_squeeze %dma_start3A_497 : memref<1x8x64xf32, #tpu.memory_space<vmem>> -> memref<8x64xf32, #tpu.memory_space<vmem>>
    %dma_start3A_499 = arith.constant 0 : i32
    %dma_start3A_500 = tpu.memref_slice %arg5[%multiple_of3A_493, %dma_start3A_499] : memref<1000000x64xf32, #tpu.memory_space<hbm>> -> memref<8x64xf32, #tpu.memory_space<hbm>>
    %dma_start3A_501 = arith.constant 240 : i32
    %dma_start3A_502 = arith.constant 0 : i32
    %dma_start3A_503 = tpu.memref_slice %arg11[%dma_start3A_494, %dma_start3A_501, %dma_start3A_502] : memref<2x256x64xf32, #tpu.memory_space<vmem>> -> memref<1x8x64xf32, #tpu.memory_space<vmem>>
    %dma_start3A_504 = tpu.memref_squeeze %dma_start3A_503 : memref<1x8x64xf32, #tpu.memory_space<vmem>> -> memref<8x64xf32, #tpu.memory_space<vmem>>
    %dma_start3A_505 = arith.constant 0 : i32
    %dma_start3A_506 = tpu.memref_slice %arg5[%multiple_of3A_493, %dma_start3A_505] : memref<1000000x64xf32, #tpu.memory_space<hbm>> -> memref<8x64xf32, #tpu.memory_space<hbm>>
    tpu.enqueue_dma source(%dma_start3A_506 : memref<8x64xf32, #tpu.memory_space<hbm>>) target(%dma_start3A_504 : memref<8x64xf32, #tpu.memory_space<vmem>>) target_semaphore(%arg14 : memref<!tpu.dma_semaphore, #tpu.memory_space<semaphore_mem>>)
    %slice3A_507 = vector.extract_strided_slice %get3A_266 {offsets = [15], sizes = [1], strides = [1]} : vector<16xi32> to vector<1xi32>
    %squeeze3A_508 = vector.extract %slice3A_507[0] : i32 from vector<1xi32>
    %multiple_of3A_509 = tpu.assume_multiple %squeeze3A_508, 8 : i32
    %dma_start3A_510 = arith.constant 0 : i32
    %dma_start3A_511 = arith.constant 248 : i32
    %dma_start3A_512 = arith.constant 0 : i32
    %dma_start3A_513 = tpu.memref_slice %arg11[%dma_start3A_510, %dma_start3A_511, %dma_start3A_512] : memref<2x256x64xf32, #tpu.memory_space<vmem>> -> memref<1x8x64xf32, #tpu.memory_space<vmem>>
    %dma_start3A_514 = tpu.memref_squeeze %dma_start3A_513 : memref<1x8x64xf32, #tpu.memory_space<vmem>> -> memref<8x64xf32, #tpu.memory_space<vmem>>
    %dma_start3A_515 = arith.constant 0 : i32
    %dma_start3A_516 = tpu.memref_slice %arg5[%multiple_of3A_509, %dma_start3A_515] : memref<1000000x64xf32, #tpu.memory_space<hbm>> -> memref<8x64xf32, #tpu.memory_space<hbm>>
    %dma_start3A_517 = arith.constant 248 : i32
    %dma_start3A_518 = arith.constant 0 : i32
    %dma_start3A_519 = tpu.memref_slice %arg11[%dma_start3A_510, %dma_start3A_517, %dma_start3A_518] : memref<2x256x64xf32, #tpu.memory_space<vmem>> -> memref<1x8x64xf32, #tpu.memory_space<vmem>>
    %dma_start3A_520 = tpu.memref_squeeze %dma_start3A_519 : memref<1x8x64xf32, #tpu.memory_space<vmem>> -> memref<8x64xf32, #tpu.memory_space<vmem>>
    %dma_start3A_521 = arith.constant 0 : i32
    %dma_start3A_522 = tpu.memref_slice %arg5[%multiple_of3A_509, %dma_start3A_521] : memref<1000000x64xf32, #tpu.memory_space<hbm>> -> memref<8x64xf32, #tpu.memory_space<hbm>>
    tpu.enqueue_dma source(%dma_start3A_522 : memref<8x64xf32, #tpu.memory_space<hbm>>) target(%dma_start3A_520 : memref<8x64xf32, #tpu.memory_space<vmem>>) target_semaphore(%arg14 : memref<!tpu.dma_semaphore, #tpu.memory_space<semaphore_mem>>)
    %get3A_523 = arith.constant 32 : index
    %get3A_524 = tpu.vector_load %arg8[%get3A_523] {strides = array<i32>} : memref<4096xi32, #tpu.memory_space<vmem>>, vector<16xi32>,
    %slice3A_525 = vector.extract_strided_slice %get3A_524 {offsets = [0], sizes = [1], strides = [1]} : vector<16xi32> to vector<1xi32>
    %squeeze3A_526 = vector.extract %slice3A_525[0] : i32 from vector<1xi32>
    %multiple_of3A_527 = tpu.assume_multiple %squeeze3A_526, 8 : i32
    %dma_start3A_528 = arith.constant 1 : i32
    %dma_start3A_529 = arith.constant 0 : i32
    %dma_start3A_530 = arith.constant 0 : i32
    %dma_start3A_531 = tpu.memref_slice %arg11[%dma_start3A_528, %dma_start3A_529, %dma_start3A_530] : memref<2x256x64xf32, #tpu.memory_space<vmem>> -> memref<1x8x64xf32, #tpu.memory_space<vmem>>
    %dma_start3A_532 = tpu.memref_squeeze %dma_start3A_531 : memref<1x8x64xf32, #tpu.memory_space<vmem>> -> memref<8x64xf32, #tpu.memory_space<vmem>>
    %dma_start3A_533 = arith.constant 0 : i32
    %dma_start3A_534 = tpu.memref_slice %arg5[%multiple_of3A_527, %dma_start3A_533] : memref<1000000x64xf32, #tpu.memory_space<hbm>> -> memref<8x64xf32, #tpu.memory_space<hbm>>
    %dma_start3A_535 = arith.constant 0 : i32
    %dma_start3A_536 = arith.constant 0 : i32
    %dma_start3A_537 = tpu.memref_slice %arg11[%dma_start3A_528, %dma_start3A_535, %dma_start3A_536] : memref<2x256x64xf32, #tpu.memory_space<vmem>> -> memref<1x8x64xf32, #tpu.memory_space<vmem>>
    %dma_start3A_538 = tpu.memref_squeeze %dma_start3A_537 : memref<1x8x64xf32, #tpu.memory_space<vmem>> -> memref<8x64xf32, #tpu.memory_space<vmem>>
    %dma_start3A_539 = arith.constant 0 : i32
    %dma_start3A_540 = tpu.memref_slice %arg5[%multiple_of3A_527, %dma_start3A_539] : memref<1000000x64xf32, #tpu.memory_space<hbm>> -> memref<8x64xf32, #tpu.memory_space<hbm>>
    tpu.enqueue_dma source(%dma_start3A_540 : memref<8x64xf32, #tpu.memory_space<hbm>>) target(%dma_start3A_538 : memref<8x64xf32, #tpu.memory_space<vmem>>) target_semaphore(%arg15 : memref<!tpu.dma_semaphore, #tpu.memory_space<semaphore_mem>>)
    %slice3A_541 = vector.extract_strided_slice %get3A_524 {offsets = [1], sizes = [1], strides = [1]} : vector<16xi32> to vector<1xi32>
    %squeeze3A_542 = vector.extract %slice3A_541[0] : i32 from vector<1xi32>
    %multiple_of3A_543 = tpu.assume_multiple %squeeze3A_542, 8 : i32
    %dma_start3A_544 = arith.constant 1 : i32
    %dma_start3A_545 = arith.constant 8 : i32
    %dma_start3A_546 = arith.constant 0 : i32
    %dma_start3A_547 = tpu.memref_slice %arg11[%dma_start3A_544, %dma_start3A_545, %dma_start3A_546] : memref<2x256x64xf32, #tpu.memory_space<vmem>> -> memref<1x8x64xf32, #tpu.memory_space<vmem>>
    %dma_start3A_548 = tpu.memref_squeeze %dma_start3A_547 : memref<1x8x64xf32, #tpu.memory_space<vmem>> -> memref<8x64xf32, #tpu.memory_space<vmem>>
    %dma_start3A_549 = arith.constant 0 : i32
    %dma_start3A_550 = tpu.memref_slice %arg5[%multiple_of3A_543, %dma_start3A_549] : memref<1000000x64xf32, #tpu.memory_space<hbm>> -> memref<8x64xf32, #tpu.memory_space<hbm>>
    %dma_start3A_551 = arith.constant 8 : i32
    %dma_start3A_552 = arith.constant 0 : i32
    %dma_start3A_553 = tpu.memref_slice %arg11[%dma_start3A_544, %dma_start3A_551, %dma_start3A_552] : memref<2x256x64xf32, #tpu.memory_space<vmem>> -> memref<1x8x64xf32, #tpu.memory_space<vmem>>
    %dma_start3A_554 = tpu.memref_squeeze %dma_start3A_553 : memref<1x8x64xf32, #tpu.memory_space<vmem>> -> memref<8x64xf32, #tpu.memory_space<vmem>>
    %dma_start3A_555 = arith.constant 0 : i32
    %dma_start3A_556 = tpu.memref_slice %arg5[%multiple_of3A_543, %dma_start3A_555] : memref<1000000x64xf32, #tpu.memory_space<hbm>> -> memref<8x64xf32, #tpu.memory_space<hbm>>
    tpu.enqueue_dma source(%dma_start3A_556 : memref<8x64xf32, #tpu.memory_space<hbm>>) target(%dma_start3A_554 : memref<8x64xf32, #tpu.memory_space<vmem>>) target_semaphore(%arg15 : memref<!tpu.dma_semaphore, #tpu.memory_space<semaphore_mem>>)
    %slice3A_557 = vector.extract_strided_slice %get3A_524 {offsets = [2], sizes = [1], strides = [1]} : vector<16xi32> to vector<1xi32>
    %squeeze3A_558 = vector.extract %slice3A_557[0] : i32 from vector<1xi32>
    %multiple_of3A_559 = tpu.assume_multiple %squeeze3A_558, 8 : i32
    %dma_start3A_560 = arith.constant 1 : i32
    %dma_start3A_561 = arith.constant 16 : i32
    %dma_start3A_562 = arith.constant 0 : i32
    %dma_start3A_563 = tpu.memref_slice %arg11[%dma_start3A_560, %dma_start3A_561, %dma_start3A_562] : memref<2x256x64xf32, #tpu.memory_space<vmem>> -> memref<1x8x64xf32, #tpu.memory_space<vmem>>
    %dma_start3A_564 = tpu.memref_squeeze %dma_start3A_563 : memref<1x8x64xf32, #tpu.memory_space<vmem>> -> memref<8x64xf32, #tpu.memory_space<vmem>>
    %dma_start3A_565 = arith.constant 0 : i32
    %dma_start3A_566 = tpu.memref_slice %arg5[%multiple_of3A_559, %dma_start3A_565] : memref<1000000x64xf32, #tpu.memory_space<hbm>> -> memref<8x64xf32, #tpu.memory_space<hbm>>
    %dma_start3A_567 = arith.constant 16 : i32
    %dma_start3A_568 = arith.constant 0 : i32
    %dma_start3A_569 = tpu.memref_slice %arg11[%dma_start3A_560, %dma_start3A_567, %dma_start3A_568] : memref<2x256x64xf32, #tpu.memory_space<vmem>> -> memref<1x8x64xf32, #tpu.memory_space<vmem>>
    %dma_start3A_570 = tpu.memref_squeeze %dma_start3A_569 : memref<1x8x64xf32, #tpu.memory_space<vmem>> -> memref<8x64xf32, #tpu.memory_space<vmem>>
    %dma_start3A_571 = arith.constant 0 : i32
    %dma_start3A_572 = tpu.memref_slice %arg5[%multiple_of3A_559, %dma_start3A_571] : memref<1000000x64xf32, #tpu.memory_space<hbm>> -> memref<8x64xf32, #tpu.memory_space<hbm>>
    tpu.enqueue_dma source(%dma_start3A_572 : memref<8x64xf32, #tpu.memory_space<hbm>>) target(%dma_start3A_570 : memref<8x64xf32, #tpu.memory_space<vmem>>) target_semaphore(%arg15 : memref<!tpu.dma_semaphore, #tpu.memory_space<semaphore_mem>>)
    %slice3A_573 = vector.extract_strided_slice %get3A_524 {offsets = [3], sizes = [1], strides = [1]} : vector<16xi32> to vector<1xi32>
    %squeeze3A_574 = vector.extract %slice3A_573[0] : i32 from vector<1xi32>
    %multiple_of3A_575 = tpu.assume_multiple %squeeze3A_574, 8 : i32
    %dma_start3A_576 = arith.constant 1 : i32
    %dma_start3A_577 = arith.constant 24 : i32
    %dma_start3A_578 = arith.constant 0 : i32
    %dma_start3A_579 = tpu.memref_slice %arg11[%dma_start3A_576, %dma_start3A_577, %dma_start3A_578] : memref<2x256x64xf32, #tpu.memory_space<vmem>> -> memref<1x8x64xf32, #tpu.memory_space<vmem>>
    %dma_start3A_580 = tpu.memref_squeeze %dma_start3A_579 : memref<1x8x64xf32, #tpu.memory_space<vmem>> -> memref<8x64xf32, #tpu.memory_space<vmem>>
    %dma_start3A_581 = arith.constant 0 : i32
    %dma_start3A_582 = tpu.memref_slice %arg5[%multiple_of3A_575, %dma_start3A_581] : memref<1000000x64xf32, #tpu.memory_space<hbm>> -> memref<8x64xf32, #tpu.memory_space<hbm>>
    %dma_start3A_583 = arith.constant 24 : i32
    %dma_start3A_584 = arith.constant 0 : i32
    %dma_start3A_585 = tpu.memref_slice %arg11[%dma_start3A_576, %dma_start3A_583, %dma_start3A_584] : memref<2x256x64xf32, #tpu.memory_space<vmem>> -> memref<1x8x64xf32, #tpu.memory_space<vmem>>
    %dma_start3A_586 = tpu.memref_squeeze %dma_start3A_585 : memref<1x8x64xf32, #tpu.memory_space<vmem>> -> memref<8x64xf32, #tpu.memory_space<vmem>>
    %dma_start3A_587 = arith.constant 0 : i32
    %dma_start3A_588 = tpu.memref_slice %arg5[%multiple_of3A_575, %dma_start3A_587] : memref<1000000x64xf32, #tpu.memory_space<hbm>> -> memref<8x64xf32, #tpu.memory_space<hbm>>
    tpu.enqueue_dma source(%dma_start3A_588 : memref<8x64xf32, #tpu.memory_space<hbm>>) target(%dma_start3A_586 : memref<8x64xf32, #tpu.memory_space<vmem>>) target_semaphore(%arg15 : memref<!tpu.dma_semaphore, #tpu.memory_space<semaphore_mem>>)
    %slice3A_589 = vector.extract_strided_slice %get3A_524 {offsets = [4], sizes = [1], strides = [1]} : vector<16xi32> to vector<1xi32>
    %squeeze3A_590 = vector.extract %slice3A_589[0] : i32 from vector<1xi32>
    %multiple_of3A_591 = tpu.assume_multiple %squeeze3A_590, 8 : i32
    %dma_start3A_592 = arith.constant 1 : i32
    %dma_start3A_593 = arith.constant 32 : i32
    %dma_start3A_594 = arith.constant 0 : i32
    %dma_start3A_595 = tpu.memref_slice %arg11[%dma_start3A_592, %dma_start3A_593, %dma_start3A_594] : memref<2x256x64xf32, #tpu.memory_space<vmem>> -> memref<1x8x64xf32, #tpu.memory_space<vmem>>
    %dma_start3A_596 = tpu.memref_squeeze %dma_start3A_595 : memref<1x8x64xf32, #tpu.memory_space<vmem>> -> memref<8x64xf32, #tpu.memory_space<vmem>>
    %dma_start3A_597 = arith.constant 0 : i32
    %dma_start3A_598 = tpu.memref_slice %arg5[%multiple_of3A_591, %dma_start3A_597] : memref<1000000x64xf32, #tpu.memory_space<hbm>> -> memref<8x64xf32, #tpu.memory_space<hbm>>
    %dma_start3A_599 = arith.constant 32 : i32
    %dma_start3A_600 = arith.constant 0 : i32
    %dma_start3A_601 = tpu.memref_slice %arg11[%dma_start3A_592, %dma_start3A_599, %dma_start3A_600] : memref<2x256x64xf32, #tpu.memory_space<vmem>> -> memref<1x8x64xf32, #tpu.memory_space<vmem>>
    %dma_start3A_602 = tpu.memref_squeeze %dma_start3A_601 : memref<1x8x64xf32, #tpu.memory_space<vmem>> -> memref<8x64xf32, #tpu.memory_space<vmem>>
    %dma_start3A_603 = arith.constant 0 : i32
    %dma_start3A_604 = tpu.memref_slice %arg5[%multiple_of3A_591, %dma_start3A_603] : memref<1000000x64xf32, #tpu.memory_space<hbm>> -> memref<8x64xf32, #tpu.memory_space<hbm>>
    tpu.enqueue_dma source(%dma_start3A_604 : memref<8x64xf32, #tpu.memory_space<hbm>>) target(%dma_start3A_602 : memref<8x64xf32, #tpu.memory_space<vmem>>) target_semaphore(%arg15 : memref<!tpu.dma_semaphore, #tpu.memory_space<semaphore_mem>>)
    %slice3A_605 = vector.extract_strided_slice %get3A_524 {offsets = [5], sizes = [1], strides = [1]} : vector<16xi32> to vector<1xi32>
    %squeeze3A_606 = vector.extract %slice3A_605[0] : i32 from vector<1xi32>
    %multiple_of3A_607 = tpu.assume_multiple %squeeze3A_606, 8 : i32
    %dma_start3A_608 = arith.constant 1 : i32
    %dma_start3A_609 = arith.constant 40 : i32
    %dma_start3A_610 = arith.constant 0 : i32
    %dma_start3A_611 = tpu.memref_slice %arg11[%dma_start3A_608, %dma_start3A_609, %dma_start3A_610] : memref<2x256x64xf32, #tpu.memory_space<vmem>> -> memref<1x8x64xf32, #tpu.memory_space<vmem>>
    %dma_start3A_612 = tpu.memref_squeeze %dma_start3A_611 : memref<1x8x64xf32, #tpu.memory_space<vmem>> -> memref<8x64xf32, #tpu.memory_space<vmem>>
    %dma_start3A_613 = arith.constant 0 : i32
    %dma_start3A_614 = tpu.memref_slice %arg5[%multiple_of3A_607, %dma_start3A_613] : memref<1000000x64xf32, #tpu.memory_space<hbm>> -> memref<8x64xf32, #tpu.memory_space<hbm>>
    %dma_start3A_615 = arith.constant 40 : i32
    %dma_start3A_616 = arith.constant 0 : i32
    %dma_start3A_617 = tpu.memref_slice %arg11[%dma_start3A_608, %dma_start3A_615, %dma_start3A_616] : memref<2x256x64xf32, #tpu.memory_space<vmem>> -> memref<1x8x64xf32, #tpu.memory_space<vmem>>
    %dma_start3A_618 = tpu.memref_squeeze %dma_start3A_617 : memref<1x8x64xf32, #tpu.memory_space<vmem>> -> memref<8x64xf32, #tpu.memory_space<vmem>>
    %dma_start3A_619 = arith.constant 0 : i32
    %dma_start3A_620 = tpu.memref_slice %arg5[%multiple_of3A_607, %dma_start3A_619] : memref<1000000x64xf32, #tpu.memory_space<hbm>> -> memref<8x64xf32, #tpu.memory_space<hbm>>
    tpu.enqueue_dma source(%dma_start3A_620 : memref<8x64xf32, #tpu.memory_space<hbm>>) target(%dma_start3A_618 : memref<8x64xf32, #tpu.memory_space<vmem>>) target_semaphore(%arg15 : memref<!tpu.dma_semaphore, #tpu.memory_space<semaphore_mem>>)
    %slice3A_621 = vector.extract_strided_slice %get3A_524 {offsets = [6], sizes = [1], strides = [1]} : vector<16xi32> to vector<1xi32>
    %squeeze3A_622 = vector.extract %slice3A_621[0] : i32 from vector<1xi32>
    %multiple_of3A_623 = tpu.assume_multiple %squeeze3A_622, 8 : i32
    %dma_start3A_624 = arith.constant 1 : i32
    %dma_start3A_625 = arith.constant 48 : i32
    %dma_start3A_626 = arith.constant 0 : i32
    %dma_start3A_627 = tpu.memref_slice %arg11[%dma_start3A_624, %dma_start3A_625, %dma_start3A_626] : memref<2x256x64xf32, #tpu.memory_space<vmem>> -> memref<1x8x64xf32, #tpu.memory_space<vmem>>
    %dma_start3A_628 = tpu.memref_squeeze %dma_start3A_627 : memref<1x8x64xf32, #tpu.memory_space<vmem>> -> memref<8x64xf32, #tpu.memory_space<vmem>>
    %dma_start3A_629 = arith.constant 0 : i32
    %dma_start3A_630 = tpu.memref_slice %arg5[%multiple_of3A_623, %dma_start3A_629] : memref<1000000x64xf32, #tpu.memory_space<hbm>> -> memref<8x64xf32, #tpu.memory_space<hbm>>
    %dma_start3A_631 = arith.constant 48 : i32
    %dma_start3A_632 = arith.constant 0 : i32
    %dma_start3A_633 = tpu.memref_slice %arg11[%dma_start3A_624, %dma_start3A_631, %dma_start3A_632] : memref<2x256x64xf32, #tpu.memory_space<vmem>> -> memref<1x8x64xf32, #tpu.memory_space<vmem>>
    %dma_start3A_634 = tpu.memref_squeeze %dma_start3A_633 : memref<1x8x64xf32, #tpu.memory_space<vmem>> -> memref<8x64xf32, #tpu.memory_space<vmem>>
    %dma_start3A_635 = arith.constant 0 : i32
    %dma_start3A_636 = tpu.memref_slice %arg5[%multiple_of3A_623, %dma_start3A_635] : memref<1000000x64xf32, #tpu.memory_space<hbm>> -> memref<8x64xf32, #tpu.memory_space<hbm>>
    tpu.enqueue_dma source(%dma_start3A_636 : memref<8x64xf32, #tpu.memory_space<hbm>>) target(%dma_start3A_634 : memref<8x64xf32, #tpu.memory_space<vmem>>) target_semaphore(%arg15 : memref<!tpu.dma_semaphore, #tpu.memory_space<semaphore_mem>>)
    %slice3A_637 = vector.extract_strided_slice %get3A_524 {offsets = [7], sizes = [1], strides = [1]} : vector<16xi32> to vector<1xi32>
    %squeeze3A_638 = vector.extract %slice3A_637[0] : i32 from vector<1xi32>
    %multiple_of3A_639 = tpu.assume_multiple %squeeze3A_638, 8 : i32
    %dma_start3A_640 = arith.constant 1 : i32
    %dma_start3A_641 = arith.constant 56 : i32
    %dma_start3A_642 = arith.constant 0 : i32
    %dma_start3A_643 = tpu.memref_slice %arg11[%dma_start3A_640, %dma_start3A_641, %dma_start3A_642] : memref<2x256x64xf32, #tpu.memory_space<vmem>> -> memref<1x8x64xf32, #tpu.memory_space<vmem>>
    %dma_start3A_644 = tpu.memref_squeeze %dma_start3A_643 : memref<1x8x64xf32, #tpu.memory_space<vmem>> -> memref<8x64xf32, #tpu.memory_space<vmem>>
    %dma_start3A_645 = arith.constant 0 : i32
    %dma_start3A_646 = tpu.memref_slice %arg5[%multiple_of3A_639, %dma_start3A_645] : memref<1000000x64xf32, #tpu.memory_space<hbm>> -> memref<8x64xf32, #tpu.memory_space<hbm>>
    %dma_start3A_647 = arith.constant 56 : i32
    %dma_start3A_648 = arith.constant 0 : i32
    %dma_start3A_649 = tpu.memref_slice %arg11[%dma_start3A_640, %dma_start3A_647, %dma_start3A_648] : memref<2x256x64xf32, #tpu.memory_space<vmem>> -> memref<1x8x64xf32, #tpu.memory_space<vmem>>
    %dma_start3A_650 = tpu.memref_squeeze %dma_start3A_649 : memref<1x8x64xf32, #tpu.memory_space<vmem>> -> memref<8x64xf32, #tpu.memory_space<vmem>>
    %dma_start3A_651 = arith.constant 0 : i32
    %dma_start3A_652 = tpu.memref_slice %arg5[%multiple_of3A_639, %dma_start3A_651] : memref<1000000x64xf32, #tpu.memory_space<hbm>> -> memref<8x64xf32, #tpu.memory_space<hbm>>
    tpu.enqueue_dma source(%dma_start3A_652 : memref<8x64xf32, #tpu.memory_space<hbm>>) target(%dma_start3A_650 : memref<8x64xf32, #tpu.memory_space<vmem>>) target_semaphore(%arg15 : memref<!tpu.dma_semaphore, #tpu.memory_space<semaphore_mem>>)
    %slice3A_653 = vector.extract_strided_slice %get3A_524 {offsets = [8], sizes = [1], strides = [1]} : vector<16xi32> to vector<1xi32>
    %squeeze3A_654 = vector.extract %slice3A_653[0] : i32 from vector<1xi32>
    %multiple_of3A_655 = tpu.assume_multiple %squeeze3A_654, 8 : i32
    %dma_start3A_656 = arith.constant 1 : i32
    %dma_start3A_657 = arith.constant 64 : i32
    %dma_start3A_658 = arith.constant 0 : i32
    %dma_start3A_659 = tpu.memref_slice %arg11[%dma_start3A_656, %dma_start3A_657, %dma_start3A_658] : memref<2x256x64xf32, #tpu.memory_space<vmem>> -> memref<1x8x64xf32, #tpu.memory_space<vmem>>
    %dma_start3A_660 = tpu.memref_squeeze %dma_start3A_659 : memref<1x8x64xf32, #tpu.memory_space<vmem>> -> memref<8x64xf32, #tpu.memory_space<vmem>>
    %dma_start3A_661 = arith.constant 0 : i32
    %dma_start3A_662 = tpu.memref_slice %arg5[%multiple_of3A_655, %dma_start3A_661] : memref<1000000x64xf32, #tpu.memory_space<hbm>> -> memref<8x64xf32, #tpu.memory_space<hbm>>
    %dma_start3A_663 = arith.constant 64 : i32
    %dma_start3A_664 = arith.constant 0 : i32
    %dma_start3A_665 = tpu.memref_slice %arg11[%dma_start3A_656, %dma_start3A_663, %dma_start3A_664] : memref<2x256x64xf32, #tpu.memory_space<vmem>> -> memref<1x8x64xf32, #tpu.memory_space<vmem>>
    %dma_start3A_666 = tpu.memref_squeeze %dma_start3A_665 : memref<1x8x64xf32, #tpu.memory_space<vmem>> -> memref<8x64xf32, #tpu.memory_space<vmem>>
    %dma_start3A_667 = arith.constant 0 : i32
    %dma_start3A_668 = tpu.memref_slice %arg5[%multiple_of3A_655, %dma_start3A_667] : memref<1000000x64xf32, #tpu.memory_space<hbm>> -> memref<8x64xf32, #tpu.memory_space<hbm>>
    tpu.enqueue_dma source(%dma_start3A_668 : memref<8x64xf32, #tpu.memory_space<hbm>>) target(%dma_start3A_666 : memref<8x64xf32, #tpu.memory_space<vmem>>) target_semaphore(%arg15 : memref<!tpu.dma_semaphore, #tpu.memory_space<semaphore_mem>>)
    %slice3A_669 = vector.extract_strided_slice %get3A_524 {offsets = [9], sizes = [1], strides = [1]} : vector<16xi32> to vector<1xi32>
    %squeeze3A_670 = vector.extract %slice3A_669[0] : i32 from vector<1xi32>
    %multiple_of3A_671 = tpu.assume_multiple %squeeze3A_670, 8 : i32
    %dma_start3A_672 = arith.constant 1 : i32
    %dma_start3A_673 = arith.constant 72 : i32
    %dma_start3A_674 = arith.constant 0 : i32
    %dma_start3A_675 = tpu.memref_slice %arg11[%dma_start3A_672, %dma_start3A_673, %dma_start3A_674] : memref<2x256x64xf32, #tpu.memory_space<vmem>> -> memref<1x8x64xf32, #tpu.memory_space<vmem>>
    %dma_start3A_676 = tpu.memref_squeeze %dma_start3A_675 : memref<1x8x64xf32, #tpu.memory_space<vmem>> -> memref<8x64xf32, #tpu.memory_space<vmem>>
    %dma_start3A_677 = arith.constant 0 : i32
    %dma_start3A_678 = tpu.memref_slice %arg5[%multiple_of3A_671, %dma_start3A_677] : memref<1000000x64xf32, #tpu.memory_space<hbm>> -> memref<8x64xf32, #tpu.memory_space<hbm>>
    %dma_start3A_679 = arith.constant 72 : i32
    %dma_start3A_680 = arith.constant 0 : i32
    %dma_start3A_681 = tpu.memref_slice %arg11[%dma_start3A_672, %dma_start3A_679, %dma_start3A_680] : memref<2x256x64xf32, #tpu.memory_space<vmem>> -> memref<1x8x64xf32, #tpu.memory_space<vmem>>
    %dma_start3A_682 = tpu.memref_squeeze %dma_start3A_681 : memref<1x8x64xf32, #tpu.memory_space<vmem>> -> memref<8x64xf32, #tpu.memory_space<vmem>>
    %dma_start3A_683 = arith.constant 0 : i32
    %dma_start3A_684 = tpu.memref_slice %arg5[%multiple_of3A_671, %dma_start3A_683] : memref<1000000x64xf32, #tpu.memory_space<hbm>> -> memref<8x64xf32, #tpu.memory_space<hbm>>
    tpu.enqueue_dma source(%dma_start3A_684 : memref<8x64xf32, #tpu.memory_space<hbm>>) target(%dma_start3A_682 : memref<8x64xf32, #tpu.memory_space<vmem>>) target_semaphore(%arg15 : memref<!tpu.dma_semaphore, #tpu.memory_space<semaphore_mem>>)
    %slice3A_685 = vector.extract_strided_slice %get3A_524 {offsets = [10], sizes = [1], strides = [1]} : vector<16xi32> to vector<1xi32>
    %squeeze3A_686 = vector.extract %slice3A_685[0] : i32 from vector<1xi32>
    %multiple_of3A_687 = tpu.assume_multiple %squeeze3A_686, 8 : i32
    %dma_start3A_688 = arith.constant 1 : i32
    %dma_start3A_689 = arith.constant 80 : i32
    %dma_start3A_690 = arith.constant 0 : i32
    %dma_start3A_691 = tpu.memref_slice %arg11[%dma_start3A_688, %dma_start3A_689, %dma_start3A_690] : memref<2x256x64xf32, #tpu.memory_space<vmem>> -> memref<1x8x64xf32, #tpu.memory_space<vmem>>
    %dma_start3A_692 = tpu.memref_squeeze %dma_start3A_691 : memref<1x8x64xf32, #tpu.memory_space<vmem>> -> memref<8x64xf32, #tpu.memory_space<vmem>>
    %dma_start3A_693 = arith.constant 0 : i32
    %dma_start3A_694 = tpu.memref_slice %arg5[%multiple_of3A_687, %dma_start3A_693] : memref<1000000x64xf32, #tpu.memory_space<hbm>> -> memref<8x64xf32, #tpu.memory_space<hbm>>
    %dma_start3A_695 = arith.constant 80 : i32
    %dma_start3A_696 = arith.constant 0 : i32
    %dma_start3A_697 = tpu.memref_slice %arg11[%dma_start3A_688, %dma_start3A_695, %dma_start3A_696] : memref<2x256x64xf32, #tpu.memory_space<vmem>> -> memref<1x8x64xf32, #tpu.memory_space<vmem>>
    %dma_start3A_698 = tpu.memref_squeeze %dma_start3A_697 : memref<1x8x64xf32, #tpu.memory_space<vmem>> -> memref<8x64xf32, #tpu.memory_space<vmem>>
    %dma_start3A_699 = arith.constant 0 : i32
    %dma_start3A_700 = tpu.memref_slice %arg5[%multiple_of3A_687, %dma_start3A_699] : memref<1000000x64xf32, #tpu.memory_space<hbm>> -> memref<8x64xf32, #tpu.memory_space<hbm>>
    tpu.enqueue_dma source(%dma_start3A_700 : memref<8x64xf32, #tpu.memory_space<hbm>>) target(%dma_start3A_698 : memref<8x64xf32, #tpu.memory_space<vmem>>) target_semaphore(%arg15 : memref<!tpu.dma_semaphore, #tpu.memory_space<semaphore_mem>>)
    %slice3A_701 = vector.extract_strided_slice %get3A_524 {offsets = [11], sizes = [1], strides = [1]} : vector<16xi32> to vector<1xi32>
    %squeeze3A_702 = vector.extract %slice3A_701[0] : i32 from vector<1xi32>
    %multiple_of3A_703 = tpu.assume_multiple %squeeze3A_702, 8 : i32
    %dma_start3A_704 = arith.constant 1 : i32
    %dma_start3A_705 = arith.constant 88 : i32
    %dma_start3A_706 = arith.constant 0 : i32
    %dma_start3A_707 = tpu.memref_slice %arg11[%dma_start3A_704, %dma_start3A_705, %dma_start3A_706] : memref<2x256x64xf32, #tpu.memory_space<vmem>> -> memref<1x8x64xf32, #tpu.memory_space<vmem>>
    %dma_start3A_708 = tpu.memref_squeeze %dma_start3A_707 : memref<1x8x64xf32, #tpu.memory_space<vmem>> -> memref<8x64xf32, #tpu.memory_space<vmem>>
    %dma_start3A_709 = arith.constant 0 : i32
    %dma_start3A_710 = tpu.memref_slice %arg5[%multiple_of3A_703, %dma_start3A_709] : memref<1000000x64xf32, #tpu.memory_space<hbm>> -> memref<8x64xf32, #tpu.memory_space<hbm>>
    %dma_start3A_711 = arith.constant 88 : i32
    %dma_start3A_712 = arith.constant 0 : i32
    %dma_start3A_713 = tpu.memref_slice %arg11[%dma_start3A_704, %dma_start3A_711, %dma_start3A_712] : memref<2x256x64xf32, #tpu.memory_space<vmem>> -> memref<1x8x64xf32, #tpu.memory_space<vmem>>
    %dma_start3A_714 = tpu.memref_squeeze %dma_start3A_713 : memref<1x8x64xf32, #tpu.memory_space<vmem>> -> memref<8x64xf32, #tpu.memory_space<vmem>>
    %dma_start3A_715 = arith.constant 0 : i32
    %dma_start3A_716 = tpu.memref_slice %arg5[%multiple_of3A_703, %dma_start3A_715] : memref<1000000x64xf32, #tpu.memory_space<hbm>> -> memref<8x64xf32, #tpu.memory_space<hbm>>
    tpu.enqueue_dma source(%dma_start3A_716 : memref<8x64xf32, #tpu.memory_space<hbm>>) target(%dma_start3A_714 : memref<8x64xf32, #tpu.memory_space<vmem>>) target_semaphore(%arg15 : memref<!tpu.dma_semaphore, #tpu.memory_space<semaphore_mem>>)
    %slice3A_717 = vector.extract_strided_slice %get3A_524 {offsets = [12], sizes = [1], strides = [1]} : vector<16xi32> to vector<1xi32>
    %squeeze3A_718 = vector.extract %slice3A_717[0] : i32 from vector<1xi32>
    %multiple_of3A_719 = tpu.assume_multiple %squeeze3A_718, 8 : i32
    %dma_start3A_720 = arith.constant 1 : i32
    %dma_start3A_721 = arith.constant 96 : i32
    %dma_start3A_722 = arith.constant 0 : i32
    %dma_start3A_723 = tpu.memref_slice %arg11[%dma_start3A_720, %dma_start3A_721, %dma_start3A_722] : memref<2x256x64xf32, #tpu.memory_space<vmem>> -> memref<1x8x64xf32, #tpu.memory_space<vmem>>
    %dma_start3A_724 = tpu.memref_squeeze %dma_start3A_723 : memref<1x8x64xf32, #tpu.memory_space<vmem>> -> memref<8x64xf32, #tpu.memory_space<vmem>>
    %dma_start3A_725 = arith.constant 0 : i32
    %dma_start3A_726 = tpu.memref_slice %arg5[%multiple_of3A_719, %dma_start3A_725] : memref<1000000x64xf32, #tpu.memory_space<hbm>> -> memref<8x64xf32, #tpu.memory_space<hbm>>
    %dma_start3A_727 = arith.constant 96 : i32
    %dma_start3A_728 = arith.constant 0 : i32
    %dma_start3A_729 = tpu.memref_slice %arg11[%dma_start3A_720, %dma_start3A_727, %dma_start3A_728] : memref<2x256x64xf32, #tpu.memory_space<vmem>> -> memref<1x8x64xf32, #tpu.memory_space<vmem>>
    %dma_start3A_730 = tpu.memref_squeeze %dma_start3A_729 : memref<1x8x64xf32, #tpu.memory_space<vmem>> -> memref<8x64xf32, #tpu.memory_space<vmem>>
    %dma_start3A_731 = arith.constant 0 : i32
    %dma_start3A_732 = tpu.memref_slice %arg5[%multiple_of3A_719, %dma_start3A_731] : memref<1000000x64xf32, #tpu.memory_space<hbm>> -> memref<8x64xf32, #tpu.memory_space<hbm>>
    tpu.enqueue_dma source(%dma_start3A_732 : memref<8x64xf32, #tpu.memory_space<hbm>>) target(%dma_start3A_730 : memref<8x64xf32, #tpu.memory_space<vmem>>) target_semaphore(%arg15 : memref<!tpu.dma_semaphore, #tpu.memory_space<semaphore_mem>>)
    %slice3A_733 = vector.extract_strided_slice %get3A_524 {offsets = [13], sizes = [1], strides = [1]} : vector<16xi32> to vector<1xi32>
    %squeeze3A_734 = vector.extract %slice3A_733[0] : i32 from vector<1xi32>
    %multiple_of3A_735 = tpu.assume_multiple %squeeze3A_734, 8 : i32
    %dma_start3A_736 = arith.constant 1 : i32
    %dma_start3A_737 = arith.constant 104 : i32
    %dma_start3A_738 = arith.constant 0 : i32
    %dma_start3A_739 = tpu.memref_slice %arg11[%dma_start3A_736, %dma_start3A_737, %dma_start3A_738] : memref<2x256x64xf32, #tpu.memory_space<vmem>> -> memref<1x8x64xf32, #tpu.memory_space<vmem>>
    %dma_start3A_740 = tpu.memref_squeeze %dma_start3A_739 : memref<1x8x64xf32, #tpu.memory_space<vmem>> -> memref<8x64xf32, #tpu.memory_space<vmem>>
    %dma_start3A_741 = arith.constant 0 : i32
    %dma_start3A_742 = tpu.memref_slice %arg5[%multiple_of3A_735, %dma_start3A_741] : memref<1000000x64xf32, #tpu.memory_space<hbm>> -> memref<8x64xf32, #tpu.memory_space<hbm>>
    %dma_start3A_743 = arith.constant 104 : i32
    %dma_start3A_744 = arith.constant 0 : i32
    %dma_start3A_745 = tpu.memref_slice %arg11[%dma_start3A_736, %dma_start3A_743, %dma_start3A_744] : memref<2x256x64xf32, #tpu.memory_space<vmem>> -> memref<1x8x64xf32, #tpu.memory_space<vmem>>
    %dma_start3A_746 = tpu.memref_squeeze %dma_start3A_745 : memref<1x8x64xf32, #tpu.memory_space<vmem>> -> memref<8x64xf32, #tpu.memory_space<vmem>>
    %dma_start3A_747 = arith.constant 0 : i32
    %dma_start3A_748 = tpu.memref_slice %arg5[%multiple_of3A_735, %dma_start3A_747] : memref<1000000x64xf32, #tpu.memory_space<hbm>> -> memref<8x64xf32, #tpu.memory_space<hbm>>
    tpu.enqueue_dma source(%dma_start3A_748 : memref<8x64xf32, #tpu.memory_space<hbm>>) target(%dma_start3A_746 : memref<8x64xf32, #tpu.memory_space<vmem>>) target_semaphore(%arg15 : memref<!tpu.dma_semaphore, #tpu.memory_space<semaphore_mem>>)
    %slice3A_749 = vector.extract_strided_slice %get3A_524 {offsets = [14], sizes = [1], strides = [1]} : vector<16xi32> to vector<1xi32>
    %squeeze3A_750 = vector.extract %slice3A_749[0] : i32 from vector<1xi32>
    %multiple_of3A_751 = tpu.assume_multiple %squeeze3A_750, 8 : i32
    %dma_start3A_752 = arith.constant 1 : i32
    %dma_start3A_753 = arith.constant 112 : i32
    %dma_start3A_754 = arith.constant 0 : i32
    %dma_start3A_755 = tpu.memref_slice %arg11[%dma_start3A_752, %dma_start3A_753, %dma_start3A_754] : memref<2x256x64xf32, #tpu.memory_space<vmem>> -> memref<1x8x64xf32, #tpu.memory_space<vmem>>
    %dma_start3A_756 = tpu.memref_squeeze %dma_start3A_755 : memref<1x8x64xf32, #tpu.memory_space<vmem>> -> memref<8x64xf32, #tpu.memory_space<vmem>>
    %dma_start3A_757 = arith.constant 0 : i32
    %dma_start3A_758 = tpu.memref_slice %arg5[%multiple_of3A_751, %dma_start3A_757] : memref<1000000x64xf32, #tpu.memory_space<hbm>> -> memref<8x64xf32, #tpu.memory_space<hbm>>
    %dma_start3A_759 = arith.constant 112 : i32
    %dma_start3A_760 = arith.constant 0 : i32
    %dma_start3A_761 = tpu.memref_slice %arg11[%dma_start3A_752, %dma_start3A_759, %dma_start3A_760] : memref<2x256x64xf32, #tpu.memory_space<vmem>> -> memref<1x8x64xf32, #tpu.memory_space<vmem>>
    %dma_start3A_762 = tpu.memref_squeeze %dma_start3A_761 : memref<1x8x64xf32, #tpu.memory_space<vmem>> -> memref<8x64xf32, #tpu.memory_space<vmem>>
    %dma_start3A_763 = arith.constant 0 : i32
    %dma_start3A_764 = tpu.memref_slice %arg5[%multiple_of3A_751, %dma_start3A_763] : memref<1000000x64xf32, #tpu.memory_space<hbm>> -> memref<8x64xf32, #tpu.memory_space<hbm>>
    tpu.enqueue_dma source(%dma_start3A_764 : memref<8x64xf32, #tpu.memory_space<hbm>>) target(%dma_start3A_762 : memref<8x64xf32, #tpu.memory_space<vmem>>) target_semaphore(%arg15 : memref<!tpu.dma_semaphore, #tpu.memory_space<semaphore_mem>>)
    %slice3A_765 = vector.extract_strided_slice %get3A_524 {offsets = [15], sizes = [1], strides = [1]} : vector<16xi32> to vector<1xi32>
    %squeeze3A_766 = vector.extract %slice3A_765[0] : i32 from vector<1xi32>
    %multiple_of3A_767 = tpu.assume_multiple %squeeze3A_766, 8 : i32
    %dma_start3A_768 = arith.constant 1 : i32
    %dma_start3A_769 = arith.constant 120 : i32
    %dma_start3A_770 = arith.constant 0 : i32
    %dma_start3A_771 = tpu.memref_slice %arg11[%dma_start3A_768, %dma_start3A_769, %dma_start3A_770] : memref<2x256x64xf32, #tpu.memory_space<vmem>> -> memref<1x8x64xf32, #tpu.memory_space<vmem>>
    %dma_start3A_772 = tpu.memref_squeeze %dma_start3A_771 : memref<1x8x64xf32, #tpu.memory_space<vmem>> -> memref<8x64xf32, #tpu.memory_space<vmem>>
    %dma_start3A_773 = arith.constant 0 : i32
    %dma_start3A_774 = tpu.memref_slice %arg5[%multiple_of3A_767, %dma_start3A_773] : memref<1000000x64xf32, #tpu.memory_space<hbm>> -> memref<8x64xf32, #tpu.memory_space<hbm>>
    %dma_start3A_775 = arith.constant 120 : i32
    %dma_start3A_776 = arith.constant 0 : i32
    %dma_start3A_777 = tpu.memref_slice %arg11[%dma_start3A_768, %dma_start3A_775, %dma_start3A_776] : memref<2x256x64xf32, #tpu.memory_space<vmem>> -> memref<1x8x64xf32, #tpu.memory_space<vmem>>
    %dma_start3A_778 = tpu.memref_squeeze %dma_start3A_777 : memref<1x8x64xf32, #tpu.memory_space<vmem>> -> memref<8x64xf32, #tpu.memory_space<vmem>>
    %dma_start3A_779 = arith.constant 0 : i32
    %dma_start3A_780 = tpu.memref_slice %arg5[%multiple_of3A_767, %dma_start3A_779] : memref<1000000x64xf32, #tpu.memory_space<hbm>> -> memref<8x64xf32, #tpu.memory_space<hbm>>
    tpu.enqueue_dma source(%dma_start3A_780 : memref<8x64xf32, #tpu.memory_space<hbm>>) target(%dma_start3A_778 : memref<8x64xf32, #tpu.memory_space<vmem>>) target_semaphore(%arg15 : memref<!tpu.dma_semaphore, #tpu.memory_space<semaphore_mem>>)
    %get3A_781 = arith.constant 48 : index
    %get3A_782 = tpu.vector_load %arg8[%get3A_781] {strides = array<i32>} : memref<4096xi32, #tpu.memory_space<vmem>>, vector<16xi32>,
    %slice3A_783 = vector.extract_strided_slice %get3A_782 {offsets = [0], sizes = [1], strides = [1]} : vector<16xi32> to vector<1xi32>
    %squeeze3A_784 = vector.extract %slice3A_783[0] : i32 from vector<1xi32>
    %multiple_of3A_785 = tpu.assume_multiple %squeeze3A_784, 8 : i32
    %dma_start3A_786 = arith.constant 1 : i32
    %dma_start3A_787 = arith.constant 128 : i32
    %dma_start3A_788 = arith.constant 0 : i32
    %dma_start3A_789 = tpu.memref_slice %arg11[%dma_start3A_786, %dma_start3A_787, %dma_start3A_788] : memref<2x256x64xf32, #tpu.memory_space<vmem>> -> memref<1x8x64xf32, #tpu.memory_space<vmem>>
    %dma_start3A_790 = tpu.memref_squeeze %dma_start3A_789 : memref<1x8x64xf32, #tpu.memory_space<vmem>> -> memref<8x64xf32, #tpu.memory_space<vmem>>
    %dma_start3A_791 = arith.constant 0 : i32
    %dma_start3A_792 = tpu.memref_slice %arg5[%multiple_of3A_785, %dma_start3A_791] : memref<1000000x64xf32, #tpu.memory_space<hbm>> -> memref<8x64xf32, #tpu.memory_space<hbm>>
    %dma_start3A_793 = arith.constant 128 : i32
    %dma_start3A_794 = arith.constant 0 : i32
    %dma_start3A_795 = tpu.memref_slice %arg11[%dma_start3A_786, %dma_start3A_793, %dma_start3A_794] : memref<2x256x64xf32, #tpu.memory_space<vmem>> -> memref<1x8x64xf32, #tpu.memory_space<vmem>>
    %dma_start3A_796 = tpu.memref_squeeze %dma_start3A_795 : memref<1x8x64xf32, #tpu.memory_space<vmem>> -> memref<8x64xf32, #tpu.memory_space<vmem>>
    %dma_start3A_797 = arith.constant 0 : i32
    %dma_start3A_798 = tpu.memref_slice %arg5[%multiple_of3A_785, %dma_start3A_797] : memref<1000000x64xf32, #tpu.memory_space<hbm>> -> memref<8x64xf32, #tpu.memory_space<hbm>>
    tpu.enqueue_dma source(%dma_start3A_798 : memref<8x64xf32, #tpu.memory_space<hbm>>) target(%dma_start3A_796 : memref<8x64xf32, #tpu.memory_space<vmem>>) target_semaphore(%arg15 : memref<!tpu.dma_semaphore, #tpu.memory_space<semaphore_mem>>)
    %slice3A_799 = vector.extract_strided_slice %get3A_782 {offsets = [1], sizes = [1], strides = [1]} : vector<16xi32> to vector<1xi32>
    %squeeze3A_800 = vector.extract %slice3A_799[0] : i32 from vector<1xi32>
    %multiple_of3A_801 = tpu.assume_multiple %squeeze3A_800, 8 : i32
    %dma_start3A_802 = arith.constant 1 : i32
    %dma_start3A_803 = arith.constant 136 : i32
    %dma_start3A_804 = arith.constant 0 : i32
    %dma_start3A_805 = tpu.memref_slice %arg11[%dma_start3A_802, %dma_start3A_803, %dma_start3A_804] : memref<2x256x64xf32, #tpu.memory_space<vmem>> -> memref<1x8x64xf32, #tpu.memory_space<vmem>>
    %dma_start3A_806 = tpu.memref_squeeze %dma_start3A_805 : memref<1x8x64xf32, #tpu.memory_space<vmem>> -> memref<8x64xf32, #tpu.memory_space<vmem>>
    %dma_start3A_807 = arith.constant 0 : i32
    %dma_start3A_808 = tpu.memref_slice %arg5[%multiple_of3A_801, %dma_start3A_807] : memref<1000000x64xf32, #tpu.memory_space<hbm>> -> memref<8x64xf32, #tpu.memory_space<hbm>>
    %dma_start3A_809 = arith.constant 136 : i32
    %dma_start3A_810 = arith.constant 0 : i32
    %dma_start3A_811 = tpu.memref_slice %arg11[%dma_start3A_802, %dma_start3A_809, %dma_start3A_810] : memref<2x256x64xf32, #tpu.memory_space<vmem>> -> memref<1x8x64xf32, #tpu.memory_space<vmem>>
    %dma_start3A_812 = tpu.memref_squeeze %dma_start3A_811 : memref<1x8x64xf32, #tpu.memory_space<vmem>> -> memref<8x64xf32, #tpu.memory_space<vmem>>
    %dma_start3A_813 = arith.constant 0 : i32
    %dma_start3A_814 = tpu.memref_slice %arg5[%multiple_of3A_801, %dma_start3A_813] : memref<1000000x64xf32, #tpu.memory_space<hbm>> -> memref<8x64xf32, #tpu.memory_space<hbm>>
    tpu.enqueue_dma source(%dma_start3A_814 : memref<8x64xf32, #tpu.memory_space<hbm>>) target(%dma_start3A_812 : memref<8x64xf32, #tpu.memory_space<vmem>>) target_semaphore(%arg15 : memref<!tpu.dma_semaphore, #tpu.memory_space<semaphore_mem>>)
    %slice3A_815 = vector.extract_strided_slice %get3A_782 {offsets = [2], sizes = [1], strides = [1]} : vector<16xi32> to vector<1xi32>
    %squeeze3A_816 = vector.extract %slice3A_815[0] : i32 from vector<1xi32>
    %multiple_of3A_817 = tpu.assume_multiple %squeeze3A_816, 8 : i32
    %dma_start3A_818 = arith.constant 1 : i32
    %dma_start3A_819 = arith.constant 144 : i32
    %dma_start3A_820 = arith.constant 0 : i32
    %dma_start3A_821 = tpu.memref_slice %arg11[%dma_start3A_818, %dma_start3A_819, %dma_start3A_820] : memref<2x256x64xf32, #tpu.memory_space<vmem>> -> memref<1x8x64xf32, #tpu.memory_space<vmem>>
    %dma_start3A_822 = tpu.memref_squeeze %dma_start3A_821 : memref<1x8x64xf32, #tpu.memory_space<vmem>> -> memref<8x64xf32, #tpu.memory_space<vmem>>
    %dma_start3A_823 = arith.constant 0 : i32
    %dma_start3A_824 = tpu.memref_slice %arg5[%multiple_of3A_817, %dma_start3A_823] : memref<1000000x64xf32, #tpu.memory_space<hbm>> -> memref<8x64xf32, #tpu.memory_space<hbm>>
    %dma_start3A_825 = arith.constant 144 : i32
    %dma_start3A_826 = arith.constant 0 : i32
    %dma_start3A_827 = tpu.memref_slice %arg11[%dma_start3A_818, %dma_start3A_825, %dma_start3A_826] : memref<2x256x64xf32, #tpu.memory_space<vmem>> -> memref<1x8x64xf32, #tpu.memory_space<vmem>>
    %dma_start3A_828 = tpu.memref_squeeze %dma_start3A_827 : memref<1x8x64xf32, #tpu.memory_space<vmem>> -> memref<8x64xf32, #tpu.memory_space<vmem>>
    %dma_start3A_829 = arith.constant 0 : i32
    %dma_start3A_830 = tpu.memref_slice %arg5[%multiple_of3A_817, %dma_start3A_829] : memref<1000000x64xf32, #tpu.memory_space<hbm>> -> memref<8x64xf32, #tpu.memory_space<hbm>>
    tpu.enqueue_dma source(%dma_start3A_830 : memref<8x64xf32, #tpu.memory_space<hbm>>) target(%dma_start3A_828 : memref<8x64xf32, #tpu.memory_space<vmem>>) target_semaphore(%arg15 : memref<!tpu.dma_semaphore, #tpu.memory_space<semaphore_mem>>)
    %slice3A_831 = vector.extract_strided_slice %get3A_782 {offsets = [3], sizes = [1], strides = [1]} : vector<16xi32> to vector<1xi32>
    %squeeze3A_832 = vector.extract %slice3A_831[0] : i32 from vector<1xi32>
    %multiple_of3A_833 = tpu.assume_multiple %squeeze3A_832, 8 : i32
    %dma_start3A_834 = arith.constant 1 : i32
    %dma_start3A_835 = arith.constant 152 : i32
    %dma_start3A_836 = arith.constant 0 : i32
    %dma_start3A_837 = tpu.memref_slice %arg11[%dma_start3A_834, %dma_start3A_835, %dma_start3A_836] : memref<2x256x64xf32, #tpu.memory_space<vmem>> -> memref<1x8x64xf32, #tpu.memory_space<vmem>>
    %dma_start3A_838 = tpu.memref_squeeze %dma_start3A_837 : memref<1x8x64xf32, #tpu.memory_space<vmem>> -> memref<8x64xf32, #tpu.memory_space<vmem>>
    %dma_start3A_839 = arith.constant 0 : i32
    %dma_start3A_840 = tpu.memref_slice %arg5[%multiple_of3A_833, %dma_start3A_839] : memref<1000000x64xf32, #tpu.memory_space<hbm>> -> memref<8x64xf32, #tpu.memory_space<hbm>>
    %dma_start3A_841 = arith.constant 152 : i32
    %dma_start3A_842 = arith.constant 0 : i32
    %dma_start3A_843 = tpu.memref_slice %arg11[%dma_start3A_834, %dma_start3A_841, %dma_start3A_842] : memref<2x256x64xf32, #tpu.memory_space<vmem>> -> memref<1x8x64xf32, #tpu.memory_space<vmem>>
    %dma_start3A_844 = tpu.memref_squeeze %dma_start3A_843 : memref<1x8x64xf32, #tpu.memory_space<vmem>> -> memref<8x64xf32, #tpu.memory_space<vmem>>
    %dma_start3A_845 = arith.constant 0 : i32
    %dma_start3A_846 = tpu.memref_slice %arg5[%multiple_of3A_833, %dma_start3A_845] : memref<1000000x64xf32, #tpu.memory_space<hbm>> -> memref<8x64xf32, #tpu.memory_space<hbm>>
    tpu.enqueue_dma source(%dma_start3A_846 : memref<8x64xf32, #tpu.memory_space<hbm>>) target(%dma_start3A_844 : memref<8x64xf32, #tpu.memory_space<vmem>>) target_semaphore(%arg15 : memref<!tpu.dma_semaphore, #tpu.memory_space<semaphore_mem>>)
    %slice3A_847 = vector.extract_strided_slice %get3A_782 {offsets = [4], sizes = [1], strides = [1]} : vector<16xi32> to vector<1xi32>
    %squeeze3A_848 = vector.extract %slice3A_847[0] : i32 from vector<1xi32>
    %multiple_of3A_849 = tpu.assume_multiple %squeeze3A_848, 8 : i32
    %dma_start3A_850 = arith.constant 1 : i32
    %dma_start3A_851 = arith.constant 160 : i32
    %dma_start3A_852 = arith.constant 0 : i32
    %dma_start3A_853 = tpu.memref_slice %arg11[%dma_start3A_850, %dma_start3A_851, %dma_start3A_852] : memref<2x256x64xf32, #tpu.memory_space<vmem>> -> memref<1x8x64xf32, #tpu.memory_space<vmem>>
    %dma_start3A_854 = tpu.memref_squeeze %dma_start3A_853 : memref<1x8x64xf32, #tpu.memory_space<vmem>> -> memref<8x64xf32, #tpu.memory_space<vmem>>
    %dma_start3A_855 = arith.constant 0 : i32
    %dma_start3A_856 = tpu.memref_slice %arg5[%multiple_of3A_849, %dma_start3A_855] : memref<1000000x64xf32, #tpu.memory_space<hbm>> -> memref<8x64xf32, #tpu.memory_space<hbm>>
    %dma_start3A_857 = arith.constant 160 : i32
    %dma_start3A_858 = arith.constant 0 : i32
    %dma_start3A_859 = tpu.memref_slice %arg11[%dma_start3A_850, %dma_start3A_857, %dma_start3A_858] : memref<2x256x64xf32, #tpu.memory_space<vmem>> -> memref<1x8x64xf32, #tpu.memory_space<vmem>>
    %dma_start3A_860 = tpu.memref_squeeze %dma_start3A_859 : memref<1x8x64xf32, #tpu.memory_space<vmem>> -> memref<8x64xf32, #tpu.memory_space<vmem>>
    %dma_start3A_861 = arith.constant 0 : i32
    %dma_start3A_862 = tpu.memref_slice %arg5[%multiple_of3A_849, %dma_start3A_861] : memref<1000000x64xf32, #tpu.memory_space<hbm>> -> memref<8x64xf32, #tpu.memory_space<hbm>>
    tpu.enqueue_dma source(%dma_start3A_862 : memref<8x64xf32, #tpu.memory_space<hbm>>) target(%dma_start3A_860 : memref<8x64xf32, #tpu.memory_space<vmem>>) target_semaphore(%arg15 : memref<!tpu.dma_semaphore, #tpu.memory_space<semaphore_mem>>)
    %slice3A_863 = vector.extract_strided_slice %get3A_782 {offsets = [5], sizes = [1], strides = [1]} : vector<16xi32> to vector<1xi32>
    %squeeze3A_864 = vector.extract %slice3A_863[0] : i32 from vector<1xi32>
    %multiple_of3A_865 = tpu.assume_multiple %squeeze3A_864, 8 : i32
    %dma_start3A_866 = arith.constant 1 : i32
    %dma_start3A_867 = arith.constant 168 : i32
    %dma_start3A_868 = arith.constant 0 : i32
    %dma_start3A_869 = tpu.memref_slice %arg11[%dma_start3A_866, %dma_start3A_867, %dma_start3A_868] : memref<2x256x64xf32, #tpu.memory_space<vmem>> -> memref<1x8x64xf32, #tpu.memory_space<vmem>>
    %dma_start3A_870 = tpu.memref_squeeze %dma_start3A_869 : memref<1x8x64xf32, #tpu.memory_space<vmem>> -> memref<8x64xf32, #tpu.memory_space<vmem>>
    %dma_start3A_871 = arith.constant 0 : i32
    %dma_start3A_872 = tpu.memref_slice %arg5[%multiple_of3A_865, %dma_start3A_871] : memref<1000000x64xf32, #tpu.memory_space<hbm>> -> memref<8x64xf32, #tpu.memory_space<hbm>>
    %dma_start3A_873 = arith.constant 168 : i32
    %dma_start3A_874 = arith.constant 0 : i32
    %dma_start3A_875 = tpu.memref_slice %arg11[%dma_start3A_866, %dma_start3A_873, %dma_start3A_874] : memref<2x256x64xf32, #tpu.memory_space<vmem>> -> memref<1x8x64xf32, #tpu.memory_space<vmem>>
    %dma_start3A_876 = tpu.memref_squeeze %dma_start3A_875 : memref<1x8x64xf32, #tpu.memory_space<vmem>> -> memref<8x64xf32, #tpu.memory_space<vmem>>
    %dma_start3A_877 = arith.constant 0 : i32
    %dma_start3A_878 = tpu.memref_slice %arg5[%multiple_of3A_865, %dma_start3A_877] : memref<1000000x64xf32, #tpu.memory_space<hbm>> -> memref<8x64xf32, #tpu.memory_space<hbm>>
    tpu.enqueue_dma source(%dma_start3A_878 : memref<8x64xf32, #tpu.memory_space<hbm>>) target(%dma_start3A_876 : memref<8x64xf32, #tpu.memory_space<vmem>>) target_semaphore(%arg15 : memref<!tpu.dma_semaphore, #tpu.memory_space<semaphore_mem>>)
    %slice3A_879 = vector.extract_strided_slice %get3A_782 {offsets = [6], sizes = [1], strides = [1]} : vector<16xi32> to vector<1xi32>
    %squeeze3A_880 = vector.extract %slice3A_879[0] : i32 from vector<1xi32>
    %multiple_of3A_881 = tpu.assume_multiple %squeeze3A_880, 8 : i32
    %dma_start3A_882 = arith.constant 1 : i32
    %dma_start3A_883 = arith.constant 176 : i32
    %dma_start3A_884 = arith.constant 0 : i32
    %dma_start3A_885 = tpu.memref_slice %arg11[%dma_start3A_882, %dma_start3A_883, %dma_start3A_884] : memref<2x256x64xf32, #tpu.memory_space<vmem>> -> memref<1x8x64xf32, #tpu.memory_space<vmem>>
    %dma_start3A_886 = tpu.memref_squeeze %dma_start3A_885 : memref<1x8x64xf32, #tpu.memory_space<vmem>> -> memref<8x64xf32, #tpu.memory_space<vmem>>
    %dma_start3A_887 = arith.constant 0 : i32
    %dma_start3A_888 = tpu.memref_slice %arg5[%multiple_of3A_881, %dma_start3A_887] : memref<1000000x64xf32, #tpu.memory_space<hbm>> -> memref<8x64xf32, #tpu.memory_space<hbm>>
    %dma_start3A_889 = arith.constant 176 : i32
    %dma_start3A_890 = arith.constant 0 : i32
    %dma_start3A_891 = tpu.memref_slice %arg11[%dma_start3A_882, %dma_start3A_889, %dma_start3A_890] : memref<2x256x64xf32, #tpu.memory_space<vmem>> -> memref<1x8x64xf32, #tpu.memory_space<vmem>>
    %dma_start3A_892 = tpu.memref_squeeze %dma_start3A_891 : memref<1x8x64xf32, #tpu.memory_space<vmem>> -> memref<8x64xf32, #tpu.memory_space<vmem>>
    %dma_start3A_893 = arith.constant 0 : i32
    %dma_start3A_894 = tpu.memref_slice %arg5[%multiple_of3A_881, %dma_start3A_893] : memref<1000000x64xf32, #tpu.memory_space<hbm>> -> memref<8x64xf32, #tpu.memory_space<hbm>>
    tpu.enqueue_dma source(%dma_start3A_894 : memref<8x64xf32, #tpu.memory_space<hbm>>) target(%dma_start3A_892 : memref<8x64xf32, #tpu.memory_space<vmem>>) target_semaphore(%arg15 : memref<!tpu.dma_semaphore, #tpu.memory_space<semaphore_mem>>)
    %slice3A_895 = vector.extract_strided_slice %get3A_782 {offsets = [7], sizes = [1], strides = [1]} : vector<16xi32> to vector<1xi32>
    %squeeze3A_896 = vector.extract %slice3A_895[0] : i32 from vector<1xi32>
    %multiple_of3A_897 = tpu.assume_multiple %squeeze3A_896, 8 : i32
    %dma_start3A_898 = arith.constant 1 : i32
    %dma_start3A_899 = arith.constant 184 : i32
    %dma_start3A_900 = arith.constant 0 : i32
    %dma_start3A_901 = tpu.memref_slice %arg11[%dma_start3A_898, %dma_start3A_899, %dma_start3A_900] : memref<2x256x64xf32, #tpu.memory_space<vmem>> -> memref<1x8x64xf32, #tpu.memory_space<vmem>>
    %dma_start3A_902 = tpu.memref_squeeze %dma_start3A_901 : memref<1x8x64xf32, #tpu.memory_space<vmem>> -> memref<8x64xf32, #tpu.memory_space<vmem>>
    %dma_start3A_903 = arith.constant 0 : i32
    %dma_start3A_904 = tpu.memref_slice %arg5[%multiple_of3A_897, %dma_start3A_903] : memref<1000000x64xf32, #tpu.memory_space<hbm>> -> memref<8x64xf32, #tpu.memory_space<hbm>>
    %dma_start3A_905 = arith.constant 184 : i32
    %dma_start3A_906 = arith.constant 0 : i32
    %dma_start3A_907 = tpu.memref_slice %arg11[%dma_start3A_898, %dma_start3A_905, %dma_start3A_906] : memref<2x256x64xf32, #tpu.memory_space<vmem>> -> memref<1x8x64xf32, #tpu.memory_space<vmem>>
    %dma_start3A_908 = tpu.memref_squeeze %dma_start3A_907 : memref<1x8x64xf32, #tpu.memory_space<vmem>> -> memref<8x64xf32, #tpu.memory_space<vmem>>
    %dma_start3A_909 = arith.constant 0 : i32
    %dma_start3A_910 = tpu.memref_slice %arg5[%multiple_of3A_897, %dma_start3A_909] : memref<1000000x64xf32, #tpu.memory_space<hbm>> -> memref<8x64xf32, #tpu.memory_space<hbm>>
    tpu.enqueue_dma source(%dma_start3A_910 : memref<8x64xf32, #tpu.memory_space<hbm>>) target(%dma_start3A_908 : memref<8x64xf32, #tpu.memory_space<vmem>>) target_semaphore(%arg15 : memref<!tpu.dma_semaphore, #tpu.memory_space<semaphore_mem>>)
    %slice3A_911 = vector.extract_strided_slice %get3A_782 {offsets = [8], sizes = [1], strides = [1]} : vector<16xi32> to vector<1xi32>
    %squeeze3A_912 = vector.extract %slice3A_911[0] : i32 from vector<1xi32>
    %multiple_of3A_913 = tpu.assume_multiple %squeeze3A_912, 8 : i32
    %dma_start3A_914 = arith.constant 1 : i32
    %dma_start3A_915 = arith.constant 192 : i32
    %dma_start3A_916 = arith.constant 0 : i32
    %dma_start3A_917 = tpu.memref_slice %arg11[%dma_start3A_914, %dma_start3A_915, %dma_start3A_916] : memref<2x256x64xf32, #tpu.memory_space<vmem>> -> memref<1x8x64xf32, #tpu.memory_space<vmem>>
    %dma_start3A_918 = tpu.memref_squeeze %dma_start3A_917 : memref<1x8x64xf32, #tpu.memory_space<vmem>> -> memref<8x64xf32, #tpu.memory_space<vmem>>
    %dma_start3A_919 = arith.constant 0 : i32
    %dma_start3A_920 = tpu.memref_slice %arg5[%multiple_of3A_913, %dma_start3A_919] : memref<1000000x64xf32, #tpu.memory_space<hbm>> -> memref<8x64xf32, #tpu.memory_space<hbm>>
    %dma_start3A_921 = arith.constant 192 : i32
    %dma_start3A_922 = arith.constant 0 : i32
    %dma_start3A_923 = tpu.memref_slice %arg11[%dma_start3A_914, %dma_start3A_921, %dma_start3A_922] : memref<2x256x64xf32, #tpu.memory_space<vmem>> -> memref<1x8x64xf32, #tpu.memory_space<vmem>>
    %dma_start3A_924 = tpu.memref_squeeze %dma_start3A_923 : memref<1x8x64xf32, #tpu.memory_space<vmem>> -> memref<8x64xf32, #tpu.memory_space<vmem>>
    %dma_start3A_925 = arith.constant 0 : i32
    %dma_start3A_926 = tpu.memref_slice %arg5[%multiple_of3A_913, %dma_start3A_925] : memref<1000000x64xf32, #tpu.memory_space<hbm>> -> memref<8x64xf32, #tpu.memory_space<hbm>>
    tpu.enqueue_dma source(%dma_start3A_926 : memref<8x64xf32, #tpu.memory_space<hbm>>) target(%dma_start3A_924 : memref<8x64xf32, #tpu.memory_space<vmem>>) target_semaphore(%arg15 : memref<!tpu.dma_semaphore, #tpu.memory_space<semaphore_mem>>)
    %slice3A_927 = vector.extract_strided_slice %get3A_782 {offsets = [9], sizes = [1], strides = [1]} : vector<16xi32> to vector<1xi32>
    %squeeze3A_928 = vector.extract %slice3A_927[0] : i32 from vector<1xi32>
    %multiple_of3A_929 = tpu.assume_multiple %squeeze3A_928, 8 : i32
    %dma_start3A_930 = arith.constant 1 : i32
    %dma_start3A_931 = arith.constant 200 : i32
    %dma_start3A_932 = arith.constant 0 : i32
    %dma_start3A_933 = tpu.memref_slice %arg11[%dma_start3A_930, %dma_start3A_931, %dma_start3A_932] : memref<2x256x64xf32, #tpu.memory_space<vmem>> -> memref<1x8x64xf32, #tpu.memory_space<vmem>>
    %dma_start3A_934 = tpu.memref_squeeze %dma_start3A_933 : memref<1x8x64xf32, #tpu.memory_space<vmem>> -> memref<8x64xf32, #tpu.memory_space<vmem>>
    %dma_start3A_935 = arith.constant 0 : i32
    %dma_start3A_936 = tpu.memref_slice %arg5[%multiple_of3A_929, %dma_start3A_935] : memref<1000000x64xf32, #tpu.memory_space<hbm>> -> memref<8x64xf32, #tpu.memory_space<hbm>>
    %dma_start3A_937 = arith.constant 200 : i32
    %dma_start3A_938 = arith.constant 0 : i32
    %dma_start3A_939 = tpu.memref_slice %arg11[%dma_start3A_930, %dma_start3A_937, %dma_start3A_938] : memref<2x256x64xf32, #tpu.memory_space<vmem>> -> memref<1x8x64xf32, #tpu.memory_space<vmem>>
    %dma_start3A_940 = tpu.memref_squeeze %dma_start3A_939 : memref<1x8x64xf32, #tpu.memory_space<vmem>> -> memref<8x64xf32, #tpu.memory_space<vmem>>
    %dma_start3A_941 = arith.constant 0 : i32
    %dma_start3A_942 = tpu.memref_slice %arg5[%multiple_of3A_929, %dma_start3A_941] : memref<1000000x64xf32, #tpu.memory_space<hbm>> -> memref<8x64xf32, #tpu.memory_space<hbm>>
    tpu.enqueue_dma source(%dma_start3A_942 : memref<8x64xf32, #tpu.memory_space<hbm>>) target(%dma_start3A_940 : memref<8x64xf32, #tpu.memory_space<vmem>>) target_semaphore(%arg15 : memref<!tpu.dma_semaphore, #tpu.memory_space<semaphore_mem>>)
    %slice3A_943 = vector.extract_strided_slice %get3A_782 {offsets = [10], sizes = [1], strides = [1]} : vector<16xi32> to vector<1xi32>
    %squeeze3A_944 = vector.extract %slice3A_943[0] : i32 from vector<1xi32>
    %multiple_of3A_945 = tpu.assume_multiple %squeeze3A_944, 8 : i32
    %dma_start3A_946 = arith.constant 1 : i32
    %dma_start3A_947 = arith.constant 208 : i32
    %dma_start3A_948 = arith.constant 0 : i32
    %dma_start3A_949 = tpu.memref_slice %arg11[%dma_start3A_946, %dma_start3A_947, %dma_start3A_948] : memref<2x256x64xf32, #tpu.memory_space<vmem>> -> memref<1x8x64xf32, #tpu.memory_space<vmem>>
    %dma_start3A_950 = tpu.memref_squeeze %dma_start3A_949 : memref<1x8x64xf32, #tpu.memory_space<vmem>> -> memref<8x64xf32, #tpu.memory_space<vmem>>
    %dma_start3A_951 = arith.constant 0 : i32
    %dma_start3A_952 = tpu.memref_slice %arg5[%multiple_of3A_945, %dma_start3A_951] : memref<1000000x64xf32, #tpu.memory_space<hbm>> -> memref<8x64xf32, #tpu.memory_space<hbm>>
    %dma_start3A_953 = arith.constant 208 : i32
    %dma_start3A_954 = arith.constant 0 : i32
    %dma_start3A_955 = tpu.memref_slice %arg11[%dma_start3A_946, %dma_start3A_953, %dma_start3A_954] : memref<2x256x64xf32, #tpu.memory_space<vmem>> -> memref<1x8x64xf32, #tpu.memory_space<vmem>>
    %dma_start3A_956 = tpu.memref_squeeze %dma_start3A_955 : memref<1x8x64xf32, #tpu.memory_space<vmem>> -> memref<8x64xf32, #tpu.memory_space<vmem>>
    %dma_start3A_957 = arith.constant 0 : i32
    %dma_start3A_958 = tpu.memref_slice %arg5[%multiple_of3A_945, %dma_start3A_957] : memref<1000000x64xf32, #tpu.memory_space<hbm>> -> memref<8x64xf32, #tpu.memory_space<hbm>>
    tpu.enqueue_dma source(%dma_start3A_958 : memref<8x64xf32, #tpu.memory_space<hbm>>) target(%dma_start3A_956 : memref<8x64xf32, #tpu.memory_space<vmem>>) target_semaphore(%arg15 : memref<!tpu.dma_semaphore, #tpu.memory_space<semaphore_mem>>)
    %slice3A_959 = vector.extract_strided_slice %get3A_782 {offsets = [11], sizes = [1], strides = [1]} : vector<16xi32> to vector<1xi32>
    %squeeze3A_960 = vector.extract %slice3A_959[0] : i32 from vector<1xi32>
    %multiple_of3A_961 = tpu.assume_multiple %squeeze3A_960, 8 : i32
    %dma_start3A_962 = arith.constant 1 : i32
    %dma_start3A_963 = arith.constant 216 : i32
    %dma_start3A_964 = arith.constant 0 : i32
    %dma_start3A_965 = tpu.memref_slice %arg11[%dma_start3A_962, %dma_start3A_963, %dma_start3A_964] : memref<2x256x64xf32, #tpu.memory_space<vmem>> -> memref<1x8x64xf32, #tpu.memory_space<vmem>>
    %dma_start3A_966 = tpu.memref_squeeze %dma_start3A_965 : memref<1x8x64xf32, #tpu.memory_space<vmem>> -> memref<8x64xf32, #tpu.memory_space<vmem>>
    %dma_start3A_967 = arith.constant 0 : i32
    %dma_start3A_968 = tpu.memref_slice %arg5[%multiple_of3A_961, %dma_start3A_967] : memref<1000000x64xf32, #tpu.memory_space<hbm>> -> memref<8x64xf32, #tpu.memory_space<hbm>>
    %dma_start3A_969 = arith.constant 216 : i32
    %dma_start3A_970 = arith.constant 0 : i32
    %dma_start3A_971 = tpu.memref_slice %arg11[%dma_start3A_962, %dma_start3A_969, %dma_start3A_970] : memref<2x256x64xf32, #tpu.memory_space<vmem>> -> memref<1x8x64xf32, #tpu.memory_space<vmem>>
    %dma_start3A_972 = tpu.memref_squeeze %dma_start3A_971 : memref<1x8x64xf32, #tpu.memory_space<vmem>> -> memref<8x64xf32, #tpu.memory_space<vmem>>
    %dma_start3A_973 = arith.constant 0 : i32
    %dma_start3A_974 = tpu.memref_slice %arg5[%multiple_of3A_961, %dma_start3A_973] : memref<1000000x64xf32, #tpu.memory_space<hbm>> -> memref<8x64xf32, #tpu.memory_space<hbm>>
    tpu.enqueue_dma source(%dma_start3A_974 : memref<8x64xf32, #tpu.memory_space<hbm>>) target(%dma_start3A_972 : memref<8x64xf32, #tpu.memory_space<vmem>>) target_semaphore(%arg15 : memref<!tpu.dma_semaphore, #tpu.memory_space<semaphore_mem>>)
    %slice3A_975 = vector.extract_strided_slice %get3A_782 {offsets = [12], sizes = [1], strides = [1]} : vector<16xi32> to vector<1xi32>
    %squeeze3A_976 = vector.extract %slice3A_975[0] : i32 from vector<1xi32>
    %multiple_of3A_977 = tpu.assume_multiple %squeeze3A_976, 8 : i32
    %dma_start3A_978 = arith.constant 1 : i32
    %dma_start3A_979 = arith.constant 224 : i32
    %dma_start3A_980 = arith.constant 0 : i32
    %dma_start3A_981 = tpu.memref_slice %arg11[%dma_start3A_978, %dma_start3A_979, %dma_start3A_980] : memref<2x256x64xf32, #tpu.memory_space<vmem>> -> memref<1x8x64xf32, #tpu.memory_space<vmem>>
    %dma_start3A_982 = tpu.memref_squeeze %dma_start3A_981 : memref<1x8x64xf32, #tpu.memory_space<vmem>> -> memref<8x64xf32, #tpu.memory_space<vmem>>
    %dma_start3A_983 = arith.constant 0 : i32
    %dma_start3A_984 = tpu.memref_slice %arg5[%multiple_of3A_977, %dma_start3A_983] : memref<1000000x64xf32, #tpu.memory_space<hbm>> -> memref<8x64xf32, #tpu.memory_space<hbm>>
    %dma_start3A_985 = arith.constant 224 : i32
    %dma_start3A_986 = arith.constant 0 : i32
    %dma_start3A_987 = tpu.memref_slice %arg11[%dma_start3A_978, %dma_start3A_985, %dma_start3A_986] : memref<2x256x64xf32, #tpu.memory_space<vmem>> -> memref<1x8x64xf32, #tpu.memory_space<vmem>>
    %dma_start3A_988 = tpu.memref_squeeze %dma_start3A_987 : memref<1x8x64xf32, #tpu.memory_space<vmem>> -> memref<8x64xf32, #tpu.memory_space<vmem>>
    %dma_start3A_989 = arith.constant 0 : i32
    %dma_start3A_990 = tpu.memref_slice %arg5[%multiple_of3A_977, %dma_start3A_989] : memref<1000000x64xf32, #tpu.memory_space<hbm>> -> memref<8x64xf32, #tpu.memory_space<hbm>>
    tpu.enqueue_dma source(%dma_start3A_990 : memref<8x64xf32, #tpu.memory_space<hbm>>) target(%dma_start3A_988 : memref<8x64xf32, #tpu.memory_space<vmem>>) target_semaphore(%arg15 : memref<!tpu.dma_semaphore, #tpu.memory_space<semaphore_mem>>)
    %slice3A_991 = vector.extract_strided_slice %get3A_782 {offsets = [13], sizes = [1], strides = [1]} : vector<16xi32> to vector<1xi32>
    %squeeze3A_992 = vector.extract %slice3A_991[0] : i32 from vector<1xi32>
    %multiple_of3A_993 = tpu.assume_multiple %squeeze3A_992, 8 : i32
    %dma_start3A_994 = arith.constant 1 : i32
    %dma_start3A_995 = arith.constant 232 : i32
    %dma_start3A_996 = arith.constant 0 : i32
    %dma_start3A_997 = tpu.memref_slice %arg11[%dma_start3A_994, %dma_start3A_995, %dma_start3A_996] : memref<2x256x64xf32, #tpu.memory_space<vmem>> -> memref<1x8x64xf32, #tpu.memory_space<vmem>>
    %dma_start3A_998 = tpu.memref_squeeze %dma_start3A_997 : memref<1x8x64xf32, #tpu.memory_space<vmem>> -> memref<8x64xf32, #tpu.memory_space<vmem>>
    %dma_start3A_999 = arith.constant 0 : i32
    %dma_start3A_1000 = tpu.memref_slice %arg5[%multiple_of3A_993, %dma_start3A_999] : memref<1000000x64xf32, #tpu.memory_space<hbm>> -> memref<8x64xf32, #tpu.memory_space<hbm>>
    %dma_start3A_1001 = arith.constant 232 : i32
    %dma_start3A_1002 = arith.constant 0 : i32
    %dma_start3A_1003 = tpu.memref_slice %arg11[%dma_start3A_994, %dma_start3A_1001, %dma_start3A_1002] : memref<2x256x64xf32, #tpu.memory_space<vmem>> -> memref<1x8x64xf32, #tpu.memory_space<vmem>>
    %dma_start3A_1004 = tpu.memref_squeeze %dma_start3A_1003 : memref<1x8x64xf32, #tpu.memory_space<vmem>> -> memref<8x64xf32, #tpu.memory_space<vmem>>
    %dma_start3A_1005 = arith.constant 0 : i32
    %dma_start3A_1006 = tpu.memref_slice %arg5[%multiple_of3A_993, %dma_start3A_1005] : memref<1000000x64xf32, #tpu.memory_space<hbm>> -> memref<8x64xf32, #tpu.memory_space<hbm>>
    tpu.enqueue_dma source(%dma_start3A_1006 : memref<8x64xf32, #tpu.memory_space<hbm>>) target(%dma_start3A_1004 : memref<8x64xf32, #tpu.memory_space<vmem>>) target_semaphore(%arg15 : memref<!tpu.dma_semaphore, #tpu.memory_space<semaphore_mem>>)
    %slice3A_1007 = vector.extract_strided_slice %get3A_782 {offsets = [14], sizes = [1], strides = [1]} : vector<16xi32> to vector<1xi32>
    %squeeze3A_1008 = vector.extract %slice3A_1007[0] : i32 from vector<1xi32>
    %multiple_of3A_1009 = tpu.assume_multiple %squeeze3A_1008, 8 : i32
    %dma_start3A_1010 = arith.constant 1 : i32
    %dma_start3A_1011 = arith.constant 240 : i32
    %dma_start3A_1012 = arith.constant 0 : i32
    %dma_start3A_1013 = tpu.memref_slice %arg11[%dma_start3A_1010, %dma_start3A_1011, %dma_start3A_1012] : memref<2x256x64xf32, #tpu.memory_space<vmem>> -> memref<1x8x64xf32, #tpu.memory_space<vmem>>
    %dma_start3A_1014 = tpu.memref_squeeze %dma_start3A_1013 : memref<1x8x64xf32, #tpu.memory_space<vmem>> -> memref<8x64xf32, #tpu.memory_space<vmem>>
    %dma_start3A_1015 = arith.constant 0 : i32
    %dma_start3A_1016 = tpu.memref_slice %arg5[%multiple_of3A_1009, %dma_start3A_1015] : memref<1000000x64xf32, #tpu.memory_space<hbm>> -> memref<8x64xf32, #tpu.memory_space<hbm>>
    %dma_start3A_1017 = arith.constant 240 : i32
    %dma_start3A_1018 = arith.constant 0 : i32
    %dma_start3A_1019 = tpu.memref_slice %arg11[%dma_start3A_1010, %dma_start3A_1017, %dma_start3A_1018] : memref<2x256x64xf32, #tpu.memory_space<vmem>> -> memref<1x8x64xf32, #tpu.memory_space<vmem>>
    %dma_start3A_1020 = tpu.memref_squeeze %dma_start3A_1019 : memref<1x8x64xf32, #tpu.memory_space<vmem>> -> memref<8x64xf32, #tpu.memory_space<vmem>>
    %dma_start3A_1021 = arith.constant 0 : i32
    %dma_start3A_1022 = tpu.memref_slice %arg5[%multiple_of3A_1009, %dma_start3A_1021] : memref<1000000x64xf32, #tpu.memory_space<hbm>> -> memref<8x64xf32, #tpu.memory_space<hbm>>
    tpu.enqueue_dma source(%dma_start3A_1022 : memref<8x64xf32, #tpu.memory_space<hbm>>) target(%dma_start3A_1020 : memref<8x64xf32, #tpu.memory_space<vmem>>) target_semaphore(%arg15 : memref<!tpu.dma_semaphore, #tpu.memory_space<semaphore_mem>>)
    %slice3A_1023 = vector.extract_strided_slice %get3A_782 {offsets = [15], sizes = [1], strides = [1]} : vector<16xi32> to vector<1xi32>
    %squeeze3A_1024 = vector.extract %slice3A_1023[0] : i32 from vector<1xi32>
    %multiple_of3A_1025 = tpu.assume_multiple %squeeze3A_1024, 8 : i32
    %dma_start3A_1026 = arith.constant 1 : i32
    %dma_start3A_1027 = arith.constant 248 : i32
    %dma_start3A_1028 = arith.constant 0 : i32
    %dma_start3A_1029 = tpu.memref_slice %arg11[%dma_start3A_1026, %dma_start3A_1027, %dma_start3A_1028] : memref<2x256x64xf32, #tpu.memory_space<vmem>> -> memref<1x8x64xf32, #tpu.memory_space<vmem>>
    %dma_start3A_1030 = tpu.memref_squeeze %dma_start3A_1029 : memref<1x8x64xf32, #tpu.memory_space<vmem>> -> memref<8x64xf32, #tpu.memory_space<vmem>>
    %dma_start3A_1031 = arith.constant 0 : i32
    %dma_start3A_1032 = tpu.memref_slice %arg5[%multiple_of3A_1025, %dma_start3A_1031] : memref<1000000x64xf32, #tpu.memory_space<hbm>> -> memref<8x64xf32, #tpu.memory_space<hbm>>
    %dma_start3A_1033 = arith.constant 248 : i32
    %dma_start3A_1034 = arith.constant 0 : i32
    %dma_start3A_1035 = tpu.memref_slice %arg11[%dma_start3A_1026, %dma_start3A_1033, %dma_start3A_1034] : memref<2x256x64xf32, #tpu.memory_space<vmem>> -> memref<1x8x64xf32, #tpu.memory_space<vmem>>
    %dma_start3A_1036 = tpu.memref_squeeze %dma_start3A_1035 : memref<1x8x64xf32, #tpu.memory_space<vmem>> -> memref<8x64xf32, #tpu.memory_space<vmem>>
    %dma_start3A_1037 = arith.constant 0 : i32
    %dma_start3A_1038 = tpu.memref_slice %arg5[%multiple_of3A_1025, %dma_start3A_1037] : memref<1000000x64xf32, #tpu.memory_space<hbm>> -> memref<8x64xf32, #tpu.memory_space<hbm>>
    tpu.enqueue_dma source(%dma_start3A_1038 : memref<8x64xf32, #tpu.memory_space<hbm>>) target(%dma_start3A_1036 : memref<8x64xf32, #tpu.memory_space<vmem>>) target_semaphore(%arg15 : memref<!tpu.dma_semaphore, #tpu.memory_space<semaphore_mem>>)
    %scan3A = arith.constant 0 : i32
    %scan3A_1039 = arith.constant 0 : i32
    %scan3A_1040 = arith.constant 64 : i32
    %scan3A_1041 = arith.addi %scan3A_1039, %scan3A_1040 : i32
    %scan3A_1042 = arith.constant 1 : i32
    scf.for %scan3A_1047 = %scan3A_1039 to %scan3A_1041 step %scan3A_1042  : i32 {
      %mul3A_1048 = arith.constant 2 : i32
      %mul3A_1049 = arith.muli %mul3A_1048, %scan3A_1047 : i32
      %add3A_1050 = arith.constant 0 : i32
      %add3A_1051 = arith.addi %mul3A_1049, %add3A_1050 : i32
      %dma_wait3A = arith.constant 0 : i32
      %dma_wait3A_1052 = arith.constant 0 : i32
      %dma_wait3A_1053 = arith.constant 0 : i32
      %dma_wait3A_1054 = tpu.memref_slice %arg11[%dma_wait3A, %dma_wait3A_1052, %dma_wait3A_1053] : memref<2x256x64xf32, #tpu.memory_space<vmem>> -> memref<1x256x64xf32, #tpu.memory_space<vmem>>
      %dma_wait3A_1055 = tpu.memref_squeeze %dma_wait3A_1054 : memref<1x256x64xf32, #tpu.memory_space<vmem>> -> memref<256x64xf32, #tpu.memory_space<vmem>>
      %dma_wait3A_1056 = arith.constant 0 : i32
      %dma_wait3A_1057 = arith.constant 0 : i32
      %dma_wait3A_1058 = tpu.memref_slice %arg5[%dma_wait3A_1056, %dma_wait3A_1057] : memref<1000000x64xf32, #tpu.memory_space<hbm>> -> memref<256x64xf32, #tpu.memory_space<hbm>>
      %dma_wait3A_1059 = arith.constant 0 : i32
      %dma_wait3A_1060 = arith.constant 0 : i32
      %dma_wait3A_1061 = tpu.memref_slice %arg11[%dma_wait3A, %dma_wait3A_1059, %dma_wait3A_1060] : memref<2x256x64xf32, #tpu.memory_space<vmem>> -> memref<1x256x64xf32, #tpu.memory_space<vmem>>
      %dma_wait3A_1062 = tpu.memref_squeeze %dma_wait3A_1061 : memref<1x256x64xf32, #tpu.memory_space<vmem>> -> memref<256x64xf32, #tpu.memory_space<vmem>>
      %dma_wait3A_1063 = arith.constant 0 : i32
      %dma_wait3A_1064 = arith.constant 0 : i32
      %dma_wait3A_1065 = tpu.memref_slice %arg5[%dma_wait3A_1063, %dma_wait3A_1064] : memref<1000000x64xf32, #tpu.memory_space<hbm>> -> memref<256x64xf32, #tpu.memory_space<hbm>>
      tpu.wait_dma2 semaphore(%arg14 : memref<!tpu.dma_semaphore, #tpu.memory_space<semaphore_mem>>) src(%dma_wait3A_1065 : memref<256x64xf32, #tpu.memory_space<hbm>>) dst(%dma_wait3A_1062 : memref<256x64xf32, #tpu.memory_space<vmem>>)
      %and3A = arith.constant 1 : i32
      %and3A_1066 = arith.andi %add3A_1051, %and3A : i32
      %mul3A_1067 = arith.constant 64 : i32
      %mul3A_1068 = arith.muli %and3A_1066, %mul3A_1067 : i32
      %shift_right_arithmetic3A = arith.constant 1 : i32
      %shift_right_arithmetic3A_1069 = arith.shrsi %add3A_1051, %shift_right_arithmetic3A : i32
      %broadcast_in_dim3A = vector.broadcast %shift_right_arithmetic3A_1069 : i32 to vector<16xi32>
      %broadcast_in_dim3A_1070 = vector.broadcast %mul3A_1068 : i32 to vector<16xi32>
      %mul3A_1071 = arith.constant 32 : i32
      %mul3A_1072 = arith.muli %add3A_1051, %mul3A_1071 : i32
      %get3A_1073 = arith.index_cast %mul3A_1072 : i32 to index
      %get3A_1074 = tpu.vector_load %arg9[%get3A_1073] {strides = array<i32>} : memref<4096xi32, #tpu.memory_space<vmem>>, vector<16xi32>,
      %add3A_1075 = arith.addi %mul3A_10, %get3A_1074 : vector<16xi32>
      %broadcast_in_dim3A_1076 = arith.constant 128 : i32
      %broadcast_in_dim3A_1077 = vector.broadcast %broadcast_in_dim3A_1076 : i32 to vector<16xi32>
      %add3A_1078 = arith.addi %mul3A_10, %broadcast_in_dim3A_1077 : vector<16xi32>
      %mul3A_1079 = arith.constant 32 : i32
      %mul3A_1080 = arith.muli %add3A_1051, %mul3A_1079 : i32
      %add3A_1081 = arith.constant 16 : i32
      %add3A_1082 = arith.addi %mul3A_1080, %add3A_1081 : i32
      %get3A_1083 = arith.index_cast %add3A_1082 : i32 to index
      %get3A_1084 = tpu.vector_load %arg9[%get3A_1083] {strides = array<i32>} : memref<4096xi32, #tpu.memory_space<vmem>>, vector<16xi32>,
      %add3A_1085 = arith.addi %add3A_1078, %get3A_1084 : vector<16xi32>
      %broadcast_in_dim3A_1086 = arith.constant 0.000000e+00 : f32
      %broadcast_in_dim3A_1087 = vector.broadcast %broadcast_in_dim3A_1086 : f32 to vector<16xf32>
      %scan3A_1088 = arith.constant 0 : i32
      %scan3A_1089 = arith.constant 0 : i32
      %scan3A_1090 = arith.constant 32 : i32
      %scan3A_1091 = arith.addi %scan3A_1089, %scan3A_1090 : i32
      %scan3A_1092 = arith.constant 8 : i32
      %scan3A_1093:4 = scf.for %scan3A_1251 = %scan3A_1089 to %scan3A_1091 step %scan3A_1092 iter_args(%scan3A_1252 = %broadcast_in_dim3A_1087, %scan3A_1253 = %broadcast_in_dim3A_1087, %scan3A_1254 = %broadcast_in_dim3A_1087, %scan3A_1255 = %broadcast_in_dim3A_1087) -> (vector<16xf32>, vector<16xf32>, vector<16xf32>, vector<16xf32>)  : i32 {
        %mul3A_1256 = arith.constant 2 : i32
        %mul3A_1257 = arith.muli %mul3A_1256, %scan3A_1251 : i32
        %add3A_1258 = arith.addi %mul3A_1257, %mul3A_1068 : i32
        %broadcast_in_dim3A_1259 = vector.broadcast %add3A_1258 : i32 to vector<16xi32>
        %sub3A_1260 = arith.subi %broadcast_in_dim3A_1259, %broadcast_in_dim3A_1070 : vector<16xi32>
        %gather3A = tpu.vector_load_idx %arg10[%broadcast_in_dim3A, %broadcast_in_dim3A_1259] : memref<64x128xf32, #tpu.memory_space<vmem>>[vector<16xi32>, vector<16xi32>], vector<16xf32>,
        %gather3A_1261 = arith.constant 0 : i32
        %gather3A_1262 = arith.constant 0 : i32
        %gather3A_1263 = tpu.memref_slice %arg11[%scan3A_1088, %gather3A_1261, %gather3A_1262] : memref<2x256x64xf32, #tpu.memory_space<vmem>> -> memref<1x256x64xf32, #tpu.memory_space<vmem>>
        %gather3A_1264 = tpu.memref_squeeze %gather3A_1263 : memref<1x256x64xf32, #tpu.memory_space<vmem>> -> memref<256x64xf32, #tpu.memory_space<vmem>>
        %gather3A_1265 = tpu.vector_load_idx %gather3A_1264[%add3A_1075, %sub3A_1260] : memref<256x64xf32, #tpu.memory_space<vmem>>[vector<16xi32>, vector<16xi32>], vector<16xf32>,
        %gather3A_1266 = arith.constant 0 : i32
        %gather3A_1267 = arith.constant 0 : i32
        %gather3A_1268 = tpu.memref_slice %arg11[%scan3A_1088, %gather3A_1266, %gather3A_1267] : memref<2x256x64xf32, #tpu.memory_space<vmem>> -> memref<1x256x64xf32, #tpu.memory_space<vmem>>
        %gather3A_1269 = tpu.memref_squeeze %gather3A_1268 : memref<1x256x64xf32, #tpu.memory_space<vmem>> -> memref<256x64xf32, #tpu.memory_space<vmem>>
        %gather3A_1270 = tpu.vector_load_idx %gather3A_1269[%add3A_1085, %sub3A_1260] : memref<256x64xf32, #tpu.memory_space<vmem>>[vector<16xi32>, vector<16xi32>], vector<16xf32>,
        %add3A_1271 = arith.constant 1 : i32
        %add3A_1272 = vector.broadcast %add3A_1271 : i32 to vector<16xi32>
        %add3A_1273 = arith.addi %broadcast_in_dim3A_1259, %add3A_1272 : vector<16xi32>
        %add3A_1274 = arith.constant 1 : i32
        %add3A_1275 = vector.broadcast %add3A_1274 : i32 to vector<16xi32>
        %add3A_1276 = arith.addi %sub3A_1260, %add3A_1275 : vector<16xi32>
        %gather3A_1277 = tpu.vector_load_idx %arg10[%broadcast_in_dim3A, %add3A_1273] : memref<64x128xf32, #tpu.memory_space<vmem>>[vector<16xi32>, vector<16xi32>], vector<16xf32>,
        %gather3A_1278 = arith.constant 0 : i32
        %gather3A_1279 = arith.constant 0 : i32
        %gather3A_1280 = tpu.memref_slice %arg11[%scan3A_1088, %gather3A_1278, %gather3A_1279] : memref<2x256x64xf32, #tpu.memory_space<vmem>> -> memref<1x256x64xf32, #tpu.memory_space<vmem>>
        %gather3A_1281 = tpu.memref_squeeze %gather3A_1280 : memref<1x256x64xf32, #tpu.memory_space<vmem>> -> memref<256x64xf32, #tpu.memory_space<vmem>>
        %gather3A_1282 = tpu.vector_load_idx %gather3A_1281[%add3A_1075, %add3A_1276] : memref<256x64xf32, #tpu.memory_space<vmem>>[vector<16xi32>, vector<16xi32>], vector<16xf32>,
        %gather3A_1283 = arith.constant 0 : i32
        %gather3A_1284 = arith.constant 0 : i32
        %gather3A_1285 = tpu.memref_slice %arg11[%scan3A_1088, %gather3A_1283, %gather3A_1284] : memref<2x256x64xf32, #tpu.memory_space<vmem>> -> memref<1x256x64xf32, #tpu.memory_space<vmem>>
        %gather3A_1286 = tpu.memref_squeeze %gather3A_1285 : memref<1x256x64xf32, #tpu.memory_space<vmem>> -> memref<256x64xf32, #tpu.memory_space<vmem>>
        %gather3A_1287 = tpu.vector_load_idx %gather3A_1286[%add3A_1085, %add3A_1276] : memref<256x64xf32, #tpu.memory_space<vmem>>[vector<16xi32>, vector<16xi32>], vector<16xf32>,
        %mul3A_1288 = arith.mulf %gather3A, %gather3A_1265 : vector<16xf32>
        %add3A_1289 = arith.addf %scan3A_1252, %mul3A_1288 : vector<16xf32>
        %mul3A_1290 = arith.mulf %gather3A, %gather3A_1270 : vector<16xf32>
        %add3A_1291 = arith.addf %scan3A_1253, %mul3A_1290 : vector<16xf32>
        %mul3A_1292 = arith.mulf %gather3A_1277, %gather3A_1282 : vector<16xf32>
        %add3A_1293 = arith.addf %scan3A_1254, %mul3A_1292 : vector<16xf32>
        %mul3A_1294 = arith.mulf %gather3A_1277, %gather3A_1287 : vector<16xf32>
        %add3A_1295 = arith.addf %scan3A_1255, %mul3A_1294 : vector<16xf32>
        %scan3A_1296 = arith.constant 1 : i32
        %scan3A_1297 = arith.addi %scan3A_1251, %scan3A_1296 : i32
        %mul3A_1298 = arith.constant 2 : i32
        %mul3A_1299 = arith.muli %mul3A_1298, %scan3A_1297 : i32
        %add3A_1300 = arith.addi %mul3A_1299, %mul3A_1068 : i32
        %broadcast_in_dim3A_1301 = vector.broadcast %add3A_1300 : i32 to vector<16xi32>
        %sub3A_1302 = arith.subi %broadcast_in_dim3A_1301, %broadcast_in_dim3A_1070 : vector<16xi32>
        %gather3A_1303 = tpu.vector_load_idx %arg10[%broadcast_in_dim3A, %broadcast_in_dim3A_1301] : memref<64x128xf32, #tpu.memory_space<vmem>>[vector<16xi32>, vector<16xi32>], vector<16xf32>,
        %gather3A_1304 = arith.constant 0 : i32
        %gather3A_1305 = arith.constant 0 : i32
        %gather3A_1306 = tpu.memref_slice %arg11[%scan3A_1088, %gather3A_1304, %gather3A_1305] : memref<2x256x64xf32, #tpu.memory_space<vmem>> -> memref<1x256x64xf32, #tpu.memory_space<vmem>>
        %gather3A_1307 = tpu.memref_squeeze %gather3A_1306 : memref<1x256x64xf32, #tpu.memory_space<vmem>> -> memref<256x64xf32, #tpu.memory_space<vmem>>
        %gather3A_1308 = tpu.vector_load_idx %gather3A_1307[%add3A_1075, %sub3A_1302] : memref<256x64xf32, #tpu.memory_space<vmem>>[vector<16xi32>, vector<16xi32>], vector<16xf32>,
        %gather3A_1309 = arith.constant 0 : i32
        %gather3A_1310 = arith.constant 0 : i32
        %gather3A_1311 = tpu.memref_slice %arg11[%scan3A_1088, %gather3A_1309, %gather3A_1310] : memref<2x256x64xf32, #tpu.memory_space<vmem>> -> memref<1x256x64xf32, #tpu.memory_space<vmem>>
        %gather3A_1312 = tpu.memref_squeeze %gather3A_1311 : memref<1x256x64xf32, #tpu.memory_space<vmem>> -> memref<256x64xf32, #tpu.memory_space<vmem>>
        %gather3A_1313 = tpu.vector_load_idx %gather3A_1312[%add3A_1085, %sub3A_1302] : memref<256x64xf32, #tpu.memory_space<vmem>>[vector<16xi32>, vector<16xi32>], vector<16xf32>,
        %add3A_1314 = arith.constant 1 : i32
        %add3A_1315 = vector.broadcast %add3A_1314 : i32 to vector<16xi32>
        %add3A_1316 = arith.addi %broadcast_in_dim3A_1301, %add3A_1315 : vector<16xi32>
        %add3A_1317 = arith.constant 1 : i32
        %add3A_1318 = vector.broadcast %add3A_1317 : i32 to vector<16xi32>
        %add3A_1319 = arith.addi %sub3A_1302, %add3A_1318 : vector<16xi32>
        %gather3A_1320 = tpu.vector_load_idx %arg10[%broadcast_in_dim3A, %add3A_1316] : memref<64x128xf32, #tpu.memory_space<vmem>>[vector<16xi32>, vector<16xi32>], vector<16xf32>,
        %gather3A_1321 = arith.constant 0 : i32
        %gather3A_1322 = arith.constant 0 : i32
        %gather3A_1323 = tpu.memref_slice %arg11[%scan3A_1088, %gather3A_1321, %gather3A_1322] : memref<2x256x64xf32, #tpu.memory_space<vmem>> -> memref<1x256x64xf32, #tpu.memory_space<vmem>>
        %gather3A_1324 = tpu.memref_squeeze %gather3A_1323 : memref<1x256x64xf32, #tpu.memory_space<vmem>> -> memref<256x64xf32, #tpu.memory_space<vmem>>
        %gather3A_1325 = tpu.vector_load_idx %gather3A_1324[%add3A_1075, %add3A_1319] : memref<256x64xf32, #tpu.memory_space<vmem>>[vector<16xi32>, vector<16xi32>], vector<16xf32>,
        %gather3A_1326 = arith.constant 0 : i32
        %gather3A_1327 = arith.constant 0 : i32
        %gather3A_1328 = tpu.memref_slice %arg11[%scan3A_1088, %gather3A_1326, %gather3A_1327] : memref<2x256x64xf32, #tpu.memory_space<vmem>> -> memref<1x256x64xf32, #tpu.memory_space<vmem>>
        %gather3A_1329 = tpu.memref_squeeze %gather3A_1328 : memref<1x256x64xf32, #tpu.memory_space<vmem>> -> memref<256x64xf32, #tpu.memory_space<vmem>>
        %gather3A_1330 = tpu.vector_load_idx %gather3A_1329[%add3A_1085, %add3A_1319] : memref<256x64xf32, #tpu.memory_space<vmem>>[vector<16xi32>, vector<16xi32>], vector<16xf32>,
        %mul3A_1331 = arith.mulf %gather3A_1303, %gather3A_1308 : vector<16xf32>
        %add3A_1332 = arith.addf %add3A_1289, %mul3A_1331 : vector<16xf32>
        %mul3A_1333 = arith.mulf %gather3A_1303, %gather3A_1313 : vector<16xf32>
        %add3A_1334 = arith.addf %add3A_1291, %mul3A_1333 : vector<16xf32>
        %mul3A_1335 = arith.mulf %gather3A_1320, %gather3A_1325 : vector<16xf32>
        %add3A_1336 = arith.addf %add3A_1293, %mul3A_1335 : vector<16xf32>
        %mul3A_1337 = arith.mulf %gather3A_1320, %gather3A_1330 : vector<16xf32>
        %add3A_1338 = arith.addf %add3A_1295, %mul3A_1337 : vector<16xf32>
        %scan3A_1339 = arith.constant 2 : i32
        %scan3A_1340 = arith.addi %scan3A_1251, %scan3A_1339 : i32
        %mul3A_1341 = arith.constant 2 : i32
        %mul3A_1342 = arith.muli %mul3A_1341, %scan3A_1340 : i32
        %add3A_1343 = arith.addi %mul3A_1342, %mul3A_1068 : i32
        %broadcast_in_dim3A_1344 = vector.broadcast %add3A_1343 : i32 to vector<16xi32>
        %sub3A_1345 = arith.subi %broadcast_in_dim3A_1344, %broadcast_in_dim3A_1070 : vector<16xi32>
        %gather3A_1346 = tpu.vector_load_idx %arg10[%broadcast_in_dim3A, %broadcast_in_dim3A_1344] : memref<64x128xf32, #tpu.memory_space<vmem>>[vector<16xi32>, vector<16xi32>], vector<16xf32>,
        %gather3A_1347 = arith.constant 0 : i32
        %gather3A_1348 = arith.constant 0 : i32
        %gather3A_1349 = tpu.memref_slice %arg11[%scan3A_1088, %gather3A_1347, %gather3A_1348] : memref<2x256x64xf32, #tpu.memory_space<vmem>> -> memref<1x256x64xf32, #tpu.memory_space<vmem>>
        %gather3A_1350 = tpu.memref_squeeze %gather3A_1349 : memref<1x256x64xf32, #tpu.memory_space<vmem>> -> memref<256x64xf32, #tpu.memory_space<vmem>>
        %gather3A_1351 = tpu.vector_load_idx %gather3A_1350[%add3A_1075, %sub3A_1345] : memref<256x64xf32, #tpu.memory_space<vmem>>[vector<16xi32>, vector<16xi32>], vector<16xf32>,
        %gather3A_1352 = arith.constant 0 : i32
        %gather3A_1353 = arith.constant 0 : i32
        %gather3A_1354 = tpu.memref_slice %arg11[%scan3A_1088, %gather3A_1352, %gather3A_1353] : memref<2x256x64xf32, #tpu.memory_space<vmem>> -> memref<1x256x64xf32, #tpu.memory_space<vmem>>
        %gather3A_1355 = tpu.memref_squeeze %gather3A_1354 : memref<1x256x64xf32, #tpu.memory_space<vmem>> -> memref<256x64xf32, #tpu.memory_space<vmem>>
        %gather3A_1356 = tpu.vector_load_idx %gather3A_1355[%add3A_1085, %sub3A_1345] : memref<256x64xf32, #tpu.memory_space<vmem>>[vector<16xi32>, vector<16xi32>], vector<16xf32>,
        %add3A_1357 = arith.constant 1 : i32
        %add3A_1358 = vector.broadcast %add3A_1357 : i32 to vector<16xi32>
        %add3A_1359 = arith.addi %broadcast_in_dim3A_1344, %add3A_1358 : vector<16xi32>
        %add3A_1360 = arith.constant 1 : i32
        %add3A_1361 = vector.broadcast %add3A_1360 : i32 to vector<16xi32>
        %add3A_1362 = arith.addi %sub3A_1345, %add3A_1361 : vector<16xi32>
        %gather3A_1363 = tpu.vector_load_idx %arg10[%broadcast_in_dim3A, %add3A_1359] : memref<64x128xf32, #tpu.memory_space<vmem>>[vector<16xi32>, vector<16xi32>], vector<16xf32>,
        %gather3A_1364 = arith.constant 0 : i32
        %gather3A_1365 = arith.constant 0 : i32
        %gather3A_1366 = tpu.memref_slice %arg11[%scan3A_1088, %gather3A_1364, %gather3A_1365] : memref<2x256x64xf32, #tpu.memory_space<vmem>> -> memref<1x256x64xf32, #tpu.memory_space<vmem>>
        %gather3A_1367 = tpu.memref_squeeze %gather3A_1366 : memref<1x256x64xf32, #tpu.memory_space<vmem>> -> memref<256x64xf32, #tpu.memory_space<vmem>>
        %gather3A_1368 = tpu.vector_load_idx %gather3A_1367[%add3A_1075, %add3A_1362] : memref<256x64xf32, #tpu.memory_space<vmem>>[vector<16xi32>, vector<16xi32>], vector<16xf32>,
        %gather3A_1369 = arith.constant 0 : i32
        %gather3A_1370 = arith.constant 0 : i32
        %gather3A_1371 = tpu.memref_slice %arg11[%scan3A_1088, %gather3A_1369, %gather3A_1370] : memref<2x256x64xf32, #tpu.memory_space<vmem>> -> memref<1x256x64xf32, #tpu.memory_space<vmem>>
        %gather3A_1372 = tpu.memref_squeeze %gather3A_1371 : memref<1x256x64xf32, #tpu.memory_space<vmem>> -> memref<256x64xf32, #tpu.memory_space<vmem>>
        %gather3A_1373 = tpu.vector_load_idx %gather3A_1372[%add3A_1085, %add3A_1362] : memref<256x64xf32, #tpu.memory_space<vmem>>[vector<16xi32>, vector<16xi32>], vector<16xf32>,
        %mul3A_1374 = arith.mulf %gather3A_1346, %gather3A_1351 : vector<16xf32>
        %add3A_1375 = arith.addf %add3A_1332, %mul3A_1374 : vector<16xf32>
        %mul3A_1376 = arith.mulf %gather3A_1346, %gather3A_1356 : vector<16xf32>
        %add3A_1377 = arith.addf %add3A_1334, %mul3A_1376 : vector<16xf32>
        %mul3A_1378 = arith.mulf %gather3A_1363, %gather3A_1368 : vector<16xf32>
        %add3A_1379 = arith.addf %add3A_1336, %mul3A_1378 : vector<16xf32>
        %mul3A_1380 = arith.mulf %gather3A_1363, %gather3A_1373 : vector<16xf32>
        %add3A_1381 = arith.addf %add3A_1338, %mul3A_1380 : vector<16xf32>
        %scan3A_1382 = arith.constant 3 : i32
        %scan3A_1383 = arith.addi %scan3A_1251, %scan3A_1382 : i32
        %mul3A_1384 = arith.constant 2 : i32
        %mul3A_1385 = arith.muli %mul3A_1384, %scan3A_1383 : i32
        %add3A_1386 = arith.addi %mul3A_1385, %mul3A_1068 : i32
        %broadcast_in_dim3A_1387 = vector.broadcast %add3A_1386 : i32 to vector<16xi32>
        %sub3A_1388 = arith.subi %broadcast_in_dim3A_1387, %broadcast_in_dim3A_1070 : vector<16xi32>
        %gather3A_1389 = tpu.vector_load_idx %arg10[%broadcast_in_dim3A, %broadcast_in_dim3A_1387] : memref<64x128xf32, #tpu.memory_space<vmem>>[vector<16xi32>, vector<16xi32>], vector<16xf32>,
        %gather3A_1390 = arith.constant 0 : i32
        %gather3A_1391 = arith.constant 0 : i32
        %gather3A_1392 = tpu.memref_slice %arg11[%scan3A_1088, %gather3A_1390, %gather3A_1391] : memref<2x256x64xf32, #tpu.memory_space<vmem>> -> memref<1x256x64xf32, #tpu.memory_space<vmem>>
        %gather3A_1393 = tpu.memref_squeeze %gather3A_1392 : memref<1x256x64xf32, #tpu.memory_space<vmem>> -> memref<256x64xf32, #tpu.memory_space<vmem>>
        %gather3A_1394 = tpu.vector_load_idx %gather3A_1393[%add3A_1075, %sub3A_1388] : memref<256x64xf32, #tpu.memory_space<vmem>>[vector<16xi32>, vector<16xi32>], vector<16xf32>,
        %gather3A_1395 = arith.constant 0 : i32
        %gather3A_1396 = arith.constant 0 : i32
        %gather3A_1397 = tpu.memref_slice %arg11[%scan3A_1088, %gather3A_1395, %gather3A_1396] : memref<2x256x64xf32, #tpu.memory_space<vmem>> -> memref<1x256x64xf32, #tpu.memory_space<vmem>>
        %gather3A_1398 = tpu.memref_squeeze %gather3A_1397 : memref<1x256x64xf32, #tpu.memory_space<vmem>> -> memref<256x64xf32, #tpu.memory_space<vmem>>
        %gather3A_1399 = tpu.vector_load_idx %gather3A_1398[%add3A_1085, %sub3A_1388] : memref<256x64xf32, #tpu.memory_space<vmem>>[vector<16xi32>, vector<16xi32>], vector<16xf32>,
        %add3A_1400 = arith.constant 1 : i32
        %add3A_1401 = vector.broadcast %add3A_1400 : i32 to vector<16xi32>
        %add3A_1402 = arith.addi %broadcast_in_dim3A_1387, %add3A_1401 : vector<16xi32>
        %add3A_1403 = arith.constant 1 : i32
        %add3A_1404 = vector.broadcast %add3A_1403 : i32 to vector<16xi32>
        %add3A_1405 = arith.addi %sub3A_1388, %add3A_1404 : vector<16xi32>
        %gather3A_1406 = tpu.vector_load_idx %arg10[%broadcast_in_dim3A, %add3A_1402] : memref<64x128xf32, #tpu.memory_space<vmem>>[vector<16xi32>, vector<16xi32>], vector<16xf32>,
        %gather3A_1407 = arith.constant 0 : i32
        %gather3A_1408 = arith.constant 0 : i32
        %gather3A_1409 = tpu.memref_slice %arg11[%scan3A_1088, %gather3A_1407, %gather3A_1408] : memref<2x256x64xf32, #tpu.memory_space<vmem>> -> memref<1x256x64xf32, #tpu.memory_space<vmem>>
        %gather3A_1410 = tpu.memref_squeeze %gather3A_1409 : memref<1x256x64xf32, #tpu.memory_space<vmem>> -> memref<256x64xf32, #tpu.memory_space<vmem>>
        %gather3A_1411 = tpu.vector_load_idx %gather3A_1410[%add3A_1075, %add3A_1405] : memref<256x64xf32, #tpu.memory_space<vmem>>[vector<16xi32>, vector<16xi32>], vector<16xf32>,
        %gather3A_1412 = arith.constant 0 : i32
        %gather3A_1413 = arith.constant 0 : i32
        %gather3A_1414 = tpu.memref_slice %arg11[%scan3A_1088, %gather3A_1412, %gather3A_1413] : memref<2x256x64xf32, #tpu.memory_space<vmem>> -> memref<1x256x64xf32, #tpu.memory_space<vmem>>
        %gather3A_1415 = tpu.memref_squeeze %gather3A_1414 : memref<1x256x64xf32, #tpu.memory_space<vmem>> -> memref<256x64xf32, #tpu.memory_space<vmem>>
        %gather3A_1416 = tpu.vector_load_idx %gather3A_1415[%add3A_1085, %add3A_1405] : memref<256x64xf32, #tpu.memory_space<vmem>>[vector<16xi32>, vector<16xi32>], vector<16xf32>,
        %mul3A_1417 = arith.mulf %gather3A_1389, %gather3A_1394 : vector<16xf32>
        %add3A_1418 = arith.addf %add3A_1375, %mul3A_1417 : vector<16xf32>
        %mul3A_1419 = arith.mulf %gather3A_1389, %gather3A_1399 : vector<16xf32>
        %add3A_1420 = arith.addf %add3A_1377, %mul3A_1419 : vector<16xf32>
        %mul3A_1421 = arith.mulf %gather3A_1406, %gather3A_1411 : vector<16xf32>
        %add3A_1422 = arith.addf %add3A_1379, %mul3A_1421 : vector<16xf32>
        %mul3A_1423 = arith.mulf %gather3A_1406, %gather3A_1416 : vector<16xf32>
        %add3A_1424 = arith.addf %add3A_1381, %mul3A_1423 : vector<16xf32>
        %scan3A_1425 = arith.constant 4 : i32
        %scan3A_1426 = arith.addi %scan3A_1251, %scan3A_1425 : i32
        %mul3A_1427 = arith.constant 2 : i32
        %mul3A_1428 = arith.muli %mul3A_1427, %scan3A_1426 : i32
        %add3A_1429 = arith.addi %mul3A_1428, %mul3A_1068 : i32
        %broadcast_in_dim3A_1430 = vector.broadcast %add3A_1429 : i32 to vector<16xi32>
        %sub3A_1431 = arith.subi %broadcast_in_dim3A_1430, %broadcast_in_dim3A_1070 : vector<16xi32>
        %gather3A_1432 = tpu.vector_load_idx %arg10[%broadcast_in_dim3A, %broadcast_in_dim3A_1430] : memref<64x128xf32, #tpu.memory_space<vmem>>[vector<16xi32>, vector<16xi32>], vector<16xf32>,
        %gather3A_1433 = arith.constant 0 : i32
        %gather3A_1434 = arith.constant 0 : i32
        %gather3A_1435 = tpu.memref_slice %arg11[%scan3A_1088, %gather3A_1433, %gather3A_1434] : memref<2x256x64xf32, #tpu.memory_space<vmem>> -> memref<1x256x64xf32, #tpu.memory_space<vmem>>
        %gather3A_1436 = tpu.memref_squeeze %gather3A_1435 : memref<1x256x64xf32, #tpu.memory_space<vmem>> -> memref<256x64xf32, #tpu.memory_space<vmem>>
        %gather3A_1437 = tpu.vector_load_idx %gather3A_1436[%add3A_1075, %sub3A_1431] : memref<256x64xf32, #tpu.memory_space<vmem>>[vector<16xi32>, vector<16xi32>], vector<16xf32>,
        %gather3A_1438 = arith.constant 0 : i32
        %gather3A_1439 = arith.constant 0 : i32
        %gather3A_1440 = tpu.memref_slice %arg11[%scan3A_1088, %gather3A_1438, %gather3A_1439] : memref<2x256x64xf32, #tpu.memory_space<vmem>> -> memref<1x256x64xf32, #tpu.memory_space<vmem>>
        %gather3A_1441 = tpu.memref_squeeze %gather3A_1440 : memref<1x256x64xf32, #tpu.memory_space<vmem>> -> memref<256x64xf32, #tpu.memory_space<vmem>>
        %gather3A_1442 = tpu.vector_load_idx %gather3A_1441[%add3A_1085, %sub3A_1431] : memref<256x64xf32, #tpu.memory_space<vmem>>[vector<16xi32>, vector<16xi32>], vector<16xf32>,
        %add3A_1443 = arith.constant 1 : i32
        %add3A_1444 = vector.broadcast %add3A_1443 : i32 to vector<16xi32>
        %add3A_1445 = arith.addi %broadcast_in_dim3A_1430, %add3A_1444 : vector<16xi32>
        %add3A_1446 = arith.constant 1 : i32
        %add3A_1447 = vector.broadcast %add3A_1446 : i32 to vector<16xi32>
        %add3A_1448 = arith.addi %sub3A_1431, %add3A_1447 : vector<16xi32>
        %gather3A_1449 = tpu.vector_load_idx %arg10[%broadcast_in_dim3A, %add3A_1445] : memref<64x128xf32, #tpu.memory_space<vmem>>[vector<16xi32>, vector<16xi32>], vector<16xf32>,
        %gather3A_1450 = arith.constant 0 : i32
        %gather3A_1451 = arith.constant 0 : i32
        %gather3A_1452 = tpu.memref_slice %arg11[%scan3A_1088, %gather3A_1450, %gather3A_1451] : memref<2x256x64xf32, #tpu.memory_space<vmem>> -> memref<1x256x64xf32, #tpu.memory_space<vmem>>
        %gather3A_1453 = tpu.memref_squeeze %gather3A_1452 : memref<1x256x64xf32, #tpu.memory_space<vmem>> -> memref<256x64xf32, #tpu.memory_space<vmem>>
        %gather3A_1454 = tpu.vector_load_idx %gather3A_1453[%add3A_1075, %add3A_1448] : memref<256x64xf32, #tpu.memory_space<vmem>>[vector<16xi32>, vector<16xi32>], vector<16xf32>,
        %gather3A_1455 = arith.constant 0 : i32
        %gather3A_1456 = arith.constant 0 : i32
        %gather3A_1457 = tpu.memref_slice %arg11[%scan3A_1088, %gather3A_1455, %gather3A_1456] : memref<2x256x64xf32, #tpu.memory_space<vmem>> -> memref<1x256x64xf32, #tpu.memory_space<vmem>>
        %gather3A_1458 = tpu.memref_squeeze %gather3A_1457 : memref<1x256x64xf32, #tpu.memory_space<vmem>> -> memref<256x64xf32, #tpu.memory_space<vmem>>
        %gather3A_1459 = tpu.vector_load_idx %gather3A_1458[%add3A_1085, %add3A_1448] : memref<256x64xf32, #tpu.memory_space<vmem>>[vector<16xi32>, vector<16xi32>], vector<16xf32>,
        %mul3A_1460 = arith.mulf %gather3A_1432, %gather3A_1437 : vector<16xf32>
        %add3A_1461 = arith.addf %add3A_1418, %mul3A_1460 : vector<16xf32>
        %mul3A_1462 = arith.mulf %gather3A_1432, %gather3A_1442 : vector<16xf32>
        %add3A_1463 = arith.addf %add3A_1420, %mul3A_1462 : vector<16xf32>
        %mul3A_1464 = arith.mulf %gather3A_1449, %gather3A_1454 : vector<16xf32>
        %add3A_1465 = arith.addf %add3A_1422, %mul3A_1464 : vector<16xf32>
        %mul3A_1466 = arith.mulf %gather3A_1449, %gather3A_1459 : vector<16xf32>
        %add3A_1467 = arith.addf %add3A_1424, %mul3A_1466 : vector<16xf32>
        %scan3A_1468 = arith.constant 5 : i32
        %scan3A_1469 = arith.addi %scan3A_1251, %scan3A_1468 : i32
        %mul3A_1470 = arith.constant 2 : i32
        %mul3A_1471 = arith.muli %mul3A_1470, %scan3A_1469 : i32
        %add3A_1472 = arith.addi %mul3A_1471, %mul3A_1068 : i32
        %broadcast_in_dim3A_1473 = vector.broadcast %add3A_1472 : i32 to vector<16xi32>
        %sub3A_1474 = arith.subi %broadcast_in_dim3A_1473, %broadcast_in_dim3A_1070 : vector<16xi32>
        %gather3A_1475 = tpu.vector_load_idx %arg10[%broadcast_in_dim3A, %broadcast_in_dim3A_1473] : memref<64x128xf32, #tpu.memory_space<vmem>>[vector<16xi32>, vector<16xi32>], vector<16xf32>,
        %gather3A_1476 = arith.constant 0 : i32
        %gather3A_1477 = arith.constant 0 : i32
        %gather3A_1478 = tpu.memref_slice %arg11[%scan3A_1088, %gather3A_1476, %gather3A_1477] : memref<2x256x64xf32, #tpu.memory_space<vmem>> -> memref<1x256x64xf32, #tpu.memory_space<vmem>>
        %gather3A_1479 = tpu.memref_squeeze %gather3A_1478 : memref<1x256x64xf32, #tpu.memory_space<vmem>> -> memref<256x64xf32, #tpu.memory_space<vmem>>
        %gather3A_1480 = tpu.vector_load_idx %gather3A_1479[%add3A_1075, %sub3A_1474] : memref<256x64xf32, #tpu.memory_space<vmem>>[vector<16xi32>, vector<16xi32>], vector<16xf32>,
        %gather3A_1481 = arith.constant 0 : i32
        %gather3A_1482 = arith.constant 0 : i32
        %gather3A_1483 = tpu.memref_slice %arg11[%scan3A_1088, %gather3A_1481, %gather3A_1482] : memref<2x256x64xf32, #tpu.memory_space<vmem>> -> memref<1x256x64xf32, #tpu.memory_space<vmem>>
        %gather3A_1484 = tpu.memref_squeeze %gather3A_1483 : memref<1x256x64xf32, #tpu.memory_space<vmem>> -> memref<256x64xf32, #tpu.memory_space<vmem>>
        %gather3A_1485 = tpu.vector_load_idx %gather3A_1484[%add3A_1085, %sub3A_1474] : memref<256x64xf32, #tpu.memory_space<vmem>>[vector<16xi32>, vector<16xi32>], vector<16xf32>,
        %add3A_1486 = arith.constant 1 : i32
        %add3A_1487 = vector.broadcast %add3A_1486 : i32 to vector<16xi32>
        %add3A_1488 = arith.addi %broadcast_in_dim3A_1473, %add3A_1487 : vector<16xi32>
        %add3A_1489 = arith.constant 1 : i32
        %add3A_1490 = vector.broadcast %add3A_1489 : i32 to vector<16xi32>
        %add3A_1491 = arith.addi %sub3A_1474, %add3A_1490 : vector<16xi32>
        %gather3A_1492 = tpu.vector_load_idx %arg10[%broadcast_in_dim3A, %add3A_1488] : memref<64x128xf32, #tpu.memory_space<vmem>>[vector<16xi32>, vector<16xi32>], vector<16xf32>,
        %gather3A_1493 = arith.constant 0 : i32
        %gather3A_1494 = arith.constant 0 : i32
        %gather3A_1495 = tpu.memref_slice %arg11[%scan3A_1088, %gather3A_1493, %gather3A_1494] : memref<2x256x64xf32, #tpu.memory_space<vmem>> -> memref<1x256x64xf32, #tpu.memory_space<vmem>>
        %gather3A_1496 = tpu.memref_squeeze %gather3A_1495 : memref<1x256x64xf32, #tpu.memory_space<vmem>> -> memref<256x64xf32, #tpu.memory_space<vmem>>
        %gather3A_1497 = tpu.vector_load_idx %gather3A_1496[%add3A_1075, %add3A_1491] : memref<256x64xf32, #tpu.memory_space<vmem>>[vector<16xi32>, vector<16xi32>], vector<16xf32>,
        %gather3A_1498 = arith.constant 0 : i32
        %gather3A_1499 = arith.constant 0 : i32
        %gather3A_1500 = tpu.memref_slice %arg11[%scan3A_1088, %gather3A_1498, %gather3A_1499] : memref<2x256x64xf32, #tpu.memory_space<vmem>> -> memref<1x256x64xf32, #tpu.memory_space<vmem>>
        %gather3A_1501 = tpu.memref_squeeze %gather3A_1500 : memref<1x256x64xf32, #tpu.memory_space<vmem>> -> memref<256x64xf32, #tpu.memory_space<vmem>>
        %gather3A_1502 = tpu.vector_load_idx %gather3A_1501[%add3A_1085, %add3A_1491] : memref<256x64xf32, #tpu.memory_space<vmem>>[vector<16xi32>, vector<16xi32>], vector<16xf32>,
        %mul3A_1503 = arith.mulf %gather3A_1475, %gather3A_1480 : vector<16xf32>
        %add3A_1504 = arith.addf %add3A_1461, %mul3A_1503 : vector<16xf32>
        %mul3A_1505 = arith.mulf %gather3A_1475, %gather3A_1485 : vector<16xf32>
        %add3A_1506 = arith.addf %add3A_1463, %mul3A_1505 : vector<16xf32>
        %mul3A_1507 = arith.mulf %gather3A_1492, %gather3A_1497 : vector<16xf32>
        %add3A_1508 = arith.addf %add3A_1465, %mul3A_1507 : vector<16xf32>
        %mul3A_1509 = arith.mulf %gather3A_1492, %gather3A_1502 : vector<16xf32>
        %add3A_1510 = arith.addf %add3A_1467, %mul3A_1509 : vector<16xf32>
        %scan3A_1511 = arith.constant 6 : i32
        %scan3A_1512 = arith.addi %scan3A_1251, %scan3A_1511 : i32
        %mul3A_1513 = arith.constant 2 : i32
        %mul3A_1514 = arith.muli %mul3A_1513, %scan3A_1512 : i32
        %add3A_1515 = arith.addi %mul3A_1514, %mul3A_1068 : i32
        %broadcast_in_dim3A_1516 = vector.broadcast %add3A_1515 : i32 to vector<16xi32>
        %sub3A_1517 = arith.subi %broadcast_in_dim3A_1516, %broadcast_in_dim3A_1070 : vector<16xi32>
        %gather3A_1518 = tpu.vector_load_idx %arg10[%broadcast_in_dim3A, %broadcast_in_dim3A_1516] : memref<64x128xf32, #tpu.memory_space<vmem>>[vector<16xi32>, vector<16xi32>], vector<16xf32>,
        %gather3A_1519 = arith.constant 0 : i32
        %gather3A_1520 = arith.constant 0 : i32
        %gather3A_1521 = tpu.memref_slice %arg11[%scan3A_1088, %gather3A_1519, %gather3A_1520] : memref<2x256x64xf32, #tpu.memory_space<vmem>> -> memref<1x256x64xf32, #tpu.memory_space<vmem>>
        %gather3A_1522 = tpu.memref_squeeze %gather3A_1521 : memref<1x256x64xf32, #tpu.memory_space<vmem>> -> memref<256x64xf32, #tpu.memory_space<vmem>>
        %gather3A_1523 = tpu.vector_load_idx %gather3A_1522[%add3A_1075, %sub3A_1517] : memref<256x64xf32, #tpu.memory_space<vmem>>[vector<16xi32>, vector<16xi32>], vector<16xf32>,
        %gather3A_1524 = arith.constant 0 : i32
        %gather3A_1525 = arith.constant 0 : i32
        %gather3A_1526 = tpu.memref_slice %arg11[%scan3A_1088, %gather3A_1524, %gather3A_1525] : memref<2x256x64xf32, #tpu.memory_space<vmem>> -> memref<1x256x64xf32, #tpu.memory_space<vmem>>
        %gather3A_1527 = tpu.memref_squeeze %gather3A_1526 : memref<1x256x64xf32, #tpu.memory_space<vmem>> -> memref<256x64xf32, #tpu.memory_space<vmem>>
        %gather3A_1528 = tpu.vector_load_idx %gather3A_1527[%add3A_1085, %sub3A_1517] : memref<256x64xf32, #tpu.memory_space<vmem>>[vector<16xi32>, vector<16xi32>], vector<16xf32>,
        %add3A_1529 = arith.constant 1 : i32
        %add3A_1530 = vector.broadcast %add3A_1529 : i32 to vector<16xi32>
        %add3A_1531 = arith.addi %broadcast_in_dim3A_1516, %add3A_1530 : vector<16xi32>
        %add3A_1532 = arith.constant 1 : i32
        %add3A_1533 = vector.broadcast %add3A_1532 : i32 to vector<16xi32>
        %add3A_1534 = arith.addi %sub3A_1517, %add3A_1533 : vector<16xi32>
        %gather3A_1535 = tpu.vector_load_idx %arg10[%broadcast_in_dim3A, %add3A_1531] : memref<64x128xf32, #tpu.memory_space<vmem>>[vector<16xi32>, vector<16xi32>], vector<16xf32>,
        %gather3A_1536 = arith.constant 0 : i32
        %gather3A_1537 = arith.constant 0 : i32
        %gather3A_1538 = tpu.memref_slice %arg11[%scan3A_1088, %gather3A_1536, %gather3A_1537] : memref<2x256x64xf32, #tpu.memory_space<vmem>> -> memref<1x256x64xf32, #tpu.memory_space<vmem>>
        %gather3A_1539 = tpu.memref_squeeze %gather3A_1538 : memref<1x256x64xf32, #tpu.memory_space<vmem>> -> memref<256x64xf32, #tpu.memory_space<vmem>>
        %gather3A_1540 = tpu.vector_load_idx %gather3A_1539[%add3A_1075, %add3A_1534] : memref<256x64xf32, #tpu.memory_space<vmem>>[vector<16xi32>, vector<16xi32>], vector<16xf32>,
        %gather3A_1541 = arith.constant 0 : i32
        %gather3A_1542 = arith.constant 0 : i32
        %gather3A_1543 = tpu.memref_slice %arg11[%scan3A_1088, %gather3A_1541, %gather3A_1542] : memref<2x256x64xf32, #tpu.memory_space<vmem>> -> memref<1x256x64xf32, #tpu.memory_space<vmem>>
        %gather3A_1544 = tpu.memref_squeeze %gather3A_1543 : memref<1x256x64xf32, #tpu.memory_space<vmem>> -> memref<256x64xf32, #tpu.memory_space<vmem>>
        %gather3A_1545 = tpu.vector_load_idx %gather3A_1544[%add3A_1085, %add3A_1534] : memref<256x64xf32, #tpu.memory_space<vmem>>[vector<16xi32>, vector<16xi32>], vector<16xf32>,
        %mul3A_1546 = arith.mulf %gather3A_1518, %gather3A_1523 : vector<16xf32>
        %add3A_1547 = arith.addf %add3A_1504, %mul3A_1546 : vector<16xf32>
        %mul3A_1548 = arith.mulf %gather3A_1518, %gather3A_1528 : vector<16xf32>
        %add3A_1549 = arith.addf %add3A_1506, %mul3A_1548 : vector<16xf32>
        %mul3A_1550 = arith.mulf %gather3A_1535, %gather3A_1540 : vector<16xf32>
        %add3A_1551 = arith.addf %add3A_1508, %mul3A_1550 : vector<16xf32>
        %mul3A_1552 = arith.mulf %gather3A_1535, %gather3A_1545 : vector<16xf32>
        %add3A_1553 = arith.addf %add3A_1510, %mul3A_1552 : vector<16xf32>
        %scan3A_1554 = arith.constant 7 : i32
        %scan3A_1555 = arith.addi %scan3A_1251, %scan3A_1554 : i32
        %mul3A_1556 = arith.constant 2 : i32
        %mul3A_1557 = arith.muli %mul3A_1556, %scan3A_1555 : i32
        %add3A_1558 = arith.addi %mul3A_1557, %mul3A_1068 : i32
        %broadcast_in_dim3A_1559 = vector.broadcast %add3A_1558 : i32 to vector<16xi32>
        %sub3A_1560 = arith.subi %broadcast_in_dim3A_1559, %broadcast_in_dim3A_1070 : vector<16xi32>
        %gather3A_1561 = tpu.vector_load_idx %arg10[%broadcast_in_dim3A, %broadcast_in_dim3A_1559] : memref<64x128xf32, #tpu.memory_space<vmem>>[vector<16xi32>, vector<16xi32>], vector<16xf32>,
        %gather3A_1562 = arith.constant 0 : i32
        %gather3A_1563 = arith.constant 0 : i32
        %gather3A_1564 = tpu.memref_slice %arg11[%scan3A_1088, %gather3A_1562, %gather3A_1563] : memref<2x256x64xf32, #tpu.memory_space<vmem>> -> memref<1x256x64xf32, #tpu.memory_space<vmem>>
        %gather3A_1565 = tpu.memref_squeeze %gather3A_1564 : memref<1x256x64xf32, #tpu.memory_space<vmem>> -> memref<256x64xf32, #tpu.memory_space<vmem>>
        %gather3A_1566 = tpu.vector_load_idx %gather3A_1565[%add3A_1075, %sub3A_1560] : memref<256x64xf32, #tpu.memory_space<vmem>>[vector<16xi32>, vector<16xi32>], vector<16xf32>,
        %gather3A_1567 = arith.constant 0 : i32
        %gather3A_1568 = arith.constant 0 : i32
        %gather3A_1569 = tpu.memref_slice %arg11[%scan3A_1088, %gather3A_1567, %gather3A_1568] : memref<2x256x64xf32, #tpu.memory_space<vmem>> -> memref<1x256x64xf32, #tpu.memory_space<vmem>>
        %gather3A_1570 = tpu.memref_squeeze %gather3A_1569 : memref<1x256x64xf32, #tpu.memory_space<vmem>> -> memref<256x64xf32, #tpu.memory_space<vmem>>
        %gather3A_1571 = tpu.vector_load_idx %gather3A_1570[%add3A_1085, %sub3A_1560] : memref<256x64xf32, #tpu.memory_space<vmem>>[vector<16xi32>, vector<16xi32>], vector<16xf32>,
        %add3A_1572 = arith.constant 1 : i32
        %add3A_1573 = vector.broadcast %add3A_1572 : i32 to vector<16xi32>
        %add3A_1574 = arith.addi %broadcast_in_dim3A_1559, %add3A_1573 : vector<16xi32>
        %add3A_1575 = arith.constant 1 : i32
        %add3A_1576 = vector.broadcast %add3A_1575 : i32 to vector<16xi32>
        %add3A_1577 = arith.addi %sub3A_1560, %add3A_1576 : vector<16xi32>
        %gather3A_1578 = tpu.vector_load_idx %arg10[%broadcast_in_dim3A, %add3A_1574] : memref<64x128xf32, #tpu.memory_space<vmem>>[vector<16xi32>, vector<16xi32>], vector<16xf32>,
        %gather3A_1579 = arith.constant 0 : i32
        %gather3A_1580 = arith.constant 0 : i32
        %gather3A_1581 = tpu.memref_slice %arg11[%scan3A_1088, %gather3A_1579, %gather3A_1580] : memref<2x256x64xf32, #tpu.memory_space<vmem>> -> memref<1x256x64xf32, #tpu.memory_space<vmem>>
        %gather3A_1582 = tpu.memref_squeeze %gather3A_1581 : memref<1x256x64xf32, #tpu.memory_space<vmem>> -> memref<256x64xf32, #tpu.memory_space<vmem>>
        %gather3A_1583 = tpu.vector_load_idx %gather3A_1582[%add3A_1075, %add3A_1577] : memref<256x64xf32, #tpu.memory_space<vmem>>[vector<16xi32>, vector<16xi32>], vector<16xf32>,
        %gather3A_1584 = arith.constant 0 : i32
        %gather3A_1585 = arith.constant 0 : i32
        %gather3A_1586 = tpu.memref_slice %arg11[%scan3A_1088, %gather3A_1584, %gather3A_1585] : memref<2x256x64xf32, #tpu.memory_space<vmem>> -> memref<1x256x64xf32, #tpu.memory_space<vmem>>
        %gather3A_1587 = tpu.memref_squeeze %gather3A_1586 : memref<1x256x64xf32, #tpu.memory_space<vmem>> -> memref<256x64xf32, #tpu.memory_space<vmem>>
        %gather3A_1588 = tpu.vector_load_idx %gather3A_1587[%add3A_1085, %add3A_1577] : memref<256x64xf32, #tpu.memory_space<vmem>>[vector<16xi32>, vector<16xi32>], vector<16xf32>,
        %mul3A_1589 = arith.mulf %gather3A_1561, %gather3A_1566 : vector<16xf32>
        %add3A_1590 = arith.addf %add3A_1547, %mul3A_1589 : vector<16xf32>
        %mul3A_1591 = arith.mulf %gather3A_1561, %gather3A_1571 : vector<16xf32>
        %add3A_1592 = arith.addf %add3A_1549, %mul3A_1591 : vector<16xf32>
        %mul3A_1593 = arith.mulf %gather3A_1578, %gather3A_1583 : vector<16xf32>
        %add3A_1594 = arith.addf %add3A_1551, %mul3A_1593 : vector<16xf32>
        %mul3A_1595 = arith.mulf %gather3A_1578, %gather3A_1588 : vector<16xf32>
        %add3A_1596 = arith.addf %add3A_1553, %mul3A_1595 : vector<16xf32>
        scf.yield %add3A_1590, %add3A_1592, %add3A_1594, %add3A_1596 : vector<16xf32>, vector<16xf32>, vector<16xf32>, vector<16xf32>
      }
      %scan3A_1094 = arith.constant 32 : i32
      %add3A_1095 = arith.addf %scan3A_1093#0, %scan3A_1093#2 : vector<16xf32>
      %add3A_1096 = arith.addf %scan3A_1093#1, %scan3A_1093#3 : vector<16xf32>
      %reduce_max3A = arith.constant true
      %reduce_max3A_1097 = vector.broadcast %reduce_max3A : i1 to vector<16xi1>
      %reduce_max3A_1098 = tpu.scan <max>, %add3A_1095 masked %reduce_max3A_1097 : vector<16xf32>, vector<16xi1> -> vector<16xf32>
      %reduce_max3A_1099 = vector.extract %reduce_max3A_1098[15] : f32 from vector<16xf32>
      %reduce_max3A_1100 = arith.constant true
      %reduce_max3A_1101 = vector.broadcast %reduce_max3A_1100 : i1 to vector<16xi1>
      %reduce_max3A_1102 = tpu.scan <max>, %add3A_1096 masked %reduce_max3A_1101 : vector<16xf32>, vector<16xi1> -> vector<16xf32>
      %reduce_max3A_1103 = vector.extract %reduce_max3A_1102[15] : f32 from vector<16xf32>
      %max3A = arith.maximumf %reduce_max3A_1099, %reduce_max3A_1103 : f32
      %broadcast_in_dim3A_1104 = vector.broadcast %max3A : f32 to vector<16xf32>
      %sub3A = arith.subf %add3A_1095, %broadcast_in_dim3A_1104 : vector<16xf32>
      %exp3A = math.exp %sub3A : vector<16xf32>
      %lt3A = arith.constant 14 : i32
      %lt3A_1105 = vector.broadcast %lt3A : i32 to vector<16xi32>
      %lt3A_1106 = arith.cmpi slt, %iota3A, %lt3A_1105 : vector<16xi32>
      %sub3A_1107 = arith.subf %add3A_1096, %broadcast_in_dim3A_1104 : vector<16xf32>
      %exp3A_1108 = math.exp %sub3A_1107 : vector<16xf32>
      %broadcast_in_dim3A_1109 = arith.constant 0.000000e+00 : f32
      %broadcast_in_dim3A_1110 = vector.broadcast %broadcast_in_dim3A_1109 : f32 to vector<16xf32>
      %select_n3A = arith.select %lt3A_1106, %exp3A_1108, %broadcast_in_dim3A_1110 : vector<16xi1>, vector<16xf32>
      %reduce_sum3A = arith.constant true
      %reduce_sum3A_1111 = vector.broadcast %reduce_sum3A : i1 to vector<16xi1>
      %reduce_sum3A_1112 = tpu.scan <sum>, %exp3A masked %reduce_sum3A_1111 : vector<16xf32>, vector<16xi1> -> vector<16xf32>
      %reduce_sum3A_1113 = vector.extract %reduce_sum3A_1112[15] : f32 from vector<16xf32>
      %reduce_sum3A_1114 = arith.constant true
      %reduce_sum3A_1115 = vector.broadcast %reduce_sum3A_1114 : i1 to vector<16xi1>
      %reduce_sum3A_1116 = tpu.scan <sum>, %select_n3A masked %reduce_sum3A_1115 : vector<16xf32>, vector<16xi1> -> vector<16xf32>
      %reduce_sum3A_1117 = vector.extract %reduce_sum3A_1116[15] : f32 from vector<16xf32>
      %add3A_1118 = arith.addf %reduce_sum3A_1113, %reduce_sum3A_1117 : f32
      %broadcast_in_dim3A_1119 = arith.constant 1.000000e+00 : f32
      %broadcast_in_dim3A_1120 = vector.broadcast %broadcast_in_dim3A_1119 : f32 to vector<16xf32>
      %broadcast_in_dim3A_1121 = vector.broadcast %add3A_1118 : f32 to vector<16xf32>
      %div3A = arith.divf %broadcast_in_dim3A_1120, %broadcast_in_dim3A_1121 : vector<16xf32>
      %mul3A_1122 = arith.constant 32 : i32
      %mul3A_1123 = arith.muli %add3A_1051, %mul3A_1122 : i32
      %swap3A = arith.index_cast %mul3A_1123 : i32 to index
      %swap3A_1124 = tpu.vector_load %arg12[%swap3A] {strides = array<i32>} : memref<4096xf32, #tpu.memory_space<vmem>>, vector<16xf32>,
      tpu.vector_store %arg12[%swap3A], %add3A_1095 {strides = array<i32>} : memref<4096xf32, #tpu.memory_space<vmem>>, vector<16xf32>,
      %add3A_1125 = arith.constant 16 : i32
      %add3A_1126 = arith.addi %mul3A_1123, %add3A_1125 : i32
      %swap3A_1127 = arith.index_cast %add3A_1126 : i32 to index
      %swap3A_1128 = tpu.vector_load %arg12[%swap3A_1127] {strides = array<i32>} : memref<4096xf32, #tpu.memory_space<vmem>>, vector<16xf32>,
      tpu.vector_store %arg12[%swap3A_1127], %add3A_1096 {strides = array<i32>} : memref<4096xf32, #tpu.memory_space<vmem>>, vector<16xf32>,
      %mul3A_1129 = arith.mulf %exp3A, %div3A : vector<16xf32>
      %swap3A_1130 = arith.index_cast %mul3A_1123 : i32 to index
      %swap3A_1131 = tpu.vector_load %arg13[%swap3A_1130] {strides = array<i32>} : memref<4096xf32, #tpu.memory_space<vmem>>, vector<16xf32>,
      tpu.vector_store %arg13[%swap3A_1130], %mul3A_1129 {strides = array<i32>} : memref<4096xf32, #tpu.memory_space<vmem>>, vector<16xf32>,
      %mul3A_1132 = arith.mulf %select_n3A, %div3A : vector<16xf32>
      %add3A_1133 = arith.constant 16 : i32
      %add3A_1134 = arith.addi %mul3A_1123, %add3A_1133 : i32
      %swap3A_1135 = arith.index_cast %add3A_1134 : i32 to index
      %swap3A_1136 = tpu.vector_load %arg13[%swap3A_1135] {strides = array<i32>} : memref<4096xf32, #tpu.memory_space<vmem>>, vector<16xf32>,
      tpu.vector_store %arg13[%swap3A_1135], %mul3A_1132 {strides = array<i32>} : memref<4096xf32, #tpu.memory_space<vmem>>, vector<16xf32>,
      %add3A_1137 = arith.constant 2 : i32
      %add3A_1138 = arith.addi %add3A_1051, %add3A_1137 : i32
      %lt3A_1139 = arith.constant 128 : i32
      %lt3A_1140 = arith.cmpi slt, %add3A_1138, %lt3A_1139 : i32
      %convert_element_type3A = arith.extui %lt3A_1140 : i1 to i32
      %cond3A = arith.constant 0 : i32
      %cond3A_1141 = arith.cmpi ne, %convert_element_type3A, %cond3A : i32
      scf.if %cond3A_1141 {
        %add3A_1251 = arith.constant 2 : i32
        %add3A_1252 = arith.addi %add3A_1051, %add3A_1251 : i32
        %mul3A_1253 = arith.constant 32 : i32
        %mul3A_1254 = arith.muli %add3A_1252, %mul3A_1253 : i32
        %add3A_1255 = arith.constant 0 : i32
        %add3A_1256 = arith.addi %mul3A_1254, %add3A_1255 : i32
        %get3A_1257 = arith.index_cast %add3A_1256 : i32 to index
        %get3A_1258 = tpu.vector_load %arg8[%get3A_1257] {strides = array<i32>} : memref<4096xi32, #tpu.memory_space<vmem>>, vector<16xi32>,
        %slice3A_1259 = vector.extract_strided_slice %get3A_1258 {offsets = [0], sizes = [1], strides = [1]} : vector<16xi32> to vector<1xi32>
        %squeeze3A_1260 = vector.extract %slice3A_1259[0] : i32 from vector<1xi32>
        %multiple_of3A_1261 = tpu.assume_multiple %squeeze3A_1260, 8 : i32
        %dma_start3A_1262 = arith.constant 0 : i32
        %dma_start3A_1263 = arith.constant 0 : i32
        %dma_start3A_1264 = arith.constant 0 : i32
        %dma_start3A_1265 = tpu.memref_slice %arg11[%dma_start3A_1262, %dma_start3A_1263, %dma_start3A_1264] : memref<2x256x64xf32, #tpu.memory_space<vmem>> -> memref<1x8x64xf32, #tpu.memory_space<vmem>>
        %dma_start3A_1266 = tpu.memref_squeeze %dma_start3A_1265 : memref<1x8x64xf32, #tpu.memory_space<vmem>> -> memref<8x64xf32, #tpu.memory_space<vmem>>
        %dma_start3A_1267 = arith.constant 0 : i32
        %dma_start3A_1268 = tpu.memref_slice %arg5[%multiple_of3A_1261, %dma_start3A_1267] : memref<1000000x64xf32, #tpu.memory_space<hbm>> -> memref<8x64xf32, #tpu.memory_space<hbm>>
        %dma_start3A_1269 = arith.constant 0 : i32
        %dma_start3A_1270 = arith.constant 0 : i32
        %dma_start3A_1271 = tpu.memref_slice %arg11[%dma_start3A_1262, %dma_start3A_1269, %dma_start3A_1270] : memref<2x256x64xf32, #tpu.memory_space<vmem>> -> memref<1x8x64xf32, #tpu.memory_space<vmem>>
        %dma_start3A_1272 = tpu.memref_squeeze %dma_start3A_1271 : memref<1x8x64xf32, #tpu.memory_space<vmem>> -> memref<8x64xf32, #tpu.memory_space<vmem>>
        %dma_start3A_1273 = arith.constant 0 : i32
        %dma_start3A_1274 = tpu.memref_slice %arg5[%multiple_of3A_1261, %dma_start3A_1273] : memref<1000000x64xf32, #tpu.memory_space<hbm>> -> memref<8x64xf32, #tpu.memory_space<hbm>>
        tpu.enqueue_dma source(%dma_start3A_1274 : memref<8x64xf32, #tpu.memory_space<hbm>>) target(%dma_start3A_1272 : memref<8x64xf32, #tpu.memory_space<vmem>>) target_semaphore(%arg14 : memref<!tpu.dma_semaphore, #tpu.memory_space<semaphore_mem>>)
        %slice3A_1275 = vector.extract_strided_slice %get3A_1258 {offsets = [1], sizes = [1], strides = [1]} : vector<16xi32> to vector<1xi32>
        %squeeze3A_1276 = vector.extract %slice3A_1275[0] : i32 from vector<1xi32>
        %multiple_of3A_1277 = tpu.assume_multiple %squeeze3A_1276, 8 : i32
        %dma_start3A_1278 = arith.constant 0 : i32
        %dma_start3A_1279 = arith.constant 8 : i32
        %dma_start3A_1280 = arith.constant 0 : i32
        %dma_start3A_1281 = tpu.memref_slice %arg11[%dma_start3A_1278, %dma_start3A_1279, %dma_start3A_1280] : memref<2x256x64xf32, #tpu.memory_space<vmem>> -> memref<1x8x64xf32, #tpu.memory_space<vmem>>
        %dma_start3A_1282 = tpu.memref_squeeze %dma_start3A_1281 : memref<1x8x64xf32, #tpu.memory_space<vmem>> -> memref<8x64xf32, #tpu.memory_space<vmem>>
        %dma_start3A_1283 = arith.constant 0 : i32
        %dma_start3A_1284 = tpu.memref_slice %arg5[%multiple_of3A_1277, %dma_start3A_1283] : memref<1000000x64xf32, #tpu.memory_space<hbm>> -> memref<8x64xf32, #tpu.memory_space<hbm>>
        %dma_start3A_1285 = arith.constant 8 : i32
        %dma_start3A_1286 = arith.constant 0 : i32
        %dma_start3A_1287 = tpu.memref_slice %arg11[%dma_start3A_1278, %dma_start3A_1285, %dma_start3A_1286] : memref<2x256x64xf32, #tpu.memory_space<vmem>> -> memref<1x8x64xf32, #tpu.memory_space<vmem>>
        %dma_start3A_1288 = tpu.memref_squeeze %dma_start3A_1287 : memref<1x8x64xf32, #tpu.memory_space<vmem>> -> memref<8x64xf32, #tpu.memory_space<vmem>>
        %dma_start3A_1289 = arith.constant 0 : i32
        %dma_start3A_1290 = tpu.memref_slice %arg5[%multiple_of3A_1277, %dma_start3A_1289] : memref<1000000x64xf32, #tpu.memory_space<hbm>> -> memref<8x64xf32, #tpu.memory_space<hbm>>
        tpu.enqueue_dma source(%dma_start3A_1290 : memref<8x64xf32, #tpu.memory_space<hbm>>) target(%dma_start3A_1288 : memref<8x64xf32, #tpu.memory_space<vmem>>) target_semaphore(%arg14 : memref<!tpu.dma_semaphore, #tpu.memory_space<semaphore_mem>>)
        %slice3A_1291 = vector.extract_strided_slice %get3A_1258 {offsets = [2], sizes = [1], strides = [1]} : vector<16xi32> to vector<1xi32>
        %squeeze3A_1292 = vector.extract %slice3A_1291[0] : i32 from vector<1xi32>
        %multiple_of3A_1293 = tpu.assume_multiple %squeeze3A_1292, 8 : i32
        %dma_start3A_1294 = arith.constant 0 : i32
        %dma_start3A_1295 = arith.constant 16 : i32
        %dma_start3A_1296 = arith.constant 0 : i32
        %dma_start3A_1297 = tpu.memref_slice %arg11[%dma_start3A_1294, %dma_start3A_1295, %dma_start3A_1296] : memref<2x256x64xf32, #tpu.memory_space<vmem>> -> memref<1x8x64xf32, #tpu.memory_space<vmem>>
        %dma_start3A_1298 = tpu.memref_squeeze %dma_start3A_1297 : memref<1x8x64xf32, #tpu.memory_space<vmem>> -> memref<8x64xf32, #tpu.memory_space<vmem>>
        %dma_start3A_1299 = arith.constant 0 : i32
        %dma_start3A_1300 = tpu.memref_slice %arg5[%multiple_of3A_1293, %dma_start3A_1299] : memref<1000000x64xf32, #tpu.memory_space<hbm>> -> memref<8x64xf32, #tpu.memory_space<hbm>>
        %dma_start3A_1301 = arith.constant 16 : i32
        %dma_start3A_1302 = arith.constant 0 : i32
        %dma_start3A_1303 = tpu.memref_slice %arg11[%dma_start3A_1294, %dma_start3A_1301, %dma_start3A_1302] : memref<2x256x64xf32, #tpu.memory_space<vmem>> -> memref<1x8x64xf32, #tpu.memory_space<vmem>>
        %dma_start3A_1304 = tpu.memref_squeeze %dma_start3A_1303 : memref<1x8x64xf32, #tpu.memory_space<vmem>> -> memref<8x64xf32, #tpu.memory_space<vmem>>
        %dma_start3A_1305 = arith.constant 0 : i32
        %dma_start3A_1306 = tpu.memref_slice %arg5[%multiple_of3A_1293, %dma_start3A_1305] : memref<1000000x64xf32, #tpu.memory_space<hbm>> -> memref<8x64xf32, #tpu.memory_space<hbm>>
        tpu.enqueue_dma source(%dma_start3A_1306 : memref<8x64xf32, #tpu.memory_space<hbm>>) target(%dma_start3A_1304 : memref<8x64xf32, #tpu.memory_space<vmem>>) target_semaphore(%arg14 : memref<!tpu.dma_semaphore, #tpu.memory_space<semaphore_mem>>)
        %slice3A_1307 = vector.extract_strided_slice %get3A_1258 {offsets = [3], sizes = [1], strides = [1]} : vector<16xi32> to vector<1xi32>
        %squeeze3A_1308 = vector.extract %slice3A_1307[0] : i32 from vector<1xi32>
        %multiple_of3A_1309 = tpu.assume_multiple %squeeze3A_1308, 8 : i32
        %dma_start3A_1310 = arith.constant 0 : i32
        %dma_start3A_1311 = arith.constant 24 : i32
        %dma_start3A_1312 = arith.constant 0 : i32
        %dma_start3A_1313 = tpu.memref_slice %arg11[%dma_start3A_1310, %dma_start3A_1311, %dma_start3A_1312] : memref<2x256x64xf32, #tpu.memory_space<vmem>> -> memref<1x8x64xf32, #tpu.memory_space<vmem>>
        %dma_start3A_1314 = tpu.memref_squeeze %dma_start3A_1313 : memref<1x8x64xf32, #tpu.memory_space<vmem>> -> memref<8x64xf32, #tpu.memory_space<vmem>>
        %dma_start3A_1315 = arith.constant 0 : i32
        %dma_start3A_1316 = tpu.memref_slice %arg5[%multiple_of3A_1309, %dma_start3A_1315] : memref<1000000x64xf32, #tpu.memory_space<hbm>> -> memref<8x64xf32, #tpu.memory_space<hbm>>
        %dma_start3A_1317 = arith.constant 24 : i32
        %dma_start3A_1318 = arith.constant 0 : i32
        %dma_start3A_1319 = tpu.memref_slice %arg11[%dma_start3A_1310, %dma_start3A_1317, %dma_start3A_1318] : memref<2x256x64xf32, #tpu.memory_space<vmem>> -> memref<1x8x64xf32, #tpu.memory_space<vmem>>
        %dma_start3A_1320 = tpu.memref_squeeze %dma_start3A_1319 : memref<1x8x64xf32, #tpu.memory_space<vmem>> -> memref<8x64xf32, #tpu.memory_space<vmem>>
        %dma_start3A_1321 = arith.constant 0 : i32
        %dma_start3A_1322 = tpu.memref_slice %arg5[%multiple_of3A_1309, %dma_start3A_1321] : memref<1000000x64xf32, #tpu.memory_space<hbm>> -> memref<8x64xf32, #tpu.memory_space<hbm>>
        tpu.enqueue_dma source(%dma_start3A_1322 : memref<8x64xf32, #tpu.memory_space<hbm>>) target(%dma_start3A_1320 : memref<8x64xf32, #tpu.memory_space<vmem>>) target_semaphore(%arg14 : memref<!tpu.dma_semaphore, #tpu.memory_space<semaphore_mem>>)
        %slice3A_1323 = vector.extract_strided_slice %get3A_1258 {offsets = [4], sizes = [1], strides = [1]} : vector<16xi32> to vector<1xi32>
        %squeeze3A_1324 = vector.extract %slice3A_1323[0] : i32 from vector<1xi32>
        %multiple_of3A_1325 = tpu.assume_multiple %squeeze3A_1324, 8 : i32
        %dma_start3A_1326 = arith.constant 0 : i32
        %dma_start3A_1327 = arith.constant 32 : i32
        %dma_start3A_1328 = arith.constant 0 : i32
        %dma_start3A_1329 = tpu.memref_slice %arg11[%dma_start3A_1326, %dma_start3A_1327, %dma_start3A_1328] : memref<2x256x64xf32, #tpu.memory_space<vmem>> -> memref<1x8x64xf32, #tpu.memory_space<vmem>>
        %dma_start3A_1330 = tpu.memref_squeeze %dma_start3A_1329 : memref<1x8x64xf32, #tpu.memory_space<vmem>> -> memref<8x64xf32, #tpu.memory_space<vmem>>
        %dma_start3A_1331 = arith.constant 0 : i32
        %dma_start3A_1332 = tpu.memref_slice %arg5[%multiple_of3A_1325, %dma_start3A_1331] : memref<1000000x64xf32, #tpu.memory_space<hbm>> -> memref<8x64xf32, #tpu.memory_space<hbm>>
        %dma_start3A_1333 = arith.constant 32 : i32
        %dma_start3A_1334 = arith.constant 0 : i32
        %dma_start3A_1335 = tpu.memref_slice %arg11[%dma_start3A_1326, %dma_start3A_1333, %dma_start3A_1334] : memref<2x256x64xf32, #tpu.memory_space<vmem>> -> memref<1x8x64xf32, #tpu.memory_space<vmem>>
        %dma_start3A_1336 = tpu.memref_squeeze %dma_start3A_1335 : memref<1x8x64xf32, #tpu.memory_space<vmem>> -> memref<8x64xf32, #tpu.memory_space<vmem>>
        %dma_start3A_1337 = arith.constant 0 : i32
        %dma_start3A_1338 = tpu.memref_slice %arg5[%multiple_of3A_1325, %dma_start3A_1337] : memref<1000000x64xf32, #tpu.memory_space<hbm>> -> memref<8x64xf32, #tpu.memory_space<hbm>>
        tpu.enqueue_dma source(%dma_start3A_1338 : memref<8x64xf32, #tpu.memory_space<hbm>>) target(%dma_start3A_1336 : memref<8x64xf32, #tpu.memory_space<vmem>>) target_semaphore(%arg14 : memref<!tpu.dma_semaphore, #tpu.memory_space<semaphore_mem>>)
        %slice3A_1339 = vector.extract_strided_slice %get3A_1258 {offsets = [5], sizes = [1], strides = [1]} : vector<16xi32> to vector<1xi32>
        %squeeze3A_1340 = vector.extract %slice3A_1339[0] : i32 from vector<1xi32>
        %multiple_of3A_1341 = tpu.assume_multiple %squeeze3A_1340, 8 : i32
        %dma_start3A_1342 = arith.constant 0 : i32
        %dma_start3A_1343 = arith.constant 40 : i32
        %dma_start3A_1344 = arith.constant 0 : i32
        %dma_start3A_1345 = tpu.memref_slice %arg11[%dma_start3A_1342, %dma_start3A_1343, %dma_start3A_1344] : memref<2x256x64xf32, #tpu.memory_space<vmem>> -> memref<1x8x64xf32, #tpu.memory_space<vmem>>
        %dma_start3A_1346 = tpu.memref_squeeze %dma_start3A_1345 : memref<1x8x64xf32, #tpu.memory_space<vmem>> -> memref<8x64xf32, #tpu.memory_space<vmem>>
        %dma_start3A_1347 = arith.constant 0 : i32
        %dma_start3A_1348 = tpu.memref_slice %arg5[%multiple_of3A_1341, %dma_start3A_1347] : memref<1000000x64xf32, #tpu.memory_space<hbm>> -> memref<8x64xf32, #tpu.memory_space<hbm>>
        %dma_start3A_1349 = arith.constant 40 : i32
        %dma_start3A_1350 = arith.constant 0 : i32
        %dma_start3A_1351 = tpu.memref_slice %arg11[%dma_start3A_1342, %dma_start3A_1349, %dma_start3A_1350] : memref<2x256x64xf32, #tpu.memory_space<vmem>> -> memref<1x8x64xf32, #tpu.memory_space<vmem>>
        %dma_start3A_1352 = tpu.memref_squeeze %dma_start3A_1351 : memref<1x8x64xf32, #tpu.memory_space<vmem>> -> memref<8x64xf32, #tpu.memory_space<vmem>>
        %dma_start3A_1353 = arith.constant 0 : i32
        %dma_start3A_1354 = tpu.memref_slice %arg5[%multiple_of3A_1341, %dma_start3A_1353] : memref<1000000x64xf32, #tpu.memory_space<hbm>> -> memref<8x64xf32, #tpu.memory_space<hbm>>
        tpu.enqueue_dma source(%dma_start3A_1354 : memref<8x64xf32, #tpu.memory_space<hbm>>) target(%dma_start3A_1352 : memref<8x64xf32, #tpu.memory_space<vmem>>) target_semaphore(%arg14 : memref<!tpu.dma_semaphore, #tpu.memory_space<semaphore_mem>>)
        %slice3A_1355 = vector.extract_strided_slice %get3A_1258 {offsets = [6], sizes = [1], strides = [1]} : vector<16xi32> to vector<1xi32>
        %squeeze3A_1356 = vector.extract %slice3A_1355[0] : i32 from vector<1xi32>
        %multiple_of3A_1357 = tpu.assume_multiple %squeeze3A_1356, 8 : i32
        %dma_start3A_1358 = arith.constant 0 : i32
        %dma_start3A_1359 = arith.constant 48 : i32
        %dma_start3A_1360 = arith.constant 0 : i32
        %dma_start3A_1361 = tpu.memref_slice %arg11[%dma_start3A_1358, %dma_start3A_1359, %dma_start3A_1360] : memref<2x256x64xf32, #tpu.memory_space<vmem>> -> memref<1x8x64xf32, #tpu.memory_space<vmem>>
        %dma_start3A_1362 = tpu.memref_squeeze %dma_start3A_1361 : memref<1x8x64xf32, #tpu.memory_space<vmem>> -> memref<8x64xf32, #tpu.memory_space<vmem>>
        %dma_start3A_1363 = arith.constant 0 : i32
        %dma_start3A_1364 = tpu.memref_slice %arg5[%multiple_of3A_1357, %dma_start3A_1363] : memref<1000000x64xf32, #tpu.memory_space<hbm>> -> memref<8x64xf32, #tpu.memory_space<hbm>>
        %dma_start3A_1365 = arith.constant 48 : i32
        %dma_start3A_1366 = arith.constant 0 : i32
        %dma_start3A_1367 = tpu.memref_slice %arg11[%dma_start3A_1358, %dma_start3A_1365, %dma_start3A_1366] : memref<2x256x64xf32, #tpu.memory_space<vmem>> -> memref<1x8x64xf32, #tpu.memory_space<vmem>>
        %dma_start3A_1368 = tpu.memref_squeeze %dma_start3A_1367 : memref<1x8x64xf32, #tpu.memory_space<vmem>> -> memref<8x64xf32, #tpu.memory_space<vmem>>
        %dma_start3A_1369 = arith.constant 0 : i32
        %dma_start3A_1370 = tpu.memref_slice %arg5[%multiple_of3A_1357, %dma_start3A_1369] : memref<1000000x64xf32, #tpu.memory_space<hbm>> -> memref<8x64xf32, #tpu.memory_space<hbm>>
        tpu.enqueue_dma source(%dma_start3A_1370 : memref<8x64xf32, #tpu.memory_space<hbm>>) target(%dma_start3A_1368 : memref<8x64xf32, #tpu.memory_space<vmem>>) target_semaphore(%arg14 : memref<!tpu.dma_semaphore, #tpu.memory_space<semaphore_mem>>)
        %slice3A_1371 = vector.extract_strided_slice %get3A_1258 {offsets = [7], sizes = [1], strides = [1]} : vector<16xi32> to vector<1xi32>
        %squeeze3A_1372 = vector.extract %slice3A_1371[0] : i32 from vector<1xi32>
        %multiple_of3A_1373 = tpu.assume_multiple %squeeze3A_1372, 8 : i32
        %dma_start3A_1374 = arith.constant 0 : i32
        %dma_start3A_1375 = arith.constant 56 : i32
        %dma_start3A_1376 = arith.constant 0 : i32
        %dma_start3A_1377 = tpu.memref_slice %arg11[%dma_start3A_1374, %dma_start3A_1375, %dma_start3A_1376] : memref<2x256x64xf32, #tpu.memory_space<vmem>> -> memref<1x8x64xf32, #tpu.memory_space<vmem>>
        %dma_start3A_1378 = tpu.memref_squeeze %dma_start3A_1377 : memref<1x8x64xf32, #tpu.memory_space<vmem>> -> memref<8x64xf32, #tpu.memory_space<vmem>>
        %dma_start3A_1379 = arith.constant 0 : i32
        %dma_start3A_1380 = tpu.memref_slice %arg5[%multiple_of3A_1373, %dma_start3A_1379] : memref<1000000x64xf32, #tpu.memory_space<hbm>> -> memref<8x64xf32, #tpu.memory_space<hbm>>
        %dma_start3A_1381 = arith.constant 56 : i32
        %dma_start3A_1382 = arith.constant 0 : i32
        %dma_start3A_1383 = tpu.memref_slice %arg11[%dma_start3A_1374, %dma_start3A_1381, %dma_start3A_1382] : memref<2x256x64xf32, #tpu.memory_space<vmem>> -> memref<1x8x64xf32, #tpu.memory_space<vmem>>
        %dma_start3A_1384 = tpu.memref_squeeze %dma_start3A_1383 : memref<1x8x64xf32, #tpu.memory_space<vmem>> -> memref<8x64xf32, #tpu.memory_space<vmem>>
        %dma_start3A_1385 = arith.constant 0 : i32
        %dma_start3A_1386 = tpu.memref_slice %arg5[%multiple_of3A_1373, %dma_start3A_1385] : memref<1000000x64xf32, #tpu.memory_space<hbm>> -> memref<8x64xf32, #tpu.memory_space<hbm>>
        tpu.enqueue_dma source(%dma_start3A_1386 : memref<8x64xf32, #tpu.memory_space<hbm>>) target(%dma_start3A_1384 : memref<8x64xf32, #tpu.memory_space<vmem>>) target_semaphore(%arg14 : memref<!tpu.dma_semaphore, #tpu.memory_space<semaphore_mem>>)
        %slice3A_1387 = vector.extract_strided_slice %get3A_1258 {offsets = [8], sizes = [1], strides = [1]} : vector<16xi32> to vector<1xi32>
        %squeeze3A_1388 = vector.extract %slice3A_1387[0] : i32 from vector<1xi32>
        %multiple_of3A_1389 = tpu.assume_multiple %squeeze3A_1388, 8 : i32
        %dma_start3A_1390 = arith.constant 0 : i32
        %dma_start3A_1391 = arith.constant 64 : i32
        %dma_start3A_1392 = arith.constant 0 : i32
        %dma_start3A_1393 = tpu.memref_slice %arg11[%dma_start3A_1390, %dma_start3A_1391, %dma_start3A_1392] : memref<2x256x64xf32, #tpu.memory_space<vmem>> -> memref<1x8x64xf32, #tpu.memory_space<vmem>>
        %dma_start3A_1394 = tpu.memref_squeeze %dma_start3A_1393 : memref<1x8x64xf32, #tpu.memory_space<vmem>> -> memref<8x64xf32, #tpu.memory_space<vmem>>
        %dma_start3A_1395 = arith.constant 0 : i32
        %dma_start3A_1396 = tpu.memref_slice %arg5[%multiple_of3A_1389, %dma_start3A_1395] : memref<1000000x64xf32, #tpu.memory_space<hbm>> -> memref<8x64xf32, #tpu.memory_space<hbm>>
        %dma_start3A_1397 = arith.constant 64 : i32
        %dma_start3A_1398 = arith.constant 0 : i32
        %dma_start3A_1399 = tpu.memref_slice %arg11[%dma_start3A_1390, %dma_start3A_1397, %dma_start3A_1398] : memref<2x256x64xf32, #tpu.memory_space<vmem>> -> memref<1x8x64xf32, #tpu.memory_space<vmem>>
        %dma_start3A_1400 = tpu.memref_squeeze %dma_start3A_1399 : memref<1x8x64xf32, #tpu.memory_space<vmem>> -> memref<8x64xf32, #tpu.memory_space<vmem>>
        %dma_start3A_1401 = arith.constant 0 : i32
        %dma_start3A_1402 = tpu.memref_slice %arg5[%multiple_of3A_1389, %dma_start3A_1401] : memref<1000000x64xf32, #tpu.memory_space<hbm>> -> memref<8x64xf32, #tpu.memory_space<hbm>>
        tpu.enqueue_dma source(%dma_start3A_1402 : memref<8x64xf32, #tpu.memory_space<hbm>>) target(%dma_start3A_1400 : memref<8x64xf32, #tpu.memory_space<vmem>>) target_semaphore(%arg14 : memref<!tpu.dma_semaphore, #tpu.memory_space<semaphore_mem>>)
        %slice3A_1403 = vector.extract_strided_slice %get3A_1258 {offsets = [9], sizes = [1], strides = [1]} : vector<16xi32> to vector<1xi32>
        %squeeze3A_1404 = vector.extract %slice3A_1403[0] : i32 from vector<1xi32>
        %multiple_of3A_1405 = tpu.assume_multiple %squeeze3A_1404, 8 : i32
        %dma_start3A_1406 = arith.constant 0 : i32
        %dma_start3A_1407 = arith.constant 72 : i32
        %dma_start3A_1408 = arith.constant 0 : i32
        %dma_start3A_1409 = tpu.memref_slice %arg11[%dma_start3A_1406, %dma_start3A_1407, %dma_start3A_1408] : memref<2x256x64xf32, #tpu.memory_space<vmem>> -> memref<1x8x64xf32, #tpu.memory_space<vmem>>
        %dma_start3A_1410 = tpu.memref_squeeze %dma_start3A_1409 : memref<1x8x64xf32, #tpu.memory_space<vmem>> -> memref<8x64xf32, #tpu.memory_space<vmem>>
        %dma_start3A_1411 = arith.constant 0 : i32
        %dma_start3A_1412 = tpu.memref_slice %arg5[%multiple_of3A_1405, %dma_start3A_1411] : memref<1000000x64xf32, #tpu.memory_space<hbm>> -> memref<8x64xf32, #tpu.memory_space<hbm>>
        %dma_start3A_1413 = arith.constant 72 : i32
        %dma_start3A_1414 = arith.constant 0 : i32
        %dma_start3A_1415 = tpu.memref_slice %arg11[%dma_start3A_1406, %dma_start3A_1413, %dma_start3A_1414] : memref<2x256x64xf32, #tpu.memory_space<vmem>> -> memref<1x8x64xf32, #tpu.memory_space<vmem>>
        %dma_start3A_1416 = tpu.memref_squeeze %dma_start3A_1415 : memref<1x8x64xf32, #tpu.memory_space<vmem>> -> memref<8x64xf32, #tpu.memory_space<vmem>>
        %dma_start3A_1417 = arith.constant 0 : i32
        %dma_start3A_1418 = tpu.memref_slice %arg5[%multiple_of3A_1405, %dma_start3A_1417] : memref<1000000x64xf32, #tpu.memory_space<hbm>> -> memref<8x64xf32, #tpu.memory_space<hbm>>
        tpu.enqueue_dma source(%dma_start3A_1418 : memref<8x64xf32, #tpu.memory_space<hbm>>) target(%dma_start3A_1416 : memref<8x64xf32, #tpu.memory_space<vmem>>) target_semaphore(%arg14 : memref<!tpu.dma_semaphore, #tpu.memory_space<semaphore_mem>>)
        %slice3A_1419 = vector.extract_strided_slice %get3A_1258 {offsets = [10], sizes = [1], strides = [1]} : vector<16xi32> to vector<1xi32>
        %squeeze3A_1420 = vector.extract %slice3A_1419[0] : i32 from vector<1xi32>
        %multiple_of3A_1421 = tpu.assume_multiple %squeeze3A_1420, 8 : i32
        %dma_start3A_1422 = arith.constant 0 : i32
        %dma_start3A_1423 = arith.constant 80 : i32
        %dma_start3A_1424 = arith.constant 0 : i32
        %dma_start3A_1425 = tpu.memref_slice %arg11[%dma_start3A_1422, %dma_start3A_1423, %dma_start3A_1424] : memref<2x256x64xf32, #tpu.memory_space<vmem>> -> memref<1x8x64xf32, #tpu.memory_space<vmem>>
        %dma_start3A_1426 = tpu.memref_squeeze %dma_start3A_1425 : memref<1x8x64xf32, #tpu.memory_space<vmem>> -> memref<8x64xf32, #tpu.memory_space<vmem>>
        %dma_start3A_1427 = arith.constant 0 : i32
        %dma_start3A_1428 = tpu.memref_slice %arg5[%multiple_of3A_1421, %dma_start3A_1427] : memref<1000000x64xf32, #tpu.memory_space<hbm>> -> memref<8x64xf32, #tpu.memory_space<hbm>>
        %dma_start3A_1429 = arith.constant 80 : i32
        %dma_start3A_1430 = arith.constant 0 : i32
        %dma_start3A_1431 = tpu.memref_slice %arg11[%dma_start3A_1422, %dma_start3A_1429, %dma_start3A_1430] : memref<2x256x64xf32, #tpu.memory_space<vmem>> -> memref<1x8x64xf32, #tpu.memory_space<vmem>>
        %dma_start3A_1432 = tpu.memref_squeeze %dma_start3A_1431 : memref<1x8x64xf32, #tpu.memory_space<vmem>> -> memref<8x64xf32, #tpu.memory_space<vmem>>
        %dma_start3A_1433 = arith.constant 0 : i32
        %dma_start3A_1434 = tpu.memref_slice %arg5[%multiple_of3A_1421, %dma_start3A_1433] : memref<1000000x64xf32, #tpu.memory_space<hbm>> -> memref<8x64xf32, #tpu.memory_space<hbm>>
        tpu.enqueue_dma source(%dma_start3A_1434 : memref<8x64xf32, #tpu.memory_space<hbm>>) target(%dma_start3A_1432 : memref<8x64xf32, #tpu.memory_space<vmem>>) target_semaphore(%arg14 : memref<!tpu.dma_semaphore, #tpu.memory_space<semaphore_mem>>)
        %slice3A_1435 = vector.extract_strided_slice %get3A_1258 {offsets = [11], sizes = [1], strides = [1]} : vector<16xi32> to vector<1xi32>
        %squeeze3A_1436 = vector.extract %slice3A_1435[0] : i32 from vector<1xi32>
        %multiple_of3A_1437 = tpu.assume_multiple %squeeze3A_1436, 8 : i32
        %dma_start3A_1438 = arith.constant 0 : i32
        %dma_start3A_1439 = arith.constant 88 : i32
        %dma_start3A_1440 = arith.constant 0 : i32
        %dma_start3A_1441 = tpu.memref_slice %arg11[%dma_start3A_1438, %dma_start3A_1439, %dma_start3A_1440] : memref<2x256x64xf32, #tpu.memory_space<vmem>> -> memref<1x8x64xf32, #tpu.memory_space<vmem>>
        %dma_start3A_1442 = tpu.memref_squeeze %dma_start3A_1441 : memref<1x8x64xf32, #tpu.memory_space<vmem>> -> memref<8x64xf32, #tpu.memory_space<vmem>>
        %dma_start3A_1443 = arith.constant 0 : i32
        %dma_start3A_1444 = tpu.memref_slice %arg5[%multiple_of3A_1437, %dma_start3A_1443] : memref<1000000x64xf32, #tpu.memory_space<hbm>> -> memref<8x64xf32, #tpu.memory_space<hbm>>
        %dma_start3A_1445 = arith.constant 88 : i32
        %dma_start3A_1446 = arith.constant 0 : i32
        %dma_start3A_1447 = tpu.memref_slice %arg11[%dma_start3A_1438, %dma_start3A_1445, %dma_start3A_1446] : memref<2x256x64xf32, #tpu.memory_space<vmem>> -> memref<1x8x64xf32, #tpu.memory_space<vmem>>
        %dma_start3A_1448 = tpu.memref_squeeze %dma_start3A_1447 : memref<1x8x64xf32, #tpu.memory_space<vmem>> -> memref<8x64xf32, #tpu.memory_space<vmem>>
        %dma_start3A_1449 = arith.constant 0 : i32
        %dma_start3A_1450 = tpu.memref_slice %arg5[%multiple_of3A_1437, %dma_start3A_1449] : memref<1000000x64xf32, #tpu.memory_space<hbm>> -> memref<8x64xf32, #tpu.memory_space<hbm>>
        tpu.enqueue_dma source(%dma_start3A_1450 : memref<8x64xf32, #tpu.memory_space<hbm>>) target(%dma_start3A_1448 : memref<8x64xf32, #tpu.memory_space<vmem>>) target_semaphore(%arg14 : memref<!tpu.dma_semaphore, #tpu.memory_space<semaphore_mem>>)
        %slice3A_1451 = vector.extract_strided_slice %get3A_1258 {offsets = [12], sizes = [1], strides = [1]} : vector<16xi32> to vector<1xi32>
        %squeeze3A_1452 = vector.extract %slice3A_1451[0] : i32 from vector<1xi32>
        %multiple_of3A_1453 = tpu.assume_multiple %squeeze3A_1452, 8 : i32
        %dma_start3A_1454 = arith.constant 0 : i32
        %dma_start3A_1455 = arith.constant 96 : i32
        %dma_start3A_1456 = arith.constant 0 : i32
        %dma_start3A_1457 = tpu.memref_slice %arg11[%dma_start3A_1454, %dma_start3A_1455, %dma_start3A_1456] : memref<2x256x64xf32, #tpu.memory_space<vmem>> -> memref<1x8x64xf32, #tpu.memory_space<vmem>>
        %dma_start3A_1458 = tpu.memref_squeeze %dma_start3A_1457 : memref<1x8x64xf32, #tpu.memory_space<vmem>> -> memref<8x64xf32, #tpu.memory_space<vmem>>
        %dma_start3A_1459 = arith.constant 0 : i32
        %dma_start3A_1460 = tpu.memref_slice %arg5[%multiple_of3A_1453, %dma_start3A_1459] : memref<1000000x64xf32, #tpu.memory_space<hbm>> -> memref<8x64xf32, #tpu.memory_space<hbm>>
        %dma_start3A_1461 = arith.constant 96 : i32
        %dma_start3A_1462 = arith.constant 0 : i32
        %dma_start3A_1463 = tpu.memref_slice %arg11[%dma_start3A_1454, %dma_start3A_1461, %dma_start3A_1462] : memref<2x256x64xf32, #tpu.memory_space<vmem>> -> memref<1x8x64xf32, #tpu.memory_space<vmem>>
        %dma_start3A_1464 = tpu.memref_squeeze %dma_start3A_1463 : memref<1x8x64xf32, #tpu.memory_space<vmem>> -> memref<8x64xf32, #tpu.memory_space<vmem>>
        %dma_start3A_1465 = arith.constant 0 : i32
        %dma_start3A_1466 = tpu.memref_slice %arg5[%multiple_of3A_1453, %dma_start3A_1465] : memref<1000000x64xf32, #tpu.memory_space<hbm>> -> memref<8x64xf32, #tpu.memory_space<hbm>>
        tpu.enqueue_dma source(%dma_start3A_1466 : memref<8x64xf32, #tpu.memory_space<hbm>>) target(%dma_start3A_1464 : memref<8x64xf32, #tpu.memory_space<vmem>>) target_semaphore(%arg14 : memref<!tpu.dma_semaphore, #tpu.memory_space<semaphore_mem>>)
        %slice3A_1467 = vector.extract_strided_slice %get3A_1258 {offsets = [13], sizes = [1], strides = [1]} : vector<16xi32> to vector<1xi32>
        %squeeze3A_1468 = vector.extract %slice3A_1467[0] : i32 from vector<1xi32>
        %multiple_of3A_1469 = tpu.assume_multiple %squeeze3A_1468, 8 : i32
        %dma_start3A_1470 = arith.constant 0 : i32
        %dma_start3A_1471 = arith.constant 104 : i32
        %dma_start3A_1472 = arith.constant 0 : i32
        %dma_start3A_1473 = tpu.memref_slice %arg11[%dma_start3A_1470, %dma_start3A_1471, %dma_start3A_1472] : memref<2x256x64xf32, #tpu.memory_space<vmem>> -> memref<1x8x64xf32, #tpu.memory_space<vmem>>
        %dma_start3A_1474 = tpu.memref_squeeze %dma_start3A_1473 : memref<1x8x64xf32, #tpu.memory_space<vmem>> -> memref<8x64xf32, #tpu.memory_space<vmem>>
        %dma_start3A_1475 = arith.constant 0 : i32
        %dma_start3A_1476 = tpu.memref_slice %arg5[%multiple_of3A_1469, %dma_start3A_1475] : memref<1000000x64xf32, #tpu.memory_space<hbm>> -> memref<8x64xf32, #tpu.memory_space<hbm>>
        %dma_start3A_1477 = arith.constant 104 : i32
        %dma_start3A_1478 = arith.constant 0 : i32
        %dma_start3A_1479 = tpu.memref_slice %arg11[%dma_start3A_1470, %dma_start3A_1477, %dma_start3A_1478] : memref<2x256x64xf32, #tpu.memory_space<vmem>> -> memref<1x8x64xf32, #tpu.memory_space<vmem>>
        %dma_start3A_1480 = tpu.memref_squeeze %dma_start3A_1479 : memref<1x8x64xf32, #tpu.memory_space<vmem>> -> memref<8x64xf32, #tpu.memory_space<vmem>>
        %dma_start3A_1481 = arith.constant 0 : i32
        %dma_start3A_1482 = tpu.memref_slice %arg5[%multiple_of3A_1469, %dma_start3A_1481] : memref<1000000x64xf32, #tpu.memory_space<hbm>> -> memref<8x64xf32, #tpu.memory_space<hbm>>
        tpu.enqueue_dma source(%dma_start3A_1482 : memref<8x64xf32, #tpu.memory_space<hbm>>) target(%dma_start3A_1480 : memref<8x64xf32, #tpu.memory_space<vmem>>) target_semaphore(%arg14 : memref<!tpu.dma_semaphore, #tpu.memory_space<semaphore_mem>>)
        %slice3A_1483 = vector.extract_strided_slice %get3A_1258 {offsets = [14], sizes = [1], strides = [1]} : vector<16xi32> to vector<1xi32>
        %squeeze3A_1484 = vector.extract %slice3A_1483[0] : i32 from vector<1xi32>
        %multiple_of3A_1485 = tpu.assume_multiple %squeeze3A_1484, 8 : i32
        %dma_start3A_1486 = arith.constant 0 : i32
        %dma_start3A_1487 = arith.constant 112 : i32
        %dma_start3A_1488 = arith.constant 0 : i32
        %dma_start3A_1489 = tpu.memref_slice %arg11[%dma_start3A_1486, %dma_start3A_1487, %dma_start3A_1488] : memref<2x256x64xf32, #tpu.memory_space<vmem>> -> memref<1x8x64xf32, #tpu.memory_space<vmem>>
        %dma_start3A_1490 = tpu.memref_squeeze %dma_start3A_1489 : memref<1x8x64xf32, #tpu.memory_space<vmem>> -> memref<8x64xf32, #tpu.memory_space<vmem>>
        %dma_start3A_1491 = arith.constant 0 : i32
        %dma_start3A_1492 = tpu.memref_slice %arg5[%multiple_of3A_1485, %dma_start3A_1491] : memref<1000000x64xf32, #tpu.memory_space<hbm>> -> memref<8x64xf32, #tpu.memory_space<hbm>>
        %dma_start3A_1493 = arith.constant 112 : i32
        %dma_start3A_1494 = arith.constant 0 : i32
        %dma_start3A_1495 = tpu.memref_slice %arg11[%dma_start3A_1486, %dma_start3A_1493, %dma_start3A_1494] : memref<2x256x64xf32, #tpu.memory_space<vmem>> -> memref<1x8x64xf32, #tpu.memory_space<vmem>>
        %dma_start3A_1496 = tpu.memref_squeeze %dma_start3A_1495 : memref<1x8x64xf32, #tpu.memory_space<vmem>> -> memref<8x64xf32, #tpu.memory_space<vmem>>
        %dma_start3A_1497 = arith.constant 0 : i32
        %dma_start3A_1498 = tpu.memref_slice %arg5[%multiple_of3A_1485, %dma_start3A_1497] : memref<1000000x64xf32, #tpu.memory_space<hbm>> -> memref<8x64xf32, #tpu.memory_space<hbm>>
        tpu.enqueue_dma source(%dma_start3A_1498 : memref<8x64xf32, #tpu.memory_space<hbm>>) target(%dma_start3A_1496 : memref<8x64xf32, #tpu.memory_space<vmem>>) target_semaphore(%arg14 : memref<!tpu.dma_semaphore, #tpu.memory_space<semaphore_mem>>)
        %slice3A_1499 = vector.extract_strided_slice %get3A_1258 {offsets = [15], sizes = [1], strides = [1]} : vector<16xi32> to vector<1xi32>
        %squeeze3A_1500 = vector.extract %slice3A_1499[0] : i32 from vector<1xi32>
        %multiple_of3A_1501 = tpu.assume_multiple %squeeze3A_1500, 8 : i32
        %dma_start3A_1502 = arith.constant 0 : i32
        %dma_start3A_1503 = arith.constant 120 : i32
        %dma_start3A_1504 = arith.constant 0 : i32
        %dma_start3A_1505 = tpu.memref_slice %arg11[%dma_start3A_1502, %dma_start3A_1503, %dma_start3A_1504] : memref<2x256x64xf32, #tpu.memory_space<vmem>> -> memref<1x8x64xf32, #tpu.memory_space<vmem>>
        %dma_start3A_1506 = tpu.memref_squeeze %dma_start3A_1505 : memref<1x8x64xf32, #tpu.memory_space<vmem>> -> memref<8x64xf32, #tpu.memory_space<vmem>>
        %dma_start3A_1507 = arith.constant 0 : i32
        %dma_start3A_1508 = tpu.memref_slice %arg5[%multiple_of3A_1501, %dma_start3A_1507] : memref<1000000x64xf32, #tpu.memory_space<hbm>> -> memref<8x64xf32, #tpu.memory_space<hbm>>
        %dma_start3A_1509 = arith.constant 120 : i32
        %dma_start3A_1510 = arith.constant 0 : i32
        %dma_start3A_1511 = tpu.memref_slice %arg11[%dma_start3A_1502, %dma_start3A_1509, %dma_start3A_1510] : memref<2x256x64xf32, #tpu.memory_space<vmem>> -> memref<1x8x64xf32, #tpu.memory_space<vmem>>
        %dma_start3A_1512 = tpu.memref_squeeze %dma_start3A_1511 : memref<1x8x64xf32, #tpu.memory_space<vmem>> -> memref<8x64xf32, #tpu.memory_space<vmem>>
        %dma_start3A_1513 = arith.constant 0 : i32
        %dma_start3A_1514 = tpu.memref_slice %arg5[%multiple_of3A_1501, %dma_start3A_1513] : memref<1000000x64xf32, #tpu.memory_space<hbm>> -> memref<8x64xf32, #tpu.memory_space<hbm>>
        tpu.enqueue_dma source(%dma_start3A_1514 : memref<8x64xf32, #tpu.memory_space<hbm>>) target(%dma_start3A_1512 : memref<8x64xf32, #tpu.memory_space<vmem>>) target_semaphore(%arg14 : memref<!tpu.dma_semaphore, #tpu.memory_space<semaphore_mem>>)
        %mul3A_1515 = arith.constant 32 : i32
        %mul3A_1516 = arith.muli %add3A_1252, %mul3A_1515 : i32
        %add3A_1517 = arith.constant 16 : i32
        %add3A_1518 = arith.addi %mul3A_1516, %add3A_1517 : i32
        %get3A_1519 = arith.index_cast %add3A_1518 : i32 to index
        %get3A_1520 = tpu.vector_load %arg8[%get3A_1519] {strides = array<i32>} : memref<4096xi32, #tpu.memory_space<vmem>>, vector<16xi32>,
        %slice3A_1521 = vector.extract_strided_slice %get3A_1520 {offsets = [0], sizes = [1], strides = [1]} : vector<16xi32> to vector<1xi32>
        %squeeze3A_1522 = vector.extract %slice3A_1521[0] : i32 from vector<1xi32>
        %multiple_of3A_1523 = tpu.assume_multiple %squeeze3A_1522, 8 : i32
        %dma_start3A_1524 = arith.constant 0 : i32
        %dma_start3A_1525 = arith.constant 128 : i32
        %dma_start3A_1526 = arith.constant 0 : i32
        %dma_start3A_1527 = tpu.memref_slice %arg11[%dma_start3A_1524, %dma_start3A_1525, %dma_start3A_1526] : memref<2x256x64xf32, #tpu.memory_space<vmem>> -> memref<1x8x64xf32, #tpu.memory_space<vmem>>
        %dma_start3A_1528 = tpu.memref_squeeze %dma_start3A_1527 : memref<1x8x64xf32, #tpu.memory_space<vmem>> -> memref<8x64xf32, #tpu.memory_space<vmem>>
        %dma_start3A_1529 = arith.constant 0 : i32
        %dma_start3A_1530 = tpu.memref_slice %arg5[%multiple_of3A_1523, %dma_start3A_1529] : memref<1000000x64xf32, #tpu.memory_space<hbm>> -> memref<8x64xf32, #tpu.memory_space<hbm>>
        %dma_start3A_1531 = arith.constant 128 : i32
        %dma_start3A_1532 = arith.constant 0 : i32
        %dma_start3A_1533 = tpu.memref_slice %arg11[%dma_start3A_1524, %dma_start3A_1531, %dma_start3A_1532] : memref<2x256x64xf32, #tpu.memory_space<vmem>> -> memref<1x8x64xf32, #tpu.memory_space<vmem>>
        %dma_start3A_1534 = tpu.memref_squeeze %dma_start3A_1533 : memref<1x8x64xf32, #tpu.memory_space<vmem>> -> memref<8x64xf32, #tpu.memory_space<vmem>>
        %dma_start3A_1535 = arith.constant 0 : i32
        %dma_start3A_1536 = tpu.memref_slice %arg5[%multiple_of3A_1523, %dma_start3A_1535] : memref<1000000x64xf32, #tpu.memory_space<hbm>> -> memref<8x64xf32, #tpu.memory_space<hbm>>
        tpu.enqueue_dma source(%dma_start3A_1536 : memref<8x64xf32, #tpu.memory_space<hbm>>) target(%dma_start3A_1534 : memref<8x64xf32, #tpu.memory_space<vmem>>) target_semaphore(%arg14 : memref<!tpu.dma_semaphore, #tpu.memory_space<semaphore_mem>>)
        %slice3A_1537 = vector.extract_strided_slice %get3A_1520 {offsets = [1], sizes = [1], strides = [1]} : vector<16xi32> to vector<1xi32>
        %squeeze3A_1538 = vector.extract %slice3A_1537[0] : i32 from vector<1xi32>
        %multiple_of3A_1539 = tpu.assume_multiple %squeeze3A_1538, 8 : i32
        %dma_start3A_1540 = arith.constant 0 : i32
        %dma_start3A_1541 = arith.constant 136 : i32
        %dma_start3A_1542 = arith.constant 0 : i32
        %dma_start3A_1543 = tpu.memref_slice %arg11[%dma_start3A_1540, %dma_start3A_1541, %dma_start3A_1542] : memref<2x256x64xf32, #tpu.memory_space<vmem>> -> memref<1x8x64xf32, #tpu.memory_space<vmem>>
        %dma_start3A_1544 = tpu.memref_squeeze %dma_start3A_1543 : memref<1x8x64xf32, #tpu.memory_space<vmem>> -> memref<8x64xf32, #tpu.memory_space<vmem>>
        %dma_start3A_1545 = arith.constant 0 : i32
        %dma_start3A_1546 = tpu.memref_slice %arg5[%multiple_of3A_1539, %dma_start3A_1545] : memref<1000000x64xf32, #tpu.memory_space<hbm>> -> memref<8x64xf32, #tpu.memory_space<hbm>>
        %dma_start3A_1547 = arith.constant 136 : i32
        %dma_start3A_1548 = arith.constant 0 : i32
        %dma_start3A_1549 = tpu.memref_slice %arg11[%dma_start3A_1540, %dma_start3A_1547, %dma_start3A_1548] : memref<2x256x64xf32, #tpu.memory_space<vmem>> -> memref<1x8x64xf32, #tpu.memory_space<vmem>>
        %dma_start3A_1550 = tpu.memref_squeeze %dma_start3A_1549 : memref<1x8x64xf32, #tpu.memory_space<vmem>> -> memref<8x64xf32, #tpu.memory_space<vmem>>
        %dma_start3A_1551 = arith.constant 0 : i32
        %dma_start3A_1552 = tpu.memref_slice %arg5[%multiple_of3A_1539, %dma_start3A_1551] : memref<1000000x64xf32, #tpu.memory_space<hbm>> -> memref<8x64xf32, #tpu.memory_space<hbm>>
        tpu.enqueue_dma source(%dma_start3A_1552 : memref<8x64xf32, #tpu.memory_space<hbm>>) target(%dma_start3A_1550 : memref<8x64xf32, #tpu.memory_space<vmem>>) target_semaphore(%arg14 : memref<!tpu.dma_semaphore, #tpu.memory_space<semaphore_mem>>)
        %slice3A_1553 = vector.extract_strided_slice %get3A_1520 {offsets = [2], sizes = [1], strides = [1]} : vector<16xi32> to vector<1xi32>
        %squeeze3A_1554 = vector.extract %slice3A_1553[0] : i32 from vector<1xi32>
        %multiple_of3A_1555 = tpu.assume_multiple %squeeze3A_1554, 8 : i32
        %dma_start3A_1556 = arith.constant 0 : i32
        %dma_start3A_1557 = arith.constant 144 : i32
        %dma_start3A_1558 = arith.constant 0 : i32
        %dma_start3A_1559 = tpu.memref_slice %arg11[%dma_start3A_1556, %dma_start3A_1557, %dma_start3A_1558] : memref<2x256x64xf32, #tpu.memory_space<vmem>> -> memref<1x8x64xf32, #tpu.memory_space<vmem>>
        %dma_start3A_1560 = tpu.memref_squeeze %dma_start3A_1559 : memref<1x8x64xf32, #tpu.memory_space<vmem>> -> memref<8x64xf32, #tpu.memory_space<vmem>>
        %dma_start3A_1561 = arith.constant 0 : i32
        %dma_start3A_1562 = tpu.memref_slice %arg5[%multiple_of3A_1555, %dma_start3A_1561] : memref<1000000x64xf32, #tpu.memory_space<hbm>> -> memref<8x64xf32, #tpu.memory_space<hbm>>
        %dma_start3A_1563 = arith.constant 144 : i32
        %dma_start3A_1564 = arith.constant 0 : i32
        %dma_start3A_1565 = tpu.memref_slice %arg11[%dma_start3A_1556, %dma_start3A_1563, %dma_start3A_1564] : memref<2x256x64xf32, #tpu.memory_space<vmem>> -> memref<1x8x64xf32, #tpu.memory_space<vmem>>
        %dma_start3A_1566 = tpu.memref_squeeze %dma_start3A_1565 : memref<1x8x64xf32, #tpu.memory_space<vmem>> -> memref<8x64xf32, #tpu.memory_space<vmem>>
        %dma_start3A_1567 = arith.constant 0 : i32
        %dma_start3A_1568 = tpu.memref_slice %arg5[%multiple_of3A_1555, %dma_start3A_1567] : memref<1000000x64xf32, #tpu.memory_space<hbm>> -> memref<8x64xf32, #tpu.memory_space<hbm>>
        tpu.enqueue_dma source(%dma_start3A_1568 : memref<8x64xf32, #tpu.memory_space<hbm>>) target(%dma_start3A_1566 : memref<8x64xf32, #tpu.memory_space<vmem>>) target_semaphore(%arg14 : memref<!tpu.dma_semaphore, #tpu.memory_space<semaphore_mem>>)
        %slice3A_1569 = vector.extract_strided_slice %get3A_1520 {offsets = [3], sizes = [1], strides = [1]} : vector<16xi32> to vector<1xi32>
        %squeeze3A_1570 = vector.extract %slice3A_1569[0] : i32 from vector<1xi32>
        %multiple_of3A_1571 = tpu.assume_multiple %squeeze3A_1570, 8 : i32
        %dma_start3A_1572 = arith.constant 0 : i32
        %dma_start3A_1573 = arith.constant 152 : i32
        %dma_start3A_1574 = arith.constant 0 : i32
        %dma_start3A_1575 = tpu.memref_slice %arg11[%dma_start3A_1572, %dma_start3A_1573, %dma_start3A_1574] : memref<2x256x64xf32, #tpu.memory_space<vmem>> -> memref<1x8x64xf32, #tpu.memory_space<vmem>>
        %dma_start3A_1576 = tpu.memref_squeeze %dma_start3A_1575 : memref<1x8x64xf32, #tpu.memory_space<vmem>> -> memref<8x64xf32, #tpu.memory_space<vmem>>
        %dma_start3A_1577 = arith.constant 0 : i32
        %dma_start3A_1578 = tpu.memref_slice %arg5[%multiple_of3A_1571, %dma_start3A_1577] : memref<1000000x64xf32, #tpu.memory_space<hbm>> -> memref<8x64xf32, #tpu.memory_space<hbm>>
        %dma_start3A_1579 = arith.constant 152 : i32
        %dma_start3A_1580 = arith.constant 0 : i32
        %dma_start3A_1581 = tpu.memref_slice %arg11[%dma_start3A_1572, %dma_start3A_1579, %dma_start3A_1580] : memref<2x256x64xf32, #tpu.memory_space<vmem>> -> memref<1x8x64xf32, #tpu.memory_space<vmem>>
        %dma_start3A_1582 = tpu.memref_squeeze %dma_start3A_1581 : memref<1x8x64xf32, #tpu.memory_space<vmem>> -> memref<8x64xf32, #tpu.memory_space<vmem>>
        %dma_start3A_1583 = arith.constant 0 : i32
        %dma_start3A_1584 = tpu.memref_slice %arg5[%multiple_of3A_1571, %dma_start3A_1583] : memref<1000000x64xf32, #tpu.memory_space<hbm>> -> memref<8x64xf32, #tpu.memory_space<hbm>>
        tpu.enqueue_dma source(%dma_start3A_1584 : memref<8x64xf32, #tpu.memory_space<hbm>>) target(%dma_start3A_1582 : memref<8x64xf32, #tpu.memory_space<vmem>>) target_semaphore(%arg14 : memref<!tpu.dma_semaphore, #tpu.memory_space<semaphore_mem>>)
        %slice3A_1585 = vector.extract_strided_slice %get3A_1520 {offsets = [4], sizes = [1], strides = [1]} : vector<16xi32> to vector<1xi32>
        %squeeze3A_1586 = vector.extract %slice3A_1585[0] : i32 from vector<1xi32>
        %multiple_of3A_1587 = tpu.assume_multiple %squeeze3A_1586, 8 : i32
        %dma_start3A_1588 = arith.constant 0 : i32
        %dma_start3A_1589 = arith.constant 160 : i32
        %dma_start3A_1590 = arith.constant 0 : i32
        %dma_start3A_1591 = tpu.memref_slice %arg11[%dma_start3A_1588, %dma_start3A_1589, %dma_start3A_1590] : memref<2x256x64xf32, #tpu.memory_space<vmem>> -> memref<1x8x64xf32, #tpu.memory_space<vmem>>
        %dma_start3A_1592 = tpu.memref_squeeze %dma_start3A_1591 : memref<1x8x64xf32, #tpu.memory_space<vmem>> -> memref<8x64xf32, #tpu.memory_space<vmem>>
        %dma_start3A_1593 = arith.constant 0 : i32
        %dma_start3A_1594 = tpu.memref_slice %arg5[%multiple_of3A_1587, %dma_start3A_1593] : memref<1000000x64xf32, #tpu.memory_space<hbm>> -> memref<8x64xf32, #tpu.memory_space<hbm>>
        %dma_start3A_1595 = arith.constant 160 : i32
        %dma_start3A_1596 = arith.constant 0 : i32
        %dma_start3A_1597 = tpu.memref_slice %arg11[%dma_start3A_1588, %dma_start3A_1595, %dma_start3A_1596] : memref<2x256x64xf32, #tpu.memory_space<vmem>> -> memref<1x8x64xf32, #tpu.memory_space<vmem>>
        %dma_start3A_1598 = tpu.memref_squeeze %dma_start3A_1597 : memref<1x8x64xf32, #tpu.memory_space<vmem>> -> memref<8x64xf32, #tpu.memory_space<vmem>>
        %dma_start3A_1599 = arith.constant 0 : i32
        %dma_start3A_1600 = tpu.memref_slice %arg5[%multiple_of3A_1587, %dma_start3A_1599] : memref<1000000x64xf32, #tpu.memory_space<hbm>> -> memref<8x64xf32, #tpu.memory_space<hbm>>
        tpu.enqueue_dma source(%dma_start3A_1600 : memref<8x64xf32, #tpu.memory_space<hbm>>) target(%dma_start3A_1598 : memref<8x64xf32, #tpu.memory_space<vmem>>) target_semaphore(%arg14 : memref<!tpu.dma_semaphore, #tpu.memory_space<semaphore_mem>>)
        %slice3A_1601 = vector.extract_strided_slice %get3A_1520 {offsets = [5], sizes = [1], strides = [1]} : vector<16xi32> to vector<1xi32>
        %squeeze3A_1602 = vector.extract %slice3A_1601[0] : i32 from vector<1xi32>
        %multiple_of3A_1603 = tpu.assume_multiple %squeeze3A_1602, 8 : i32
        %dma_start3A_1604 = arith.constant 0 : i32
        %dma_start3A_1605 = arith.constant 168 : i32
        %dma_start3A_1606 = arith.constant 0 : i32
        %dma_start3A_1607 = tpu.memref_slice %arg11[%dma_start3A_1604, %dma_start3A_1605, %dma_start3A_1606] : memref<2x256x64xf32, #tpu.memory_space<vmem>> -> memref<1x8x64xf32, #tpu.memory_space<vmem>>
        %dma_start3A_1608 = tpu.memref_squeeze %dma_start3A_1607 : memref<1x8x64xf32, #tpu.memory_space<vmem>> -> memref<8x64xf32, #tpu.memory_space<vmem>>
        %dma_start3A_1609 = arith.constant 0 : i32
        %dma_start3A_1610 = tpu.memref_slice %arg5[%multiple_of3A_1603, %dma_start3A_1609] : memref<1000000x64xf32, #tpu.memory_space<hbm>> -> memref<8x64xf32, #tpu.memory_space<hbm>>
        %dma_start3A_1611 = arith.constant 168 : i32
        %dma_start3A_1612 = arith.constant 0 : i32
        %dma_start3A_1613 = tpu.memref_slice %arg11[%dma_start3A_1604, %dma_start3A_1611, %dma_start3A_1612] : memref<2x256x64xf32, #tpu.memory_space<vmem>> -> memref<1x8x64xf32, #tpu.memory_space<vmem>>
        %dma_start3A_1614 = tpu.memref_squeeze %dma_start3A_1613 : memref<1x8x64xf32, #tpu.memory_space<vmem>> -> memref<8x64xf32, #tpu.memory_space<vmem>>
        %dma_start3A_1615 = arith.constant 0 : i32
        %dma_start3A_1616 = tpu.memref_slice %arg5[%multiple_of3A_1603, %dma_start3A_1615] : memref<1000000x64xf32, #tpu.memory_space<hbm>> -> memref<8x64xf32, #tpu.memory_space<hbm>>
        tpu.enqueue_dma source(%dma_start3A_1616 : memref<8x64xf32, #tpu.memory_space<hbm>>) target(%dma_start3A_1614 : memref<8x64xf32, #tpu.memory_space<vmem>>) target_semaphore(%arg14 : memref<!tpu.dma_semaphore, #tpu.memory_space<semaphore_mem>>)
        %slice3A_1617 = vector.extract_strided_slice %get3A_1520 {offsets = [6], sizes = [1], strides = [1]} : vector<16xi32> to vector<1xi32>
        %squeeze3A_1618 = vector.extract %slice3A_1617[0] : i32 from vector<1xi32>
        %multiple_of3A_1619 = tpu.assume_multiple %squeeze3A_1618, 8 : i32
        %dma_start3A_1620 = arith.constant 0 : i32
        %dma_start3A_1621 = arith.constant 176 : i32
        %dma_start3A_1622 = arith.constant 0 : i32
        %dma_start3A_1623 = tpu.memref_slice %arg11[%dma_start3A_1620, %dma_start3A_1621, %dma_start3A_1622] : memref<2x256x64xf32, #tpu.memory_space<vmem>> -> memref<1x8x64xf32, #tpu.memory_space<vmem>>
        %dma_start3A_1624 = tpu.memref_squeeze %dma_start3A_1623 : memref<1x8x64xf32, #tpu.memory_space<vmem>> -> memref<8x64xf32, #tpu.memory_space<vmem>>
        %dma_start3A_1625 = arith.constant 0 : i32
        %dma_start3A_1626 = tpu.memref_slice %arg5[%multiple_of3A_1619, %dma_start3A_1625] : memref<1000000x64xf32, #tpu.memory_space<hbm>> -> memref<8x64xf32, #tpu.memory_space<hbm>>
        %dma_start3A_1627 = arith.constant 176 : i32
        %dma_start3A_1628 = arith.constant 0 : i32
        %dma_start3A_1629 = tpu.memref_slice %arg11[%dma_start3A_1620, %dma_start3A_1627, %dma_start3A_1628] : memref<2x256x64xf32, #tpu.memory_space<vmem>> -> memref<1x8x64xf32, #tpu.memory_space<vmem>>
        %dma_start3A_1630 = tpu.memref_squeeze %dma_start3A_1629 : memref<1x8x64xf32, #tpu.memory_space<vmem>> -> memref<8x64xf32, #tpu.memory_space<vmem>>
        %dma_start3A_1631 = arith.constant 0 : i32
        %dma_start3A_1632 = tpu.memref_slice %arg5[%multiple_of3A_1619, %dma_start3A_1631] : memref<1000000x64xf32, #tpu.memory_space<hbm>> -> memref<8x64xf32, #tpu.memory_space<hbm>>
        tpu.enqueue_dma source(%dma_start3A_1632 : memref<8x64xf32, #tpu.memory_space<hbm>>) target(%dma_start3A_1630 : memref<8x64xf32, #tpu.memory_space<vmem>>) target_semaphore(%arg14 : memref<!tpu.dma_semaphore, #tpu.memory_space<semaphore_mem>>)
        %slice3A_1633 = vector.extract_strided_slice %get3A_1520 {offsets = [7], sizes = [1], strides = [1]} : vector<16xi32> to vector<1xi32>
        %squeeze3A_1634 = vector.extract %slice3A_1633[0] : i32 from vector<1xi32>
        %multiple_of3A_1635 = tpu.assume_multiple %squeeze3A_1634, 8 : i32
        %dma_start3A_1636 = arith.constant 0 : i32
        %dma_start3A_1637 = arith.constant 184 : i32
        %dma_start3A_1638 = arith.constant 0 : i32
        %dma_start3A_1639 = tpu.memref_slice %arg11[%dma_start3A_1636, %dma_start3A_1637, %dma_start3A_1638] : memref<2x256x64xf32, #tpu.memory_space<vmem>> -> memref<1x8x64xf32, #tpu.memory_space<vmem>>
        %dma_start3A_1640 = tpu.memref_squeeze %dma_start3A_1639 : memref<1x8x64xf32, #tpu.memory_space<vmem>> -> memref<8x64xf32, #tpu.memory_space<vmem>>
        %dma_start3A_1641 = arith.constant 0 : i32
        %dma_start3A_1642 = tpu.memref_slice %arg5[%multiple_of3A_1635, %dma_start3A_1641] : memref<1000000x64xf32, #tpu.memory_space<hbm>> -> memref<8x64xf32, #tpu.memory_space<hbm>>
        %dma_start3A_1643 = arith.constant 184 : i32
        %dma_start3A_1644 = arith.constant 0 : i32
        %dma_start3A_1645 = tpu.memref_slice %arg11[%dma_start3A_1636, %dma_start3A_1643, %dma_start3A_1644] : memref<2x256x64xf32, #tpu.memory_space<vmem>> -> memref<1x8x64xf32, #tpu.memory_space<vmem>>
        %dma_start3A_1646 = tpu.memref_squeeze %dma_start3A_1645 : memref<1x8x64xf32, #tpu.memory_space<vmem>> -> memref<8x64xf32, #tpu.memory_space<vmem>>
        %dma_start3A_1647 = arith.constant 0 : i32
        %dma_start3A_1648 = tpu.memref_slice %arg5[%multiple_of3A_1635, %dma_start3A_1647] : memref<1000000x64xf32, #tpu.memory_space<hbm>> -> memref<8x64xf32, #tpu.memory_space<hbm>>
        tpu.enqueue_dma source(%dma_start3A_1648 : memref<8x64xf32, #tpu.memory_space<hbm>>) target(%dma_start3A_1646 : memref<8x64xf32, #tpu.memory_space<vmem>>) target_semaphore(%arg14 : memref<!tpu.dma_semaphore, #tpu.memory_space<semaphore_mem>>)
        %slice3A_1649 = vector.extract_strided_slice %get3A_1520 {offsets = [8], sizes = [1], strides = [1]} : vector<16xi32> to vector<1xi32>
        %squeeze3A_1650 = vector.extract %slice3A_1649[0] : i32 from vector<1xi32>
        %multiple_of3A_1651 = tpu.assume_multiple %squeeze3A_1650, 8 : i32
        %dma_start3A_1652 = arith.constant 0 : i32
        %dma_start3A_1653 = arith.constant 192 : i32
        %dma_start3A_1654 = arith.constant 0 : i32
        %dma_start3A_1655 = tpu.memref_slice %arg11[%dma_start3A_1652, %dma_start3A_1653, %dma_start3A_1654] : memref<2x256x64xf32, #tpu.memory_space<vmem>> -> memref<1x8x64xf32, #tpu.memory_space<vmem>>
        %dma_start3A_1656 = tpu.memref_squeeze %dma_start3A_1655 : memref<1x8x64xf32, #tpu.memory_space<vmem>> -> memref<8x64xf32, #tpu.memory_space<vmem>>
        %dma_start3A_1657 = arith.constant 0 : i32
        %dma_start3A_1658 = tpu.memref_slice %arg5[%multiple_of3A_1651, %dma_start3A_1657] : memref<1000000x64xf32, #tpu.memory_space<hbm>> -> memref<8x64xf32, #tpu.memory_space<hbm>>
        %dma_start3A_1659 = arith.constant 192 : i32
        %dma_start3A_1660 = arith.constant 0 : i32
        %dma_start3A_1661 = tpu.memref_slice %arg11[%dma_start3A_1652, %dma_start3A_1659, %dma_start3A_1660] : memref<2x256x64xf32, #tpu.memory_space<vmem>> -> memref<1x8x64xf32, #tpu.memory_space<vmem>>
        %dma_start3A_1662 = tpu.memref_squeeze %dma_start3A_1661 : memref<1x8x64xf32, #tpu.memory_space<vmem>> -> memref<8x64xf32, #tpu.memory_space<vmem>>
        %dma_start3A_1663 = arith.constant 0 : i32
        %dma_start3A_1664 = tpu.memref_slice %arg5[%multiple_of3A_1651, %dma_start3A_1663] : memref<1000000x64xf32, #tpu.memory_space<hbm>> -> memref<8x64xf32, #tpu.memory_space<hbm>>
        tpu.enqueue_dma source(%dma_start3A_1664 : memref<8x64xf32, #tpu.memory_space<hbm>>) target(%dma_start3A_1662 : memref<8x64xf32, #tpu.memory_space<vmem>>) target_semaphore(%arg14 : memref<!tpu.dma_semaphore, #tpu.memory_space<semaphore_mem>>)
        %slice3A_1665 = vector.extract_strided_slice %get3A_1520 {offsets = [9], sizes = [1], strides = [1]} : vector<16xi32> to vector<1xi32>
        %squeeze3A_1666 = vector.extract %slice3A_1665[0] : i32 from vector<1xi32>
        %multiple_of3A_1667 = tpu.assume_multiple %squeeze3A_1666, 8 : i32
        %dma_start3A_1668 = arith.constant 0 : i32
        %dma_start3A_1669 = arith.constant 200 : i32
        %dma_start3A_1670 = arith.constant 0 : i32
        %dma_start3A_1671 = tpu.memref_slice %arg11[%dma_start3A_1668, %dma_start3A_1669, %dma_start3A_1670] : memref<2x256x64xf32, #tpu.memory_space<vmem>> -> memref<1x8x64xf32, #tpu.memory_space<vmem>>
        %dma_start3A_1672 = tpu.memref_squeeze %dma_start3A_1671 : memref<1x8x64xf32, #tpu.memory_space<vmem>> -> memref<8x64xf32, #tpu.memory_space<vmem>>
        %dma_start3A_1673 = arith.constant 0 : i32
        %dma_start3A_1674 = tpu.memref_slice %arg5[%multiple_of3A_1667, %dma_start3A_1673] : memref<1000000x64xf32, #tpu.memory_space<hbm>> -> memref<8x64xf32, #tpu.memory_space<hbm>>
        %dma_start3A_1675 = arith.constant 200 : i32
        %dma_start3A_1676 = arith.constant 0 : i32
        %dma_start3A_1677 = tpu.memref_slice %arg11[%dma_start3A_1668, %dma_start3A_1675, %dma_start3A_1676] : memref<2x256x64xf32, #tpu.memory_space<vmem>> -> memref<1x8x64xf32, #tpu.memory_space<vmem>>
        %dma_start3A_1678 = tpu.memref_squeeze %dma_start3A_1677 : memref<1x8x64xf32, #tpu.memory_space<vmem>> -> memref<8x64xf32, #tpu.memory_space<vmem>>
        %dma_start3A_1679 = arith.constant 0 : i32
        %dma_start3A_1680 = tpu.memref_slice %arg5[%multiple_of3A_1667, %dma_start3A_1679] : memref<1000000x64xf32, #tpu.memory_space<hbm>> -> memref<8x64xf32, #tpu.memory_space<hbm>>
        tpu.enqueue_dma source(%dma_start3A_1680 : memref<8x64xf32, #tpu.memory_space<hbm>>) target(%dma_start3A_1678 : memref<8x64xf32, #tpu.memory_space<vmem>>) target_semaphore(%arg14 : memref<!tpu.dma_semaphore, #tpu.memory_space<semaphore_mem>>)
        %slice3A_1681 = vector.extract_strided_slice %get3A_1520 {offsets = [10], sizes = [1], strides = [1]} : vector<16xi32> to vector<1xi32>
        %squeeze3A_1682 = vector.extract %slice3A_1681[0] : i32 from vector<1xi32>
        %multiple_of3A_1683 = tpu.assume_multiple %squeeze3A_1682, 8 : i32
        %dma_start3A_1684 = arith.constant 0 : i32
        %dma_start3A_1685 = arith.constant 208 : i32
        %dma_start3A_1686 = arith.constant 0 : i32
        %dma_start3A_1687 = tpu.memref_slice %arg11[%dma_start3A_1684, %dma_start3A_1685, %dma_start3A_1686] : memref<2x256x64xf32, #tpu.memory_space<vmem>> -> memref<1x8x64xf32, #tpu.memory_space<vmem>>
        %dma_start3A_1688 = tpu.memref_squeeze %dma_start3A_1687 : memref<1x8x64xf32, #tpu.memory_space<vmem>> -> memref<8x64xf32, #tpu.memory_space<vmem>>
        %dma_start3A_1689 = arith.constant 0 : i32
        %dma_start3A_1690 = tpu.memref_slice %arg5[%multiple_of3A_1683, %dma_start3A_1689] : memref<1000000x64xf32, #tpu.memory_space<hbm>> -> memref<8x64xf32, #tpu.memory_space<hbm>>
        %dma_start3A_1691 = arith.constant 208 : i32
        %dma_start3A_1692 = arith.constant 0 : i32
        %dma_start3A_1693 = tpu.memref_slice %arg11[%dma_start3A_1684, %dma_start3A_1691, %dma_start3A_1692] : memref<2x256x64xf32, #tpu.memory_space<vmem>> -> memref<1x8x64xf32, #tpu.memory_space<vmem>>
        %dma_start3A_1694 = tpu.memref_squeeze %dma_start3A_1693 : memref<1x8x64xf32, #tpu.memory_space<vmem>> -> memref<8x64xf32, #tpu.memory_space<vmem>>
        %dma_start3A_1695 = arith.constant 0 : i32
        %dma_start3A_1696 = tpu.memref_slice %arg5[%multiple_of3A_1683, %dma_start3A_1695] : memref<1000000x64xf32, #tpu.memory_space<hbm>> -> memref<8x64xf32, #tpu.memory_space<hbm>>
        tpu.enqueue_dma source(%dma_start3A_1696 : memref<8x64xf32, #tpu.memory_space<hbm>>) target(%dma_start3A_1694 : memref<8x64xf32, #tpu.memory_space<vmem>>) target_semaphore(%arg14 : memref<!tpu.dma_semaphore, #tpu.memory_space<semaphore_mem>>)
        %slice3A_1697 = vector.extract_strided_slice %get3A_1520 {offsets = [11], sizes = [1], strides = [1]} : vector<16xi32> to vector<1xi32>
        %squeeze3A_1698 = vector.extract %slice3A_1697[0] : i32 from vector<1xi32>
        %multiple_of3A_1699 = tpu.assume_multiple %squeeze3A_1698, 8 : i32
        %dma_start3A_1700 = arith.constant 0 : i32
        %dma_start3A_1701 = arith.constant 216 : i32
        %dma_start3A_1702 = arith.constant 0 : i32
        %dma_start3A_1703 = tpu.memref_slice %arg11[%dma_start3A_1700, %dma_start3A_1701, %dma_start3A_1702] : memref<2x256x64xf32, #tpu.memory_space<vmem>> -> memref<1x8x64xf32, #tpu.memory_space<vmem>>
        %dma_start3A_1704 = tpu.memref_squeeze %dma_start3A_1703 : memref<1x8x64xf32, #tpu.memory_space<vmem>> -> memref<8x64xf32, #tpu.memory_space<vmem>>
        %dma_start3A_1705 = arith.constant 0 : i32
        %dma_start3A_1706 = tpu.memref_slice %arg5[%multiple_of3A_1699, %dma_start3A_1705] : memref<1000000x64xf32, #tpu.memory_space<hbm>> -> memref<8x64xf32, #tpu.memory_space<hbm>>
        %dma_start3A_1707 = arith.constant 216 : i32
        %dma_start3A_1708 = arith.constant 0 : i32
        %dma_start3A_1709 = tpu.memref_slice %arg11[%dma_start3A_1700, %dma_start3A_1707, %dma_start3A_1708] : memref<2x256x64xf32, #tpu.memory_space<vmem>> -> memref<1x8x64xf32, #tpu.memory_space<vmem>>
        %dma_start3A_1710 = tpu.memref_squeeze %dma_start3A_1709 : memref<1x8x64xf32, #tpu.memory_space<vmem>> -> memref<8x64xf32, #tpu.memory_space<vmem>>
        %dma_start3A_1711 = arith.constant 0 : i32
        %dma_start3A_1712 = tpu.memref_slice %arg5[%multiple_of3A_1699, %dma_start3A_1711] : memref<1000000x64xf32, #tpu.memory_space<hbm>> -> memref<8x64xf32, #tpu.memory_space<hbm>>
        tpu.enqueue_dma source(%dma_start3A_1712 : memref<8x64xf32, #tpu.memory_space<hbm>>) target(%dma_start3A_1710 : memref<8x64xf32, #tpu.memory_space<vmem>>) target_semaphore(%arg14 : memref<!tpu.dma_semaphore, #tpu.memory_space<semaphore_mem>>)
        %slice3A_1713 = vector.extract_strided_slice %get3A_1520 {offsets = [12], sizes = [1], strides = [1]} : vector<16xi32> to vector<1xi32>
        %squeeze3A_1714 = vector.extract %slice3A_1713[0] : i32 from vector<1xi32>
        %multiple_of3A_1715 = tpu.assume_multiple %squeeze3A_1714, 8 : i32
        %dma_start3A_1716 = arith.constant 0 : i32
        %dma_start3A_1717 = arith.constant 224 : i32
        %dma_start3A_1718 = arith.constant 0 : i32
        %dma_start3A_1719 = tpu.memref_slice %arg11[%dma_start3A_1716, %dma_start3A_1717, %dma_start3A_1718] : memref<2x256x64xf32, #tpu.memory_space<vmem>> -> memref<1x8x64xf32, #tpu.memory_space<vmem>>
        %dma_start3A_1720 = tpu.memref_squeeze %dma_start3A_1719 : memref<1x8x64xf32, #tpu.memory_space<vmem>> -> memref<8x64xf32, #tpu.memory_space<vmem>>
        %dma_start3A_1721 = arith.constant 0 : i32
        %dma_start3A_1722 = tpu.memref_slice %arg5[%multiple_of3A_1715, %dma_start3A_1721] : memref<1000000x64xf32, #tpu.memory_space<hbm>> -> memref<8x64xf32, #tpu.memory_space<hbm>>
        %dma_start3A_1723 = arith.constant 224 : i32
        %dma_start3A_1724 = arith.constant 0 : i32
        %dma_start3A_1725 = tpu.memref_slice %arg11[%dma_start3A_1716, %dma_start3A_1723, %dma_start3A_1724] : memref<2x256x64xf32, #tpu.memory_space<vmem>> -> memref<1x8x64xf32, #tpu.memory_space<vmem>>
        %dma_start3A_1726 = tpu.memref_squeeze %dma_start3A_1725 : memref<1x8x64xf32, #tpu.memory_space<vmem>> -> memref<8x64xf32, #tpu.memory_space<vmem>>
        %dma_start3A_1727 = arith.constant 0 : i32
        %dma_start3A_1728 = tpu.memref_slice %arg5[%multiple_of3A_1715, %dma_start3A_1727] : memref<1000000x64xf32, #tpu.memory_space<hbm>> -> memref<8x64xf32, #tpu.memory_space<hbm>>
        tpu.enqueue_dma source(%dma_start3A_1728 : memref<8x64xf32, #tpu.memory_space<hbm>>) target(%dma_start3A_1726 : memref<8x64xf32, #tpu.memory_space<vmem>>) target_semaphore(%arg14 : memref<!tpu.dma_semaphore, #tpu.memory_space<semaphore_mem>>)
        %slice3A_1729 = vector.extract_strided_slice %get3A_1520 {offsets = [13], sizes = [1], strides = [1]} : vector<16xi32> to vector<1xi32>
        %squeeze3A_1730 = vector.extract %slice3A_1729[0] : i32 from vector<1xi32>
        %multiple_of3A_1731 = tpu.assume_multiple %squeeze3A_1730, 8 : i32
        %dma_start3A_1732 = arith.constant 0 : i32
        %dma_start3A_1733 = arith.constant 232 : i32
        %dma_start3A_1734 = arith.constant 0 : i32
        %dma_start3A_1735 = tpu.memref_slice %arg11[%dma_start3A_1732, %dma_start3A_1733, %dma_start3A_1734] : memref<2x256x64xf32, #tpu.memory_space<vmem>> -> memref<1x8x64xf32, #tpu.memory_space<vmem>>
        %dma_start3A_1736 = tpu.memref_squeeze %dma_start3A_1735 : memref<1x8x64xf32, #tpu.memory_space<vmem>> -> memref<8x64xf32, #tpu.memory_space<vmem>>
        %dma_start3A_1737 = arith.constant 0 : i32
        %dma_start3A_1738 = tpu.memref_slice %arg5[%multiple_of3A_1731, %dma_start3A_1737] : memref<1000000x64xf32, #tpu.memory_space<hbm>> -> memref<8x64xf32, #tpu.memory_space<hbm>>
        %dma_start3A_1739 = arith.constant 232 : i32
        %dma_start3A_1740 = arith.constant 0 : i32
        %dma_start3A_1741 = tpu.memref_slice %arg11[%dma_start3A_1732, %dma_start3A_1739, %dma_start3A_1740] : memref<2x256x64xf32, #tpu.memory_space<vmem>> -> memref<1x8x64xf32, #tpu.memory_space<vmem>>
        %dma_start3A_1742 = tpu.memref_squeeze %dma_start3A_1741 : memref<1x8x64xf32, #tpu.memory_space<vmem>> -> memref<8x64xf32, #tpu.memory_space<vmem>>
        %dma_start3A_1743 = arith.constant 0 : i32
        %dma_start3A_1744 = tpu.memref_slice %arg5[%multiple_of3A_1731, %dma_start3A_1743] : memref<1000000x64xf32, #tpu.memory_space<hbm>> -> memref<8x64xf32, #tpu.memory_space<hbm>>
        tpu.enqueue_dma source(%dma_start3A_1744 : memref<8x64xf32, #tpu.memory_space<hbm>>) target(%dma_start3A_1742 : memref<8x64xf32, #tpu.memory_space<vmem>>) target_semaphore(%arg14 : memref<!tpu.dma_semaphore, #tpu.memory_space<semaphore_mem>>)
        %slice3A_1745 = vector.extract_strided_slice %get3A_1520 {offsets = [14], sizes = [1], strides = [1]} : vector<16xi32> to vector<1xi32>
        %squeeze3A_1746 = vector.extract %slice3A_1745[0] : i32 from vector<1xi32>
        %multiple_of3A_1747 = tpu.assume_multiple %squeeze3A_1746, 8 : i32
        %dma_start3A_1748 = arith.constant 0 : i32
        %dma_start3A_1749 = arith.constant 240 : i32
        %dma_start3A_1750 = arith.constant 0 : i32
        %dma_start3A_1751 = tpu.memref_slice %arg11[%dma_start3A_1748, %dma_start3A_1749, %dma_start3A_1750] : memref<2x256x64xf32, #tpu.memory_space<vmem>> -> memref<1x8x64xf32, #tpu.memory_space<vmem>>
        %dma_start3A_1752 = tpu.memref_squeeze %dma_start3A_1751 : memref<1x8x64xf32, #tpu.memory_space<vmem>> -> memref<8x64xf32, #tpu.memory_space<vmem>>
        %dma_start3A_1753 = arith.constant 0 : i32
        %dma_start3A_1754 = tpu.memref_slice %arg5[%multiple_of3A_1747, %dma_start3A_1753] : memref<1000000x64xf32, #tpu.memory_space<hbm>> -> memref<8x64xf32, #tpu.memory_space<hbm>>
        %dma_start3A_1755 = arith.constant 240 : i32
        %dma_start3A_1756 = arith.constant 0 : i32
        %dma_start3A_1757 = tpu.memref_slice %arg11[%dma_start3A_1748, %dma_start3A_1755, %dma_start3A_1756] : memref<2x256x64xf32, #tpu.memory_space<vmem>> -> memref<1x8x64xf32, #tpu.memory_space<vmem>>
        %dma_start3A_1758 = tpu.memref_squeeze %dma_start3A_1757 : memref<1x8x64xf32, #tpu.memory_space<vmem>> -> memref<8x64xf32, #tpu.memory_space<vmem>>
        %dma_start3A_1759 = arith.constant 0 : i32
        %dma_start3A_1760 = tpu.memref_slice %arg5[%multiple_of3A_1747, %dma_start3A_1759] : memref<1000000x64xf32, #tpu.memory_space<hbm>> -> memref<8x64xf32, #tpu.memory_space<hbm>>
        tpu.enqueue_dma source(%dma_start3A_1760 : memref<8x64xf32, #tpu.memory_space<hbm>>) target(%dma_start3A_1758 : memref<8x64xf32, #tpu.memory_space<vmem>>) target_semaphore(%arg14 : memref<!tpu.dma_semaphore, #tpu.memory_space<semaphore_mem>>)
        %slice3A_1761 = vector.extract_strided_slice %get3A_1520 {offsets = [15], sizes = [1], strides = [1]} : vector<16xi32> to vector<1xi32>
        %squeeze3A_1762 = vector.extract %slice3A_1761[0] : i32 from vector<1xi32>
        %multiple_of3A_1763 = tpu.assume_multiple %squeeze3A_1762, 8 : i32
        %dma_start3A_1764 = arith.constant 0 : i32
        %dma_start3A_1765 = arith.constant 248 : i32
        %dma_start3A_1766 = arith.constant 0 : i32
        %dma_start3A_1767 = tpu.memref_slice %arg11[%dma_start3A_1764, %dma_start3A_1765, %dma_start3A_1766] : memref<2x256x64xf32, #tpu.memory_space<vmem>> -> memref<1x8x64xf32, #tpu.memory_space<vmem>>
        %dma_start3A_1768 = tpu.memref_squeeze %dma_start3A_1767 : memref<1x8x64xf32, #tpu.memory_space<vmem>> -> memref<8x64xf32, #tpu.memory_space<vmem>>
        %dma_start3A_1769 = arith.constant 0 : i32
        %dma_start3A_1770 = tpu.memref_slice %arg5[%multiple_of3A_1763, %dma_start3A_1769] : memref<1000000x64xf32, #tpu.memory_space<hbm>> -> memref<8x64xf32, #tpu.memory_space<hbm>>
        %dma_start3A_1771 = arith.constant 248 : i32
        %dma_start3A_1772 = arith.constant 0 : i32
        %dma_start3A_1773 = tpu.memref_slice %arg11[%dma_start3A_1764, %dma_start3A_1771, %dma_start3A_1772] : memref<2x256x64xf32, #tpu.memory_space<vmem>> -> memref<1x8x64xf32, #tpu.memory_space<vmem>>
        %dma_start3A_1774 = tpu.memref_squeeze %dma_start3A_1773 : memref<1x8x64xf32, #tpu.memory_space<vmem>> -> memref<8x64xf32, #tpu.memory_space<vmem>>
        %dma_start3A_1775 = arith.constant 0 : i32
        %dma_start3A_1776 = tpu.memref_slice %arg5[%multiple_of3A_1763, %dma_start3A_1775] : memref<1000000x64xf32, #tpu.memory_space<hbm>> -> memref<8x64xf32, #tpu.memory_space<hbm>>
        tpu.enqueue_dma source(%dma_start3A_1776 : memref<8x64xf32, #tpu.memory_space<hbm>>) target(%dma_start3A_1774 : memref<8x64xf32, #tpu.memory_space<vmem>>) target_semaphore(%arg14 : memref<!tpu.dma_semaphore, #tpu.memory_space<semaphore_mem>>)
      } else {
      }
      %mul3A_1142 = arith.constant 2 : i32
      %mul3A_1143 = arith.muli %mul3A_1142, %scan3A_1047 : i32
      %add3A_1144 = arith.constant 1 : i32
      %add3A_1145 = arith.addi %mul3A_1143, %add3A_1144 : i32
      %dma_wait3A_1146 = arith.constant 1 : i32
      %dma_wait3A_1147 = arith.constant 0 : i32
      %dma_wait3A_1148 = arith.constant 0 : i32
      %dma_wait3A_1149 = tpu.memref_slice %arg11[%dma_wait3A_1146, %dma_wait3A_1147, %dma_wait3A_1148] : memref<2x256x64xf32, #tpu.memory_space<vmem>> -> memref<1x256x64xf32, #tpu.memory_space<vmem>>
      %dma_wait3A_1150 = tpu.memref_squeeze %dma_wait3A_1149 : memref<1x256x64xf32, #tpu.memory_space<vmem>> -> memref<256x64xf32, #tpu.memory_space<vmem>>
      %dma_wait3A_1151 = arith.constant 0 : i32
      %dma_wait3A_1152 = arith.constant 0 : i32
      %dma_wait3A_1153 = tpu.memref_slice %arg5[%dma_wait3A_1151, %dma_wait3A_1152] : memref<1000000x64xf32, #tpu.memory_space<hbm>> -> memref<256x64xf32, #tpu.memory_space<hbm>>
      %dma_wait3A_1154 = arith.constant 0 : i32
      %dma_wait3A_1155 = arith.constant 0 : i32
      %dma_wait3A_1156 = tpu.memref_slice %arg11[%dma_wait3A_1146, %dma_wait3A_1154, %dma_wait3A_1155] : memref<2x256x64xf32, #tpu.memory_space<vmem>> -> memref<1x256x64xf32, #tpu.memory_space<vmem>>
      %dma_wait3A_1157 = tpu.memref_squeeze %dma_wait3A_1156 : memref<1x256x64xf32, #tpu.memory_space<vmem>> -> memref<256x64xf32, #tpu.memory_space<vmem>>
      %dma_wait3A_1158 = arith.constant 0 : i32
      %dma_wait3A_1159 = arith.constant 0 : i32
      %dma_wait3A_1160 = tpu.memref_slice %arg5[%dma_wait3A_1158, %dma_wait3A_1159] : memref<1000000x64xf32, #tpu.memory_space<hbm>> -> memref<256x64xf32, #tpu.memory_space<hbm>>
      tpu.wait_dma2 semaphore(%arg15 : memref<!tpu.dma_semaphore, #tpu.memory_space<semaphore_mem>>) src(%dma_wait3A_1160 : memref<256x64xf32, #tpu.memory_space<hbm>>) dst(%dma_wait3A_1157 : memref<256x64xf32, #tpu.memory_space<vmem>>)
      %and3A_1161 = arith.constant 1 : i32
      %and3A_1162 = arith.andi %add3A_1145, %and3A_1161 : i32
      %mul3A_1163 = arith.constant 64 : i32
      %mul3A_1164 = arith.muli %and3A_1162, %mul3A_1163 : i32
      %shift_right_arithmetic3A_1165 = arith.constant 1 : i32
      %shift_right_arithmetic3A_1166 = arith.shrsi %add3A_1145, %shift_right_arithmetic3A_1165 : i32
      %broadcast_in_dim3A_1167 = vector.broadcast %shift_right_arithmetic3A_1166 : i32 to vector<16xi32>
      %broadcast_in_dim3A_1168 = vector.broadcast %mul3A_1164 : i32 to vector<16xi32>
      %mul3A_1169 = arith.constant 32 : i32
      %mul3A_1170 = arith.muli %add3A_1145, %mul3A_1169 : i32
      %get3A_1171 = arith.index_cast %mul3A_1170 : i32 to index
      %get3A_1172 = tpu.vector_load %arg9[%get3A_1171] {strides = array<i32>} : memref<4096xi32, #tpu.memory_space<vmem>>, vector<16xi32>,
      %add3A_1173 = arith.addi %mul3A_10, %get3A_1172 : vector<16xi32>
      %broadcast_in_dim3A_1174 = arith.constant 128 : i32
      %broadcast_in_dim3A_1175 = vector.broadcast %broadcast_in_dim3A_1174 : i32 to vector<16xi32>
      %add3A_1176 = arith.addi %mul3A_10, %broadcast_in_dim3A_1175 : vector<16xi32>
      %mul3A_1177 = arith.constant 32 : i32
      %mul3A_1178 = arith.muli %add3A_1145, %mul3A_1177 : i32
      %add3A_1179 = arith.constant 16 : i32
      %add3A_1180 = arith.addi %mul3A_1178, %add3A_1179 : i32
      %get3A_1181 = arith.index_cast %add3A_1180 : i32 to index
      %get3A_1182 = tpu.vector_load %arg9[%get3A_1181] {strides = array<i32>} : memref<4096xi32, #tpu.memory_space<vmem>>, vector<16xi32>,
      %add3A_1183 = arith.addi %add3A_1176, %get3A_1182 : vector<16xi32>
      %broadcast_in_dim3A_1184 = arith.constant 0.000000e+00 : f32
      %broadcast_in_dim3A_1185 = vector.broadcast %broadcast_in_dim3A_1184 : f32 to vector<16xf32>
      %scan3A_1186 = arith.constant 1 : i32
      %scan3A_1187 = arith.constant 0 : i32
      %scan3A_1188 = arith.constant 32 : i32
      %scan3A_1189 = arith.addi %scan3A_1187, %scan3A_1188 : i32
      %scan3A_1190 = arith.constant 8 : i32
      %scan3A_1191:4 = scf.for %scan3A_1251 = %scan3A_1187 to %scan3A_1189 step %scan3A_1190 iter_args(%scan3A_1252 = %broadcast_in_dim3A_1185, %scan3A_1253 = %broadcast_in_dim3A_1185, %scan3A_1254 = %broadcast_in_dim3A_1185, %scan3A_1255 = %broadcast_in_dim3A_1185) -> (vector<16xf32>, vector<16xf32>, vector<16xf32>, vector<16xf32>)  : i32 {
        %mul3A_1256 = arith.constant 2 : i32
        %mul3A_1257 = arith.muli %mul3A_1256, %scan3A_1251 : i32
        %add3A_1258 = arith.addi %mul3A_1257, %mul3A_1164 : i32
        %broadcast_in_dim3A_1259 = vector.broadcast %add3A_1258 : i32 to vector<16xi32>
        %sub3A_1260 = arith.subi %broadcast_in_dim3A_1259, %broadcast_in_dim3A_1168 : vector<16xi32>
        %gather3A = tpu.vector_load_idx %arg10[%broadcast_in_dim3A_1167, %broadcast_in_dim3A_1259] : memref<64x128xf32, #tpu.memory_space<vmem>>[vector<16xi32>, vector<16xi32>], vector<16xf32>,
        %gather3A_1261 = arith.constant 0 : i32
        %gather3A_1262 = arith.constant 0 : i32
        %gather3A_1263 = tpu.memref_slice %arg11[%scan3A_1186, %gather3A_1261, %gather3A_1262] : memref<2x256x64xf32, #tpu.memory_space<vmem>> -> memref<1x256x64xf32, #tpu.memory_space<vmem>>
        %gather3A_1264 = tpu.memref_squeeze %gather3A_1263 : memref<1x256x64xf32, #tpu.memory_space<vmem>> -> memref<256x64xf32, #tpu.memory_space<vmem>>
        %gather3A_1265 = tpu.vector_load_idx %gather3A_1264[%add3A_1173, %sub3A_1260] : memref<256x64xf32, #tpu.memory_space<vmem>>[vector<16xi32>, vector<16xi32>], vector<16xf32>,
        %gather3A_1266 = arith.constant 0 : i32
        %gather3A_1267 = arith.constant 0 : i32
        %gather3A_1268 = tpu.memref_slice %arg11[%scan3A_1186, %gather3A_1266, %gather3A_1267] : memref<2x256x64xf32, #tpu.memory_space<vmem>> -> memref<1x256x64xf32, #tpu.memory_space<vmem>>
        %gather3A_1269 = tpu.memref_squeeze %gather3A_1268 : memref<1x256x64xf32, #tpu.memory_space<vmem>> -> memref<256x64xf32, #tpu.memory_space<vmem>>
        %gather3A_1270 = tpu.vector_load_idx %gather3A_1269[%add3A_1183, %sub3A_1260] : memref<256x64xf32, #tpu.memory_space<vmem>>[vector<16xi32>, vector<16xi32>], vector<16xf32>,
        %add3A_1271 = arith.constant 1 : i32
        %add3A_1272 = vector.broadcast %add3A_1271 : i32 to vector<16xi32>
        %add3A_1273 = arith.addi %broadcast_in_dim3A_1259, %add3A_1272 : vector<16xi32>
        %add3A_1274 = arith.constant 1 : i32
        %add3A_1275 = vector.broadcast %add3A_1274 : i32 to vector<16xi32>
        %add3A_1276 = arith.addi %sub3A_1260, %add3A_1275 : vector<16xi32>
        %gather3A_1277 = tpu.vector_load_idx %arg10[%broadcast_in_dim3A_1167, %add3A_1273] : memref<64x128xf32, #tpu.memory_space<vmem>>[vector<16xi32>, vector<16xi32>], vector<16xf32>,
        %gather3A_1278 = arith.constant 0 : i32
        %gather3A_1279 = arith.constant 0 : i32
        %gather3A_1280 = tpu.memref_slice %arg11[%scan3A_1186, %gather3A_1278, %gather3A_1279] : memref<2x256x64xf32, #tpu.memory_space<vmem>> -> memref<1x256x64xf32, #tpu.memory_space<vmem>>
        %gather3A_1281 = tpu.memref_squeeze %gather3A_1280 : memref<1x256x64xf32, #tpu.memory_space<vmem>> -> memref<256x64xf32, #tpu.memory_space<vmem>>
        %gather3A_1282 = tpu.vector_load_idx %gather3A_1281[%add3A_1173, %add3A_1276] : memref<256x64xf32, #tpu.memory_space<vmem>>[vector<16xi32>, vector<16xi32>], vector<16xf32>,
        %gather3A_1283 = arith.constant 0 : i32
        %gather3A_1284 = arith.constant 0 : i32
        %gather3A_1285 = tpu.memref_slice %arg11[%scan3A_1186, %gather3A_1283, %gather3A_1284] : memref<2x256x64xf32, #tpu.memory_space<vmem>> -> memref<1x256x64xf32, #tpu.memory_space<vmem>>
        %gather3A_1286 = tpu.memref_squeeze %gather3A_1285 : memref<1x256x64xf32, #tpu.memory_space<vmem>> -> memref<256x64xf32, #tpu.memory_space<vmem>>
        %gather3A_1287 = tpu.vector_load_idx %gather3A_1286[%add3A_1183, %add3A_1276] : memref<256x64xf32, #tpu.memory_space<vmem>>[vector<16xi32>, vector<16xi32>], vector<16xf32>,
        %mul3A_1288 = arith.mulf %gather3A, %gather3A_1265 : vector<16xf32>
        %add3A_1289 = arith.addf %scan3A_1252, %mul3A_1288 : vector<16xf32>
        %mul3A_1290 = arith.mulf %gather3A, %gather3A_1270 : vector<16xf32>
        %add3A_1291 = arith.addf %scan3A_1253, %mul3A_1290 : vector<16xf32>
        %mul3A_1292 = arith.mulf %gather3A_1277, %gather3A_1282 : vector<16xf32>
        %add3A_1293 = arith.addf %scan3A_1254, %mul3A_1292 : vector<16xf32>
        %mul3A_1294 = arith.mulf %gather3A_1277, %gather3A_1287 : vector<16xf32>
        %add3A_1295 = arith.addf %scan3A_1255, %mul3A_1294 : vector<16xf32>
        %scan3A_1296 = arith.constant 1 : i32
        %scan3A_1297 = arith.addi %scan3A_1251, %scan3A_1296 : i32
        %mul3A_1298 = arith.constant 2 : i32
        %mul3A_1299 = arith.muli %mul3A_1298, %scan3A_1297 : i32
        %add3A_1300 = arith.addi %mul3A_1299, %mul3A_1164 : i32
        %broadcast_in_dim3A_1301 = vector.broadcast %add3A_1300 : i32 to vector<16xi32>
        %sub3A_1302 = arith.subi %broadcast_in_dim3A_1301, %broadcast_in_dim3A_1168 : vector<16xi32>
        %gather3A_1303 = tpu.vector_load_idx %arg10[%broadcast_in_dim3A_1167, %broadcast_in_dim3A_1301] : memref<64x128xf32, #tpu.memory_space<vmem>>[vector<16xi32>, vector<16xi32>], vector<16xf32>,
        %gather3A_1304 = arith.constant 0 : i32
        %gather3A_1305 = arith.constant 0 : i32
        %gather3A_1306 = tpu.memref_slice %arg11[%scan3A_1186, %gather3A_1304, %gather3A_1305] : memref<2x256x64xf32, #tpu.memory_space<vmem>> -> memref<1x256x64xf32, #tpu.memory_space<vmem>>
        %gather3A_1307 = tpu.memref_squeeze %gather3A_1306 : memref<1x256x64xf32, #tpu.memory_space<vmem>> -> memref<256x64xf32, #tpu.memory_space<vmem>>
        %gather3A_1308 = tpu.vector_load_idx %gather3A_1307[%add3A_1173, %sub3A_1302] : memref<256x64xf32, #tpu.memory_space<vmem>>[vector<16xi32>, vector<16xi32>], vector<16xf32>,
        %gather3A_1309 = arith.constant 0 : i32
        %gather3A_1310 = arith.constant 0 : i32
        %gather3A_1311 = tpu.memref_slice %arg11[%scan3A_1186, %gather3A_1309, %gather3A_1310] : memref<2x256x64xf32, #tpu.memory_space<vmem>> -> memref<1x256x64xf32, #tpu.memory_space<vmem>>
        %gather3A_1312 = tpu.memref_squeeze %gather3A_1311 : memref<1x256x64xf32, #tpu.memory_space<vmem>> -> memref<256x64xf32, #tpu.memory_space<vmem>>
        %gather3A_1313 = tpu.vector_load_idx %gather3A_1312[%add3A_1183, %sub3A_1302] : memref<256x64xf32, #tpu.memory_space<vmem>>[vector<16xi32>, vector<16xi32>], vector<16xf32>,
        %add3A_1314 = arith.constant 1 : i32
        %add3A_1315 = vector.broadcast %add3A_1314 : i32 to vector<16xi32>
        %add3A_1316 = arith.addi %broadcast_in_dim3A_1301, %add3A_1315 : vector<16xi32>
        %add3A_1317 = arith.constant 1 : i32
        %add3A_1318 = vector.broadcast %add3A_1317 : i32 to vector<16xi32>
        %add3A_1319 = arith.addi %sub3A_1302, %add3A_1318 : vector<16xi32>
        %gather3A_1320 = tpu.vector_load_idx %arg10[%broadcast_in_dim3A_1167, %add3A_1316] : memref<64x128xf32, #tpu.memory_space<vmem>>[vector<16xi32>, vector<16xi32>], vector<16xf32>,
        %gather3A_1321 = arith.constant 0 : i32
        %gather3A_1322 = arith.constant 0 : i32
        %gather3A_1323 = tpu.memref_slice %arg11[%scan3A_1186, %gather3A_1321, %gather3A_1322] : memref<2x256x64xf32, #tpu.memory_space<vmem>> -> memref<1x256x64xf32, #tpu.memory_space<vmem>>
        %gather3A_1324 = tpu.memref_squeeze %gather3A_1323 : memref<1x256x64xf32, #tpu.memory_space<vmem>> -> memref<256x64xf32, #tpu.memory_space<vmem>>
        %gather3A_1325 = tpu.vector_load_idx %gather3A_1324[%add3A_1173, %add3A_1319] : memref<256x64xf32, #tpu.memory_space<vmem>>[vector<16xi32>, vector<16xi32>], vector<16xf32>,
        %gather3A_1326 = arith.constant 0 : i32
        %gather3A_1327 = arith.constant 0 : i32
        %gather3A_1328 = tpu.memref_slice %arg11[%scan3A_1186, %gather3A_1326, %gather3A_1327] : memref<2x256x64xf32, #tpu.memory_space<vmem>> -> memref<1x256x64xf32, #tpu.memory_space<vmem>>
        %gather3A_1329 = tpu.memref_squeeze %gather3A_1328 : memref<1x256x64xf32, #tpu.memory_space<vmem>> -> memref<256x64xf32, #tpu.memory_space<vmem>>
        %gather3A_1330 = tpu.vector_load_idx %gather3A_1329[%add3A_1183, %add3A_1319] : memref<256x64xf32, #tpu.memory_space<vmem>>[vector<16xi32>, vector<16xi32>], vector<16xf32>,
        %mul3A_1331 = arith.mulf %gather3A_1303, %gather3A_1308 : vector<16xf32>
        %add3A_1332 = arith.addf %add3A_1289, %mul3A_1331 : vector<16xf32>
        %mul3A_1333 = arith.mulf %gather3A_1303, %gather3A_1313 : vector<16xf32>
        %add3A_1334 = arith.addf %add3A_1291, %mul3A_1333 : vector<16xf32>
        %mul3A_1335 = arith.mulf %gather3A_1320, %gather3A_1325 : vector<16xf32>
        %add3A_1336 = arith.addf %add3A_1293, %mul3A_1335 : vector<16xf32>
        %mul3A_1337 = arith.mulf %gather3A_1320, %gather3A_1330 : vector<16xf32>
        %add3A_1338 = arith.addf %add3A_1295, %mul3A_1337 : vector<16xf32>
        %scan3A_1339 = arith.constant 2 : i32
        %scan3A_1340 = arith.addi %scan3A_1251, %scan3A_1339 : i32
        %mul3A_1341 = arith.constant 2 : i32
        %mul3A_1342 = arith.muli %mul3A_1341, %scan3A_1340 : i32
        %add3A_1343 = arith.addi %mul3A_1342, %mul3A_1164 : i32
        %broadcast_in_dim3A_1344 = vector.broadcast %add3A_1343 : i32 to vector<16xi32>
        %sub3A_1345 = arith.subi %broadcast_in_dim3A_1344, %broadcast_in_dim3A_1168 : vector<16xi32>
        %gather3A_1346 = tpu.vector_load_idx %arg10[%broadcast_in_dim3A_1167, %broadcast_in_dim3A_1344] : memref<64x128xf32, #tpu.memory_space<vmem>>[vector<16xi32>, vector<16xi32>], vector<16xf32>,
        %gather3A_1347 = arith.constant 0 : i32
        %gather3A_1348 = arith.constant 0 : i32
        %gather3A_1349 = tpu.memref_slice %arg11[%scan3A_1186, %gather3A_1347, %gather3A_1348] : memref<2x256x64xf32, #tpu.memory_space<vmem>> -> memref<1x256x64xf32, #tpu.memory_space<vmem>>
        %gather3A_1350 = tpu.memref_squeeze %gather3A_1349 : memref<1x256x64xf32, #tpu.memory_space<vmem>> -> memref<256x64xf32, #tpu.memory_space<vmem>>
        %gather3A_1351 = tpu.vector_load_idx %gather3A_1350[%add3A_1173, %sub3A_1345] : memref<256x64xf32, #tpu.memory_space<vmem>>[vector<16xi32>, vector<16xi32>], vector<16xf32>,
        %gather3A_1352 = arith.constant 0 : i32
        %gather3A_1353 = arith.constant 0 : i32
        %gather3A_1354 = tpu.memref_slice %arg11[%scan3A_1186, %gather3A_1352, %gather3A_1353] : memref<2x256x64xf32, #tpu.memory_space<vmem>> -> memref<1x256x64xf32, #tpu.memory_space<vmem>>
        %gather3A_1355 = tpu.memref_squeeze %gather3A_1354 : memref<1x256x64xf32, #tpu.memory_space<vmem>> -> memref<256x64xf32, #tpu.memory_space<vmem>>
        %gather3A_1356 = tpu.vector_load_idx %gather3A_1355[%add3A_1183, %sub3A_1345] : memref<256x64xf32, #tpu.memory_space<vmem>>[vector<16xi32>, vector<16xi32>], vector<16xf32>,
        %add3A_1357 = arith.constant 1 : i32
        %add3A_1358 = vector.broadcast %add3A_1357 : i32 to vector<16xi32>
        %add3A_1359 = arith.addi %broadcast_in_dim3A_1344, %add3A_1358 : vector<16xi32>
        %add3A_1360 = arith.constant 1 : i32
        %add3A_1361 = vector.broadcast %add3A_1360 : i32 to vector<16xi32>
        %add3A_1362 = arith.addi %sub3A_1345, %add3A_1361 : vector<16xi32>
        %gather3A_1363 = tpu.vector_load_idx %arg10[%broadcast_in_dim3A_1167, %add3A_1359] : memref<64x128xf32, #tpu.memory_space<vmem>>[vector<16xi32>, vector<16xi32>], vector<16xf32>,
        %gather3A_1364 = arith.constant 0 : i32
        %gather3A_1365 = arith.constant 0 : i32
        %gather3A_1366 = tpu.memref_slice %arg11[%scan3A_1186, %gather3A_1364, %gather3A_1365] : memref<2x256x64xf32, #tpu.memory_space<vmem>> -> memref<1x256x64xf32, #tpu.memory_space<vmem>>
        %gather3A_1367 = tpu.memref_squeeze %gather3A_1366 : memref<1x256x64xf32, #tpu.memory_space<vmem>> -> memref<256x64xf32, #tpu.memory_space<vmem>>
        %gather3A_1368 = tpu.vector_load_idx %gather3A_1367[%add3A_1173, %add3A_1362] : memref<256x64xf32, #tpu.memory_space<vmem>>[vector<16xi32>, vector<16xi32>], vector<16xf32>,
        %gather3A_1369 = arith.constant 0 : i32
        %gather3A_1370 = arith.constant 0 : i32
        %gather3A_1371 = tpu.memref_slice %arg11[%scan3A_1186, %gather3A_1369, %gather3A_1370] : memref<2x256x64xf32, #tpu.memory_space<vmem>> -> memref<1x256x64xf32, #tpu.memory_space<vmem>>
        %gather3A_1372 = tpu.memref_squeeze %gather3A_1371 : memref<1x256x64xf32, #tpu.memory_space<vmem>> -> memref<256x64xf32, #tpu.memory_space<vmem>>
        %gather3A_1373 = tpu.vector_load_idx %gather3A_1372[%add3A_1183, %add3A_1362] : memref<256x64xf32, #tpu.memory_space<vmem>>[vector<16xi32>, vector<16xi32>], vector<16xf32>,
        %mul3A_1374 = arith.mulf %gather3A_1346, %gather3A_1351 : vector<16xf32>
        %add3A_1375 = arith.addf %add3A_1332, %mul3A_1374 : vector<16xf32>
        %mul3A_1376 = arith.mulf %gather3A_1346, %gather3A_1356 : vector<16xf32>
        %add3A_1377 = arith.addf %add3A_1334, %mul3A_1376 : vector<16xf32>
        %mul3A_1378 = arith.mulf %gather3A_1363, %gather3A_1368 : vector<16xf32>
        %add3A_1379 = arith.addf %add3A_1336, %mul3A_1378 : vector<16xf32>
        %mul3A_1380 = arith.mulf %gather3A_1363, %gather3A_1373 : vector<16xf32>
        %add3A_1381 = arith.addf %add3A_1338, %mul3A_1380 : vector<16xf32>
        %scan3A_1382 = arith.constant 3 : i32
        %scan3A_1383 = arith.addi %scan3A_1251, %scan3A_1382 : i32
        %mul3A_1384 = arith.constant 2 : i32
        %mul3A_1385 = arith.muli %mul3A_1384, %scan3A_1383 : i32
        %add3A_1386 = arith.addi %mul3A_1385, %mul3A_1164 : i32
        %broadcast_in_dim3A_1387 = vector.broadcast %add3A_1386 : i32 to vector<16xi32>
        %sub3A_1388 = arith.subi %broadcast_in_dim3A_1387, %broadcast_in_dim3A_1168 : vector<16xi32>
        %gather3A_1389 = tpu.vector_load_idx %arg10[%broadcast_in_dim3A_1167, %broadcast_in_dim3A_1387] : memref<64x128xf32, #tpu.memory_space<vmem>>[vector<16xi32>, vector<16xi32>], vector<16xf32>,
        %gather3A_1390 = arith.constant 0 : i32
        %gather3A_1391 = arith.constant 0 : i32
        %gather3A_1392 = tpu.memref_slice %arg11[%scan3A_1186, %gather3A_1390, %gather3A_1391] : memref<2x256x64xf32, #tpu.memory_space<vmem>> -> memref<1x256x64xf32, #tpu.memory_space<vmem>>
        %gather3A_1393 = tpu.memref_squeeze %gather3A_1392 : memref<1x256x64xf32, #tpu.memory_space<vmem>> -> memref<256x64xf32, #tpu.memory_space<vmem>>
        %gather3A_1394 = tpu.vector_load_idx %gather3A_1393[%add3A_1173, %sub3A_1388] : memref<256x64xf32, #tpu.memory_space<vmem>>[vector<16xi32>, vector<16xi32>], vector<16xf32>,
        %gather3A_1395 = arith.constant 0 : i32
        %gather3A_1396 = arith.constant 0 : i32
        %gather3A_1397 = tpu.memref_slice %arg11[%scan3A_1186, %gather3A_1395, %gather3A_1396] : memref<2x256x64xf32, #tpu.memory_space<vmem>> -> memref<1x256x64xf32, #tpu.memory_space<vmem>>
        %gather3A_1398 = tpu.memref_squeeze %gather3A_1397 : memref<1x256x64xf32, #tpu.memory_space<vmem>> -> memref<256x64xf32, #tpu.memory_space<vmem>>
        %gather3A_1399 = tpu.vector_load_idx %gather3A_1398[%add3A_1183, %sub3A_1388] : memref<256x64xf32, #tpu.memory_space<vmem>>[vector<16xi32>, vector<16xi32>], vector<16xf32>,
        %add3A_1400 = arith.constant 1 : i32
        %add3A_1401 = vector.broadcast %add3A_1400 : i32 to vector<16xi32>
        %add3A_1402 = arith.addi %broadcast_in_dim3A_1387, %add3A_1401 : vector<16xi32>
        %add3A_1403 = arith.constant 1 : i32
        %add3A_1404 = vector.broadcast %add3A_1403 : i32 to vector<16xi32>
        %add3A_1405 = arith.addi %sub3A_1388, %add3A_1404 : vector<16xi32>
        %gather3A_1406 = tpu.vector_load_idx %arg10[%broadcast_in_dim3A_1167, %add3A_1402] : memref<64x128xf32, #tpu.memory_space<vmem>>[vector<16xi32>, vector<16xi32>], vector<16xf32>,
        %gather3A_1407 = arith.constant 0 : i32
        %gather3A_1408 = arith.constant 0 : i32
        %gather3A_1409 = tpu.memref_slice %arg11[%scan3A_1186, %gather3A_1407, %gather3A_1408] : memref<2x256x64xf32, #tpu.memory_space<vmem>> -> memref<1x256x64xf32, #tpu.memory_space<vmem>>
        %gather3A_1410 = tpu.memref_squeeze %gather3A_1409 : memref<1x256x64xf32, #tpu.memory_space<vmem>> -> memref<256x64xf32, #tpu.memory_space<vmem>>
        %gather3A_1411 = tpu.vector_load_idx %gather3A_1410[%add3A_1173, %add3A_1405] : memref<256x64xf32, #tpu.memory_space<vmem>>[vector<16xi32>, vector<16xi32>], vector<16xf32>,
        %gather3A_1412 = arith.constant 0 : i32
        %gather3A_1413 = arith.constant 0 : i32
        %gather3A_1414 = tpu.memref_slice %arg11[%scan3A_1186, %gather3A_1412, %gather3A_1413] : memref<2x256x64xf32, #tpu.memory_space<vmem>> -> memref<1x256x64xf32, #tpu.memory_space<vmem>>
        %gather3A_1415 = tpu.memref_squeeze %gather3A_1414 : memref<1x256x64xf32, #tpu.memory_space<vmem>> -> memref<256x64xf32, #tpu.memory_space<vmem>>
        %gather3A_1416 = tpu.vector_load_idx %gather3A_1415[%add3A_1183, %add3A_1405] : memref<256x64xf32, #tpu.memory_space<vmem>>[vector<16xi32>, vector<16xi32>], vector<16xf32>,
        %mul3A_1417 = arith.mulf %gather3A_1389, %gather3A_1394 : vector<16xf32>
        %add3A_1418 = arith.addf %add3A_1375, %mul3A_1417 : vector<16xf32>
        %mul3A_1419 = arith.mulf %gather3A_1389, %gather3A_1399 : vector<16xf32>
        %add3A_1420 = arith.addf %add3A_1377, %mul3A_1419 : vector<16xf32>
        %mul3A_1421 = arith.mulf %gather3A_1406, %gather3A_1411 : vector<16xf32>
        %add3A_1422 = arith.addf %add3A_1379, %mul3A_1421 : vector<16xf32>
        %mul3A_1423 = arith.mulf %gather3A_1406, %gather3A_1416 : vector<16xf32>
        %add3A_1424 = arith.addf %add3A_1381, %mul3A_1423 : vector<16xf32>
        %scan3A_1425 = arith.constant 4 : i32
        %scan3A_1426 = arith.addi %scan3A_1251, %scan3A_1425 : i32
        %mul3A_1427 = arith.constant 2 : i32
        %mul3A_1428 = arith.muli %mul3A_1427, %scan3A_1426 : i32
        %add3A_1429 = arith.addi %mul3A_1428, %mul3A_1164 : i32
        %broadcast_in_dim3A_1430 = vector.broadcast %add3A_1429 : i32 to vector<16xi32>
        %sub3A_1431 = arith.subi %broadcast_in_dim3A_1430, %broadcast_in_dim3A_1168 : vector<16xi32>
        %gather3A_1432 = tpu.vector_load_idx %arg10[%broadcast_in_dim3A_1167, %broadcast_in_dim3A_1430] : memref<64x128xf32, #tpu.memory_space<vmem>>[vector<16xi32>, vector<16xi32>], vector<16xf32>,
        %gather3A_1433 = arith.constant 0 : i32
        %gather3A_1434 = arith.constant 0 : i32
        %gather3A_1435 = tpu.memref_slice %arg11[%scan3A_1186, %gather3A_1433, %gather3A_1434] : memref<2x256x64xf32, #tpu.memory_space<vmem>> -> memref<1x256x64xf32, #tpu.memory_space<vmem>>
        %gather3A_1436 = tpu.memref_squeeze %gather3A_1435 : memref<1x256x64xf32, #tpu.memory_space<vmem>> -> memref<256x64xf32, #tpu.memory_space<vmem>>
        %gather3A_1437 = tpu.vector_load_idx %gather3A_1436[%add3A_1173, %sub3A_1431] : memref<256x64xf32, #tpu.memory_space<vmem>>[vector<16xi32>, vector<16xi32>], vector<16xf32>,
        %gather3A_1438 = arith.constant 0 : i32
        %gather3A_1439 = arith.constant 0 : i32
        %gather3A_1440 = tpu.memref_slice %arg11[%scan3A_1186, %gather3A_1438, %gather3A_1439] : memref<2x256x64xf32, #tpu.memory_space<vmem>> -> memref<1x256x64xf32, #tpu.memory_space<vmem>>
        %gather3A_1441 = tpu.memref_squeeze %gather3A_1440 : memref<1x256x64xf32, #tpu.memory_space<vmem>> -> memref<256x64xf32, #tpu.memory_space<vmem>>
        %gather3A_1442 = tpu.vector_load_idx %gather3A_1441[%add3A_1183, %sub3A_1431] : memref<256x64xf32, #tpu.memory_space<vmem>>[vector<16xi32>, vector<16xi32>], vector<16xf32>,
        %add3A_1443 = arith.constant 1 : i32
        %add3A_1444 = vector.broadcast %add3A_1443 : i32 to vector<16xi32>
        %add3A_1445 = arith.addi %broadcast_in_dim3A_1430, %add3A_1444 : vector<16xi32>
        %add3A_1446 = arith.constant 1 : i32
        %add3A_1447 = vector.broadcast %add3A_1446 : i32 to vector<16xi32>
        %add3A_1448 = arith.addi %sub3A_1431, %add3A_1447 : vector<16xi32>
        %gather3A_1449 = tpu.vector_load_idx %arg10[%broadcast_in_dim3A_1167, %add3A_1445] : memref<64x128xf32, #tpu.memory_space<vmem>>[vector<16xi32>, vector<16xi32>], vector<16xf32>,
        %gather3A_1450 = arith.constant 0 : i32
        %gather3A_1451 = arith.constant 0 : i32
        %gather3A_1452 = tpu.memref_slice %arg11[%scan3A_1186, %gather3A_1450, %gather3A_1451] : memref<2x256x64xf32, #tpu.memory_space<vmem>> -> memref<1x256x64xf32, #tpu.memory_space<vmem>>
        %gather3A_1453 = tpu.memref_squeeze %gather3A_1452 : memref<1x256x64xf32, #tpu.memory_space<vmem>> -> memref<256x64xf32, #tpu.memory_space<vmem>>
        %gather3A_1454 = tpu.vector_load_idx %gather3A_1453[%add3A_1173, %add3A_1448] : memref<256x64xf32, #tpu.memory_space<vmem>>[vector<16xi32>, vector<16xi32>], vector<16xf32>,
        %gather3A_1455 = arith.constant 0 : i32
        %gather3A_1456 = arith.constant 0 : i32
        %gather3A_1457 = tpu.memref_slice %arg11[%scan3A_1186, %gather3A_1455, %gather3A_1456] : memref<2x256x64xf32, #tpu.memory_space<vmem>> -> memref<1x256x64xf32, #tpu.memory_space<vmem>>
        %gather3A_1458 = tpu.memref_squeeze %gather3A_1457 : memref<1x256x64xf32, #tpu.memory_space<vmem>> -> memref<256x64xf32, #tpu.memory_space<vmem>>
        %gather3A_1459 = tpu.vector_load_idx %gather3A_1458[%add3A_1183, %add3A_1448] : memref<256x64xf32, #tpu.memory_space<vmem>>[vector<16xi32>, vector<16xi32>], vector<16xf32>,
        %mul3A_1460 = arith.mulf %gather3A_1432, %gather3A_1437 : vector<16xf32>
        %add3A_1461 = arith.addf %add3A_1418, %mul3A_1460 : vector<16xf32>
        %mul3A_1462 = arith.mulf %gather3A_1432, %gather3A_1442 : vector<16xf32>
        %add3A_1463 = arith.addf %add3A_1420, %mul3A_1462 : vector<16xf32>
        %mul3A_1464 = arith.mulf %gather3A_1449, %gather3A_1454 : vector<16xf32>
        %add3A_1465 = arith.addf %add3A_1422, %mul3A_1464 : vector<16xf32>
        %mul3A_1466 = arith.mulf %gather3A_1449, %gather3A_1459 : vector<16xf32>
        %add3A_1467 = arith.addf %add3A_1424, %mul3A_1466 : vector<16xf32>
        %scan3A_1468 = arith.constant 5 : i32
        %scan3A_1469 = arith.addi %scan3A_1251, %scan3A_1468 : i32
        %mul3A_1470 = arith.constant 2 : i32
        %mul3A_1471 = arith.muli %mul3A_1470, %scan3A_1469 : i32
        %add3A_1472 = arith.addi %mul3A_1471, %mul3A_1164 : i32
        %broadcast_in_dim3A_1473 = vector.broadcast %add3A_1472 : i32 to vector<16xi32>
        %sub3A_1474 = arith.subi %broadcast_in_dim3A_1473, %broadcast_in_dim3A_1168 : vector<16xi32>
        %gather3A_1475 = tpu.vector_load_idx %arg10[%broadcast_in_dim3A_1167, %broadcast_in_dim3A_1473] : memref<64x128xf32, #tpu.memory_space<vmem>>[vector<16xi32>, vector<16xi32>], vector<16xf32>,
        %gather3A_1476 = arith.constant 0 : i32
        %gather3A_1477 = arith.constant 0 : i32
        %gather3A_1478 = tpu.memref_slice %arg11[%scan3A_1186, %gather3A_1476, %gather3A_1477] : memref<2x256x64xf32, #tpu.memory_space<vmem>> -> memref<1x256x64xf32, #tpu.memory_space<vmem>>
        %gather3A_1479 = tpu.memref_squeeze %gather3A_1478 : memref<1x256x64xf32, #tpu.memory_space<vmem>> -> memref<256x64xf32, #tpu.memory_space<vmem>>
        %gather3A_1480 = tpu.vector_load_idx %gather3A_1479[%add3A_1173, %sub3A_1474] : memref<256x64xf32, #tpu.memory_space<vmem>>[vector<16xi32>, vector<16xi32>], vector<16xf32>,
        %gather3A_1481 = arith.constant 0 : i32
        %gather3A_1482 = arith.constant 0 : i32
        %gather3A_1483 = tpu.memref_slice %arg11[%scan3A_1186, %gather3A_1481, %gather3A_1482] : memref<2x256x64xf32, #tpu.memory_space<vmem>> -> memref<1x256x64xf32, #tpu.memory_space<vmem>>
        %gather3A_1484 = tpu.memref_squeeze %gather3A_1483 : memref<1x256x64xf32, #tpu.memory_space<vmem>> -> memref<256x64xf32, #tpu.memory_space<vmem>>
        %gather3A_1485 = tpu.vector_load_idx %gather3A_1484[%add3A_1183, %sub3A_1474] : memref<256x64xf32, #tpu.memory_space<vmem>>[vector<16xi32>, vector<16xi32>], vector<16xf32>,
        %add3A_1486 = arith.constant 1 : i32
        %add3A_1487 = vector.broadcast %add3A_1486 : i32 to vector<16xi32>
        %add3A_1488 = arith.addi %broadcast_in_dim3A_1473, %add3A_1487 : vector<16xi32>
        %add3A_1489 = arith.constant 1 : i32
        %add3A_1490 = vector.broadcast %add3A_1489 : i32 to vector<16xi32>
        %add3A_1491 = arith.addi %sub3A_1474, %add3A_1490 : vector<16xi32>
        %gather3A_1492 = tpu.vector_load_idx %arg10[%broadcast_in_dim3A_1167, %add3A_1488] : memref<64x128xf32, #tpu.memory_space<vmem>>[vector<16xi32>, vector<16xi32>], vector<16xf32>,
        %gather3A_1493 = arith.constant 0 : i32
        %gather3A_1494 = arith.constant 0 : i32
        %gather3A_1495 = tpu.memref_slice %arg11[%scan3A_1186, %gather3A_1493, %gather3A_1494] : memref<2x256x64xf32, #tpu.memory_space<vmem>> -> memref<1x256x64xf32, #tpu.memory_space<vmem>>
        %gather3A_1496 = tpu.memref_squeeze %gather3A_1495 : memref<1x256x64xf32, #tpu.memory_space<vmem>> -> memref<256x64xf32, #tpu.memory_space<vmem>>
        %gather3A_1497 = tpu.vector_load_idx %gather3A_1496[%add3A_1173, %add3A_1491] : memref<256x64xf32, #tpu.memory_space<vmem>>[vector<16xi32>, vector<16xi32>], vector<16xf32>,
        %gather3A_1498 = arith.constant 0 : i32
        %gather3A_1499 = arith.constant 0 : i32
        %gather3A_1500 = tpu.memref_slice %arg11[%scan3A_1186, %gather3A_1498, %gather3A_1499] : memref<2x256x64xf32, #tpu.memory_space<vmem>> -> memref<1x256x64xf32, #tpu.memory_space<vmem>>
        %gather3A_1501 = tpu.memref_squeeze %gather3A_1500 : memref<1x256x64xf32, #tpu.memory_space<vmem>> -> memref<256x64xf32, #tpu.memory_space<vmem>>
        %gather3A_1502 = tpu.vector_load_idx %gather3A_1501[%add3A_1183, %add3A_1491] : memref<256x64xf32, #tpu.memory_space<vmem>>[vector<16xi32>, vector<16xi32>], vector<16xf32>,
        %mul3A_1503 = arith.mulf %gather3A_1475, %gather3A_1480 : vector<16xf32>
        %add3A_1504 = arith.addf %add3A_1461, %mul3A_1503 : vector<16xf32>
        %mul3A_1505 = arith.mulf %gather3A_1475, %gather3A_1485 : vector<16xf32>
        %add3A_1506 = arith.addf %add3A_1463, %mul3A_1505 : vector<16xf32>
        %mul3A_1507 = arith.mulf %gather3A_1492, %gather3A_1497 : vector<16xf32>
        %add3A_1508 = arith.addf %add3A_1465, %mul3A_1507 : vector<16xf32>
        %mul3A_1509 = arith.mulf %gather3A_1492, %gather3A_1502 : vector<16xf32>
        %add3A_1510 = arith.addf %add3A_1467, %mul3A_1509 : vector<16xf32>
        %scan3A_1511 = arith.constant 6 : i32
        %scan3A_1512 = arith.addi %scan3A_1251, %scan3A_1511 : i32
        %mul3A_1513 = arith.constant 2 : i32
        %mul3A_1514 = arith.muli %mul3A_1513, %scan3A_1512 : i32
        %add3A_1515 = arith.addi %mul3A_1514, %mul3A_1164 : i32
        %broadcast_in_dim3A_1516 = vector.broadcast %add3A_1515 : i32 to vector<16xi32>
        %sub3A_1517 = arith.subi %broadcast_in_dim3A_1516, %broadcast_in_dim3A_1168 : vector<16xi32>
        %gather3A_1518 = tpu.vector_load_idx %arg10[%broadcast_in_dim3A_1167, %broadcast_in_dim3A_1516] : memref<64x128xf32, #tpu.memory_space<vmem>>[vector<16xi32>, vector<16xi32>], vector<16xf32>,
        %gather3A_1519 = arith.constant 0 : i32
        %gather3A_1520 = arith.constant 0 : i32
        %gather3A_1521 = tpu.memref_slice %arg11[%scan3A_1186, %gather3A_1519, %gather3A_1520] : memref<2x256x64xf32, #tpu.memory_space<vmem>> -> memref<1x256x64xf32, #tpu.memory_space<vmem>>
        %gather3A_1522 = tpu.memref_squeeze %gather3A_1521 : memref<1x256x64xf32, #tpu.memory_space<vmem>> -> memref<256x64xf32, #tpu.memory_space<vmem>>
        %gather3A_1523 = tpu.vector_load_idx %gather3A_1522[%add3A_1173, %sub3A_1517] : memref<256x64xf32, #tpu.memory_space<vmem>>[vector<16xi32>, vector<16xi32>], vector<16xf32>,
        %gather3A_1524 = arith.constant 0 : i32
        %gather3A_1525 = arith.constant 0 : i32
        %gather3A_1526 = tpu.memref_slice %arg11[%scan3A_1186, %gather3A_1524, %gather3A_1525] : memref<2x256x64xf32, #tpu.memory_space<vmem>> -> memref<1x256x64xf32, #tpu.memory_space<vmem>>
        %gather3A_1527 = tpu.memref_squeeze %gather3A_1526 : memref<1x256x64xf32, #tpu.memory_space<vmem>> -> memref<256x64xf32, #tpu.memory_space<vmem>>
        %gather3A_1528 = tpu.vector_load_idx %gather3A_1527[%add3A_1183, %sub3A_1517] : memref<256x64xf32, #tpu.memory_space<vmem>>[vector<16xi32>, vector<16xi32>], vector<16xf32>,
        %add3A_1529 = arith.constant 1 : i32
        %add3A_1530 = vector.broadcast %add3A_1529 : i32 to vector<16xi32>
        %add3A_1531 = arith.addi %broadcast_in_dim3A_1516, %add3A_1530 : vector<16xi32>
        %add3A_1532 = arith.constant 1 : i32
        %add3A_1533 = vector.broadcast %add3A_1532 : i32 to vector<16xi32>
        %add3A_1534 = arith.addi %sub3A_1517, %add3A_1533 : vector<16xi32>
        %gather3A_1535 = tpu.vector_load_idx %arg10[%broadcast_in_dim3A_1167, %add3A_1531] : memref<64x128xf32, #tpu.memory_space<vmem>>[vector<16xi32>, vector<16xi32>], vector<16xf32>,
        %gather3A_1536 = arith.constant 0 : i32
        %gather3A_1537 = arith.constant 0 : i32
        %gather3A_1538 = tpu.memref_slice %arg11[%scan3A_1186, %gather3A_1536, %gather3A_1537] : memref<2x256x64xf32, #tpu.memory_space<vmem>> -> memref<1x256x64xf32, #tpu.memory_space<vmem>>
        %gather3A_1539 = tpu.memref_squeeze %gather3A_1538 : memref<1x256x64xf32, #tpu.memory_space<vmem>> -> memref<256x64xf32, #tpu.memory_space<vmem>>
        %gather3A_1540 = tpu.vector_load_idx %gather3A_1539[%add3A_1173, %add3A_1534] : memref<256x64xf32, #tpu.memory_space<vmem>>[vector<16xi32>, vector<16xi32>], vector<16xf32>,
        %gather3A_1541 = arith.constant 0 : i32
        %gather3A_1542 = arith.constant 0 : i32
        %gather3A_1543 = tpu.memref_slice %arg11[%scan3A_1186, %gather3A_1541, %gather3A_1542] : memref<2x256x64xf32, #tpu.memory_space<vmem>> -> memref<1x256x64xf32, #tpu.memory_space<vmem>>
        %gather3A_1544 = tpu.memref_squeeze %gather3A_1543 : memref<1x256x64xf32, #tpu.memory_space<vmem>> -> memref<256x64xf32, #tpu.memory_space<vmem>>
        %gather3A_1545 = tpu.vector_load_idx %gather3A_1544[%add3A_1183, %add3A_1534] : memref<256x64xf32, #tpu.memory_space<vmem>>[vector<16xi32>, vector<16xi32>], vector<16xf32>,
        %mul3A_1546 = arith.mulf %gather3A_1518, %gather3A_1523 : vector<16xf32>
        %add3A_1547 = arith.addf %add3A_1504, %mul3A_1546 : vector<16xf32>
        %mul3A_1548 = arith.mulf %gather3A_1518, %gather3A_1528 : vector<16xf32>
        %add3A_1549 = arith.addf %add3A_1506, %mul3A_1548 : vector<16xf32>
        %mul3A_1550 = arith.mulf %gather3A_1535, %gather3A_1540 : vector<16xf32>
        %add3A_1551 = arith.addf %add3A_1508, %mul3A_1550 : vector<16xf32>
        %mul3A_1552 = arith.mulf %gather3A_1535, %gather3A_1545 : vector<16xf32>
        %add3A_1553 = arith.addf %add3A_1510, %mul3A_1552 : vector<16xf32>
        %scan3A_1554 = arith.constant 7 : i32
        %scan3A_1555 = arith.addi %scan3A_1251, %scan3A_1554 : i32
        %mul3A_1556 = arith.constant 2 : i32
        %mul3A_1557 = arith.muli %mul3A_1556, %scan3A_1555 : i32
        %add3A_1558 = arith.addi %mul3A_1557, %mul3A_1164 : i32
        %broadcast_in_dim3A_1559 = vector.broadcast %add3A_1558 : i32 to vector<16xi32>
        %sub3A_1560 = arith.subi %broadcast_in_dim3A_1559, %broadcast_in_dim3A_1168 : vector<16xi32>
        %gather3A_1561 = tpu.vector_load_idx %arg10[%broadcast_in_dim3A_1167, %broadcast_in_dim3A_1559] : memref<64x128xf32, #tpu.memory_space<vmem>>[vector<16xi32>, vector<16xi32>], vector<16xf32>,
        %gather3A_1562 = arith.constant 0 : i32
        %gather3A_1563 = arith.constant 0 : i32
        %gather3A_1564 = tpu.memref_slice %arg11[%scan3A_1186, %gather3A_1562, %gather3A_1563] : memref<2x256x64xf32, #tpu.memory_space<vmem>> -> memref<1x256x64xf32, #tpu.memory_space<vmem>>
        %gather3A_1565 = tpu.memref_squeeze %gather3A_1564 : memref<1x256x64xf32, #tpu.memory_space<vmem>> -> memref<256x64xf32, #tpu.memory_space<vmem>>
        %gather3A_1566 = tpu.vector_load_idx %gather3A_1565[%add3A_1173, %sub3A_1560] : memref<256x64xf32, #tpu.memory_space<vmem>>[vector<16xi32>, vector<16xi32>], vector<16xf32>,
        %gather3A_1567 = arith.constant 0 : i32
        %gather3A_1568 = arith.constant 0 : i32
        %gather3A_1569 = tpu.memref_slice %arg11[%scan3A_1186, %gather3A_1567, %gather3A_1568] : memref<2x256x64xf32, #tpu.memory_space<vmem>> -> memref<1x256x64xf32, #tpu.memory_space<vmem>>
        %gather3A_1570 = tpu.memref_squeeze %gather3A_1569 : memref<1x256x64xf32, #tpu.memory_space<vmem>> -> memref<256x64xf32, #tpu.memory_space<vmem>>
        %gather3A_1571 = tpu.vector_load_idx %gather3A_1570[%add3A_1183, %sub3A_1560] : memref<256x64xf32, #tpu.memory_space<vmem>>[vector<16xi32>, vector<16xi32>], vector<16xf32>,
        %add3A_1572 = arith.constant 1 : i32
        %add3A_1573 = vector.broadcast %add3A_1572 : i32 to vector<16xi32>
        %add3A_1574 = arith.addi %broadcast_in_dim3A_1559, %add3A_1573 : vector<16xi32>
        %add3A_1575 = arith.constant 1 : i32
        %add3A_1576 = vector.broadcast %add3A_1575 : i32 to vector<16xi32>
        %add3A_1577 = arith.addi %sub3A_1560, %add3A_1576 : vector<16xi32>
        %gather3A_1578 = tpu.vector_load_idx %arg10[%broadcast_in_dim3A_1167, %add3A_1574] : memref<64x128xf32, #tpu.memory_space<vmem>>[vector<16xi32>, vector<16xi32>], vector<16xf32>,
        %gather3A_1579 = arith.constant 0 : i32
        %gather3A_1580 = arith.constant 0 : i32
        %gather3A_1581 = tpu.memref_slice %arg11[%scan3A_1186, %gather3A_1579, %gather3A_1580] : memref<2x256x64xf32, #tpu.memory_space<vmem>> -> memref<1x256x64xf32, #tpu.memory_space<vmem>>
        %gather3A_1582 = tpu.memref_squeeze %gather3A_1581 : memref<1x256x64xf32, #tpu.memory_space<vmem>> -> memref<256x64xf32, #tpu.memory_space<vmem>>
        %gather3A_1583 = tpu.vector_load_idx %gather3A_1582[%add3A_1173, %add3A_1577] : memref<256x64xf32, #tpu.memory_space<vmem>>[vector<16xi32>, vector<16xi32>], vector<16xf32>,
        %gather3A_1584 = arith.constant 0 : i32
        %gather3A_1585 = arith.constant 0 : i32
        %gather3A_1586 = tpu.memref_slice %arg11[%scan3A_1186, %gather3A_1584, %gather3A_1585] : memref<2x256x64xf32, #tpu.memory_space<vmem>> -> memref<1x256x64xf32, #tpu.memory_space<vmem>>
        %gather3A_1587 = tpu.memref_squeeze %gather3A_1586 : memref<1x256x64xf32, #tpu.memory_space<vmem>> -> memref<256x64xf32, #tpu.memory_space<vmem>>
        %gather3A_1588 = tpu.vector_load_idx %gather3A_1587[%add3A_1183, %add3A_1577] : memref<256x64xf32, #tpu.memory_space<vmem>>[vector<16xi32>, vector<16xi32>], vector<16xf32>,
        %mul3A_1589 = arith.mulf %gather3A_1561, %gather3A_1566 : vector<16xf32>
        %add3A_1590 = arith.addf %add3A_1547, %mul3A_1589 : vector<16xf32>
        %mul3A_1591 = arith.mulf %gather3A_1561, %gather3A_1571 : vector<16xf32>
        %add3A_1592 = arith.addf %add3A_1549, %mul3A_1591 : vector<16xf32>
        %mul3A_1593 = arith.mulf %gather3A_1578, %gather3A_1583 : vector<16xf32>
        %add3A_1594 = arith.addf %add3A_1551, %mul3A_1593 : vector<16xf32>
        %mul3A_1595 = arith.mulf %gather3A_1578, %gather3A_1588 : vector<16xf32>
        %add3A_1596 = arith.addf %add3A_1553, %mul3A_1595 : vector<16xf32>
        scf.yield %add3A_1590, %add3A_1592, %add3A_1594, %add3A_1596 : vector<16xf32>, vector<16xf32>, vector<16xf32>, vector<16xf32>
      }
      %scan3A_1192 = arith.constant 32 : i32
      %add3A_1193 = arith.addf %scan3A_1191#0, %scan3A_1191#2 : vector<16xf32>
      %add3A_1194 = arith.addf %scan3A_1191#1, %scan3A_1191#3 : vector<16xf32>
      %reduce_max3A_1195 = arith.constant true
      %reduce_max3A_1196 = vector.broadcast %reduce_max3A_1195 : i1 to vector<16xi1>
      %reduce_max3A_1197 = tpu.scan <max>, %add3A_1193 masked %reduce_max3A_1196 : vector<16xf32>, vector<16xi1> -> vector<16xf32>
      %reduce_max3A_1198 = vector.extract %reduce_max3A_1197[15] : f32 from vector<16xf32>
      %reduce_max3A_1199 = arith.constant true
      %reduce_max3A_1200 = vector.broadcast %reduce_max3A_1199 : i1 to vector<16xi1>
      %reduce_max3A_1201 = tpu.scan <max>, %add3A_1194 masked %reduce_max3A_1200 : vector<16xf32>, vector<16xi1> -> vector<16xf32>
      %reduce_max3A_1202 = vector.extract %reduce_max3A_1201[15] : f32 from vector<16xf32>
      %max3A_1203 = arith.maximumf %reduce_max3A_1198, %reduce_max3A_1202 : f32
      %broadcast_in_dim3A_1204 = vector.broadcast %max3A_1203 : f32 to vector<16xf32>
      %sub3A_1205 = arith.subf %add3A_1193, %broadcast_in_dim3A_1204 : vector<16xf32>
      %exp3A_1206 = math.exp %sub3A_1205 : vector<16xf32>
      %lt3A_1207 = arith.constant 14 : i32
      %lt3A_1208 = vector.broadcast %lt3A_1207 : i32 to vector<16xi32>
      %lt3A_1209 = arith.cmpi slt, %iota3A, %lt3A_1208 : vector<16xi32>
      %sub3A_1210 = arith.subf %add3A_1194, %broadcast_in_dim3A_1204 : vector<16xf32>
      %exp3A_1211 = math.exp %sub3A_1210 : vector<16xf32>
      %broadcast_in_dim3A_1212 = arith.constant 0.000000e+00 : f32
      %broadcast_in_dim3A_1213 = vector.broadcast %broadcast_in_dim3A_1212 : f32 to vector<16xf32>
      %select_n3A_1214 = arith.select %lt3A_1209, %exp3A_1211, %broadcast_in_dim3A_1213 : vector<16xi1>, vector<16xf32>
      %reduce_sum3A_1215 = arith.constant true
      %reduce_sum3A_1216 = vector.broadcast %reduce_sum3A_1215 : i1 to vector<16xi1>
      %reduce_sum3A_1217 = tpu.scan <sum>, %exp3A_1206 masked %reduce_sum3A_1216 : vector<16xf32>, vector<16xi1> -> vector<16xf32>
      %reduce_sum3A_1218 = vector.extract %reduce_sum3A_1217[15] : f32 from vector<16xf32>
      %reduce_sum3A_1219 = arith.constant true
      %reduce_sum3A_1220 = vector.broadcast %reduce_sum3A_1219 : i1 to vector<16xi1>
      %reduce_sum3A_1221 = tpu.scan <sum>, %select_n3A_1214 masked %reduce_sum3A_1220 : vector<16xf32>, vector<16xi1> -> vector<16xf32>
      %reduce_sum3A_1222 = vector.extract %reduce_sum3A_1221[15] : f32 from vector<16xf32>
      %add3A_1223 = arith.addf %reduce_sum3A_1218, %reduce_sum3A_1222 : f32
      %broadcast_in_dim3A_1224 = arith.constant 1.000000e+00 : f32
      %broadcast_in_dim3A_1225 = vector.broadcast %broadcast_in_dim3A_1224 : f32 to vector<16xf32>
      %broadcast_in_dim3A_1226 = vector.broadcast %add3A_1223 : f32 to vector<16xf32>
      %div3A_1227 = arith.divf %broadcast_in_dim3A_1225, %broadcast_in_dim3A_1226 : vector<16xf32>
      %mul3A_1228 = arith.constant 32 : i32
      %mul3A_1229 = arith.muli %add3A_1145, %mul3A_1228 : i32
      %swap3A_1230 = arith.index_cast %mul3A_1229 : i32 to index
      %swap3A_1231 = tpu.vector_load %arg12[%swap3A_1230] {strides = array<i32>} : memref<4096xf32, #tpu.memory_space<vmem>>, vector<16xf32>,
      tpu.vector_store %arg12[%swap3A_1230], %add3A_1193 {strides = array<i32>} : memref<4096xf32, #tpu.memory_space<vmem>>, vector<16xf32>,
      %add3A_1232 = arith.constant 16 : i32
      %add3A_1233 = arith.addi %mul3A_1229, %add3A_1232 : i32
      %swap3A_1234 = arith.index_cast %add3A_1233 : i32 to index
      %swap3A_1235 = tpu.vector_load %arg12[%swap3A_1234] {strides = array<i32>} : memref<4096xf32, #tpu.memory_space<vmem>>, vector<16xf32>,
      tpu.vector_store %arg12[%swap3A_1234], %add3A_1194 {strides = array<i32>} : memref<4096xf32, #tpu.memory_space<vmem>>, vector<16xf32>,
      %mul3A_1236 = arith.mulf %exp3A_1206, %div3A_1227 : vector<16xf32>
      %swap3A_1237 = arith.index_cast %mul3A_1229 : i32 to index
      %swap3A_1238 = tpu.vector_load %arg13[%swap3A_1237] {strides = array<i32>} : memref<4096xf32, #tpu.memory_space<vmem>>, vector<16xf32>,
      tpu.vector_store %arg13[%swap3A_1237], %mul3A_1236 {strides = array<i32>} : memref<4096xf32, #tpu.memory_space<vmem>>, vector<16xf32>,
      %mul3A_1239 = arith.mulf %select_n3A_1214, %div3A_1227 : vector<16xf32>
      %add3A_1240 = arith.constant 16 : i32
      %add3A_1241 = arith.addi %mul3A_1229, %add3A_1240 : i32
      %swap3A_1242 = arith.index_cast %add3A_1241 : i32 to index
      %swap3A_1243 = tpu.vector_load %arg13[%swap3A_1242] {strides = array<i32>} : memref<4096xf32, #tpu.memory_space<vmem>>, vector<16xf32>,
      tpu.vector_store %arg13[%swap3A_1242], %mul3A_1239 {strides = array<i32>} : memref<4096xf32, #tpu.memory_space<vmem>>, vector<16xf32>,
      %add3A_1244 = arith.constant 2 : i32
      %add3A_1245 = arith.addi %add3A_1145, %add3A_1244 : i32
      %lt3A_1246 = arith.constant 128 : i32
      %lt3A_1247 = arith.cmpi slt, %add3A_1245, %lt3A_1246 : i32
      %convert_element_type3A_1248 = arith.extui %lt3A_1247 : i1 to i32
      %cond3A_1249 = arith.constant 0 : i32
      %cond3A_1250 = arith.cmpi ne, %convert_element_type3A_1248, %cond3A_1249 : i32
      scf.if %cond3A_1250 {
        %add3A_1251 = arith.constant 2 : i32
        %add3A_1252 = arith.addi %add3A_1145, %add3A_1251 : i32
        %mul3A_1253 = arith.constant 32 : i32
        %mul3A_1254 = arith.muli %add3A_1252, %mul3A_1253 : i32
        %add3A_1255 = arith.constant 0 : i32
        %add3A_1256 = arith.addi %mul3A_1254, %add3A_1255 : i32
        %get3A_1257 = arith.index_cast %add3A_1256 : i32 to index
        %get3A_1258 = tpu.vector_load %arg8[%get3A_1257] {strides = array<i32>} : memref<4096xi32, #tpu.memory_space<vmem>>, vector<16xi32>,
        %slice3A_1259 = vector.extract_strided_slice %get3A_1258 {offsets = [0], sizes = [1], strides = [1]} : vector<16xi32> to vector<1xi32>
        %squeeze3A_1260 = vector.extract %slice3A_1259[0] : i32 from vector<1xi32>
        %multiple_of3A_1261 = tpu.assume_multiple %squeeze3A_1260, 8 : i32
        %dma_start3A_1262 = arith.constant 1 : i32
        %dma_start3A_1263 = arith.constant 0 : i32
        %dma_start3A_1264 = arith.constant 0 : i32
        %dma_start3A_1265 = tpu.memref_slice %arg11[%dma_start3A_1262, %dma_start3A_1263, %dma_start3A_1264] : memref<2x256x64xf32, #tpu.memory_space<vmem>> -> memref<1x8x64xf32, #tpu.memory_space<vmem>>
        %dma_start3A_1266 = tpu.memref_squeeze %dma_start3A_1265 : memref<1x8x64xf32, #tpu.memory_space<vmem>> -> memref<8x64xf32, #tpu.memory_space<vmem>>
        %dma_start3A_1267 = arith.constant 0 : i32
        %dma_start3A_1268 = tpu.memref_slice %arg5[%multiple_of3A_1261, %dma_start3A_1267] : memref<1000000x64xf32, #tpu.memory_space<hbm>> -> memref<8x64xf32, #tpu.memory_space<hbm>>
        %dma_start3A_1269 = arith.constant 0 : i32
        %dma_start3A_1270 = arith.constant 0 : i32
        %dma_start3A_1271 = tpu.memref_slice %arg11[%dma_start3A_1262, %dma_start3A_1269, %dma_start3A_1270] : memref<2x256x64xf32, #tpu.memory_space<vmem>> -> memref<1x8x64xf32, #tpu.memory_space<vmem>>
        %dma_start3A_1272 = tpu.memref_squeeze %dma_start3A_1271 : memref<1x8x64xf32, #tpu.memory_space<vmem>> -> memref<8x64xf32, #tpu.memory_space<vmem>>
        %dma_start3A_1273 = arith.constant 0 : i32
        %dma_start3A_1274 = tpu.memref_slice %arg5[%multiple_of3A_1261, %dma_start3A_1273] : memref<1000000x64xf32, #tpu.memory_space<hbm>> -> memref<8x64xf32, #tpu.memory_space<hbm>>
        tpu.enqueue_dma source(%dma_start3A_1274 : memref<8x64xf32, #tpu.memory_space<hbm>>) target(%dma_start3A_1272 : memref<8x64xf32, #tpu.memory_space<vmem>>) target_semaphore(%arg15 : memref<!tpu.dma_semaphore, #tpu.memory_space<semaphore_mem>>)
        %slice3A_1275 = vector.extract_strided_slice %get3A_1258 {offsets = [1], sizes = [1], strides = [1]} : vector<16xi32> to vector<1xi32>
        %squeeze3A_1276 = vector.extract %slice3A_1275[0] : i32 from vector<1xi32>
        %multiple_of3A_1277 = tpu.assume_multiple %squeeze3A_1276, 8 : i32
        %dma_start3A_1278 = arith.constant 1 : i32
        %dma_start3A_1279 = arith.constant 8 : i32
        %dma_start3A_1280 = arith.constant 0 : i32
        %dma_start3A_1281 = tpu.memref_slice %arg11[%dma_start3A_1278, %dma_start3A_1279, %dma_start3A_1280] : memref<2x256x64xf32, #tpu.memory_space<vmem>> -> memref<1x8x64xf32, #tpu.memory_space<vmem>>
        %dma_start3A_1282 = tpu.memref_squeeze %dma_start3A_1281 : memref<1x8x64xf32, #tpu.memory_space<vmem>> -> memref<8x64xf32, #tpu.memory_space<vmem>>
        %dma_start3A_1283 = arith.constant 0 : i32
        %dma_start3A_1284 = tpu.memref_slice %arg5[%multiple_of3A_1277, %dma_start3A_1283] : memref<1000000x64xf32, #tpu.memory_space<hbm>> -> memref<8x64xf32, #tpu.memory_space<hbm>>
        %dma_start3A_1285 = arith.constant 8 : i32
        %dma_start3A_1286 = arith.constant 0 : i32
        %dma_start3A_1287 = tpu.memref_slice %arg11[%dma_start3A_1278, %dma_start3A_1285, %dma_start3A_1286] : memref<2x256x64xf32, #tpu.memory_space<vmem>> -> memref<1x8x64xf32, #tpu.memory_space<vmem>>
        %dma_start3A_1288 = tpu.memref_squeeze %dma_start3A_1287 : memref<1x8x64xf32, #tpu.memory_space<vmem>> -> memref<8x64xf32, #tpu.memory_space<vmem>>
        %dma_start3A_1289 = arith.constant 0 : i32
        %dma_start3A_1290 = tpu.memref_slice %arg5[%multiple_of3A_1277, %dma_start3A_1289] : memref<1000000x64xf32, #tpu.memory_space<hbm>> -> memref<8x64xf32, #tpu.memory_space<hbm>>
        tpu.enqueue_dma source(%dma_start3A_1290 : memref<8x64xf32, #tpu.memory_space<hbm>>) target(%dma_start3A_1288 : memref<8x64xf32, #tpu.memory_space<vmem>>) target_semaphore(%arg15 : memref<!tpu.dma_semaphore, #tpu.memory_space<semaphore_mem>>)
        %slice3A_1291 = vector.extract_strided_slice %get3A_1258 {offsets = [2], sizes = [1], strides = [1]} : vector<16xi32> to vector<1xi32>
        %squeeze3A_1292 = vector.extract %slice3A_1291[0] : i32 from vector<1xi32>
        %multiple_of3A_1293 = tpu.assume_multiple %squeeze3A_1292, 8 : i32
        %dma_start3A_1294 = arith.constant 1 : i32
        %dma_start3A_1295 = arith.constant 16 : i32
        %dma_start3A_1296 = arith.constant 0 : i32
        %dma_start3A_1297 = tpu.memref_slice %arg11[%dma_start3A_1294, %dma_start3A_1295, %dma_start3A_1296] : memref<2x256x64xf32, #tpu.memory_space<vmem>> -> memref<1x8x64xf32, #tpu.memory_space<vmem>>
        %dma_start3A_1298 = tpu.memref_squeeze %dma_start3A_1297 : memref<1x8x64xf32, #tpu.memory_space<vmem>> -> memref<8x64xf32, #tpu.memory_space<vmem>>
        %dma_start3A_1299 = arith.constant 0 : i32
        %dma_start3A_1300 = tpu.memref_slice %arg5[%multiple_of3A_1293, %dma_start3A_1299] : memref<1000000x64xf32, #tpu.memory_space<hbm>> -> memref<8x64xf32, #tpu.memory_space<hbm>>
        %dma_start3A_1301 = arith.constant 16 : i32
        %dma_start3A_1302 = arith.constant 0 : i32
        %dma_start3A_1303 = tpu.memref_slice %arg11[%dma_start3A_1294, %dma_start3A_1301, %dma_start3A_1302] : memref<2x256x64xf32, #tpu.memory_space<vmem>> -> memref<1x8x64xf32, #tpu.memory_space<vmem>>
        %dma_start3A_1304 = tpu.memref_squeeze %dma_start3A_1303 : memref<1x8x64xf32, #tpu.memory_space<vmem>> -> memref<8x64xf32, #tpu.memory_space<vmem>>
        %dma_start3A_1305 = arith.constant 0 : i32
        %dma_start3A_1306 = tpu.memref_slice %arg5[%multiple_of3A_1293, %dma_start3A_1305] : memref<1000000x64xf32, #tpu.memory_space<hbm>> -> memref<8x64xf32, #tpu.memory_space<hbm>>
        tpu.enqueue_dma source(%dma_start3A_1306 : memref<8x64xf32, #tpu.memory_space<hbm>>) target(%dma_start3A_1304 : memref<8x64xf32, #tpu.memory_space<vmem>>) target_semaphore(%arg15 : memref<!tpu.dma_semaphore, #tpu.memory_space<semaphore_mem>>)
        %slice3A_1307 = vector.extract_strided_slice %get3A_1258 {offsets = [3], sizes = [1], strides = [1]} : vector<16xi32> to vector<1xi32>
        %squeeze3A_1308 = vector.extract %slice3A_1307[0] : i32 from vector<1xi32>
        %multiple_of3A_1309 = tpu.assume_multiple %squeeze3A_1308, 8 : i32
        %dma_start3A_1310 = arith.constant 1 : i32
        %dma_start3A_1311 = arith.constant 24 : i32
        %dma_start3A_1312 = arith.constant 0 : i32
        %dma_start3A_1313 = tpu.memref_slice %arg11[%dma_start3A_1310, %dma_start3A_1311, %dma_start3A_1312] : memref<2x256x64xf32, #tpu.memory_space<vmem>> -> memref<1x8x64xf32, #tpu.memory_space<vmem>>
        %dma_start3A_1314 = tpu.memref_squeeze %dma_start3A_1313 : memref<1x8x64xf32, #tpu.memory_space<vmem>> -> memref<8x64xf32, #tpu.memory_space<vmem>>
        %dma_start3A_1315 = arith.constant 0 : i32
        %dma_start3A_1316 = tpu.memref_slice %arg5[%multiple_of3A_1309, %dma_start3A_1315] : memref<1000000x64xf32, #tpu.memory_space<hbm>> -> memref<8x64xf32, #tpu.memory_space<hbm>>
        %dma_start3A_1317 = arith.constant 24 : i32
        %dma_start3A_1318 = arith.constant 0 : i32
        %dma_start3A_1319 = tpu.memref_slice %arg11[%dma_start3A_1310, %dma_start3A_1317, %dma_start3A_1318] : memref<2x256x64xf32, #tpu.memory_space<vmem>> -> memref<1x8x64xf32, #tpu.memory_space<vmem>>
        %dma_start3A_1320 = tpu.memref_squeeze %dma_start3A_1319 : memref<1x8x64xf32, #tpu.memory_space<vmem>> -> memref<8x64xf32, #tpu.memory_space<vmem>>
        %dma_start3A_1321 = arith.constant 0 : i32
        %dma_start3A_1322 = tpu.memref_slice %arg5[%multiple_of3A_1309, %dma_start3A_1321] : memref<1000000x64xf32, #tpu.memory_space<hbm>> -> memref<8x64xf32, #tpu.memory_space<hbm>>
        tpu.enqueue_dma source(%dma_start3A_1322 : memref<8x64xf32, #tpu.memory_space<hbm>>) target(%dma_start3A_1320 : memref<8x64xf32, #tpu.memory_space<vmem>>) target_semaphore(%arg15 : memref<!tpu.dma_semaphore, #tpu.memory_space<semaphore_mem>>)
        %slice3A_1323 = vector.extract_strided_slice %get3A_1258 {offsets = [4], sizes = [1], strides = [1]} : vector<16xi32> to vector<1xi32>
        %squeeze3A_1324 = vector.extract %slice3A_1323[0] : i32 from vector<1xi32>
        %multiple_of3A_1325 = tpu.assume_multiple %squeeze3A_1324, 8 : i32
        %dma_start3A_1326 = arith.constant 1 : i32
        %dma_start3A_1327 = arith.constant 32 : i32
        %dma_start3A_1328 = arith.constant 0 : i32
        %dma_start3A_1329 = tpu.memref_slice %arg11[%dma_start3A_1326, %dma_start3A_1327, %dma_start3A_1328] : memref<2x256x64xf32, #tpu.memory_space<vmem>> -> memref<1x8x64xf32, #tpu.memory_space<vmem>>
        %dma_start3A_1330 = tpu.memref_squeeze %dma_start3A_1329 : memref<1x8x64xf32, #tpu.memory_space<vmem>> -> memref<8x64xf32, #tpu.memory_space<vmem>>
        %dma_start3A_1331 = arith.constant 0 : i32
        %dma_start3A_1332 = tpu.memref_slice %arg5[%multiple_of3A_1325, %dma_start3A_1331] : memref<1000000x64xf32, #tpu.memory_space<hbm>> -> memref<8x64xf32, #tpu.memory_space<hbm>>
        %dma_start3A_1333 = arith.constant 32 : i32
        %dma_start3A_1334 = arith.constant 0 : i32
        %dma_start3A_1335 = tpu.memref_slice %arg11[%dma_start3A_1326, %dma_start3A_1333, %dma_start3A_1334] : memref<2x256x64xf32, #tpu.memory_space<vmem>> -> memref<1x8x64xf32, #tpu.memory_space<vmem>>
        %dma_start3A_1336 = tpu.memref_squeeze %dma_start3A_1335 : memref<1x8x64xf32, #tpu.memory_space<vmem>> -> memref<8x64xf32, #tpu.memory_space<vmem>>
        %dma_start3A_1337 = arith.constant 0 : i32
        %dma_start3A_1338 = tpu.memref_slice %arg5[%multiple_of3A_1325, %dma_start3A_1337] : memref<1000000x64xf32, #tpu.memory_space<hbm>> -> memref<8x64xf32, #tpu.memory_space<hbm>>
        tpu.enqueue_dma source(%dma_start3A_1338 : memref<8x64xf32, #tpu.memory_space<hbm>>) target(%dma_start3A_1336 : memref<8x64xf32, #tpu.memory_space<vmem>>) target_semaphore(%arg15 : memref<!tpu.dma_semaphore, #tpu.memory_space<semaphore_mem>>)
        %slice3A_1339 = vector.extract_strided_slice %get3A_1258 {offsets = [5], sizes = [1], strides = [1]} : vector<16xi32> to vector<1xi32>
        %squeeze3A_1340 = vector.extract %slice3A_1339[0] : i32 from vector<1xi32>
        %multiple_of3A_1341 = tpu.assume_multiple %squeeze3A_1340, 8 : i32
        %dma_start3A_1342 = arith.constant 1 : i32
        %dma_start3A_1343 = arith.constant 40 : i32
        %dma_start3A_1344 = arith.constant 0 : i32
        %dma_start3A_1345 = tpu.memref_slice %arg11[%dma_start3A_1342, %dma_start3A_1343, %dma_start3A_1344] : memref<2x256x64xf32, #tpu.memory_space<vmem>> -> memref<1x8x64xf32, #tpu.memory_space<vmem>>
        %dma_start3A_1346 = tpu.memref_squeeze %dma_start3A_1345 : memref<1x8x64xf32, #tpu.memory_space<vmem>> -> memref<8x64xf32, #tpu.memory_space<vmem>>
        %dma_start3A_1347 = arith.constant 0 : i32
        %dma_start3A_1348 = tpu.memref_slice %arg5[%multiple_of3A_1341, %dma_start3A_1347] : memref<1000000x64xf32, #tpu.memory_space<hbm>> -> memref<8x64xf32, #tpu.memory_space<hbm>>
        %dma_start3A_1349 = arith.constant 40 : i32
        %dma_start3A_1350 = arith.constant 0 : i32
        %dma_start3A_1351 = tpu.memref_slice %arg11[%dma_start3A_1342, %dma_start3A_1349, %dma_start3A_1350] : memref<2x256x64xf32, #tpu.memory_space<vmem>> -> memref<1x8x64xf32, #tpu.memory_space<vmem>>
        %dma_start3A_1352 = tpu.memref_squeeze %dma_start3A_1351 : memref<1x8x64xf32, #tpu.memory_space<vmem>> -> memref<8x64xf32, #tpu.memory_space<vmem>>
        %dma_start3A_1353 = arith.constant 0 : i32
        %dma_start3A_1354 = tpu.memref_slice %arg5[%multiple_of3A_1341, %dma_start3A_1353] : memref<1000000x64xf32, #tpu.memory_space<hbm>> -> memref<8x64xf32, #tpu.memory_space<hbm>>
        tpu.enqueue_dma source(%dma_start3A_1354 : memref<8x64xf32, #tpu.memory_space<hbm>>) target(%dma_start3A_1352 : memref<8x64xf32, #tpu.memory_space<vmem>>) target_semaphore(%arg15 : memref<!tpu.dma_semaphore, #tpu.memory_space<semaphore_mem>>)
        %slice3A_1355 = vector.extract_strided_slice %get3A_1258 {offsets = [6], sizes = [1], strides = [1]} : vector<16xi32> to vector<1xi32>
        %squeeze3A_1356 = vector.extract %slice3A_1355[0] : i32 from vector<1xi32>
        %multiple_of3A_1357 = tpu.assume_multiple %squeeze3A_1356, 8 : i32
        %dma_start3A_1358 = arith.constant 1 : i32
        %dma_start3A_1359 = arith.constant 48 : i32
        %dma_start3A_1360 = arith.constant 0 : i32
        %dma_start3A_1361 = tpu.memref_slice %arg11[%dma_start3A_1358, %dma_start3A_1359, %dma_start3A_1360] : memref<2x256x64xf32, #tpu.memory_space<vmem>> -> memref<1x8x64xf32, #tpu.memory_space<vmem>>
        %dma_start3A_1362 = tpu.memref_squeeze %dma_start3A_1361 : memref<1x8x64xf32, #tpu.memory_space<vmem>> -> memref<8x64xf32, #tpu.memory_space<vmem>>
        %dma_start3A_1363 = arith.constant 0 : i32
        %dma_start3A_1364 = tpu.memref_slice %arg5[%multiple_of3A_1357, %dma_start3A_1363] : memref<1000000x64xf32, #tpu.memory_space<hbm>> -> memref<8x64xf32, #tpu.memory_space<hbm>>
        %dma_start3A_1365 = arith.constant 48 : i32
        %dma_start3A_1366 = arith.constant 0 : i32
        %dma_start3A_1367 = tpu.memref_slice %arg11[%dma_start3A_1358, %dma_start3A_1365, %dma_start3A_1366] : memref<2x256x64xf32, #tpu.memory_space<vmem>> -> memref<1x8x64xf32, #tpu.memory_space<vmem>>
        %dma_start3A_1368 = tpu.memref_squeeze %dma_start3A_1367 : memref<1x8x64xf32, #tpu.memory_space<vmem>> -> memref<8x64xf32, #tpu.memory_space<vmem>>
        %dma_start3A_1369 = arith.constant 0 : i32
        %dma_start3A_1370 = tpu.memref_slice %arg5[%multiple_of3A_1357, %dma_start3A_1369] : memref<1000000x64xf32, #tpu.memory_space<hbm>> -> memref<8x64xf32, #tpu.memory_space<hbm>>
        tpu.enqueue_dma source(%dma_start3A_1370 : memref<8x64xf32, #tpu.memory_space<hbm>>) target(%dma_start3A_1368 : memref<8x64xf32, #tpu.memory_space<vmem>>) target_semaphore(%arg15 : memref<!tpu.dma_semaphore, #tpu.memory_space<semaphore_mem>>)
        %slice3A_1371 = vector.extract_strided_slice %get3A_1258 {offsets = [7], sizes = [1], strides = [1]} : vector<16xi32> to vector<1xi32>
        %squeeze3A_1372 = vector.extract %slice3A_1371[0] : i32 from vector<1xi32>
        %multiple_of3A_1373 = tpu.assume_multiple %squeeze3A_1372, 8 : i32
        %dma_start3A_1374 = arith.constant 1 : i32
        %dma_start3A_1375 = arith.constant 56 : i32
        %dma_start3A_1376 = arith.constant 0 : i32
        %dma_start3A_1377 = tpu.memref_slice %arg11[%dma_start3A_1374, %dma_start3A_1375, %dma_start3A_1376] : memref<2x256x64xf32, #tpu.memory_space<vmem>> -> memref<1x8x64xf32, #tpu.memory_space<vmem>>
        %dma_start3A_1378 = tpu.memref_squeeze %dma_start3A_1377 : memref<1x8x64xf32, #tpu.memory_space<vmem>> -> memref<8x64xf32, #tpu.memory_space<vmem>>
        %dma_start3A_1379 = arith.constant 0 : i32
        %dma_start3A_1380 = tpu.memref_slice %arg5[%multiple_of3A_1373, %dma_start3A_1379] : memref<1000000x64xf32, #tpu.memory_space<hbm>> -> memref<8x64xf32, #tpu.memory_space<hbm>>
        %dma_start3A_1381 = arith.constant 56 : i32
        %dma_start3A_1382 = arith.constant 0 : i32
        %dma_start3A_1383 = tpu.memref_slice %arg11[%dma_start3A_1374, %dma_start3A_1381, %dma_start3A_1382] : memref<2x256x64xf32, #tpu.memory_space<vmem>> -> memref<1x8x64xf32, #tpu.memory_space<vmem>>
        %dma_start3A_1384 = tpu.memref_squeeze %dma_start3A_1383 : memref<1x8x64xf32, #tpu.memory_space<vmem>> -> memref<8x64xf32, #tpu.memory_space<vmem>>
        %dma_start3A_1385 = arith.constant 0 : i32
        %dma_start3A_1386 = tpu.memref_slice %arg5[%multiple_of3A_1373, %dma_start3A_1385] : memref<1000000x64xf32, #tpu.memory_space<hbm>> -> memref<8x64xf32, #tpu.memory_space<hbm>>
        tpu.enqueue_dma source(%dma_start3A_1386 : memref<8x64xf32, #tpu.memory_space<hbm>>) target(%dma_start3A_1384 : memref<8x64xf32, #tpu.memory_space<vmem>>) target_semaphore(%arg15 : memref<!tpu.dma_semaphore, #tpu.memory_space<semaphore_mem>>)
        %slice3A_1387 = vector.extract_strided_slice %get3A_1258 {offsets = [8], sizes = [1], strides = [1]} : vector<16xi32> to vector<1xi32>
        %squeeze3A_1388 = vector.extract %slice3A_1387[0] : i32 from vector<1xi32>
        %multiple_of3A_1389 = tpu.assume_multiple %squeeze3A_1388, 8 : i32
        %dma_start3A_1390 = arith.constant 1 : i32
        %dma_start3A_1391 = arith.constant 64 : i32
        %dma_start3A_1392 = arith.constant 0 : i32
        %dma_start3A_1393 = tpu.memref_slice %arg11[%dma_start3A_1390, %dma_start3A_1391, %dma_start3A_1392] : memref<2x256x64xf32, #tpu.memory_space<vmem>> -> memref<1x8x64xf32, #tpu.memory_space<vmem>>
        %dma_start3A_1394 = tpu.memref_squeeze %dma_start3A_1393 : memref<1x8x64xf32, #tpu.memory_space<vmem>> -> memref<8x64xf32, #tpu.memory_space<vmem>>
        %dma_start3A_1395 = arith.constant 0 : i32
        %dma_start3A_1396 = tpu.memref_slice %arg5[%multiple_of3A_1389, %dma_start3A_1395] : memref<1000000x64xf32, #tpu.memory_space<hbm>> -> memref<8x64xf32, #tpu.memory_space<hbm>>
        %dma_start3A_1397 = arith.constant 64 : i32
        %dma_start3A_1398 = arith.constant 0 : i32
        %dma_start3A_1399 = tpu.memref_slice %arg11[%dma_start3A_1390, %dma_start3A_1397, %dma_start3A_1398] : memref<2x256x64xf32, #tpu.memory_space<vmem>> -> memref<1x8x64xf32, #tpu.memory_space<vmem>>
        %dma_start3A_1400 = tpu.memref_squeeze %dma_start3A_1399 : memref<1x8x64xf32, #tpu.memory_space<vmem>> -> memref<8x64xf32, #tpu.memory_space<vmem>>
        %dma_start3A_1401 = arith.constant 0 : i32
        %dma_start3A_1402 = tpu.memref_slice %arg5[%multiple_of3A_1389, %dma_start3A_1401] : memref<1000000x64xf32, #tpu.memory_space<hbm>> -> memref<8x64xf32, #tpu.memory_space<hbm>>
        tpu.enqueue_dma source(%dma_start3A_1402 : memref<8x64xf32, #tpu.memory_space<hbm>>) target(%dma_start3A_1400 : memref<8x64xf32, #tpu.memory_space<vmem>>) target_semaphore(%arg15 : memref<!tpu.dma_semaphore, #tpu.memory_space<semaphore_mem>>)
        %slice3A_1403 = vector.extract_strided_slice %get3A_1258 {offsets = [9], sizes = [1], strides = [1]} : vector<16xi32> to vector<1xi32>
        %squeeze3A_1404 = vector.extract %slice3A_1403[0] : i32 from vector<1xi32>
        %multiple_of3A_1405 = tpu.assume_multiple %squeeze3A_1404, 8 : i32
        %dma_start3A_1406 = arith.constant 1 : i32
        %dma_start3A_1407 = arith.constant 72 : i32
        %dma_start3A_1408 = arith.constant 0 : i32
        %dma_start3A_1409 = tpu.memref_slice %arg11[%dma_start3A_1406, %dma_start3A_1407, %dma_start3A_1408] : memref<2x256x64xf32, #tpu.memory_space<vmem>> -> memref<1x8x64xf32, #tpu.memory_space<vmem>>
        %dma_start3A_1410 = tpu.memref_squeeze %dma_start3A_1409 : memref<1x8x64xf32, #tpu.memory_space<vmem>> -> memref<8x64xf32, #tpu.memory_space<vmem>>
        %dma_start3A_1411 = arith.constant 0 : i32
        %dma_start3A_1412 = tpu.memref_slice %arg5[%multiple_of3A_1405, %dma_start3A_1411] : memref<1000000x64xf32, #tpu.memory_space<hbm>> -> memref<8x64xf32, #tpu.memory_space<hbm>>
        %dma_start3A_1413 = arith.constant 72 : i32
        %dma_start3A_1414 = arith.constant 0 : i32
        %dma_start3A_1415 = tpu.memref_slice %arg11[%dma_start3A_1406, %dma_start3A_1413, %dma_start3A_1414] : memref<2x256x64xf32, #tpu.memory_space<vmem>> -> memref<1x8x64xf32, #tpu.memory_space<vmem>>
        %dma_start3A_1416 = tpu.memref_squeeze %dma_start3A_1415 : memref<1x8x64xf32, #tpu.memory_space<vmem>> -> memref<8x64xf32, #tpu.memory_space<vmem>>
        %dma_start3A_1417 = arith.constant 0 : i32
        %dma_start3A_1418 = tpu.memref_slice %arg5[%multiple_of3A_1405, %dma_start3A_1417] : memref<1000000x64xf32, #tpu.memory_space<hbm>> -> memref<8x64xf32, #tpu.memory_space<hbm>>
        tpu.enqueue_dma source(%dma_start3A_1418 : memref<8x64xf32, #tpu.memory_space<hbm>>) target(%dma_start3A_1416 : memref<8x64xf32, #tpu.memory_space<vmem>>) target_semaphore(%arg15 : memref<!tpu.dma_semaphore, #tpu.memory_space<semaphore_mem>>)
        %slice3A_1419 = vector.extract_strided_slice %get3A_1258 {offsets = [10], sizes = [1], strides = [1]} : vector<16xi32> to vector<1xi32>
        %squeeze3A_1420 = vector.extract %slice3A_1419[0] : i32 from vector<1xi32>
        %multiple_of3A_1421 = tpu.assume_multiple %squeeze3A_1420, 8 : i32
        %dma_start3A_1422 = arith.constant 1 : i32
        %dma_start3A_1423 = arith.constant 80 : i32
        %dma_start3A_1424 = arith.constant 0 : i32
        %dma_start3A_1425 = tpu.memref_slice %arg11[%dma_start3A_1422, %dma_start3A_1423, %dma_start3A_1424] : memref<2x256x64xf32, #tpu.memory_space<vmem>> -> memref<1x8x64xf32, #tpu.memory_space<vmem>>
        %dma_start3A_1426 = tpu.memref_squeeze %dma_start3A_1425 : memref<1x8x64xf32, #tpu.memory_space<vmem>> -> memref<8x64xf32, #tpu.memory_space<vmem>>
        %dma_start3A_1427 = arith.constant 0 : i32
        %dma_start3A_1428 = tpu.memref_slice %arg5[%multiple_of3A_1421, %dma_start3A_1427] : memref<1000000x64xf32, #tpu.memory_space<hbm>> -> memref<8x64xf32, #tpu.memory_space<hbm>>
        %dma_start3A_1429 = arith.constant 80 : i32
        %dma_start3A_1430 = arith.constant 0 : i32
        %dma_start3A_1431 = tpu.memref_slice %arg11[%dma_start3A_1422, %dma_start3A_1429, %dma_start3A_1430] : memref<2x256x64xf32, #tpu.memory_space<vmem>> -> memref<1x8x64xf32, #tpu.memory_space<vmem>>
        %dma_start3A_1432 = tpu.memref_squeeze %dma_start3A_1431 : memref<1x8x64xf32, #tpu.memory_space<vmem>> -> memref<8x64xf32, #tpu.memory_space<vmem>>
        %dma_start3A_1433 = arith.constant 0 : i32
        %dma_start3A_1434 = tpu.memref_slice %arg5[%multiple_of3A_1421, %dma_start3A_1433] : memref<1000000x64xf32, #tpu.memory_space<hbm>> -> memref<8x64xf32, #tpu.memory_space<hbm>>
        tpu.enqueue_dma source(%dma_start3A_1434 : memref<8x64xf32, #tpu.memory_space<hbm>>) target(%dma_start3A_1432 : memref<8x64xf32, #tpu.memory_space<vmem>>) target_semaphore(%arg15 : memref<!tpu.dma_semaphore, #tpu.memory_space<semaphore_mem>>)
        %slice3A_1435 = vector.extract_strided_slice %get3A_1258 {offsets = [11], sizes = [1], strides = [1]} : vector<16xi32> to vector<1xi32>
        %squeeze3A_1436 = vector.extract %slice3A_1435[0] : i32 from vector<1xi32>
        %multiple_of3A_1437 = tpu.assume_multiple %squeeze3A_1436, 8 : i32
        %dma_start3A_1438 = arith.constant 1 : i32
        %dma_start3A_1439 = arith.constant 88 : i32
        %dma_start3A_1440 = arith.constant 0 : i32
        %dma_start3A_1441 = tpu.memref_slice %arg11[%dma_start3A_1438, %dma_start3A_1439, %dma_start3A_1440] : memref<2x256x64xf32, #tpu.memory_space<vmem>> -> memref<1x8x64xf32, #tpu.memory_space<vmem>>
        %dma_start3A_1442 = tpu.memref_squeeze %dma_start3A_1441 : memref<1x8x64xf32, #tpu.memory_space<vmem>> -> memref<8x64xf32, #tpu.memory_space<vmem>>
        %dma_start3A_1443 = arith.constant 0 : i32
        %dma_start3A_1444 = tpu.memref_slice %arg5[%multiple_of3A_1437, %dma_start3A_1443] : memref<1000000x64xf32, #tpu.memory_space<hbm>> -> memref<8x64xf32, #tpu.memory_space<hbm>>
        %dma_start3A_1445 = arith.constant 88 : i32
        %dma_start3A_1446 = arith.constant 0 : i32
        %dma_start3A_1447 = tpu.memref_slice %arg11[%dma_start3A_1438, %dma_start3A_1445, %dma_start3A_1446] : memref<2x256x64xf32, #tpu.memory_space<vmem>> -> memref<1x8x64xf32, #tpu.memory_space<vmem>>
        %dma_start3A_1448 = tpu.memref_squeeze %dma_start3A_1447 : memref<1x8x64xf32, #tpu.memory_space<vmem>> -> memref<8x64xf32, #tpu.memory_space<vmem>>
        %dma_start3A_1449 = arith.constant 0 : i32
        %dma_start3A_1450 = tpu.memref_slice %arg5[%multiple_of3A_1437, %dma_start3A_1449] : memref<1000000x64xf32, #tpu.memory_space<hbm>> -> memref<8x64xf32, #tpu.memory_space<hbm>>
        tpu.enqueue_dma source(%dma_start3A_1450 : memref<8x64xf32, #tpu.memory_space<hbm>>) target(%dma_start3A_1448 : memref<8x64xf32, #tpu.memory_space<vmem>>) target_semaphore(%arg15 : memref<!tpu.dma_semaphore, #tpu.memory_space<semaphore_mem>>)
        %slice3A_1451 = vector.extract_strided_slice %get3A_1258 {offsets = [12], sizes = [1], strides = [1]} : vector<16xi32> to vector<1xi32>
        %squeeze3A_1452 = vector.extract %slice3A_1451[0] : i32 from vector<1xi32>
        %multiple_of3A_1453 = tpu.assume_multiple %squeeze3A_1452, 8 : i32
        %dma_start3A_1454 = arith.constant 1 : i32
        %dma_start3A_1455 = arith.constant 96 : i32
        %dma_start3A_1456 = arith.constant 0 : i32
        %dma_start3A_1457 = tpu.memref_slice %arg11[%dma_start3A_1454, %dma_start3A_1455, %dma_start3A_1456] : memref<2x256x64xf32, #tpu.memory_space<vmem>> -> memref<1x8x64xf32, #tpu.memory_space<vmem>>
        %dma_start3A_1458 = tpu.memref_squeeze %dma_start3A_1457 : memref<1x8x64xf32, #tpu.memory_space<vmem>> -> memref<8x64xf32, #tpu.memory_space<vmem>>
        %dma_start3A_1459 = arith.constant 0 : i32
        %dma_start3A_1460 = tpu.memref_slice %arg5[%multiple_of3A_1453, %dma_start3A_1459] : memref<1000000x64xf32, #tpu.memory_space<hbm>> -> memref<8x64xf32, #tpu.memory_space<hbm>>
        %dma_start3A_1461 = arith.constant 96 : i32
        %dma_start3A_1462 = arith.constant 0 : i32
        %dma_start3A_1463 = tpu.memref_slice %arg11[%dma_start3A_1454, %dma_start3A_1461, %dma_start3A_1462] : memref<2x256x64xf32, #tpu.memory_space<vmem>> -> memref<1x8x64xf32, #tpu.memory_space<vmem>>
        %dma_start3A_1464 = tpu.memref_squeeze %dma_start3A_1463 : memref<1x8x64xf32, #tpu.memory_space<vmem>> -> memref<8x64xf32, #tpu.memory_space<vmem>>
        %dma_start3A_1465 = arith.constant 0 : i32
        %dma_start3A_1466 = tpu.memref_slice %arg5[%multiple_of3A_1453, %dma_start3A_1465] : memref<1000000x64xf32, #tpu.memory_space<hbm>> -> memref<8x64xf32, #tpu.memory_space<hbm>>
        tpu.enqueue_dma source(%dma_start3A_1466 : memref<8x64xf32, #tpu.memory_space<hbm>>) target(%dma_start3A_1464 : memref<8x64xf32, #tpu.memory_space<vmem>>) target_semaphore(%arg15 : memref<!tpu.dma_semaphore, #tpu.memory_space<semaphore_mem>>)
        %slice3A_1467 = vector.extract_strided_slice %get3A_1258 {offsets = [13], sizes = [1], strides = [1]} : vector<16xi32> to vector<1xi32>
        %squeeze3A_1468 = vector.extract %slice3A_1467[0] : i32 from vector<1xi32>
        %multiple_of3A_1469 = tpu.assume_multiple %squeeze3A_1468, 8 : i32
        %dma_start3A_1470 = arith.constant 1 : i32
        %dma_start3A_1471 = arith.constant 104 : i32
        %dma_start3A_1472 = arith.constant 0 : i32
        %dma_start3A_1473 = tpu.memref_slice %arg11[%dma_start3A_1470, %dma_start3A_1471, %dma_start3A_1472] : memref<2x256x64xf32, #tpu.memory_space<vmem>> -> memref<1x8x64xf32, #tpu.memory_space<vmem>>
        %dma_start3A_1474 = tpu.memref_squeeze %dma_start3A_1473 : memref<1x8x64xf32, #tpu.memory_space<vmem>> -> memref<8x64xf32, #tpu.memory_space<vmem>>
        %dma_start3A_1475 = arith.constant 0 : i32
        %dma_start3A_1476 = tpu.memref_slice %arg5[%multiple_of3A_1469, %dma_start3A_1475] : memref<1000000x64xf32, #tpu.memory_space<hbm>> -> memref<8x64xf32, #tpu.memory_space<hbm>>
        %dma_start3A_1477 = arith.constant 104 : i32
        %dma_start3A_1478 = arith.constant 0 : i32
        %dma_start3A_1479 = tpu.memref_slice %arg11[%dma_start3A_1470, %dma_start3A_1477, %dma_start3A_1478] : memref<2x256x64xf32, #tpu.memory_space<vmem>> -> memref<1x8x64xf32, #tpu.memory_space<vmem>>
        %dma_start3A_1480 = tpu.memref_squeeze %dma_start3A_1479 : memref<1x8x64xf32, #tpu.memory_space<vmem>> -> memref<8x64xf32, #tpu.memory_space<vmem>>
        %dma_start3A_1481 = arith.constant 0 : i32
        %dma_start3A_1482 = tpu.memref_slice %arg5[%multiple_of3A_1469, %dma_start3A_1481] : memref<1000000x64xf32, #tpu.memory_space<hbm>> -> memref<8x64xf32, #tpu.memory_space<hbm>>
        tpu.enqueue_dma source(%dma_start3A_1482 : memref<8x64xf32, #tpu.memory_space<hbm>>) target(%dma_start3A_1480 : memref<8x64xf32, #tpu.memory_space<vmem>>) target_semaphore(%arg15 : memref<!tpu.dma_semaphore, #tpu.memory_space<semaphore_mem>>)
        %slice3A_1483 = vector.extract_strided_slice %get3A_1258 {offsets = [14], sizes = [1], strides = [1]} : vector<16xi32> to vector<1xi32>
        %squeeze3A_1484 = vector.extract %slice3A_1483[0] : i32 from vector<1xi32>
        %multiple_of3A_1485 = tpu.assume_multiple %squeeze3A_1484, 8 : i32
        %dma_start3A_1486 = arith.constant 1 : i32
        %dma_start3A_1487 = arith.constant 112 : i32
        %dma_start3A_1488 = arith.constant 0 : i32
        %dma_start3A_1489 = tpu.memref_slice %arg11[%dma_start3A_1486, %dma_start3A_1487, %dma_start3A_1488] : memref<2x256x64xf32, #tpu.memory_space<vmem>> -> memref<1x8x64xf32, #tpu.memory_space<vmem>>
        %dma_start3A_1490 = tpu.memref_squeeze %dma_start3A_1489 : memref<1x8x64xf32, #tpu.memory_space<vmem>> -> memref<8x64xf32, #tpu.memory_space<vmem>>
        %dma_start3A_1491 = arith.constant 0 : i32
        %dma_start3A_1492 = tpu.memref_slice %arg5[%multiple_of3A_1485, %dma_start3A_1491] : memref<1000000x64xf32, #tpu.memory_space<hbm>> -> memref<8x64xf32, #tpu.memory_space<hbm>>
        %dma_start3A_1493 = arith.constant 112 : i32
        %dma_start3A_1494 = arith.constant 0 : i32
        %dma_start3A_1495 = tpu.memref_slice %arg11[%dma_start3A_1486, %dma_start3A_1493, %dma_start3A_1494] : memref<2x256x64xf32, #tpu.memory_space<vmem>> -> memref<1x8x64xf32, #tpu.memory_space<vmem>>
        %dma_start3A_1496 = tpu.memref_squeeze %dma_start3A_1495 : memref<1x8x64xf32, #tpu.memory_space<vmem>> -> memref<8x64xf32, #tpu.memory_space<vmem>>
        %dma_start3A_1497 = arith.constant 0 : i32
        %dma_start3A_1498 = tpu.memref_slice %arg5[%multiple_of3A_1485, %dma_start3A_1497] : memref<1000000x64xf32, #tpu.memory_space<hbm>> -> memref<8x64xf32, #tpu.memory_space<hbm>>
        tpu.enqueue_dma source(%dma_start3A_1498 : memref<8x64xf32, #tpu.memory_space<hbm>>) target(%dma_start3A_1496 : memref<8x64xf32, #tpu.memory_space<vmem>>) target_semaphore(%arg15 : memref<!tpu.dma_semaphore, #tpu.memory_space<semaphore_mem>>)
        %slice3A_1499 = vector.extract_strided_slice %get3A_1258 {offsets = [15], sizes = [1], strides = [1]} : vector<16xi32> to vector<1xi32>
        %squeeze3A_1500 = vector.extract %slice3A_1499[0] : i32 from vector<1xi32>
        %multiple_of3A_1501 = tpu.assume_multiple %squeeze3A_1500, 8 : i32
        %dma_start3A_1502 = arith.constant 1 : i32
        %dma_start3A_1503 = arith.constant 120 : i32
        %dma_start3A_1504 = arith.constant 0 : i32
        %dma_start3A_1505 = tpu.memref_slice %arg11[%dma_start3A_1502, %dma_start3A_1503, %dma_start3A_1504] : memref<2x256x64xf32, #tpu.memory_space<vmem>> -> memref<1x8x64xf32, #tpu.memory_space<vmem>>
        %dma_start3A_1506 = tpu.memref_squeeze %dma_start3A_1505 : memref<1x8x64xf32, #tpu.memory_space<vmem>> -> memref<8x64xf32, #tpu.memory_space<vmem>>
        %dma_start3A_1507 = arith.constant 0 : i32
        %dma_start3A_1508 = tpu.memref_slice %arg5[%multiple_of3A_1501, %dma_start3A_1507] : memref<1000000x64xf32, #tpu.memory_space<hbm>> -> memref<8x64xf32, #tpu.memory_space<hbm>>
        %dma_start3A_1509 = arith.constant 120 : i32
        %dma_start3A_1510 = arith.constant 0 : i32
        %dma_start3A_1511 = tpu.memref_slice %arg11[%dma_start3A_1502, %dma_start3A_1509, %dma_start3A_1510] : memref<2x256x64xf32, #tpu.memory_space<vmem>> -> memref<1x8x64xf32, #tpu.memory_space<vmem>>
        %dma_start3A_1512 = tpu.memref_squeeze %dma_start3A_1511 : memref<1x8x64xf32, #tpu.memory_space<vmem>> -> memref<8x64xf32, #tpu.memory_space<vmem>>
        %dma_start3A_1513 = arith.constant 0 : i32
        %dma_start3A_1514 = tpu.memref_slice %arg5[%multiple_of3A_1501, %dma_start3A_1513] : memref<1000000x64xf32, #tpu.memory_space<hbm>> -> memref<8x64xf32, #tpu.memory_space<hbm>>
        tpu.enqueue_dma source(%dma_start3A_1514 : memref<8x64xf32, #tpu.memory_space<hbm>>) target(%dma_start3A_1512 : memref<8x64xf32, #tpu.memory_space<vmem>>) target_semaphore(%arg15 : memref<!tpu.dma_semaphore, #tpu.memory_space<semaphore_mem>>)
        %mul3A_1515 = arith.constant 32 : i32
        %mul3A_1516 = arith.muli %add3A_1252, %mul3A_1515 : i32
        %add3A_1517 = arith.constant 16 : i32
        %add3A_1518 = arith.addi %mul3A_1516, %add3A_1517 : i32
        %get3A_1519 = arith.index_cast %add3A_1518 : i32 to index
        %get3A_1520 = tpu.vector_load %arg8[%get3A_1519] {strides = array<i32>} : memref<4096xi32, #tpu.memory_space<vmem>>, vector<16xi32>,
        %slice3A_1521 = vector.extract_strided_slice %get3A_1520 {offsets = [0], sizes = [1], strides = [1]} : vector<16xi32> to vector<1xi32>
        %squeeze3A_1522 = vector.extract %slice3A_1521[0] : i32 from vector<1xi32>
        %multiple_of3A_1523 = tpu.assume_multiple %squeeze3A_1522, 8 : i32
        %dma_start3A_1524 = arith.constant 1 : i32
        %dma_start3A_1525 = arith.constant 128 : i32
        %dma_start3A_1526 = arith.constant 0 : i32
        %dma_start3A_1527 = tpu.memref_slice %arg11[%dma_start3A_1524, %dma_start3A_1525, %dma_start3A_1526] : memref<2x256x64xf32, #tpu.memory_space<vmem>> -> memref<1x8x64xf32, #tpu.memory_space<vmem>>
        %dma_start3A_1528 = tpu.memref_squeeze %dma_start3A_1527 : memref<1x8x64xf32, #tpu.memory_space<vmem>> -> memref<8x64xf32, #tpu.memory_space<vmem>>
        %dma_start3A_1529 = arith.constant 0 : i32
        %dma_start3A_1530 = tpu.memref_slice %arg5[%multiple_of3A_1523, %dma_start3A_1529] : memref<1000000x64xf32, #tpu.memory_space<hbm>> -> memref<8x64xf32, #tpu.memory_space<hbm>>
        %dma_start3A_1531 = arith.constant 128 : i32
        %dma_start3A_1532 = arith.constant 0 : i32
        %dma_start3A_1533 = tpu.memref_slice %arg11[%dma_start3A_1524, %dma_start3A_1531, %dma_start3A_1532] : memref<2x256x64xf32, #tpu.memory_space<vmem>> -> memref<1x8x64xf32, #tpu.memory_space<vmem>>
        %dma_start3A_1534 = tpu.memref_squeeze %dma_start3A_1533 : memref<1x8x64xf32, #tpu.memory_space<vmem>> -> memref<8x64xf32, #tpu.memory_space<vmem>>
        %dma_start3A_1535 = arith.constant 0 : i32
        %dma_start3A_1536 = tpu.memref_slice %arg5[%multiple_of3A_1523, %dma_start3A_1535] : memref<1000000x64xf32, #tpu.memory_space<hbm>> -> memref<8x64xf32, #tpu.memory_space<hbm>>
        tpu.enqueue_dma source(%dma_start3A_1536 : memref<8x64xf32, #tpu.memory_space<hbm>>) target(%dma_start3A_1534 : memref<8x64xf32, #tpu.memory_space<vmem>>) target_semaphore(%arg15 : memref<!tpu.dma_semaphore, #tpu.memory_space<semaphore_mem>>)
        %slice3A_1537 = vector.extract_strided_slice %get3A_1520 {offsets = [1], sizes = [1], strides = [1]} : vector<16xi32> to vector<1xi32>
        %squeeze3A_1538 = vector.extract %slice3A_1537[0] : i32 from vector<1xi32>
        %multiple_of3A_1539 = tpu.assume_multiple %squeeze3A_1538, 8 : i32
        %dma_start3A_1540 = arith.constant 1 : i32
        %dma_start3A_1541 = arith.constant 136 : i32
        %dma_start3A_1542 = arith.constant 0 : i32
        %dma_start3A_1543 = tpu.memref_slice %arg11[%dma_start3A_1540, %dma_start3A_1541, %dma_start3A_1542] : memref<2x256x64xf32, #tpu.memory_space<vmem>> -> memref<1x8x64xf32, #tpu.memory_space<vmem>>
        %dma_start3A_1544 = tpu.memref_squeeze %dma_start3A_1543 : memref<1x8x64xf32, #tpu.memory_space<vmem>> -> memref<8x64xf32, #tpu.memory_space<vmem>>
        %dma_start3A_1545 = arith.constant 0 : i32
        %dma_start3A_1546 = tpu.memref_slice %arg5[%multiple_of3A_1539, %dma_start3A_1545] : memref<1000000x64xf32, #tpu.memory_space<hbm>> -> memref<8x64xf32, #tpu.memory_space<hbm>>
        %dma_start3A_1547 = arith.constant 136 : i32
        %dma_start3A_1548 = arith.constant 0 : i32
        %dma_start3A_1549 = tpu.memref_slice %arg11[%dma_start3A_1540, %dma_start3A_1547, %dma_start3A_1548] : memref<2x256x64xf32, #tpu.memory_space<vmem>> -> memref<1x8x64xf32, #tpu.memory_space<vmem>>
        %dma_start3A_1550 = tpu.memref_squeeze %dma_start3A_1549 : memref<1x8x64xf32, #tpu.memory_space<vmem>> -> memref<8x64xf32, #tpu.memory_space<vmem>>
        %dma_start3A_1551 = arith.constant 0 : i32
        %dma_start3A_1552 = tpu.memref_slice %arg5[%multiple_of3A_1539, %dma_start3A_1551] : memref<1000000x64xf32, #tpu.memory_space<hbm>> -> memref<8x64xf32, #tpu.memory_space<hbm>>
        tpu.enqueue_dma source(%dma_start3A_1552 : memref<8x64xf32, #tpu.memory_space<hbm>>) target(%dma_start3A_1550 : memref<8x64xf32, #tpu.memory_space<vmem>>) target_semaphore(%arg15 : memref<!tpu.dma_semaphore, #tpu.memory_space<semaphore_mem>>)
        %slice3A_1553 = vector.extract_strided_slice %get3A_1520 {offsets = [2], sizes = [1], strides = [1]} : vector<16xi32> to vector<1xi32>
        %squeeze3A_1554 = vector.extract %slice3A_1553[0] : i32 from vector<1xi32>
        %multiple_of3A_1555 = tpu.assume_multiple %squeeze3A_1554, 8 : i32
        %dma_start3A_1556 = arith.constant 1 : i32
        %dma_start3A_1557 = arith.constant 144 : i32
        %dma_start3A_1558 = arith.constant 0 : i32
        %dma_start3A_1559 = tpu.memref_slice %arg11[%dma_start3A_1556, %dma_start3A_1557, %dma_start3A_1558] : memref<2x256x64xf32, #tpu.memory_space<vmem>> -> memref<1x8x64xf32, #tpu.memory_space<vmem>>
        %dma_start3A_1560 = tpu.memref_squeeze %dma_start3A_1559 : memref<1x8x64xf32, #tpu.memory_space<vmem>> -> memref<8x64xf32, #tpu.memory_space<vmem>>
        %dma_start3A_1561 = arith.constant 0 : i32
        %dma_start3A_1562 = tpu.memref_slice %arg5[%multiple_of3A_1555, %dma_start3A_1561] : memref<1000000x64xf32, #tpu.memory_space<hbm>> -> memref<8x64xf32, #tpu.memory_space<hbm>>
        %dma_start3A_1563 = arith.constant 144 : i32
        %dma_start3A_1564 = arith.constant 0 : i32
        %dma_start3A_1565 = tpu.memref_slice %arg11[%dma_start3A_1556, %dma_start3A_1563, %dma_start3A_1564] : memref<2x256x64xf32, #tpu.memory_space<vmem>> -> memref<1x8x64xf32, #tpu.memory_space<vmem>>
        %dma_start3A_1566 = tpu.memref_squeeze %dma_start3A_1565 : memref<1x8x64xf32, #tpu.memory_space<vmem>> -> memref<8x64xf32, #tpu.memory_space<vmem>>
        %dma_start3A_1567 = arith.constant 0 : i32
        %dma_start3A_1568 = tpu.memref_slice %arg5[%multiple_of3A_1555, %dma_start3A_1567] : memref<1000000x64xf32, #tpu.memory_space<hbm>> -> memref<8x64xf32, #tpu.memory_space<hbm>>
        tpu.enqueue_dma source(%dma_start3A_1568 : memref<8x64xf32, #tpu.memory_space<hbm>>) target(%dma_start3A_1566 : memref<8x64xf32, #tpu.memory_space<vmem>>) target_semaphore(%arg15 : memref<!tpu.dma_semaphore, #tpu.memory_space<semaphore_mem>>)
        %slice3A_1569 = vector.extract_strided_slice %get3A_1520 {offsets = [3], sizes = [1], strides = [1]} : vector<16xi32> to vector<1xi32>
        %squeeze3A_1570 = vector.extract %slice3A_1569[0] : i32 from vector<1xi32>
        %multiple_of3A_1571 = tpu.assume_multiple %squeeze3A_1570, 8 : i32
        %dma_start3A_1572 = arith.constant 1 : i32
        %dma_start3A_1573 = arith.constant 152 : i32
        %dma_start3A_1574 = arith.constant 0 : i32
        %dma_start3A_1575 = tpu.memref_slice %arg11[%dma_start3A_1572, %dma_start3A_1573, %dma_start3A_1574] : memref<2x256x64xf32, #tpu.memory_space<vmem>> -> memref<1x8x64xf32, #tpu.memory_space<vmem>>
        %dma_start3A_1576 = tpu.memref_squeeze %dma_start3A_1575 : memref<1x8x64xf32, #tpu.memory_space<vmem>> -> memref<8x64xf32, #tpu.memory_space<vmem>>
        %dma_start3A_1577 = arith.constant 0 : i32
        %dma_start3A_1578 = tpu.memref_slice %arg5[%multiple_of3A_1571, %dma_start3A_1577] : memref<1000000x64xf32, #tpu.memory_space<hbm>> -> memref<8x64xf32, #tpu.memory_space<hbm>>
        %dma_start3A_1579 = arith.constant 152 : i32
        %dma_start3A_1580 = arith.constant 0 : i32
        %dma_start3A_1581 = tpu.memref_slice %arg11[%dma_start3A_1572, %dma_start3A_1579, %dma_start3A_1580] : memref<2x256x64xf32, #tpu.memory_space<vmem>> -> memref<1x8x64xf32, #tpu.memory_space<vmem>>
        %dma_start3A_1582 = tpu.memref_squeeze %dma_start3A_1581 : memref<1x8x64xf32, #tpu.memory_space<vmem>> -> memref<8x64xf32, #tpu.memory_space<vmem>>
        %dma_start3A_1583 = arith.constant 0 : i32
        %dma_start3A_1584 = tpu.memref_slice %arg5[%multiple_of3A_1571, %dma_start3A_1583] : memref<1000000x64xf32, #tpu.memory_space<hbm>> -> memref<8x64xf32, #tpu.memory_space<hbm>>
        tpu.enqueue_dma source(%dma_start3A_1584 : memref<8x64xf32, #tpu.memory_space<hbm>>) target(%dma_start3A_1582 : memref<8x64xf32, #tpu.memory_space<vmem>>) target_semaphore(%arg15 : memref<!tpu.dma_semaphore, #tpu.memory_space<semaphore_mem>>)
        %slice3A_1585 = vector.extract_strided_slice %get3A_1520 {offsets = [4], sizes = [1], strides = [1]} : vector<16xi32> to vector<1xi32>
        %squeeze3A_1586 = vector.extract %slice3A_1585[0] : i32 from vector<1xi32>
        %multiple_of3A_1587 = tpu.assume_multiple %squeeze3A_1586, 8 : i32
        %dma_start3A_1588 = arith.constant 1 : i32
        %dma_start3A_1589 = arith.constant 160 : i32
        %dma_start3A_1590 = arith.constant 0 : i32
        %dma_start3A_1591 = tpu.memref_slice %arg11[%dma_start3A_1588, %dma_start3A_1589, %dma_start3A_1590] : memref<2x256x64xf32, #tpu.memory_space<vmem>> -> memref<1x8x64xf32, #tpu.memory_space<vmem>>
        %dma_start3A_1592 = tpu.memref_squeeze %dma_start3A_1591 : memref<1x8x64xf32, #tpu.memory_space<vmem>> -> memref<8x64xf32, #tpu.memory_space<vmem>>
        %dma_start3A_1593 = arith.constant 0 : i32
        %dma_start3A_1594 = tpu.memref_slice %arg5[%multiple_of3A_1587, %dma_start3A_1593] : memref<1000000x64xf32, #tpu.memory_space<hbm>> -> memref<8x64xf32, #tpu.memory_space<hbm>>
        %dma_start3A_1595 = arith.constant 160 : i32
        %dma_start3A_1596 = arith.constant 0 : i32
        %dma_start3A_1597 = tpu.memref_slice %arg11[%dma_start3A_1588, %dma_start3A_1595, %dma_start3A_1596] : memref<2x256x64xf32, #tpu.memory_space<vmem>> -> memref<1x8x64xf32, #tpu.memory_space<vmem>>
        %dma_start3A_1598 = tpu.memref_squeeze %dma_start3A_1597 : memref<1x8x64xf32, #tpu.memory_space<vmem>> -> memref<8x64xf32, #tpu.memory_space<vmem>>
        %dma_start3A_1599 = arith.constant 0 : i32
        %dma_start3A_1600 = tpu.memref_slice %arg5[%multiple_of3A_1587, %dma_start3A_1599] : memref<1000000x64xf32, #tpu.memory_space<hbm>> -> memref<8x64xf32, #tpu.memory_space<hbm>>
        tpu.enqueue_dma source(%dma_start3A_1600 : memref<8x64xf32, #tpu.memory_space<hbm>>) target(%dma_start3A_1598 : memref<8x64xf32, #tpu.memory_space<vmem>>) target_semaphore(%arg15 : memref<!tpu.dma_semaphore, #tpu.memory_space<semaphore_mem>>)
        %slice3A_1601 = vector.extract_strided_slice %get3A_1520 {offsets = [5], sizes = [1], strides = [1]} : vector<16xi32> to vector<1xi32>
        %squeeze3A_1602 = vector.extract %slice3A_1601[0] : i32 from vector<1xi32>
        %multiple_of3A_1603 = tpu.assume_multiple %squeeze3A_1602, 8 : i32
        %dma_start3A_1604 = arith.constant 1 : i32
        %dma_start3A_1605 = arith.constant 168 : i32
        %dma_start3A_1606 = arith.constant 0 : i32
        %dma_start3A_1607 = tpu.memref_slice %arg11[%dma_start3A_1604, %dma_start3A_1605, %dma_start3A_1606] : memref<2x256x64xf32, #tpu.memory_space<vmem>> -> memref<1x8x64xf32, #tpu.memory_space<vmem>>
        %dma_start3A_1608 = tpu.memref_squeeze %dma_start3A_1607 : memref<1x8x64xf32, #tpu.memory_space<vmem>> -> memref<8x64xf32, #tpu.memory_space<vmem>>
        %dma_start3A_1609 = arith.constant 0 : i32
        %dma_start3A_1610 = tpu.memref_slice %arg5[%multiple_of3A_1603, %dma_start3A_1609] : memref<1000000x64xf32, #tpu.memory_space<hbm>> -> memref<8x64xf32, #tpu.memory_space<hbm>>
        %dma_start3A_1611 = arith.constant 168 : i32
        %dma_start3A_1612 = arith.constant 0 : i32
        %dma_start3A_1613 = tpu.memref_slice %arg11[%dma_start3A_1604, %dma_start3A_1611, %dma_start3A_1612] : memref<2x256x64xf32, #tpu.memory_space<vmem>> -> memref<1x8x64xf32, #tpu.memory_space<vmem>>
        %dma_start3A_1614 = tpu.memref_squeeze %dma_start3A_1613 : memref<1x8x64xf32, #tpu.memory_space<vmem>> -> memref<8x64xf32, #tpu.memory_space<vmem>>
        %dma_start3A_1615 = arith.constant 0 : i32
        %dma_start3A_1616 = tpu.memref_slice %arg5[%multiple_of3A_1603, %dma_start3A_1615] : memref<1000000x64xf32, #tpu.memory_space<hbm>> -> memref<8x64xf32, #tpu.memory_space<hbm>>
        tpu.enqueue_dma source(%dma_start3A_1616 : memref<8x64xf32, #tpu.memory_space<hbm>>) target(%dma_start3A_1614 : memref<8x64xf32, #tpu.memory_space<vmem>>) target_semaphore(%arg15 : memref<!tpu.dma_semaphore, #tpu.memory_space<semaphore_mem>>)
        %slice3A_1617 = vector.extract_strided_slice %get3A_1520 {offsets = [6], sizes = [1], strides = [1]} : vector<16xi32> to vector<1xi32>
        %squeeze3A_1618 = vector.extract %slice3A_1617[0] : i32 from vector<1xi32>
        %multiple_of3A_1619 = tpu.assume_multiple %squeeze3A_1618, 8 : i32
        %dma_start3A_1620 = arith.constant 1 : i32
        %dma_start3A_1621 = arith.constant 176 : i32
        %dma_start3A_1622 = arith.constant 0 : i32
        %dma_start3A_1623 = tpu.memref_slice %arg11[%dma_start3A_1620, %dma_start3A_1621, %dma_start3A_1622] : memref<2x256x64xf32, #tpu.memory_space<vmem>> -> memref<1x8x64xf32, #tpu.memory_space<vmem>>
        %dma_start3A_1624 = tpu.memref_squeeze %dma_start3A_1623 : memref<1x8x64xf32, #tpu.memory_space<vmem>> -> memref<8x64xf32, #tpu.memory_space<vmem>>
        %dma_start3A_1625 = arith.constant 0 : i32
        %dma_start3A_1626 = tpu.memref_slice %arg5[%multiple_of3A_1619, %dma_start3A_1625] : memref<1000000x64xf32, #tpu.memory_space<hbm>> -> memref<8x64xf32, #tpu.memory_space<hbm>>
        %dma_start3A_1627 = arith.constant 176 : i32
        %dma_start3A_1628 = arith.constant 0 : i32
        %dma_start3A_1629 = tpu.memref_slice %arg11[%dma_start3A_1620, %dma_start3A_1627, %dma_start3A_1628] : memref<2x256x64xf32, #tpu.memory_space<vmem>> -> memref<1x8x64xf32, #tpu.memory_space<vmem>>
        %dma_start3A_1630 = tpu.memref_squeeze %dma_start3A_1629 : memref<1x8x64xf32, #tpu.memory_space<vmem>> -> memref<8x64xf32, #tpu.memory_space<vmem>>
        %dma_start3A_1631 = arith.constant 0 : i32
        %dma_start3A_1632 = tpu.memref_slice %arg5[%multiple_of3A_1619, %dma_start3A_1631] : memref<1000000x64xf32, #tpu.memory_space<hbm>> -> memref<8x64xf32, #tpu.memory_space<hbm>>
        tpu.enqueue_dma source(%dma_start3A_1632 : memref<8x64xf32, #tpu.memory_space<hbm>>) target(%dma_start3A_1630 : memref<8x64xf32, #tpu.memory_space<vmem>>) target_semaphore(%arg15 : memref<!tpu.dma_semaphore, #tpu.memory_space<semaphore_mem>>)
        %slice3A_1633 = vector.extract_strided_slice %get3A_1520 {offsets = [7], sizes = [1], strides = [1]} : vector<16xi32> to vector<1xi32>
        %squeeze3A_1634 = vector.extract %slice3A_1633[0] : i32 from vector<1xi32>
        %multiple_of3A_1635 = tpu.assume_multiple %squeeze3A_1634, 8 : i32
        %dma_start3A_1636 = arith.constant 1 : i32
        %dma_start3A_1637 = arith.constant 184 : i32
        %dma_start3A_1638 = arith.constant 0 : i32
        %dma_start3A_1639 = tpu.memref_slice %arg11[%dma_start3A_1636, %dma_start3A_1637, %dma_start3A_1638] : memref<2x256x64xf32, #tpu.memory_space<vmem>> -> memref<1x8x64xf32, #tpu.memory_space<vmem>>
        %dma_start3A_1640 = tpu.memref_squeeze %dma_start3A_1639 : memref<1x8x64xf32, #tpu.memory_space<vmem>> -> memref<8x64xf32, #tpu.memory_space<vmem>>
        %dma_start3A_1641 = arith.constant 0 : i32
        %dma_start3A_1642 = tpu.memref_slice %arg5[%multiple_of3A_1635, %dma_start3A_1641] : memref<1000000x64xf32, #tpu.memory_space<hbm>> -> memref<8x64xf32, #tpu.memory_space<hbm>>
        %dma_start3A_1643 = arith.constant 184 : i32
        %dma_start3A_1644 = arith.constant 0 : i32
        %dma_start3A_1645 = tpu.memref_slice %arg11[%dma_start3A_1636, %dma_start3A_1643, %dma_start3A_1644] : memref<2x256x64xf32, #tpu.memory_space<vmem>> -> memref<1x8x64xf32, #tpu.memory_space<vmem>>
        %dma_start3A_1646 = tpu.memref_squeeze %dma_start3A_1645 : memref<1x8x64xf32, #tpu.memory_space<vmem>> -> memref<8x64xf32, #tpu.memory_space<vmem>>
        %dma_start3A_1647 = arith.constant 0 : i32
        %dma_start3A_1648 = tpu.memref_slice %arg5[%multiple_of3A_1635, %dma_start3A_1647] : memref<1000000x64xf32, #tpu.memory_space<hbm>> -> memref<8x64xf32, #tpu.memory_space<hbm>>
        tpu.enqueue_dma source(%dma_start3A_1648 : memref<8x64xf32, #tpu.memory_space<hbm>>) target(%dma_start3A_1646 : memref<8x64xf32, #tpu.memory_space<vmem>>) target_semaphore(%arg15 : memref<!tpu.dma_semaphore, #tpu.memory_space<semaphore_mem>>)
        %slice3A_1649 = vector.extract_strided_slice %get3A_1520 {offsets = [8], sizes = [1], strides = [1]} : vector<16xi32> to vector<1xi32>
        %squeeze3A_1650 = vector.extract %slice3A_1649[0] : i32 from vector<1xi32>
        %multiple_of3A_1651 = tpu.assume_multiple %squeeze3A_1650, 8 : i32
        %dma_start3A_1652 = arith.constant 1 : i32
        %dma_start3A_1653 = arith.constant 192 : i32
        %dma_start3A_1654 = arith.constant 0 : i32
        %dma_start3A_1655 = tpu.memref_slice %arg11[%dma_start3A_1652, %dma_start3A_1653, %dma_start3A_1654] : memref<2x256x64xf32, #tpu.memory_space<vmem>> -> memref<1x8x64xf32, #tpu.memory_space<vmem>>
        %dma_start3A_1656 = tpu.memref_squeeze %dma_start3A_1655 : memref<1x8x64xf32, #tpu.memory_space<vmem>> -> memref<8x64xf32, #tpu.memory_space<vmem>>
        %dma_start3A_1657 = arith.constant 0 : i32
        %dma_start3A_1658 = tpu.memref_slice %arg5[%multiple_of3A_1651, %dma_start3A_1657] : memref<1000000x64xf32, #tpu.memory_space<hbm>> -> memref<8x64xf32, #tpu.memory_space<hbm>>
        %dma_start3A_1659 = arith.constant 192 : i32
        %dma_start3A_1660 = arith.constant 0 : i32
        %dma_start3A_1661 = tpu.memref_slice %arg11[%dma_start3A_1652, %dma_start3A_1659, %dma_start3A_1660] : memref<2x256x64xf32, #tpu.memory_space<vmem>> -> memref<1x8x64xf32, #tpu.memory_space<vmem>>
        %dma_start3A_1662 = tpu.memref_squeeze %dma_start3A_1661 : memref<1x8x64xf32, #tpu.memory_space<vmem>> -> memref<8x64xf32, #tpu.memory_space<vmem>>
        %dma_start3A_1663 = arith.constant 0 : i32
        %dma_start3A_1664 = tpu.memref_slice %arg5[%multiple_of3A_1651, %dma_start3A_1663] : memref<1000000x64xf32, #tpu.memory_space<hbm>> -> memref<8x64xf32, #tpu.memory_space<hbm>>
        tpu.enqueue_dma source(%dma_start3A_1664 : memref<8x64xf32, #tpu.memory_space<hbm>>) target(%dma_start3A_1662 : memref<8x64xf32, #tpu.memory_space<vmem>>) target_semaphore(%arg15 : memref<!tpu.dma_semaphore, #tpu.memory_space<semaphore_mem>>)
        %slice3A_1665 = vector.extract_strided_slice %get3A_1520 {offsets = [9], sizes = [1], strides = [1]} : vector<16xi32> to vector<1xi32>
        %squeeze3A_1666 = vector.extract %slice3A_1665[0] : i32 from vector<1xi32>
        %multiple_of3A_1667 = tpu.assume_multiple %squeeze3A_1666, 8 : i32
        %dma_start3A_1668 = arith.constant 1 : i32
        %dma_start3A_1669 = arith.constant 200 : i32
        %dma_start3A_1670 = arith.constant 0 : i32
        %dma_start3A_1671 = tpu.memref_slice %arg11[%dma_start3A_1668, %dma_start3A_1669, %dma_start3A_1670] : memref<2x256x64xf32, #tpu.memory_space<vmem>> -> memref<1x8x64xf32, #tpu.memory_space<vmem>>
        %dma_start3A_1672 = tpu.memref_squeeze %dma_start3A_1671 : memref<1x8x64xf32, #tpu.memory_space<vmem>> -> memref<8x64xf32, #tpu.memory_space<vmem>>
        %dma_start3A_1673 = arith.constant 0 : i32
        %dma_start3A_1674 = tpu.memref_slice %arg5[%multiple_of3A_1667, %dma_start3A_1673] : memref<1000000x64xf32, #tpu.memory_space<hbm>> -> memref<8x64xf32, #tpu.memory_space<hbm>>
        %dma_start3A_1675 = arith.constant 200 : i32
        %dma_start3A_1676 = arith.constant 0 : i32
        %dma_start3A_1677 = tpu.memref_slice %arg11[%dma_start3A_1668, %dma_start3A_1675, %dma_start3A_1676] : memref<2x256x64xf32, #tpu.memory_space<vmem>> -> memref<1x8x64xf32, #tpu.memory_space<vmem>>
        %dma_start3A_1678 = tpu.memref_squeeze %dma_start3A_1677 : memref<1x8x64xf32, #tpu.memory_space<vmem>> -> memref<8x64xf32, #tpu.memory_space<vmem>>
        %dma_start3A_1679 = arith.constant 0 : i32
        %dma_start3A_1680 = tpu.memref_slice %arg5[%multiple_of3A_1667, %dma_start3A_1679] : memref<1000000x64xf32, #tpu.memory_space<hbm>> -> memref<8x64xf32, #tpu.memory_space<hbm>>
        tpu.enqueue_dma source(%dma_start3A_1680 : memref<8x64xf32, #tpu.memory_space<hbm>>) target(%dma_start3A_1678 : memref<8x64xf32, #tpu.memory_space<vmem>>) target_semaphore(%arg15 : memref<!tpu.dma_semaphore, #tpu.memory_space<semaphore_mem>>)
        %slice3A_1681 = vector.extract_strided_slice %get3A_1520 {offsets = [10], sizes = [1], strides = [1]} : vector<16xi32> to vector<1xi32>
        %squeeze3A_1682 = vector.extract %slice3A_1681[0] : i32 from vector<1xi32>
        %multiple_of3A_1683 = tpu.assume_multiple %squeeze3A_1682, 8 : i32
        %dma_start3A_1684 = arith.constant 1 : i32
        %dma_start3A_1685 = arith.constant 208 : i32
        %dma_start3A_1686 = arith.constant 0 : i32
        %dma_start3A_1687 = tpu.memref_slice %arg11[%dma_start3A_1684, %dma_start3A_1685, %dma_start3A_1686] : memref<2x256x64xf32, #tpu.memory_space<vmem>> -> memref<1x8x64xf32, #tpu.memory_space<vmem>>
        %dma_start3A_1688 = tpu.memref_squeeze %dma_start3A_1687 : memref<1x8x64xf32, #tpu.memory_space<vmem>> -> memref<8x64xf32, #tpu.memory_space<vmem>>
        %dma_start3A_1689 = arith.constant 0 : i32
        %dma_start3A_1690 = tpu.memref_slice %arg5[%multiple_of3A_1683, %dma_start3A_1689] : memref<1000000x64xf32, #tpu.memory_space<hbm>> -> memref<8x64xf32, #tpu.memory_space<hbm>>
        %dma_start3A_1691 = arith.constant 208 : i32
        %dma_start3A_1692 = arith.constant 0 : i32
        %dma_start3A_1693 = tpu.memref_slice %arg11[%dma_start3A_1684, %dma_start3A_1691, %dma_start3A_1692] : memref<2x256x64xf32, #tpu.memory_space<vmem>> -> memref<1x8x64xf32, #tpu.memory_space<vmem>>
        %dma_start3A_1694 = tpu.memref_squeeze %dma_start3A_1693 : memref<1x8x64xf32, #tpu.memory_space<vmem>> -> memref<8x64xf32, #tpu.memory_space<vmem>>
        %dma_start3A_1695 = arith.constant 0 : i32
        %dma_start3A_1696 = tpu.memref_slice %arg5[%multiple_of3A_1683, %dma_start3A_1695] : memref<1000000x64xf32, #tpu.memory_space<hbm>> -> memref<8x64xf32, #tpu.memory_space<hbm>>
        tpu.enqueue_dma source(%dma_start3A_1696 : memref<8x64xf32, #tpu.memory_space<hbm>>) target(%dma_start3A_1694 : memref<8x64xf32, #tpu.memory_space<vmem>>) target_semaphore(%arg15 : memref<!tpu.dma_semaphore, #tpu.memory_space<semaphore_mem>>)
        %slice3A_1697 = vector.extract_strided_slice %get3A_1520 {offsets = [11], sizes = [1], strides = [1]} : vector<16xi32> to vector<1xi32>
        %squeeze3A_1698 = vector.extract %slice3A_1697[0] : i32 from vector<1xi32>
        %multiple_of3A_1699 = tpu.assume_multiple %squeeze3A_1698, 8 : i32
        %dma_start3A_1700 = arith.constant 1 : i32
        %dma_start3A_1701 = arith.constant 216 : i32
        %dma_start3A_1702 = arith.constant 0 : i32
        %dma_start3A_1703 = tpu.memref_slice %arg11[%dma_start3A_1700, %dma_start3A_1701, %dma_start3A_1702] : memref<2x256x64xf32, #tpu.memory_space<vmem>> -> memref<1x8x64xf32, #tpu.memory_space<vmem>>
        %dma_start3A_1704 = tpu.memref_squeeze %dma_start3A_1703 : memref<1x8x64xf32, #tpu.memory_space<vmem>> -> memref<8x64xf32, #tpu.memory_space<vmem>>
        %dma_start3A_1705 = arith.constant 0 : i32
        %dma_start3A_1706 = tpu.memref_slice %arg5[%multiple_of3A_1699, %dma_start3A_1705] : memref<1000000x64xf32, #tpu.memory_space<hbm>> -> memref<8x64xf32, #tpu.memory_space<hbm>>
        %dma_start3A_1707 = arith.constant 216 : i32
        %dma_start3A_1708 = arith.constant 0 : i32
        %dma_start3A_1709 = tpu.memref_slice %arg11[%dma_start3A_1700, %dma_start3A_1707, %dma_start3A_1708] : memref<2x256x64xf32, #tpu.memory_space<vmem>> -> memref<1x8x64xf32, #tpu.memory_space<vmem>>
        %dma_start3A_1710 = tpu.memref_squeeze %dma_start3A_1709 : memref<1x8x64xf32, #tpu.memory_space<vmem>> -> memref<8x64xf32, #tpu.memory_space<vmem>>
        %dma_start3A_1711 = arith.constant 0 : i32
        %dma_start3A_1712 = tpu.memref_slice %arg5[%multiple_of3A_1699, %dma_start3A_1711] : memref<1000000x64xf32, #tpu.memory_space<hbm>> -> memref<8x64xf32, #tpu.memory_space<hbm>>
        tpu.enqueue_dma source(%dma_start3A_1712 : memref<8x64xf32, #tpu.memory_space<hbm>>) target(%dma_start3A_1710 : memref<8x64xf32, #tpu.memory_space<vmem>>) target_semaphore(%arg15 : memref<!tpu.dma_semaphore, #tpu.memory_space<semaphore_mem>>)
        %slice3A_1713 = vector.extract_strided_slice %get3A_1520 {offsets = [12], sizes = [1], strides = [1]} : vector<16xi32> to vector<1xi32>
        %squeeze3A_1714 = vector.extract %slice3A_1713[0] : i32 from vector<1xi32>
        %multiple_of3A_1715 = tpu.assume_multiple %squeeze3A_1714, 8 : i32
        %dma_start3A_1716 = arith.constant 1 : i32
        %dma_start3A_1717 = arith.constant 224 : i32
        %dma_start3A_1718 = arith.constant 0 : i32
        %dma_start3A_1719 = tpu.memref_slice %arg11[%dma_start3A_1716, %dma_start3A_1717, %dma_start3A_1718] : memref<2x256x64xf32, #tpu.memory_space<vmem>> -> memref<1x8x64xf32, #tpu.memory_space<vmem>>
        %dma_start3A_1720 = tpu.memref_squeeze %dma_start3A_1719 : memref<1x8x64xf32, #tpu.memory_space<vmem>> -> memref<8x64xf32, #tpu.memory_space<vmem>>
        %dma_start3A_1721 = arith.constant 0 : i32
        %dma_start3A_1722 = tpu.memref_slice %arg5[%multiple_of3A_1715, %dma_start3A_1721] : memref<1000000x64xf32, #tpu.memory_space<hbm>> -> memref<8x64xf32, #tpu.memory_space<hbm>>
        %dma_start3A_1723 = arith.constant 224 : i32
        %dma_start3A_1724 = arith.constant 0 : i32
        %dma_start3A_1725 = tpu.memref_slice %arg11[%dma_start3A_1716, %dma_start3A_1723, %dma_start3A_1724] : memref<2x256x64xf32, #tpu.memory_space<vmem>> -> memref<1x8x64xf32, #tpu.memory_space<vmem>>
        %dma_start3A_1726 = tpu.memref_squeeze %dma_start3A_1725 : memref<1x8x64xf32, #tpu.memory_space<vmem>> -> memref<8x64xf32, #tpu.memory_space<vmem>>
        %dma_start3A_1727 = arith.constant 0 : i32
        %dma_start3A_1728 = tpu.memref_slice %arg5[%multiple_of3A_1715, %dma_start3A_1727] : memref<1000000x64xf32, #tpu.memory_space<hbm>> -> memref<8x64xf32, #tpu.memory_space<hbm>>
        tpu.enqueue_dma source(%dma_start3A_1728 : memref<8x64xf32, #tpu.memory_space<hbm>>) target(%dma_start3A_1726 : memref<8x64xf32, #tpu.memory_space<vmem>>) target_semaphore(%arg15 : memref<!tpu.dma_semaphore, #tpu.memory_space<semaphore_mem>>)
        %slice3A_1729 = vector.extract_strided_slice %get3A_1520 {offsets = [13], sizes = [1], strides = [1]} : vector<16xi32> to vector<1xi32>
        %squeeze3A_1730 = vector.extract %slice3A_1729[0] : i32 from vector<1xi32>
        %multiple_of3A_1731 = tpu.assume_multiple %squeeze3A_1730, 8 : i32
        %dma_start3A_1732 = arith.constant 1 : i32
        %dma_start3A_1733 = arith.constant 232 : i32
        %dma_start3A_1734 = arith.constant 0 : i32
        %dma_start3A_1735 = tpu.memref_slice %arg11[%dma_start3A_1732, %dma_start3A_1733, %dma_start3A_1734] : memref<2x256x64xf32, #tpu.memory_space<vmem>> -> memref<1x8x64xf32, #tpu.memory_space<vmem>>
        %dma_start3A_1736 = tpu.memref_squeeze %dma_start3A_1735 : memref<1x8x64xf32, #tpu.memory_space<vmem>> -> memref<8x64xf32, #tpu.memory_space<vmem>>
        %dma_start3A_1737 = arith.constant 0 : i32
        %dma_start3A_1738 = tpu.memref_slice %arg5[%multiple_of3A_1731, %dma_start3A_1737] : memref<1000000x64xf32, #tpu.memory_space<hbm>> -> memref<8x64xf32, #tpu.memory_space<hbm>>
        %dma_start3A_1739 = arith.constant 232 : i32
        %dma_start3A_1740 = arith.constant 0 : i32
        %dma_start3A_1741 = tpu.memref_slice %arg11[%dma_start3A_1732, %dma_start3A_1739, %dma_start3A_1740] : memref<2x256x64xf32, #tpu.memory_space<vmem>> -> memref<1x8x64xf32, #tpu.memory_space<vmem>>
        %dma_start3A_1742 = tpu.memref_squeeze %dma_start3A_1741 : memref<1x8x64xf32, #tpu.memory_space<vmem>> -> memref<8x64xf32, #tpu.memory_space<vmem>>
        %dma_start3A_1743 = arith.constant 0 : i32
        %dma_start3A_1744 = tpu.memref_slice %arg5[%multiple_of3A_1731, %dma_start3A_1743] : memref<1000000x64xf32, #tpu.memory_space<hbm>> -> memref<8x64xf32, #tpu.memory_space<hbm>>
        tpu.enqueue_dma source(%dma_start3A_1744 : memref<8x64xf32, #tpu.memory_space<hbm>>) target(%dma_start3A_1742 : memref<8x64xf32, #tpu.memory_space<vmem>>) target_semaphore(%arg15 : memref<!tpu.dma_semaphore, #tpu.memory_space<semaphore_mem>>)
        %slice3A_1745 = vector.extract_strided_slice %get3A_1520 {offsets = [14], sizes = [1], strides = [1]} : vector<16xi32> to vector<1xi32>
        %squeeze3A_1746 = vector.extract %slice3A_1745[0] : i32 from vector<1xi32>
        %multiple_of3A_1747 = tpu.assume_multiple %squeeze3A_1746, 8 : i32
        %dma_start3A_1748 = arith.constant 1 : i32
        %dma_start3A_1749 = arith.constant 240 : i32
        %dma_start3A_1750 = arith.constant 0 : i32
        %dma_start3A_1751 = tpu.memref_slice %arg11[%dma_start3A_1748, %dma_start3A_1749, %dma_start3A_1750] : memref<2x256x64xf32, #tpu.memory_space<vmem>> -> memref<1x8x64xf32, #tpu.memory_space<vmem>>
        %dma_start3A_1752 = tpu.memref_squeeze %dma_start3A_1751 : memref<1x8x64xf32, #tpu.memory_space<vmem>> -> memref<8x64xf32, #tpu.memory_space<vmem>>
        %dma_start3A_1753 = arith.constant 0 : i32
        %dma_start3A_1754 = tpu.memref_slice %arg5[%multiple_of3A_1747, %dma_start3A_1753] : memref<1000000x64xf32, #tpu.memory_space<hbm>> -> memref<8x64xf32, #tpu.memory_space<hbm>>
        %dma_start3A_1755 = arith.constant 240 : i32
        %dma_start3A_1756 = arith.constant 0 : i32
        %dma_start3A_1757 = tpu.memref_slice %arg11[%dma_start3A_1748, %dma_start3A_1755, %dma_start3A_1756] : memref<2x256x64xf32, #tpu.memory_space<vmem>> -> memref<1x8x64xf32, #tpu.memory_space<vmem>>
        %dma_start3A_1758 = tpu.memref_squeeze %dma_start3A_1757 : memref<1x8x64xf32, #tpu.memory_space<vmem>> -> memref<8x64xf32, #tpu.memory_space<vmem>>
        %dma_start3A_1759 = arith.constant 0 : i32
        %dma_start3A_1760 = tpu.memref_slice %arg5[%multiple_of3A_1747, %dma_start3A_1759] : memref<1000000x64xf32, #tpu.memory_space<hbm>> -> memref<8x64xf32, #tpu.memory_space<hbm>>
        tpu.enqueue_dma source(%dma_start3A_1760 : memref<8x64xf32, #tpu.memory_space<hbm>>) target(%dma_start3A_1758 : memref<8x64xf32, #tpu.memory_space<vmem>>) target_semaphore(%arg15 : memref<!tpu.dma_semaphore, #tpu.memory_space<semaphore_mem>>)
        %slice3A_1761 = vector.extract_strided_slice %get3A_1520 {offsets = [15], sizes = [1], strides = [1]} : vector<16xi32> to vector<1xi32>
        %squeeze3A_1762 = vector.extract %slice3A_1761[0] : i32 from vector<1xi32>
        %multiple_of3A_1763 = tpu.assume_multiple %squeeze3A_1762, 8 : i32
        %dma_start3A_1764 = arith.constant 1 : i32
        %dma_start3A_1765 = arith.constant 248 : i32
        %dma_start3A_1766 = arith.constant 0 : i32
        %dma_start3A_1767 = tpu.memref_slice %arg11[%dma_start3A_1764, %dma_start3A_1765, %dma_start3A_1766] : memref<2x256x64xf32, #tpu.memory_space<vmem>> -> memref<1x8x64xf32, #tpu.memory_space<vmem>>
        %dma_start3A_1768 = tpu.memref_squeeze %dma_start3A_1767 : memref<1x8x64xf32, #tpu.memory_space<vmem>> -> memref<8x64xf32, #tpu.memory_space<vmem>>
        %dma_start3A_1769 = arith.constant 0 : i32
        %dma_start3A_1770 = tpu.memref_slice %arg5[%multiple_of3A_1763, %dma_start3A_1769] : memref<1000000x64xf32, #tpu.memory_space<hbm>> -> memref<8x64xf32, #tpu.memory_space<hbm>>
        %dma_start3A_1771 = arith.constant 248 : i32
        %dma_start3A_1772 = arith.constant 0 : i32
        %dma_start3A_1773 = tpu.memref_slice %arg11[%dma_start3A_1764, %dma_start3A_1771, %dma_start3A_1772] : memref<2x256x64xf32, #tpu.memory_space<vmem>> -> memref<1x8x64xf32, #tpu.memory_space<vmem>>
        %dma_start3A_1774 = tpu.memref_squeeze %dma_start3A_1773 : memref<1x8x64xf32, #tpu.memory_space<vmem>> -> memref<8x64xf32, #tpu.memory_space<vmem>>
        %dma_start3A_1775 = arith.constant 0 : i32
        %dma_start3A_1776 = tpu.memref_slice %arg5[%multiple_of3A_1763, %dma_start3A_1775] : memref<1000000x64xf32, #tpu.memory_space<hbm>> -> memref<8x64xf32, #tpu.memory_space<hbm>>
        tpu.enqueue_dma source(%dma_start3A_1776 : memref<8x64xf32, #tpu.memory_space<hbm>>) target(%dma_start3A_1774 : memref<8x64xf32, #tpu.memory_space<vmem>>) target_semaphore(%arg15 : memref<!tpu.dma_semaphore, #tpu.memory_space<semaphore_mem>>)
      } else {
      }
    }
    %scan3A_1043 = arith.constant 64 : i32
    %mul3A_1044 = arith.constant 32 : i32
    %mul3A_1045 = arith.muli %mul3A_2, %mul3A_1044 : i32
    %multiple_of3A_1046 = tpu.assume_multiple %mul3A_1045, 4096 : i32
    "tpu.region"() ({
      %run_scoped3A = tpu.sem_alloc : memref<!tpu.dma_semaphore, #tpu.memory_space<semaphore_mem>>
      %dma_start3A_1047 = tpu.memref_slice %arg6[%multiple_of3A_1046] : memref<131072xf32, #tpu.memory_space<hbm>> -> memref<4096xf32, #tpu.memory_space<hbm>>
      %dma_start3A_1048 = tpu.memref_slice %arg6[%multiple_of3A_1046] : memref<131072xf32, #tpu.memory_space<hbm>> -> memref<4096xf32, #tpu.memory_space<hbm>>
      tpu.enqueue_dma source(%arg12 : memref<4096xf32, #tpu.memory_space<vmem>>) target(%dma_start3A_1048 : memref<4096xf32, #tpu.memory_space<hbm>>) target_semaphore(%run_scoped3A : memref<!tpu.dma_semaphore, #tpu.memory_space<semaphore_mem>>)
      %dma_wait3A = tpu.memref_slice %arg6[%multiple_of3A_1046] : memref<131072xf32, #tpu.memory_space<hbm>> -> memref<4096xf32, #tpu.memory_space<hbm>>
      %dma_wait3A_1049 = tpu.memref_slice %arg6[%multiple_of3A_1046] : memref<131072xf32, #tpu.memory_space<hbm>> -> memref<4096xf32, #tpu.memory_space<hbm>>
      tpu.wait_dma2 semaphore(%run_scoped3A : memref<!tpu.dma_semaphore, #tpu.memory_space<semaphore_mem>>) src(%arg12 : memref<4096xf32, #tpu.memory_space<vmem>>) dst(%dma_wait3A_1049 : memref<4096xf32, #tpu.memory_space<hbm>>)
      tpu.yield
    }) : () -> ()
    "tpu.region"() ({
      %run_scoped3A = tpu.sem_alloc : memref<!tpu.dma_semaphore, #tpu.memory_space<semaphore_mem>>
      %dma_start3A_1047 = tpu.memref_slice %arg7[%multiple_of3A_1046] : memref<131072xf32, #tpu.memory_space<hbm>> -> memref<4096xf32, #tpu.memory_space<hbm>>
      %dma_start3A_1048 = tpu.memref_slice %arg7[%multiple_of3A_1046] : memref<131072xf32, #tpu.memory_space<hbm>> -> memref<4096xf32, #tpu.memory_space<hbm>>
      tpu.enqueue_dma source(%arg13 : memref<4096xf32, #tpu.memory_space<vmem>>) target(%dma_start3A_1048 : memref<4096xf32, #tpu.memory_space<hbm>>) target_semaphore(%run_scoped3A : memref<!tpu.dma_semaphore, #tpu.memory_space<semaphore_mem>>)
      %dma_wait3A = tpu.memref_slice %arg7[%multiple_of3A_1046] : memref<131072xf32, #tpu.memory_space<hbm>> -> memref<4096xf32, #tpu.memory_space<hbm>>
      %dma_wait3A_1049 = tpu.memref_slice %arg7[%multiple_of3A_1046] : memref<131072xf32, #tpu.memory_space<hbm>> -> memref<4096xf32, #tpu.memory_space<hbm>>
      tpu.wait_dma2 semaphore(%run_scoped3A : memref<!tpu.dma_semaphore, #tpu.memory_space<semaphore_mem>>) src(%arg13 : memref<4096xf32, #tpu.memory_space<vmem>>) dst(%dma_wait3A_1049 : memref<4096xf32, #tpu.memory_space<hbm>>)
      tpu.yield
    }) : () -> ()
    return
  }
}

module attributes {stable_mosaic.version = 14 : i64} {
  func.func @_tc_body(%arg0: memref<4096x64xf32, #tpu.memory_space<vmem>>, %arg1: memref<64x113xf32, #tpu.memory_space<vmem>>, %arg2: memref<1x113xf32, #tpu.memory_space<vmem>>, %arg3: memref<4096x113xf32, #tpu.memory_space<vmem>>) attributes {dimension_semantics = [], scalar_prefetch = 0 : i64, scratch_operands = 0 : i64, tpu.core_type = #tpu.core_type<tc>} {
    %get3A = arith.constant 0 : index
    %get3A_0 = arith.constant 0 : index
    %get3A_1 = vector.load %arg0[%get3A, %get3A_0] : memref<4096x64xf32, #tpu.memory_space<vmem>>, vector<4096x64xf32>
    %get3A_2 = arith.constant 0 : index
    %get3A_3 = arith.constant 0 : index
    %get3A_4 = vector.load %arg1[%get3A_2, %get3A_3] : memref<64x113xf32, #tpu.memory_space<vmem>>, vector<64x113xf32>
    %dot_general3A = arith.constant dense<0.000000e+00> : vector<4096x113xf32>
    %dot_general3A_5 = tpu.matmul %get3A_1, %get3A_4, %dot_general3A {dimension_numbers = #tpu.dot_dimension_numbers<[1], [0], [0], [1], [0, 0, 1, 1], [], []>, transpose_lhs_hint = false} : vector<4096x64xf32>, vector<64x113xf32>, vector<4096x113xf32> -> vector<4096x113xf32>
    %get3A_6 = arith.constant 0 : index
    %get3A_7 = arith.constant 0 : index
    %get3A_8 = vector.load %arg2[%get3A_6, %get3A_7] : memref<1x113xf32, #tpu.memory_space<vmem>>, vector<1x113xf32>
    %add3A = vector.broadcast %get3A_8 : vector<1x113xf32> to vector<4096x113xf32>
    %add3A_9 = arith.addf %dot_general3A_5, %add3A : vector<4096x113xf32>
    %logistic3A = arith.negf %add3A_9 : vector<4096x113xf32>
    %logistic3A_10 = math.exp %logistic3A : vector<4096x113xf32>
    %logistic3A_11 = arith.constant 1.000000e+00 : f32
    %logistic3A_12 = vector.broadcast %logistic3A_11 : f32 to vector<4096x113xf32>
    %logistic3A_13 = arith.addf %logistic3A_12, %logistic3A_10 : vector<4096x113xf32>
    %logistic3A_14 = arith.divf %logistic3A_12, %logistic3A_13 : vector<4096x113xf32>
    %swap3A = arith.constant 0 : index
    %swap3A_15 = arith.constant 0 : index
    %swap3A_16 = vector.load %arg3[%swap3A, %swap3A_15] : memref<4096x113xf32, #tpu.memory_space<vmem>>, vector<4096x113xf32>
    tpu.vector_store %arg3[%swap3A, %swap3A_15], %logistic3A_14 {strides = array<i32>} : memref<4096x113xf32, #tpu.memory_space<vmem>>, vector<4096x113xf32>,
    return
  }
}

</mosaic_0001>

<sc_bundles>
// kernel: kernel.4.cloned.1.call-start
scs
__scs_entry_jumppad:
0x0: {  	(pc) =	sbr.rel $0x88, $3  }
0x1: {  	(tag) =	ssettag $0x0;
	lr =	simm.s32 $0x1  }
0x2: {  	[smem:$0x3F9C] =	sst lr;
	_ =	strace $0xD0000000  }
0x3: {  	_ = 	snop  }
0x4: {  	_ = 	snop  }
0x5: {  	_ = 	snop  }
0x6: {  	_ = 	snop  }
0x7: {  	_ = 	snop  }
__scs_overlays_trampoline_lowered:
0x8: {  	[smem:$0x3FAB] =	sst s0  }
0x9: {  	[smem:$0x3FAC] =	sst s1  }
0xa: {  	[smem:$0x3FAD] =	sst s2  }
0xb: {  	[smem:$0x3FAE] =	sst s3  }
0xc: {  	[smem:$0x3FAF] =	sst s4  }
0xd: {  	[smem:$0x3FB0] =	sst s5  }
0xe: {  	[smem:$0x3FB1] =	sst s6  }
0xf: {  	[smem:$0x3FB2] =	sst s7  }
0x10: {  	[smem:$0x3FB3] =	sst s8  }
0x11: {  	[smem:$0x3FB4] =	sst s9;
	s0 =	simm.s32 @!p0 $0x0  }
0x12: {  	s1 =	sld [smem:$0x3F9A];
	s0 =	simm.s32 @p0 $0x1  }
0x13: {  	[smem:$0x3FB5] =	sst s0;
	s0 =	simm.s32 @!p1 $0x0  }
0x14: {  	s2 =	sld [smem:$0x3F99];
	s0 =	simm.s32 @p1 $0x1  }
0x15: {  	[smem:$0x3FB6] =	sst s0;
	s0 =	simm.s32 @!p2 $0x0  }
0x16: {  	s3 =	sld [smem:$0x3FDB];
	s0 =	simm.s32 @p2 $0x1  }
0x17: {  	s4 =	simm.s32 $0x1BF5;
	[smem:$0x3FB8] =	sst s0  }
0x18: {  	s0 =	sld [smem:$0x3F9B];
	_ =	swait.ge [sflag:s4], $0x0  }
0x19: {  	s7 =	sld [smem:$0x3F9C]  }
0x1a: {  	s8 =	sadd.s32 $0xFFFFE003, lr  }
0x1b: {  	s9 =	sadd.s32 $0xFFFFFEF7, lr;
	s5 =	simm.s32 $0xFFFFFFFF;
	p2 =	slt.u32 s8, $0xFFFFF086  }
0x1c: {  	p1 =	slt.u32 s9, $0xF7A;
	s5 =	simm.s32 @!p2 $0x0  }
0x1d: {  	s5 =	simm.s32 @p1 $0x1;
	p0 =	seq.s32 s7, s2  }
0x1e: {  	s7 =	smul.u32 @!p0 $0xF7A, s2;
	p2 =	seq.s32 @!p0 s5, $0x0  }
0x1f: {  	s9 =	smul.u32 $0xF7A, s1;
	s8 =	simm.s32 @!p0 $0x1BF5;
	p2 =	por !p2, p0  }
0x20: {  	[sflag:s8] =	ssyncset.s32 @!p0 $0xFFFFF086;
	s6 =	sadd.s32 @!p0 s3, s7;
	s7 =	simm.s32 @!p0 $0x108  }
0x21: {  	s3 =	sadd.s32 s3, s9;
	s6 =	sadd.s32 @!p0 $0x88, s6;
	s7 =	simm.s32 @p2 $0x1082  }
0x22: {  	[simem:s7], [sflag:s8] =	dma.local @!p0 [hbm:s6], $0xF7A  }
0x23: {  	s9 =	sor.u32 $0xD0000000, s2;
	s6 =	simm.s32 $0x108;
	_ =	swait.ge @!p0 [sflag:s8], $0x0  }
0x24: {  	s3 =	sadd.s32 $0x88, s3;
	s6 =	simm.s32 @!p1 $0x1082;
	[sflag:s4] =	ssyncset.s32 $0xFFFFF086  }
0x25: {  	[simem:s6], [sflag:s4] =	dma.local [hbm:s3], $0xF7A  }
0x26: {  	[smem:$0x3F9C] =	sst s1;
	(tag) =	ssettag s2;
	_ =	strace s9  }
0x27: {  	s1 =	sld [smem:$0x3FAC]  }
0x28: {  	s2 =	sld [smem:$0x3FAD]  }
0x29: {  	s4 =	sld [smem:$0x3FAF]  }
0x2a: {  	p0 =	seq.s32 s5, $0x0;
	s5 =	sld [smem:$0x3FB0]  }
0x2b: {  	s6 =	sld [smem:$0x3FB1]  }
0x2c: {  	s7 =	sld [smem:$0x3FB2]  }
0x2d: {  	s3 =	simm.s32 $0x108;
	s8 =	sld [smem:$0x3FB3]  }
0x2e: {  	s3 =	simm.s32 @!p0 $0x1082;
	s9 =	sld [smem:$0x3FB4]  }
0x2f: {  	lr =	sadd.s32 s0, s3;
	s0 =	sld [smem:$0x3FAB]  }
0x30: {  	s3 =	sld [smem:$0x3FAE]  }
0x31: {  	[smem:$0x3FB7] =	sst s10  }
0x32: {  	s10 =	sld [smem:$0x3FB5];
	_ =	sdelay $0x3  }
0x33: {  	p0 =	seq.s32 s10, $0x1;
	s10 =	sld [smem:$0x3FB7];
	_ =	sdelay $0x3  }
0x34: {  	[smem:$0x3FB7] =	sst s10  }
0x35: {  	s10 =	sld [smem:$0x3FB6];
	_ =	sdelay $0x3  }
0x36: {  	p1 =	seq.s32 s10, $0x1;
	s10 =	sld [smem:$0x3FB7];
	_ =	sdelay $0x3  }
0x37: {  	[smem:$0x3FB7] =	sst s10  }
0x38: {  	s10 =	sld [smem:$0x3FB8]  }
0x39: {  	_ = 	snop;
	(pc) =	sbr.ind lr, $3  }
0x3a: {  	_ = 	snop  }
0x3b: {  	_ = 	snop  }
0x3c: {  	p2 =	seq.s32 s10, $0x1;
	s10 =	sld [smem:$0x3FB7]  }
0x3d: {  	_ =	shalt  }
0x3e: {  	_ =	shalt  }
0x3f: {  	_ =	shalt  }
0x40: {  	_ =	shalt  }
0x41: {  	_ =	shalt  }
0x42: {  	_ =	shalt  }
0x43: {  	_ =	shalt  }
0x44: {  	_ =	shalt  }
0x45: {  	_ =	shalt  }
0x46: {  	_ =	shalt  }
0x47: {  	_ =	shalt  }
0x48: {  	_ =	shalt  }
0x49: {  	_ =	shalt  }
0x4a: {  	_ =	shalt  }
0x4b: {  	_ =	shalt  }
0x4c: {  	_ =	shalt  }
0x4d: {  	_ =	shalt  }
0x4e: {  	_ =	shalt  }
0x4f: {  	_ =	shalt  }
0x50: {  	_ =	shalt  }
0x51: {  	_ =	shalt  }
0x52: {  	_ =	shalt  }
0x53: {  	_ =	shalt  }
0x54: {  	_ =	shalt  }
0x55: {  	_ =	shalt  }
0x56: {  	_ =	shalt  }
0x57: {  	_ =	shalt  }
0x58: {  	_ =	shalt  }
0x59: {  	_ =	shalt  }
0x5a: {  	_ =	shalt  }
0x5b: {  	_ =	shalt  }
0x5c: {  	_ =	shalt  }
0x5d: {  	_ =	shalt  }
0x5e: {  	_ =	shalt  }
0x5f: {  	_ =	shalt  }
0x60: {  	_ =	shalt  }
0x61: {  	_ =	shalt  }
0x62: {  	_ =	shalt  }
0x63: {  	_ =	shalt  }
0x64: {  	_ =	shalt  }
0x65: {  	_ =	shalt  }
0x66: {  	_ =	shalt  }
0x67: {  	_ =	shalt  }
0x68: {  	_ =	shalt  }
0x69: {  	_ =	shalt  }
0x6a: {  	_ =	shalt  }
0x6b: {  	_ =	shalt  }
0x6c: {  	_ =	shalt  }
0x6d: {  	_ =	shalt  }
0x6e: {  	_ =	shalt  }
0x6f: {  	_ =	shalt  }
0x70: {  	_ =	shalt  }
0x71: {  	_ =	shalt  }
0x72: {  	_ =	shalt  }
0x73: {  	_ =	shalt  }
0x74: {  	_ =	shalt  }
0x75: {  	_ =	shalt  }
0x76: {  	_ =	shalt  }
0x77: {  	_ =	shalt  }
0x78: {  	_ =	shalt  }
0x79: {  	_ =	shalt  }
0x7a: {  	_ =	shalt  }
0x7b: {  	_ =	shalt  }
0x7c: {  	_ =	shalt  }
0x7d: {  	_ =	shalt  }
0x7e: {  	_ =	shalt  }
0x7f: {  	_ =	shalt  }
0x80: {  	_ =	shalt  }
0x81: {  	_ =	shalt  }
0x82: {  	_ =	shalt  }
0x83: {  	_ =	shalt  }
0x84: {  	_ =	shalt  }
0x85: {  	_ =	shalt  }
0x86: {  	_ =	shalt  }
0x87: {  	_ =	shalt  }
.Lfunc_end0:
.L_simem_size_0:
called_computation_lowered:
.L_overlay_start_0:
0x88: {  	s2 =	sld [smem:$0x3FD9]  }
0x89: {  	s3 =	sld [smem:$0x3FFE];
	_ =	sdelay $0x1  }
0x8a: {  	s1 =	srdreg.scid  }
0x8b: {  	s0 =	sand.u32 $0x1, s1  }
0x8c: {  	s14 =	sshll.u32 s0, $0xA;
	s2 =	sadd.s32 s3, s2  }
0x8d: {  	s2 =	sadd.s32 s2, s14  }
0x8e: {  	[smem:$0x3FC3] =	sst s2  }
0x8f: {  	_ = 	snop  }
0x90: {  	s2 =	sld [smem:$0x3FD0];
	_ =	sdelay $0x2  }
0x91: {  	s15 =	simm.s32 $0xA;
	s4 =	simm.s32 $0x10  }
0x92: {  	[smem:s4], [sflag:s15] =	dma.local [hbm:s2], $0x1  }
0x93: {  	_ =	swait.eq [sflag:s15], $0x1  }
0x94: {  	[sflag:s15] =	ssyncset.done $0x0  }
0x95: {  	s16 =	sld [smem:$0x10];
	[sflag:s15] =	ssyncadd.s32 $0xFFFFFFFF  }
0x96: {  	s17 =	sld [smem:$0x11];
	(tm) =	ssettm $0x1  }
0x97: {  	s18 =	sld [smem:$0x3FFB];
	_ =	sdelay $0x3  }
0x98: {  	_ =	strace s18  }
0x99: {  	s4 =	sld [smem:$0x3FFC];
	_ =	sdelay $0x3  }
0x9a: {  	_ =	strace s4  }
0x9b: {  	s4 =	sld [smem:$0x3FFD];
	_ =	sdelay $0x3  }
0x9c: {  	_ =	strace s4  }
0x9d: {  	_ =	strace $0x8FFFFFFF  }
0x9e: {  	s19 =	sld [smem:$0x3FDB];
	_ =	sdelay $0x1  }
0x9f: {  	s5 =	simm.s32 $_scs_section_size  }
0xa0: {  	s6 =	simm.s32 $_size__tile_overlayer_lowered;
	s7 =	simm.s32 $_tile_overlayer_lowered  }
0xa1: {  	s22 =	simm.s32 $0x1BFF;
	s21 =	sshll.u32 s7, $0x1;
	s4 =	sadd.s32 s5, s19  }
0xa2: {  	s8 =	simm.s32 $0x0;
	s20 =	sshll.u32 s6, $0x1;
	s6 =	sadd.s32 s21, s4  }
0xa3: {  	[timem:s8], [sflag:s22] =	dma.local [hbm:s6], s20  }
0xa4: {  	_ =	swait.ge [sflag:s22], s20  }
0xa5: {  	s5 =	ssub.s32 $0x0, s20;
	[sflag:s22] =	ssyncset.done $0x0  }
0xa6: {  	[sflag:s22] =	ssyncadd.s32 s5;
	_ =	sdelay $0x1  }
0xa7: {  	s23 =	simm.s32 $0x1B8B  }
0xa8: {  	_ =	swait.ge [sflag:s23], $0x1  }
0xa9: {  	[sflag:s23] =	ssyncset.done $0x0  }
0xaa: {  	s25 =	simm.s32 $0x1B8E;
	s24 =	sld [smem:$0x3FFE];
	[sflag:s23] =	ssyncadd.s32 $0xFFFFFFFF  }
0xab: {  	s26 =	simm.s32 $execute0_lowered;
	[smem:$0x3FD2] =	sst s25  }
0xac: {  	s6 =	sshll.u32 s26, $0x1;
	_ =	strace $0x80000046;
	[dreg:$0x1] =	wrdreg $0xFFFFFFFF  }
0xad: {  	s28 =	simm.s32 $_size_execute0_lowered;
	s4 =	sadd.s32 s4, s6;
	[dreg:$0x0] =	wrdreg $0x0  }
0xae: {  	s6 =	sshll.u32 s28, $0x1;
	[dreg:$0x2] =	wrdreg s4  }
0xaf: {  	[dreg:$0x3] =	wrdreg s6  }
0xb0: {  	[dreg:$0x4] =	wrdreg $0xC0  }
0xb1: {  	_ =	task [dreg:s8], $0x5FFFF  }
0xb2: {  	[dreg:$0x1] =	wrdreg $0xFFFFFFFF  }
0xb3: {  	[dreg:$0x0] =	wrdreg $0x60  }
0xb4: {  	[dreg:$0x2] =	wrdreg s17  }
0xb5: {  	[dreg:$0x3] =	wrdreg s16  }
0xb6: {  	[dreg:$0x4] =	wrdreg s24  }
0xb7: {  	[dreg:$0x5] =	wrdreg $0x9  }
0xb8: {  	_ =	task.clear_ibuf [dreg:s8], $0x6FFFF;
	_ =	strace $0x90000046  }
0xb9: {  	s29 =	simm.s32 $0x9;
	_ =	strace $0x80000048  }
0xba: {  	_ =	swait.ge [sflag:s29], $0x1  }
0xbb: {  	[sflag:s29] =	ssyncadd.s32 $0xFFFFFFFF  }
0xbc: {  	_ =	strace $0x90000048  }
0xbd: {  	_ =	sfence  }
0xbe: {  	s30 =	sld [smem:$0x0];
	_ =	sdelay $0x2  }
0xbf: {  	s31 =	sshll.u32 s1, $0xD;
	s1 =	sshrl.u32 s1, $0x2  }
0xc0: {  	s3 =	sand.u32 $0x4000, s31;
	s1 =	sadd.s32 s1, s30  }
0xc1: {  	s0 =	sor.u32 s3, s0;
	s1 =	sshll.u32 s1, $0x11  }
0xc2: {  	s0 =	sor.u32 s1, s0  }
0xc3: {  	s0 =	sadd.s32 $0x8F2B, s0  }
0xc4: {  	[sflag:s0] =	ssyncadd.remote.s32 $0x1  }
0xc5: {  	_ =	sfence.sel $0xFFFF  }
0xc6: {  	[dreg:$0x0] =	wrdreg $0xFFFFFFFF;
	(pc) =	sbr.abs _section_cstart, $3  }
0xc7: {  	[dreg:$0x1] =	wrdreg $0xFFFFFFFF  }
0xc8: {  	_ =	task.clear_ibuf [dreg:s8], $0x2FFFF;
	_ =	strace $0x9FFFFFFF  }
0xc9: {  	(tm) =	ssettm $0x7FFFFFFF  }
tec
execute0_lowered:
.L_overlay_start_1:
0x0: {  	(tag) =	ssettag $0x1  }
0x1: {  	s0 =	rddreg [dreg:$0x0]  }
0x2: {  	s1 =	rddreg [dreg:$0x1]  }
0x3: {  	s4 =	rddreg [dreg:$0x2]  }
0x4: {  	s3 =	srdreg.scid;
	s5 =	stileid.u32;
	s2 =	simm.s32 $0x0  }
0x5: {  	s12 =	simm.s32 $0x2000;
	s13 =	simm.s32 $0x4000;
	s18 =	simm.s32 $0xC000  }
0x6: {  	s9 =	simm.s32 $0x11400;
	s10 =	simm.s32 $0x11800;
	s14 =	simm.s32 $0x11C00  }
0x7: {  	s15 =	simm.s32 $0x12000;
	s16 =	simm.s32 $0x12400;
	s17 =	simm.s32 $0x12800  }
0x8: {  	s19 =	simm.s32 $0x12C00;
	s20 =	simm.s32 $0x13000;
	s21 =	simm.s32 $0x13400  }
0x9: {  	s22 =	simm.s32 $0x13800;
	s23 =	simm.s32 $0x13C00;
	s24 =	simm.s32 $0x1  }
0xa: {  	s3 =	sand.u32 $0x1, s3;
	s5 =	sshll.u32 s5, $0x1;
	[smem:$0x7FF] =	sst s2  }
0xb: {  	s25 =	simm.s32 $0x2;
	s5 =	sor.u32 s3, s5;
	_ =	strace $0x80000047  }
0xc: {  	s7 =	ssub.s32 $0x2, s3;
	s6 =	sshll.u32 s5, $0xA;
	s5 =	sshll.u32 s5, $0x9  }
0xd: {  	s3 =	sadd.s32 $0x19600, s4;
	s6 =	sadd.s32 s6, s4;
	s0 =	sadd.s32 s0, s5  }
0xe: {  	s4 =	sadd.s32 s5, s4;
	s26 =	sadd.s32 s1, s5;
	[dreg:$0x4] =	wrdreg s0  }
.Ltmp0:
0xf: {  	v0 =	vlaneseq.u32;
	[dreg:$0x5] =	wrdreg s26;
	s28 =	sadd.s32 $0x11600, s6;
	(pc) =	sbr.rel .LBB2_1-.Ltmp0, $4  }
0x10: {  	v0 =	vmul.u32 $0x400, v0;
	s8 =	sshrl.u32 s7, $0x1;
	s29 =	sadd.s32 $0xF5BA00, s4;
	[dreg:$0x6] =	wrdreg s28  }
0x11: {  	s7 =	ssub.s32 s7, s8;
	s30 =	sadd.s32 $0xF5FA00, s4;
	[dreg:$0x7] =	wrdreg s29  }
0x12: {  	v1 =	vor.u32 $0x4000, v0;
	[tilespmem:$0x1FFE0] =	vst v0;
	s1 =	simm.s32 $0x3;
	s31 =	smax.u32 s7, $0x1;
	[dreg:$0x8] =	wrdreg s30  }
0x13: {  	vm0 =	vmmov $0x3fff;
	s8 =	simm.s32 $0x11000;
	[tilespmem:$0x1FFF0] =	vst v1;
	s4 =	simm.s32 $0x0;
	[dreg:$0x9] =	wrdreg s31  }
.LBB2_10:
0x14: {  	s0 =	rddreg [dreg:$0x7];
	s1 =	simm.s32 $0x14000  }
0x15: {  	[hbm4b:s0+s2] =	stream.linear.scatter [tilespmem:s1], [sflag:$0x3], $0x1000, $0x38;
	[tilespmem:$0x16000] =	vst v63  }
0x16: {  	s1 =	simm.s32 $0x3  }
0x17: {  	_ =	swait.ge [sflag:s1], $0x1000  }
0x18: {  	[sflag:s1] =	ssyncset.done $0x0  }
0x19: {  	s4 =	simm.s32 $0x15000;
	s29 =	rddreg [dreg:$0x8];
	[sflag:s1] =	ssyncadd.s32 $0xFFFFF000  }
0x1a: {  	[hbm4b:s29+s2] =	stream.linear.scatter [tilespmem:s4], [sflag:$0x3], $0x1000, $0x38;
	[tilespmem:$0x16000] =	vst v63  }
0x1b: {  	_ =	swait.ge [sflag:s1], $0x1000  }
0x1c: {  	s30 =	rddreg [dreg:$0xa]  }
0x1d: {  	s31 =	rddreg [dreg:$0x9];
	s4 =	sadd.s32 $0x1, s30  }
0x1e: {  	p0 =	sne.s32 s4, s31  }
.Ltmp1:
0x1f: {  	_ = 	snop;
	(pc) =	sbr.rel @!p0 .LBB2_11-.Ltmp1, $3  }
0x20: {  	_ =	sdelay $0x1  }
0x21: {  	[sflag:s1] =	ssyncset.done $0x0;
	v0 =	vld [tilespmem:$0x1FFE0]  }
0x22: {  	v1 =	vld [tilespmem:$0x1FFF0];
	[sflag:s1] =	ssyncadd.s32 $0xFFFFF000  }
.LBB2_1:
0x23: {  	[dreg:$0xa] =	wrdreg s4  }
0x24: {  	s0 =	rddreg [dreg:$0x4]  }
0x25: {  	[tilespmem:s2], [sflag:$0x3] =	stream.linear.gather [hbm4b:s0+s2], $0x1000, $0x38;
	[tilespmem:$0x16000] =	vst v63  }
0x26: {  	_ =	swait.ge [sflag:s1], $0x1000  }
0x27: {  	[sflag:s1] =	ssyncset.done $0x0  }
0x28: {  	s30 =	simm.s32 $0x1000;
	s29 =	rddreg [dreg:$0x5];
	[sflag:s1] =	ssyncadd.s32 $0xFFFFF000  }
0x29: {  	[tilespmem:s30], [sflag:$0x3] =	stream.linear.gather [hbm4b:s29+s2], $0x1000, $0x38;
	[tilespmem:$0x16000] =	vst v63  }
0x2a: {  	_ =	swait.ge [sflag:s1], $0x1000  }
0x2b: {  	[sflag:s1] =	ssyncset.done $0x0  }
0x2c: {  	s31 =	rddreg [dreg:$0x6];
	[sflag:s1] =	ssyncadd.s32 $0xFFFFF000  }
0x2d: {  	[tilespmem:s12], [sflag:$0x3] =	stream.linear.gather [hbm4b:s31+s2], $0x2000, $0x38;
	[tilespmem:$0x16000] =	vst v63  }
0x2e: {  	_ =	swait.ge [sflag:s1], $0x2000  }
0x2f: {  	[sflag:s1] =	ssyncset.done $0x0  }
0x30: {  	[sflag:s1] =	ssyncadd.s32 $0xFFFFE000  }
0x31: {  	v2 =	vld [tilespmem:$0x0];
	_ =	sdelay $0x4  }
0x32: {  	v2 =	vshll.u32 v2, $0x4  }
0x33: {  	(v2sf) =	vpush v2, $0x0;
	_ =	sdelay $0x1  }
0x34: {  	(v2sf) =	vpush v2, $0x1;
	_ =	sdelay $0x1  }
0x35: {  	(v2sf) =	vpush v2, $0x2;
	_ =	sdelay $0x2  }
0x36: {  	(v2sf) =	vpush v2, $0x3;
	_ =	sdelay $0x7  }
0x37: {  	s1 =	spop (v2sf);
	(v2sf) =	vpush v2, $0x4;
	_ =	sdelay $0x1  }
0x38: {  	s4 =	spop (v2sf);
	(v2sf) =	vpush v2, $0x5;
	_ =	sdelay $0x1  }
0x39: {  	s6 =	spop (v2sf);
	(v2sf) =	vpush v2, $0x6;
	_ =	sdelay $0x1  }
0x3a: {  	s0 =	sand.u32 $0xFFFFF80, s1  }
0x3b: {  	s0 =	sadd.s32 s3, s0;
	s11 =	spop (v2sf);
	(v2sf) =	vpush v2, $0x7  }
0x3c: {  	[tilespmem:s13], [sflag:$0x1] =	stream.linear.gather [hbm4b:s0+s2], $0x400, $0x38;
	[tilespmem:$0x16000] =	vst v63  }
0x3d: {  	s0 =	sand.u32 $0xFFFFF80, s4  }
0x3e: {  	s5 =	simm.s32 $0x4400;
	s0 =	sadd.s32 s3, s0  }
0x3f: {  	[tilespmem:s5], [sflag:$0x1] =	stream.linear.gather [hbm4b:s0+s2], $0x400, $0x38;
	[tilespmem:$0x16000] =	vst v63  }
0x40: {  	s0 =	sand.u32 $0xFFFFF80, s6  }
0x41: {  	s7 =	simm.s32 $0x4800;
	s0 =	sadd.s32 s3, s0  }
0x42: {  	[tilespmem:s7], [sflag:$0x1] =	stream.linear.gather [hbm4b:s0+s2], $0x400, $0x38;
	[tilespmem:$0x16000] =	vst v63  }
0x43: {  	s28 =	spop (v2sf);
	(v2sf) =	vpush v2, $0x8  }
0x44: {  	s0 =	sand.u32 $0xFFFFF80, s11  }
0x45: {  	s26 =	simm.s32 $0x4C00;
	s0 =	sadd.s32 s3, s0;
	s30 =	spop (v2sf);
	(v2sf) =	vpush v2, $0x9  }
0x46: {  	[tilespmem:s26], [sflag:$0x1] =	stream.linear.gather [hbm4b:s0+s2], $0x400, $0x38;
	[tilespmem:$0x16000] =	vst v63  }
0x47: {  	s0 =	sand.u32 $0xFFFFF80, s28;
	s4 =	spop (v2sf);
	(v2sf) =	vpush v2, $0xA  }
0x48: {  	s29 =	simm.s32 $0x5000;
	s0 =	sadd.s32 s3, s0  }
0x49: {  	[tilespmem:s29], [sflag:$0x1] =	stream.linear.gather [hbm4b:s0+s2], $0x400, $0x38;
	[tilespmem:$0x16000] =	vst v63  }
0x4a: {  	s6 =	spop (v2sf);
	(v2sf) =	vpush v2, $0xB  }
0x4b: {  	s0 =	sand.u32 $0xFFFFF80, s30  }
0x4c: {  	s31 =	simm.s32 $0x5400;
	s0 =	sadd.s32 s3, s0  }
0x4d: {  	[tilespmem:s31], [sflag:$0x1] =	stream.linear.gather [hbm4b:s0+s2], $0x400, $0x38;
	[tilespmem:$0x16000] =	vst v63  }
0x4e: {  	s0 =	sand.u32 $0xFFFFF80, s4  }
0x4f: {  	s5 =	simm.s32 $0x5800;
	s0 =	sadd.s32 s3, s0  }
0x50: {  	[tilespmem:s5], [sflag:$0x1] =	stream.linear.gather [hbm4b:s0+s2], $0x400, $0x38;
	[tilespmem:$0x16000] =	vst v63  }
0x51: {  	s0 =	sand.u32 $0xFFFFF80, s6  }
0x52: {  	s7 =	simm.s32 $0x5C00;
	s0 =	sadd.s32 s3, s0;
	s11 =	spop (v2sf);
	(v2sf) =	vpush v2, $0xC  }
0x53: {  	[tilespmem:s7], [sflag:$0x1] =	stream.linear.gather [hbm4b:s0+s2], $0x400, $0x38;
	[tilespmem:$0x16000] =	vst v63  }
0x54: {  	s28 =	spop (v2sf);
	(v2sf) =	vpush v2, $0xD  }
0x55: {  	s0 =	sand.u32 $0xFFFFF80, s11  }
0x56: {  	s26 =	simm.s32 $0x6000;
	s0 =	sadd.s32 s3, s0;
	s30 =	spop (v2sf)  }
0x57: {  	(v2sf) =	vpush v2, $0xE;
	[tilespmem:s26], [sflag:$0x1] =	stream.linear.gather [hbm4b:s0+s2], $0x400, $0x38;
	[tilespmem:$0x16000] =	vst v63  }
0x58: {  	s0 =	sand.u32 $0xFFFFF80, s28  }
0x59: {  	s29 =	simm.s32 $0x6400;
	s4 =	spop (v2sf);
	s0 =	sadd.s32 s3, s0  }
0x5a: {  	(v2sf) =	vpush v2, $0xF;
	[tilespmem:s29], [sflag:$0x1] =	stream.linear.gather [hbm4b:s0+s2], $0x400, $0x38;
	[tilespmem:$0x16000] =	vst v63  }
0x5b: {  	s0 =	sand.u32 $0xFFFFF80, s30  }
0x5c: {  	s31 =	simm.s32 $0x6800;
	s0 =	sadd.s32 s3, s0  }
0x5d: {  	[tilespmem:s31], [sflag:$0x1] =	stream.linear.gather [hbm4b:s0+s2], $0x400, $0x38;
	[tilespmem:$0x16000] =	vst v63  }
0x5e: {  	s0 =	sand.u32 $0xFFFFF80, s4  }
0x5f: {  	s5 =	simm.s32 $0x6C00;
	s0 =	sadd.s32 s3, s0  }
0x60: {  	[tilespmem:s5], [sflag:$0x1] =	stream.linear.gather [hbm4b:s0+s2], $0x400, $0x38;
	[tilespmem:$0x16000] =	vst v63  }
0x61: {  	s6 =	spop (v2sf)  }
0x62: {  	s0 =	sand.u32 $0xFFFFF80, s6  }
0x63: {  	s7 =	simm.s32 $0x7000;
	s11 =	spop (v2sf);
	s0 =	sadd.s32 s3, s0  }
0x64: {  	[tilespmem:s7], [sflag:$0x1] =	stream.linear.gather [hbm4b:s0+s2], $0x400, $0x38;
	[tilespmem:$0x16000] =	vst v63  }
0x65: {  	s0 =	sand.u32 $0xFFFFF80, s11  }
0x66: {  	s26 =	simm.s32 $0x7400;
	s28 =	spop (v2sf);
	s0 =	sadd.s32 s3, s0  }
0x67: {  	[tilespmem:s26], [sflag:$0x1] =	stream.linear.gather [hbm4b:s0+s2], $0x400, $0x38;
	[tilespmem:$0x16000] =	vst v63  }
0x68: {  	s0 =	sand.u32 $0xFFFFF80, s28  }
0x69: {  	s29 =	simm.s32 $0x7800;
	s30 =	spop (v2sf);
	s0 =	sadd.s32 s3, s0  }
0x6a: {  	[tilespmem:s29], [sflag:$0x1] =	stream.linear.gather [hbm4b:s0+s2], $0x400, $0x38;
	[tilespmem:$0x16000] =	vst v63  }
0x6b: {  	s0 =	sand.u32 $0xFFFFF80, s30  }
0x6c: {  	s31 =	simm.s32 $0x7C00;
	s0 =	sadd.s32 s3, s0  }
0x6d: {  	[tilespmem:s31], [sflag:$0x1] =	stream.linear.gather [hbm4b:s0+s2], $0x400, $0x38;
	[tilespmem:$0x16000] =	vst v63  }
0x6e: {  	v2 =	vld [tilespmem:$0x10];
	_ =	sdelay $0x4  }
0x6f: {  	v2 =	vshll.u32 v2, $0x4  }
0x70: {  	(v2sf) =	vpush v2, $0x0;
	_ =	sdelay $0x1  }
0x71: {  	(v2sf) =	vpush v2, $0x1;
	_ =	sdelay $0x1  }
0x72: {  	(v2sf) =	vpush v2, $0x2;
	_ =	sdelay $0x2  }
0x73: {  	(v2sf) =	vpush v2, $0x3;
	_ =	sdelay $0x7  }
0x74: {  	s4 =	spop (v2sf);
	(v2sf) =	vpush v2, $0x4;
	_ =	sdelay $0x1  }
0x75: {  	s6 =	spop (v2sf);
	(v2sf) =	vpush v2, $0x5;
	_ =	sdelay $0x1  }
0x76: {  	s11 =	spop (v2sf);
	(v2sf) =	vpush v2, $0x6;
	_ =	sdelay $0x1  }
0x77: {  	s0 =	sand.u32 $0xFFFFF80, s4  }
0x78: {  	s5 =	simm.s32 $0x8000;
	s0 =	sadd.s32 s3, s0;
	s28 =	spop (v2sf);
	(v2sf) =	vpush v2, $0x7  }
0x79: {  	[tilespmem:s5], [sflag:$0x1] =	stream.linear.gather [hbm4b:s0+s2], $0x400, $0x38;
	[tilespmem:$0x16000] =	vst v63  }
0x7a: {  	s0 =	sand.u32 $0xFFFFF80, s6  }
0x7b: {  	s7 =	simm.s32 $0x8400;
	s0 =	sadd.s32 s3, s0  }
0x7c: {  	[tilespmem:s7], [sflag:$0x1] =	stream.linear.gather [hbm4b:s0+s2], $0x400, $0x38;
	[tilespmem:$0x16000] =	vst v63  }
0x7d: {  	s0 =	sand.u32 $0xFFFFF80, s11  }
0x7e: {  	s26 =	simm.s32 $0x8800;
	s0 =	sadd.s32 s3, s0  }
0x7f: {  	[tilespmem:s26], [sflag:$0x1] =	stream.linear.gather [hbm4b:s0+s2], $0x400, $0x38;
	[tilespmem:$0x16000] =	vst v63  }
0x80: {  	s30 =	spop (v2sf);
	(v2sf) =	vpush v2, $0x8  }
0x81: {  	s0 =	sand.u32 $0xFFFFF80, s28  }
0x82: {  	s29 =	simm.s32 $0x8C00;
	s0 =	sadd.s32 s3, s0;
	s4 =	spop (v2sf);
	(v2sf) =	vpush v2, $0x9  }
0x83: {  	[tilespmem:s29], [sflag:$0x1] =	stream.linear.gather [hbm4b:s0+s2], $0x400, $0x38;
	[tilespmem:$0x16000] =	vst v63  }
0x84: {  	s0 =	sand.u32 $0xFFFFF80, s30;
	s6 =	spop (v2sf);
	(v2sf) =	vpush v2, $0xA  }
0x85: {  	s31 =	simm.s32 $0x9000;
	s0 =	sadd.s32 s3, s0  }
0x86: {  	[tilespmem:s31], [sflag:$0x1] =	stream.linear.gather [hbm4b:s0+s2], $0x400, $0x38;
	[tilespmem:$0x16000] =	vst v63  }
0x87: {  	s11 =	spop (v2sf);
	(v2sf) =	vpush v2, $0xB  }
0x88: {  	s0 =	sand.u32 $0xFFFFF80, s4  }
0x89: {  	s5 =	simm.s32 $0x9400;
	s0 =	sadd.s32 s3, s0  }
0x8a: {  	[tilespmem:s5], [sflag:$0x1] =	stream.linear.gather [hbm4b:s0+s2], $0x400, $0x38;
	[tilespmem:$0x16000] =	vst v63  }
0x8b: {  	s0 =	sand.u32 $0xFFFFF80, s6  }
0x8c: {  	s7 =	simm.s32 $0x9800;
	s0 =	sadd.s32 s3, s0  }
0x8d: {  	[tilespmem:s7], [sflag:$0x1] =	stream.linear.gather [hbm4b:s0+s2], $0x400, $0x38;
	[tilespmem:$0x16000] =	vst v63  }
0x8e: {  	s0 =	sand.u32 $0xFFFFF80, s11  }
0x8f: {  	s26 =	simm.s32 $0x9C00;
	s0 =	sadd.s32 s3, s0;
	s28 =	spop (v2sf);
	(v2sf) =	vpush v2, $0xC  }
0x90: {  	[tilespmem:s26], [sflag:$0x1] =	stream.linear.gather [hbm4b:s0+s2], $0x400, $0x38;
	[tilespmem:$0x16000] =	vst v63  }
0x91: {  	s30 =	spop (v2sf);
	(v2sf) =	vpush v2, $0xD  }
0x92: {  	s0 =	sand.u32 $0xFFFFF80, s28  }
0x93: {  	s29 =	simm.s32 $0xA000;
	s0 =	sadd.s32 s3, s0;
	s4 =	spop (v2sf)  }
0x94: {  	(v2sf) =	vpush v2, $0xE;
	[tilespmem:s29], [sflag:$0x1] =	stream.linear.gather [hbm4b:s0+s2], $0x400, $0x38;
	[tilespmem:$0x16000] =	vst v63  }
0x95: {  	s0 =	sand.u32 $0xFFFFF80, s30  }
0x96: {  	s31 =	simm.s32 $0xA400;
	s6 =	spop (v2sf);
	s0 =	sadd.s32 s3, s0  }
0x97: {  	(v2sf) =	vpush v2, $0xF;
	[tilespmem:s31], [sflag:$0x1] =	stream.linear.gather [hbm4b:s0+s2], $0x400, $0x38;
	[tilespmem:$0x16000] =	vst v63  }
0x98: {  	s0 =	sand.u32 $0xFFFFF80, s4  }
0x99: {  	s5 =	simm.s32 $0xA800;
	s0 =	sadd.s32 s3, s0  }
0x9a: {  	[tilespmem:s5], [sflag:$0x1] =	stream.linear.gather [hbm4b:s0+s2], $0x400, $0x38;
	[tilespmem:$0x16000] =	vst v63  }
0x9b: {  	s0 =	sand.u32 $0xFFFFF80, s6  }
0x9c: {  	s7 =	simm.s32 $0xAC00;
	s0 =	sadd.s32 s3, s0  }
0x9d: {  	[tilespmem:s7], [sflag:$0x1] =	stream.linear.gather [hbm4b:s0+s2], $0x400, $0x38;
	[tilespmem:$0x16000] =	vst v63  }
0x9e: {  	s11 =	spop (v2sf)  }
0x9f: {  	s0 =	sand.u32 $0xFFFFF80, s11  }
0xa0: {  	s26 =	simm.s32 $0xB000;
	s28 =	spop (v2sf);
	s0 =	sadd.s32 s3, s0  }
0xa1: {  	[tilespmem:s26], [sflag:$0x1] =	stream.linear.gather [hbm4b:s0+s2], $0x400, $0x38;
	[tilespmem:$0x16000] =	vst v63  }
0xa2: {  	s0 =	sand.u32 $0xFFFFF80, s28  }
0xa3: {  	s29 =	simm.s32 $0xB400;
	s30 =	spop (v2sf);
	s0 =	sadd.s32 s3, s0  }
0xa4: {  	[tilespmem:s29], [sflag:$0x1] =	stream.linear.gather [hbm4b:s0+s2], $0x400, $0x38;
	[tilespmem:$0x16000] =	vst v63  }
0xa5: {  	s0 =	sand.u32 $0xFFFFF80, s30  }
0xa6: {  	s31 =	simm.s32 $0xB800;
	s1 =	spop (v2sf);
	s0 =	sadd.s32 s3, s0  }
0xa7: {  	[tilespmem:s31], [sflag:$0x1] =	stream.linear.gather [hbm4b:s0+s2], $0x400, $0x38;
	[tilespmem:$0x16000] =	vst v63  }
0xa8: {  	s0 =	sand.u32 $0xFFFFF80, s1  }
0xa9: {  	s4 =	simm.s32 $0xBC00;
	s0 =	sadd.s32 s3, s0  }
0xaa: {  	[tilespmem:s4], [sflag:$0x1] =	stream.linear.gather [hbm4b:s0+s2], $0x400, $0x38;
	[tilespmem:$0x16000] =	vst v63  }
0xab: {  	v2 =	vld [tilespmem:$0x20];
	_ =	sdelay $0x4  }
0xac: {  	v2 =	vshll.u32 v2, $0x4  }
0xad: {  	(v2sf) =	vpush v2, $0x0;
	_ =	sdelay $0x1  }
0xae: {  	(v2sf) =	vpush v2, $0x1;
	_ =	sdelay $0x1  }
0xaf: {  	(v2sf) =	vpush v2, $0x2;
	_ =	sdelay $0x2  }
0xb0: {  	(v2sf) =	vpush v2, $0x3;
	_ =	sdelay $0x7  }
0xb1: {  	s5 =	spop (v2sf);
	(v2sf) =	vpush v2, $0x4;
	_ =	sdelay $0x1  }
0xb2: {  	s6 =	spop (v2sf);
	(v2sf) =	vpush v2, $0x5;
	_ =	sdelay $0x1  }
0xb3: {  	s11 =	spop (v2sf);
	(v2sf) =	vpush v2, $0x6;
	_ =	sdelay $0x1  }
0xb4: {  	s0 =	sand.u32 $0xFFFFF80, s5  }
0xb5: {  	s0 =	sadd.s32 s3, s0;
	s28 =	spop (v2sf);
	(v2sf) =	vpush v2, $0x7  }
0xb6: {  	[tilespmem:s18], [sflag:$0x2] =	stream.linear.gather [hbm4b:s0+s2], $0x400, $0x38;
	[tilespmem:$0x16000] =	vst v63  }
0xb7: {  	s0 =	sand.u32 $0xFFFFF80, s6  }
0xb8: {  	s7 =	simm.s32 $0xC400;
	s0 =	sadd.s32 s3, s0  }
0xb9: {  	[tilespmem:s7], [sflag:$0x2] =	stream.linear.gather [hbm4b:s0+s2], $0x400, $0x38;
	[tilespmem:$0x16000] =	vst v63  }
0xba: {  	s0 =	sand.u32 $0xFFFFF80, s11  }
0xbb: {  	s26 =	simm.s32 $0xC800;
	s0 =	sadd.s32 s3, s0  }
0xbc: {  	[tilespmem:s26], [sflag:$0x2] =	stream.linear.gather [hbm4b:s0+s2], $0x400, $0x38;
	[tilespmem:$0x16000] =	vst v63  }
0xbd: {  	s30 =	spop (v2sf);
	(v2sf) =	vpush v2, $0x8  }
0xbe: {  	s0 =	sand.u32 $0xFFFFF80, s28  }
0xbf: {  	s29 =	simm.s32 $0xCC00;
	s0 =	sadd.s32 s3, s0;
	s4 =	spop (v2sf);
	(v2sf) =	vpush v2, $0x9  }
0xc0: {  	[tilespmem:s29], [sflag:$0x2] =	stream.linear.gather [hbm4b:s0+s2], $0x400, $0x38;
	[tilespmem:$0x16000] =	vst v63  }
0xc1: {  	s0 =	sand.u32 $0xFFFFF80, s30;
	s6 =	spop (v2sf);
	(v2sf) =	vpush v2, $0xA  }
0xc2: {  	s31 =	simm.s32 $0xD000;
	s0 =	sadd.s32 s3, s0  }
0xc3: {  	[tilespmem:s31], [sflag:$0x2] =	stream.linear.gather [hbm4b:s0+s2], $0x400, $0x38;
	[tilespmem:$0x16000] =	vst v63  }
0xc4: {  	s11 =	spop (v2sf);
	(v2sf) =	vpush v2, $0xB  }
0xc5: {  	s0 =	sand.u32 $0xFFFFF80, s4  }
0xc6: {  	s5 =	simm.s32 $0xD400;
	s0 =	sadd.s32 s3, s0  }
0xc7: {  	[tilespmem:s5], [sflag:$0x2] =	stream.linear.gather [hbm4b:s0+s2], $0x400, $0x38;
	[tilespmem:$0x16000] =	vst v63  }
0xc8: {  	s0 =	sand.u32 $0xFFFFF80, s6  }
0xc9: {  	s7 =	simm.s32 $0xD800;
	s0 =	sadd.s32 s3, s0  }
0xca: {  	[tilespmem:s7], [sflag:$0x2] =	stream.linear.gather [hbm4b:s0+s2], $0x400, $0x38;
	[tilespmem:$0x16000] =	vst v63  }
0xcb: {  	s0 =	sand.u32 $0xFFFFF80, s11  }
0xcc: {  	s26 =	simm.s32 $0xDC00;
	s0 =	sadd.s32 s3, s0;
	s28 =	spop (v2sf);
	(v2sf) =	vpush v2, $0xC  }
0xcd: {  	[tilespmem:s26], [sflag:$0x2] =	stream.linear.gather [hbm4b:s0+s2], $0x400, $0x38;
	[tilespmem:$0x16000] =	vst v63  }
0xce: {  	s30 =	spop (v2sf);
	(v2sf) =	vpush v2, $0xD  }
0xcf: {  	s0 =	sand.u32 $0xFFFFF80, s28  }
0xd0: {  	s29 =	simm.s32 $0xE000;
	s0 =	sadd.s32 s3, s0;
	s4 =	spop (v2sf)  }
0xd1: {  	(v2sf) =	vpush v2, $0xE;
	[tilespmem:s29], [sflag:$0x2] =	stream.linear.gather [hbm4b:s0+s2], $0x400, $0x38;
	[tilespmem:$0x16000] =	vst v63  }
0xd2: {  	s0 =	sand.u32 $0xFFFFF80, s30  }
0xd3: {  	s31 =	simm.s32 $0xE400;
	s6 =	spop (v2sf);
	s0 =	sadd.s32 s3, s0  }
0xd4: {  	(v2sf) =	vpush v2, $0xF;
	[tilespmem:s31], [sflag:$0x2] =	stream.linear.gather [hbm4b:s0+s2], $0x400, $0x38;
	[tilespmem:$0x16000] =	vst v63  }
0xd5: {  	s0 =	sand.u32 $0xFFFFF80, s4  }
0xd6: {  	s5 =	simm.s32 $0xE800;
	s0 =	sadd.s32 s3, s0  }
0xd7: {  	[tilespmem:s5], [sflag:$0x2] =	stream.linear.gather [hbm4b:s0+s2], $0x400, $0x38;
	[tilespmem:$0x16000] =	vst v63  }
0xd8: {  	s0 =	sand.u32 $0xFFFFF80, s6  }
0xd9: {  	s7 =	simm.s32 $0xEC00;
	s0 =	sadd.s32 s3, s0  }
0xda: {  	[tilespmem:s7], [sflag:$0x2] =	stream.linear.gather [hbm4b:s0+s2], $0x400, $0x38;
	[tilespmem:$0x16000] =	vst v63  }
0xdb: {  	s11 =	spop (v2sf)  }
0xdc: {  	s0 =	sand.u32 $0xFFFFF80, s11  }
0xdd: {  	s26 =	simm.s32 $0xF000;
	s28 =	spop (v2sf);
	s0 =	sadd.s32 s3, s0  }
0xde: {  	[tilespmem:s26], [sflag:$0x2] =	stream.linear.gather [hbm4b:s0+s2], $0x400, $0x38;
	[tilespmem:$0x16000] =	vst v63  }
0xdf: {  	s0 =	sand.u32 $0xFFFFF80, s28  }
0xe0: {  	s29 =	simm.s32 $0xF400;
	s30 =	spop (v2sf);
	s0 =	sadd.s32 s3, s0  }
0xe1: {  	[tilespmem:s29], [sflag:$0x2] =	stream.linear.gather [hbm4b:s0+s2], $0x400, $0x38;
	[tilespmem:$0x16000] =	vst v63  }
0xe2: {  	s0 =	sand.u32 $0xFFFFF80, s30  }
0xe3: {  	s31 =	simm.s32 $0xF800;
	s1 =	spop (v2sf);
	s0 =	sadd.s32 s3, s0  }
0xe4: {  	[tilespmem:s31], [sflag:$0x2] =	stream.linear.gather [hbm4b:s0+s2], $0x400, $0x38;
	[tilespmem:$0x16000] =	vst v63  }
0xe5: {  	s0 =	sand.u32 $0xFFFFF80, s1  }
0xe6: {  	s4 =	simm.s32 $0xFC00;
	s0 =	sadd.s32 s3, s0  }
0xe7: {  	[tilespmem:s4], [sflag:$0x2] =	stream.linear.gather [hbm4b:s0+s2], $0x400, $0x38;
	[tilespmem:$0x16000] =	vst v63  }
0xe8: {  	v2 =	vld [tilespmem:$0x30];
	_ =	sdelay $0x4  }
0xe9: {  	v2 =	vshll.u32 v2, $0x4  }
0xea: {  	(v2sf) =	vpush v2, $0x0;
	_ =	sdelay $0x1  }
0xeb: {  	(v2sf) =	vpush v2, $0x1;
	_ =	sdelay $0x1  }
0xec: {  	(v2sf) =	vpush v2, $0x2;
	_ =	sdelay $0x2  }
0xed: {  	(v2sf) =	vpush v2, $0x3;
	_ =	sdelay $0x7  }
0xee: {  	s5 =	spop (v2sf);
	(v2sf) =	vpush v2, $0x4;
	_ =	sdelay $0x1  }
0xef: {  	s7 =	spop (v2sf);
	(v2sf) =	vpush v2, $0x5;
	_ =	sdelay $0x1  }
0xf0: {  	s26 =	spop (v2sf);
	(v2sf) =	vpush v2, $0x6;
	_ =	sdelay $0x1  }
0xf1: {  	s0 =	sand.u32 $0xFFFFF80, s5  }
0xf2: {  	s6 =	simm.s32 $0x10000;
	s0 =	sadd.s32 s3, s0;
	s29 =	spop (v2sf);
	(v2sf) =	vpush v2, $0x7  }
0xf3: {  	[tilespmem:s6], [sflag:$0x2] =	stream.linear.gather [hbm4b:s0+s2], $0x400, $0x38;
	[tilespmem:$0x16000] =	vst v63  }
0xf4: {  	s0 =	sand.u32 $0xFFFFF80, s7  }
0xf5: {  	s11 =	simm.s32 $0x10400;
	s0 =	sadd.s32 s3, s0  }
0xf6: {  	[tilespmem:s11], [sflag:$0x2] =	stream.linear.gather [hbm4b:s0+s2], $0x400, $0x38;
	[tilespmem:$0x16000] =	vst v63  }
0xf7: {  	s0 =	sand.u32 $0xFFFFF80, s26  }
0xf8: {  	s28 =	simm.s32 $0x10800;
	s0 =	sadd.s32 s3, s0  }
0xf9: {  	[tilespmem:s28], [sflag:$0x2] =	stream.linear.gather [hbm4b:s0+s2], $0x400, $0x38;
	[tilespmem:$0x16000] =	vst v63  }
0xfa: {  	s31 =	spop (v2sf);
	(v2sf) =	vpush v2, $0x8  }
0xfb: {  	s0 =	sand.u32 $0xFFFFF80, s29  }
0xfc: {  	s30 =	simm.s32 $0x10C00;
	s0 =	sadd.s32 s3, s0;
	s1 =	spop (v2sf);
	(v2sf) =	vpush v2, $0x9  }
0xfd: {  	[tilespmem:s30], [sflag:$0x2] =	stream.linear.gather [hbm4b:s0+s2], $0x400, $0x38;
	[tilespmem:$0x16000] =	vst v63  }
0xfe: {  	s0 =	sand.u32 $0xFFFFF80, s31;
	s4 =	spop (v2sf);
	(v2sf) =	vpush v2, $0xA  }
0xff: {  	s0 =	sadd.s32 s3, s0  }
0x100: {  	[tilespmem:s8], [sflag:$0x2] =	stream.linear.gather [hbm4b:s0+s2], $0x400, $0x38;
	[tilespmem:$0x16000] =	vst v63  }
0x101: {  	s5 =	spop (v2sf);
	(v2sf) =	vpush v2, $0xB  }
0x102: {  	s0 =	sand.u32 $0xFFFFF80, s1  }
0x103: {  	s0 =	sadd.s32 s3, s0  }
0x104: {  	[tilespmem:s9], [sflag:$0x2] =	stream.linear.gather [hbm4b:s0+s2], $0x400, $0x38;
	[tilespmem:$0x16000] =	vst v63  }
0x105: {  	s0 =	sand.u32 $0xFFFFF80, s4  }
0x106: {  	s0 =	sadd.s32 s3, s0  }
0x107: {  	[tilespmem:s10], [sflag:$0x2] =	stream.linear.gather [hbm4b:s0+s2], $0x400, $0x38;
	[tilespmem:$0x16000] =	vst v63  }
0x108: {  	s0 =	sand.u32 $0xFFFFF80, s5  }
0x109: {  	s0 =	sadd.s32 s3, s0;
	s6 =	spop (v2sf);
	(v2sf) =	vpush v2, $0xC  }
0x10a: {  	[tilespmem:s14], [sflag:$0x2] =	stream.linear.gather [hbm4b:s0+s2], $0x400, $0x38;
	[tilespmem:$0x16000] =	vst v63  }
0x10b: {  	s7 =	spop (v2sf);
	(v2sf) =	vpush v2, $0xD  }
0x10c: {  	s0 =	sand.u32 $0xFFFFF80, s6  }
0x10d: {  	s0 =	sadd.s32 s3, s0;
	s11 =	spop (v2sf)  }
0x10e: {  	(v2sf) =	vpush v2, $0xE;
	[tilespmem:s15], [sflag:$0x2] =	stream.linear.gather [hbm4b:s0+s2], $0x400, $0x38;
	[tilespmem:$0x16000] =	vst v63  }
0x10f: {  	s0 =	sand.u32 $0xFFFFF80, s7  }
0x110: {  	s26 =	spop (v2sf);
	s0 =	sadd.s32 s3, s0  }
0x111: {  	(v2sf) =	vpush v2, $0xF;
	[tilespmem:s16], [sflag:$0x2] =	stream.linear.gather [hbm4b:s0+s2], $0x400, $0x38;
	[tilespmem:$0x16000] =	vst v63  }
0x112: {  	s0 =	sand.u32 $0xFFFFF80, s11  }
0x113: {  	s0 =	sadd.s32 s3, s0  }
0x114: {  	[tilespmem:s17], [sflag:$0x2] =	stream.linear.gather [hbm4b:s0+s2], $0x400, $0x38;
	[tilespmem:$0x16000] =	vst v63  }
0x115: {  	s0 =	sand.u32 $0xFFFFF80, s26  }
0x116: {  	s0 =	sadd.s32 s3, s0  }
0x117: {  	[tilespmem:s19], [sflag:$0x2] =	stream.linear.gather [hbm4b:s0+s2], $0x400, $0x38;
	[tilespmem:$0x16000] =	vst v63  }
0x118: {  	s28 =	spop (v2sf)  }
0x119: {  	s0 =	sand.u32 $0xFFFFF80, s28  }
0x11a: {  	s29 =	spop (v2sf);
	s0 =	sadd.s32 s3, s0  }
0x11b: {  	[tilespmem:s20], [sflag:$0x2] =	stream.linear.gather [hbm4b:s0+s2], $0x400, $0x38;
	[tilespmem:$0x16000] =	vst v63  }
0x11c: {  	s0 =	sand.u32 $0xFFFFF80, s29  }
0x11d: {  	s30 =	spop (v2sf);
	s0 =	sadd.s32 s3, s0  }
0x11e: {  	[tilespmem:s21], [sflag:$0x2] =	stream.linear.gather [hbm4b:s0+s2], $0x400, $0x38;
	[tilespmem:$0x16000] =	vst v63  }
0x11f: {  	s0 =	sand.u32 $0xFFFFF80, s30  }
0x120: {  	s31 =	spop (v2sf);
	s0 =	sadd.s32 s3, s0  }
0x121: {  	[tilespmem:s22], [sflag:$0x2] =	stream.linear.gather [hbm4b:s0+s2], $0x400, $0x38;
	[tilespmem:$0x16000] =	vst v63  }
0x122: {  	s0 =	sand.u32 $0xFFFFF80, s31  }
0x123: {  	s26 =	simm.s32 $0x0;
	s0 =	sadd.s32 s3, s0  }
0x124: {  	[tilespmem:s23], [sflag:$0x2] =	stream.linear.gather [hbm4b:s0+s2], $0x400, $0x38;
	[tilespmem:$0x16000] =	vst v63  }
.LBB2_2:
0x125: {  	_ =	swait.ge [sflag:s24], $0x8000  }
0x126: {  	[sflag:s24] =	ssyncset.done $0x0  }
0x127: {  	s28 =	sshll.u32 s26, $0x6;
	[sflag:s24] =	ssyncadd.s32 $0xFFFF8000  }
0x128: {  	v2 =	vld [tilespmem:s28+$0x1000]  }
0x129: {  	v3 =	vld [tilespmem:s28+$0x1010];
	_ =	sdelay $0x3  }
0x12a: {  	v2 =	vshll.u32 v2, $0x7  }
0x12b: {  	s0 =	simm.s32 $0xE;
	v3 =	vshll.u32 v3, $0x7;
	v4 =	vadd.s32 v0, v2  }
0x12c: {  	s1 =	sshll.u32 s26, $0x7;
	s4 =	simm.s32 $0x0;
	s5 =	simm.s32 $0x4;
	v5 =	vadd.s32 v1, v3;
	v3 =	vor.u32 s0, v4  }
0x12d: {  	v6 =	vmov s4;
	v2 =	vmov s1;
	v7 =	vor.u32 s5, v5  }
0x12e: {  	s6 =	simm.s32 $0x2;
	v6 =	vor.u32 $0x1, v6;
	v8 =	vor.u32 s4, v2  }
0x12f: {  	s7 =	simm.s32 $0xC;
	v10 =	vmov s6;
	v9 =	vor.u32 v2, v6  }
0x130: {  	v12 =	vmov s7;
	v13 =	vor.u32 $0x1, v10;
	v11 =	vor.u32 s4, v4  }
0x131: {  	s11 =	simm.s32 $0x8;
	v10 =	vor.u32 $0x1, v12;
	v12 =	vor.u32 v2, v13;
	v3 =	vld.idx.msk [tilespmem:v3+s13+$0x0], $0xffff  }
0x132: {  	v14 =	vor.u32 s11, v5;
	v15 =	vld.idx.msk [tilespmem:v7+s13+$0x0], $0xffff  }
0x133: {  	s29 =	simm.s32 $0x6;
	v23 =	vor.u32 s5, v2;
	v16 =	vld.idx.msk [tilespmem:v8+s12+$0x0], $0xffff  }
0x134: {  	v26 =	vor.u32 s29, v4;
	v17 =	vld.idx.msk [tilespmem:v9+s12+$0x0], $0xffff  }
0x135: {  	v30 =	vor.u32 v4, v13;
	v18 =	vld.idx.msk [tilespmem:v11+s13+$0x0], $0xffff  }
0x136: {  	v13 =	vor.u32 v5, v13;
	v19 =	vld.idx.msk [tilespmem:v12+s12+$0x0], $0xffff  }
0x137: {  	v7 =	vor.u32 v4, v10;
	v20 =	vld.idx.msk [tilespmem:v14+s13+$0x0], $0xffff  }
0x138: {  	v8 =	vor.u32 v5, v10;
	v23 =	vld.idx.msk [tilespmem:v23+s12+$0x0], $0xffff  }
0x139: {  	v9 =	vor.u32 v2, v10;
	v26 =	vld.idx.msk [tilespmem:v26+s13+$0x0], $0xffff  }
0x13a: {  	v10 =	vor.u32 v4, v6;
	v30 =	vld.idx.msk [tilespmem:v30+s13+$0x0], $0xffff  }
0x13b: {  	v14 =	vor.u32 s11, v4;
	v43 =	vld.idx.msk [tilespmem:v13+s13+$0x0], $0xffff  }
0x13c: {  	v11 =	vor.u32 s11, v2;
	v7 =	vld.idx.msk [tilespmem:v7+s13+$0x0], $0xffff  }
0x13d: {  	v6 =	vor.u32 v5, v6;
	v8 =	vld.idx.msk [tilespmem:v8+s13+$0x0], $0xffff  }
0x13e: {  	v12 =	vor.u32 s5, v4;
	v21 =	vld.idx.msk [tilespmem:v9+s12+$0x0], $0xffff  }
0x13f: {  	v9 =	vor.u32 s29, v2;
	v22 =	vld.idx.msk [tilespmem:v10+s13+$0x0], $0xffff  }
0x140: {  	v29 =	vld.idx.msk [tilespmem:v14+s13+$0x0], $0xffff;
	v14 =	vor.u32 s4, v5  }
0x141: {  	v32 =	vor.u32 s6, v2;
	v10 =	vmov s29;
	v24 =	vld.idx.msk [tilespmem:v11+s12+$0x0], $0xffff  }
0x142: {  	v34 =	vor.u32 s6, v4;
	v11 =	vmov s5;
	v27 =	vld.idx.msk [tilespmem:v6+s13+$0x0], $0xffff;
	v25 =	vor.u32 $0x1, v10  }
0x143: {  	v42 =	vmov s11;
	v28 =	vld.idx.msk [tilespmem:v12+s13+$0x0], $0xffff;
	v6 =	vor.u32 $0x1, v11;
	v11 =	vor.u32 v5, v25  }
0x144: {  	v31 =	vimm.f32 $0.0e+00;
	v55 =	vor.u32 $0x1, v42;
	v12 =	vor.u32 v5, v6;
	v10 =	vld.idx.msk [tilespmem:v9+s12+$0x0], $0xffff  }
0x145: {  	v35 =	vor.u32 s6, v5;
	v59 =	vor.u32 s7, v5;
	v37 =	vor.u32 v2, v6;
	v40 =	vld.idx.msk [tilespmem:v14+s13+$0x0], $0xffff  }
0x146: {  	s31 =	simm.s32 $0xA;
	v38 =	vor.u32 v4, v6;
	v41 =	vor.u32 v4, v25;
	v25 =	vor.u32 v2, v25;
	v14 =	vld.idx.msk [tilespmem:v32+s12+$0x0], $0xffff  }
0x147: {  	v9 =	vmov s31;
	v6 =	vmul.f32 v8, v21;
	v8 =	vmul.f32 v20, v24;
	v20 =	vld.idx.msk [tilespmem:v34+s13+$0x0], $0xffff  }
0x148: {  	v61 =	vor.u32 s31, v5;
	v18 =	vmul.f32 v18, v16;
	v39 =	vor.u32 $0x1, v9;
	v33 =	vld.idx.msk [tilespmem:v11+s13+$0x0], $0xffff  }
0x149: {  	v30 =	vmul.f32 v30, v19;
	v7 =	vmul.f32 v7, v21;
	v36 =	vld.idx.msk [tilespmem:v12+s13+$0x0], $0xffff;
	v21 =	vor.u32 v2, v39  }
0x14a: {  	v56 =	vmul.f32 v29, v24;
	v13 =	vmul.f32 v22, v17;
	v22 =	vld.idx.msk [tilespmem:v37+s12+$0x0], $0xffff;
	v24 =	vor.u32 v4, v39  }
0x14b: {  	v17 =	vmul.f32 v27, v17;
	v28 =	vmul.f32 v28, v23;
	v29 =	vor.u32 v5, v55;
	v27 =	vld.idx.msk [tilespmem:v41+s13+$0x0], $0xffff  }
0x14c: {  	v57 =	vadd.f32 v13, v31;
	v13 =	vmul.f32 v15, v23;
	v23 =	vld.idx.msk [tilespmem:v25+s12+$0x0], $0xffff;
	v15 =	vor.u32 s7, v2  }
0x14d: {  	v19 =	vmul.f32 v43, v19;
	v18 =	vadd.f32 v18, v31;
	v25 =	vor.u32 v4, v55;
	v58 =	vld.idx.msk [tilespmem:v38+s13+$0x0], $0xffff  }
0x14e: {  	v32 =	vor.u32 v2, v55;
	v9 =	vor.u32 s31, v4;
	v17 =	vadd.f32 v17, v31;
	v21 =	vld.idx.msk [tilespmem:v21+s12+$0x0], $0xffff  }
0x14f: {  	v12 =	vor.u32 s29, v5;
	v16 =	vmul.f32 v40, v16;
	v20 =	vmul.f32 v20, v14;
	v60 =	vld.idx.msk [tilespmem:v24+s13+$0x0], $0xffff  }
0x150: {  	v30 =	vadd.f32 v30, v57;
	v17 =	vadd.f32 v19, v17;
	v26 =	vmul.f32 v26, v10;
	v24 =	vld.idx.msk [tilespmem:v29+s13+$0x0], $0xffff  }
0x151: {  	v16 =	vadd.f32 v16, v31;
	v29 =	vor.u32 s7, v4;
	v18 =	vadd.f32 v20, v18;
	v15 =	vld.idx.msk [tilespmem:v15+s12+$0x0], $0xffff  }
0x152: {  	v31 =	vor.u32 v5, v39;
	v19 =	vmul.f32 v27, v23;
	v27 =	vld.idx.msk [tilespmem:v25+s13+$0x0], $0xffff;
	v20 =	vmov s0  }
0x153: {  	v37 =	vmul.f32 v58, v22;
	v25 =	vld.idx.msk [tilespmem:v59+s13+$0x0], $0xffff;
	v62 =	vor.u32 $0x1, v20;
	v18 =	vadd.f32 v28, v18  }
0x154: {  	v23 =	vmul.f32 v33, v23;
	v22 =	vmul.f32 v36, v22;
	v28 =	vld.idx.msk [tilespmem:v32+s12+$0x0], $0xffff;
	v34 =	vor.u32 v2, v62  }
0x155: {  	v33 =	vor.u32 v4, v62;
	v37 =	vadd.f32 v37, v30;
	v63 =	vadd.f32 v26, v18;
	v26 =	vld.idx.msk [tilespmem:v35+s13+$0x0], $0xffff  }
0x156: {  	v11 =	vor.u32 s31, v2;
	v22 =	vadd.f32 v22, v17;
	v30 =	vor.u32 v5, v62;
	v18 =	vld.idx.msk [tilespmem:v29+s13+$0x0], $0xffff  }
0x157: {  	v32 =	vor.u32 s0, v5;
	v19 =	vadd.f32 v19, v37;
	v29 =	vld.idx.msk [tilespmem:v31+s13+$0x0], $0xffff;
	v31 =	vor.u32 s0, v2  }
0x158: {  	s30 =	simm.s32 $0x0;
	s29 =	sor.u32 $0x10, s28;
	v23 =	vadd.f32 v23, v22;
	v22 =	vld.idx.msk [tilespmem:v61+s13+$0x0], $0xffff;
	v20 =	vmul.f32 v60, v21;
	s0 =	simm.s32 $0x1E;
	v17 =	vadd.f32 v56, v63  }
.LBB2_3:
0x159: {  	s31 =	sadd.s32 $0xFFFFFFF2, s0;
	s11 =	sadd.s32 $0xFFFFFFF6, s0;
	s6 =	sadd.s32 $0xFFFFFFF8, s0;
	v35 =	vor.u32 s0, v4;
	v27 =	vmul.f32 v27, v28;
	v24 =	vmul.f32 v24, v28;
	v28 =	vld.idx.msk [tilespmem:v34+s12+$0x0], $0xffff  }
0x15a: {  	s5 =	sadd.s32 $0xFFFFFFFA, s0;
	s1 =	sadd.s32 $0xFFFFFFFC, s0;
	s4 =	sadd.s32 $0xFFFFFFFE, s0;
	v34 =	vmov s31;
	v36 =	vmov s11;
	v37 =	vor.u32 s11, v5;
	v33 =	vld.idx.msk [tilespmem:v33+s13+$0x0], $0xffff  }
0x15b: {  	s30 =	sadd.s32 $0x8, s30;
	v38 =	vor.u32 s5, v5;
	v34 =	vor.u32 $0x1, v34;
	v36 =	vor.u32 $0x1, v36;
	v30 =	vld.idx.msk [tilespmem:v30+s13+$0x0], $0xffff  }
0x15c: {  	v25 =	vmul.f32 v25, v15;
	v39 =	vor.u32 s31, v2;
	p0 =	slt.u32 s30, $0x18;
	v40 =	vor.u32 v2, v34;
	v31 =	vld.idx.msk [tilespmem:v31+s12+$0x0], $0xffff  }
0x15d: {  	s7 =	sadd.s32 $0xFFFFFFF4, s0;
	v41 =	vor.u32 s31, v4;
	v21 =	vmul.f32 v29, v21;
	v42 =	vor.u32 v4, v34;
	v29 =	vld.idx.msk [tilespmem:v32+s13+$0x0], $0xffff  }
0x15e: {  	v43 =	vmov s4;
	v32 =	vor.u32 v5, v34;
	v34 =	vmov s7;
	v35 =	vld.idx.msk [tilespmem:v35+s13+$0x0], $0xffff  }
0x15f: {  	v44 =	vor.u32 s31, v5;
	v43 =	vor.u32 $0x1, v43;
	v34 =	vor.u32 $0x1, v34;
	v37 =	vld.idx.msk [tilespmem:v37+s13+$0x0], $0xffff  }
0x160: {  	v46 =	vmov s6;
	v47 =	vor.u32 v4, v43;
	v45 =	vor.u32 v2, v34;
	v48 =	vld.idx.msk [tilespmem:v12+s13+$0x0], $0xffff  }
0x161: {  	v50 =	vor.u32 s6, v2;
	v49 =	vor.u32 v4, v34;
	v33 =	vmul.f32 v33, v28;
	v51 =	vld.idx.msk [tilespmem:v11+s12+$0x0], $0xffff  }
0x162: {  	v46 =	vor.u32 $0x1, v46;
	v34 =	vor.u32 v5, v34;
	v11 =	vmul.f32 v26, v14;
	v39 =	vld.idx.msk [tilespmem:v39+s12+$0x0], $0xffff  }
0x163: {  	v12 =	vor.u32 v5, v43;
	v26 =	vor.u32 s7, v2;
	v14 =	vld.idx.msk [tilespmem:v40+s12+$0x0], $0xffff;
	v40 =	vor.u32 v5, v46  }
0x164: {  	v52 =	vor.u32 s7, v4;
	v53 =	vmov s1;
	v27 =	vadd.f32 v27, v19;
	v41 =	vld.idx.msk [tilespmem:v41+s13+$0x0], $0xffff  }
0x165: {  	v54 =	vor.u32 s11, v4;
	v19 =	vor.u32 s7, v5;
	v43 =	vor.u32 v2, v43;
	v45 =	vld.idx.msk [tilespmem:v45+s12+$0x0], $0xffff  }
0x166: {  	v55 =	vor.u32 s11, v2;
	v56 =	vor.u32 v2, v36;
	v16 =	vadd.f32 v11, v16;
	v57 =	vld.idx.msk [tilespmem:v9+s13+$0x0], $0xffff  }
0x167: {  	v59 =	vor.u32 s5, v2;
	v53 =	vor.u32 $0x1, v53;
	v58 =	vor.u32 v4, v36;
	v47 =	vld.idx.msk [tilespmem:v47+s13+$0x0], $0xffff  }
0x168: {  	v60 =	vor.u32 s6, v4;
	v36 =	vor.u32 v5, v36;
	v9 =	vor.u32 s1, v4;
	v61 =	vld.idx.msk [tilespmem:v12+s13+$0x0], $0xffff  }
0x169: {  	v20 =	vadd.f32 v20, v27;
	v11 =	vor.u32 s1, v2;
	v12 =	vor.u32 s6, v5;
	v38 =	vld.idx.msk [tilespmem:v38+s13+$0x0], $0xffff  }
0x16a: {  	v15 =	vmul.f32 v18, v15;
	v27 =	vor.u32 s5, v4;
	v10 =	vmul.f32 v48, v10;
	v43 =	vld.idx.msk [tilespmem:v43+s12+$0x0], $0xffff  }
0x16b: {  	v13 =	vadd.f32 v13, v16;
	v16 =	vadd.f32 v24, v23;
	v23 =	vmul.f32 v29, v31;
	v18 =	vld.idx.msk [tilespmem:v42+s13+$0x0], $0xffff  }
0x16c: {  	v7 =	vadd.f32 v7, v20;
	v20 =	vmul.f32 v3, v31;
	v22 =	vmul.f32 v22, v51;
	v24 =	vld.idx.msk [tilespmem:v59+s12+$0x0], $0xffff  }
0x16d: {  	v3 =	vmovc v35;
	v31 =	vmov s5;
	v16 =	vadd.f32 v21, v16;
	v29 =	vld.idx.msk [tilespmem:v32+s13+$0x0], $0xffff;
	v32 =	vmul.f32 v57, v51  }
0x16e: {  	v33 =	vadd.f32 v33, v7;
	v31 =	vor.u32 $0x1, v31;
	v13 =	vadd.f32 v10, v13;
	v21 =	vld.idx.msk [tilespmem:v54+s13+$0x0], $0xffff  }
0x16f: {  	v28 =	vmul.f32 v30, v28;
	v16 =	vadd.f32 v6, v16;
	v27 =	vld.idx.msk [tilespmem:v27+s13+$0x0], $0xffff;
	v17 =	vadd.f32 v32, v17  }
0x170: {  	v13 =	vadd.f32 v8, v13;
	v7 =	vmul.f32 v47, v43;
	v6 =	vmul.f32 v61, v43;
	v10 =	vld.idx.msk [tilespmem:v50+s12+$0x0], $0xffff  }
0x171: {  	v16 =	vadd.f32 v28, v16;
	v32 =	vor.u32 v4, v46;
	v30 =	vld.idx.msk [tilespmem:v55+s12+$0x0], $0xffff;
	v15 =	vadd.f32 v15, v17  }
0x172: {  	v28 =	vor.u32 v2, v46;
	v13 =	vadd.f32 v22, v13;
	v8 =	vmul.f32 v38, v24;
	v17 =	vld.idx.msk [tilespmem:v60+s13+$0x0], $0xffff  }
0x173: {  	v22 =	vld.idx.msk [tilespmem:v40+s13+$0x0], $0xffff;
	v15 =	vadd.f32 v20, v15  }
0x174: {  	v13 =	vadd.f32 v25, v13;
	v20 =	vld.idx.msk [tilespmem:v36+s13+$0x0], $0xffff  }
0x175: {  	v35 =	vmul.f32 v27, v24;
	v24 =	vor.u32 v2, v53;
	v25 =	vld.idx.msk [tilespmem:v44+s13+$0x0], $0xffff  }
0x176: {  	v23 =	vadd.f32 v23, v13;
	v27 =	vld.idx.msk [tilespmem:v49+s13+$0x0], $0xffff  }
0x177: {  	v13 =	vmul.f32 v18, v14;
	v18 =	vmul.f32 v29, v14;
	v29 =	vld.idx.msk [tilespmem:v34+s13+$0x0], $0xffff  }
0x178: {  	v17 =	vmul.f32 v17, v10;
	v14 =	vld.idx.msk [tilespmem:v26+s12+$0x0], $0xffff;
	v26 =	vmul.f32 v21, v30  }
0x179: {  	v33 =	vadd.f32 v13, v33;
	v18 =	vadd.f32 v18, v16;
	v13 =	vmul.f32 v37, v30;
	v34 =	vld.idx.msk [tilespmem:v52+s13+$0x0], $0xffff  }
0x17a: {  	v36 =	vor.u32 v4, v53;
	v30 =	vld.idx.msk [tilespmem:v56+s12+$0x0], $0xffff  }
0x17b: {  	v38 =	vor.u32 s4, v5;
	v37 =	vor.u32 v5, v31;
	v32 =	vld.idx.msk [tilespmem:v32+s13+$0x0], $0xffff  }
0x17c: {  	v16 =	vmul.f32 v41, v39;
	v25 =	vmul.f32 v25, v39;
	v39 =	vor.u32 s4, v2;
	v28 =	vld.idx.msk [tilespmem:v28+s12+$0x0], $0xffff  }
0x17d: {  	v40 =	vor.u32 v4, v31;
	v27 =	vmul.f32 v27, v45;
	v29 =	vmul.f32 v29, v45;
	v21 =	vld.idx.msk [tilespmem:v24+s12+$0x0], $0xffff  }
0x17e: {  	v15 =	vadd.f32 v16, v15;
	v16 =	vadd.f32 v25, v23;
	v25 =	vor.u32 v2, v31;
	v23 =	vld.idx.msk [tilespmem:v58+s13+$0x0], $0xffff  }
0x17f: {  	v41 =	vadd.f32 v27, v33;
	v31 =	vmul.f32 v34, v14;
	v29 =	vadd.f32 v29, v18;
	v18 =	vld.idx.msk [tilespmem:v36+s13+$0x0], $0xffff  }
0x180: {  	v33 =	vor.u32 s4, v4;
	v24 =	vld.idx.msk [tilespmem:v37+s13+$0x0], $0xffff  }
0x181: {  	v36 =	vor.u32 v5, v53;
	v31 =	vadd.f32 v31, v15;
	v15 =	vld.idx.msk [tilespmem:v39+s12+$0x0], $0xffff  }
0x182: {  	v34 =	vmov s0;
	v32 =	vmul.f32 v32, v28;
	v22 =	vmul.f32 v22, v28;
	v27 =	vld.idx.msk [tilespmem:v40+s13+$0x0], $0xffff  }
0x183: {  	v37 =	vor.u32 s1, v5;
	v26 =	vadd.f32 v26, v31;
	v31 =	vor.u32 $0x1, v34;
	v28 =	vld.idx.msk [tilespmem:v25+s12+$0x0], $0xffff  }
.Ltmp2:
0x184: {  	v23 =	vmul.f32 v23, v30;
	v30 =	vmul.f32 v20, v30;
	v34 =	vor.u32 v2, v31;
	v25 =	vld.idx.msk [tilespmem:v38+s13+$0x0], $0xffff;
	(pc) =	sbr.rel @p0 .LBB2_3-.Ltmp2, $4  }
0x185: {  	v17 =	vadd.f32 v17, v26;
	v20 =	vmul.f32 v18, v21;
	v18 =	vld.idx.msk [tilespmem:v33+s13+$0x0], $0xffff;
	v33 =	vor.u32 v4, v31  }
0x186: {  	v23 =	vadd.f32 v23, v41;
	v38 =	vadd.f32 v30, v29;
	v30 =	vor.u32 v5, v31;
	v29 =	vld.idx.msk [tilespmem:v36+s13+$0x0], $0xffff  }
0x187: {  	v31 =	vor.u32 s0, v2;
	v17 =	vadd.f32 v35, v17;
	v26 =	vld.idx.msk [tilespmem:v19+s13+$0x0], $0xffff  }
0x188: {  	v19 =	vadd.f32 v32, v23;
	v23 =	vadd.f32 v22, v38;
	v32 =	vor.u32 s0, v5;
	s0 =	sadd.s32 $0x10, s0;
	v22 =	vld.idx.msk [tilespmem:v37+s13+$0x0], $0xffff  }
0x189: {  	_ =	sdelay $0x3  }
0x18a: {  	v5 =	vld.idx.msk [tilespmem:v12+s13+$0x0], $0xffff  }
0x18b: {  	v4 =	vld.idx.msk [tilespmem:v34+s12+$0x0], $0xffff;
	v14 =	vmul.f32 v26, v14  }
0x18c: {  	v11 =	vld.idx.msk [tilespmem:v11+s12+$0x0], $0xffff  }
0x18d: {  	v9 =	vld.idx.msk [tilespmem:v9+s13+$0x0], $0xffff;
	v14 =	vadd.f32 v14, v16  }
0x18e: {  	v43 =	vld.idx.msk [tilespmem:v33+s13+$0x0], $0xffff  }
0x18f: {  	v44 =	vld.idx.msk [tilespmem:v31+s12+$0x0], $0xffff;
	v5 =	vmul.f32 v5, v10;
	v45 =	vadd.f32 v13, v14  }
0x190: {  	v46 =	vmul.f32 v27, v28;
	v47 =	vmul.f32 v24, v28;
	v48 =	vld.idx.msk [tilespmem:v32+s13+$0x0], $0xffff  }
0x191: {  	v25 =	vmul.f32 v25, v15;
	v51 =	vmul.f32 v18, v15;
	v5 =	vadd.f32 v5, v45  }
0x192: {  	v49 =	vld.idx.msk [tilespmem:v30+s13+$0x0], $0xffff;
	v21 =	vmul.f32 v29, v21;
	v9 =	vmul.f32 v9, v11;
	v13 =	vadd.f32 v46, v19  }
0x193: {  	v11 =	vmul.f32 v22, v11;
	v14 =	vadd.f32 v47, v23;
	v5 =	vadd.f32 v8, v5  }
0x194: {  	v12 =	vmul.f32 v43, v4;
	v9 =	vadd.f32 v9, v17;
	v50 =	vadd.f32 v20, v13  }
0x195: {  	v52 =	vmul.f32 v48, v44;
	v14 =	vadd.f32 v21, v14;
	v5 =	vadd.f32 v11, v5  }
0x196: {  	v3 =	vmul.f32 v3, v44;
	v53 =	vadd.f32 v51, v9;
	v7 =	vadd.f32 v7, v50  }
0x197: {  	v4 =	vmul.f32 v49, v4;
	v6 =	vadd.f32 v6, v14;
	v5 =	vadd.f32 v25, v5  }
0x198: {  	v3 =	vadd.f32 v3, v53;
	v7 =	vadd.f32 v12, v7  }
0x199: {  	v4 =	vadd.f32 v4, v6;
	v5 =	vadd.f32 v52, v5  }
0x19a: {  	v3 =	vadd.f32 v7, v3  }
0x19b: {  	v4 =	vadd.f32 v4, v5  }
0x19c: {  	(xrf0) =	vmax.scan.msk.f32 $0xffff, v3  }
0x19d: {  	(xrf0) =	vmax.scan.msk.f32 $0xffff, v4;
	_ =	sdelay $0x4  }
0x19e: {  	v54, _, _ =	vpop (xrf0)  }
0x19f: {  	(v2sf) =	vpush v54, $0xF;
	v55, _, _ =	vpop (xrf0)  }
0x1a0: {  	(v2sf) =	vpush v55, $0xF;
	_ =	sdelay $0xd  }
0x1a1: {  	s0 =	spop (v2sf)  }
0x1a2: {  	s1 =	spop (v2sf)  }
0x1a3: {  	s0 =	smax.f32 s0, s1  }
0x1a4: {  	v56 =	vmov s0  }
0x1a5: {  	v57 =	vsub.f32 v3, v56  }
0x1a6: {  	v5 =	vsub.f32 v4, v56  }
0x1a7: {  	v6 =	vmul.f32 $1.442695020e+00, v57  }
0x1a8: {  	v5 =	vmul.f32 $1.442695020e+00, v5  }
0x1a9: {  	(erf) = vpow2.f32 v6  }
0x1aa: {  	(erf) = vpow2.f32 v5;
	_ =	sdelay $0x7  }
0x1ab: {  	v58 =	vpop (erf)  }
0x1ac: {  	v59 =	vpop (erf)  }
0x1ad: {  	(xrf2) =	vadd.scan.msk.f32 $0xffff, v58;
	v6 =	vnsel vm0, $0x0, v59  }
0x1ae: {  	(xrf2) =	vadd.scan.msk.f32 $0xffff, v6;
	_ =	sdelay $0x8  }
0x1af: {  	v60, _, _ =	vpop (xrf2)  }
0x1b0: {  	(v2sf) =	vpush v60, $0xF;
	v61, _, _ =	vpop (xrf2)  }
0x1b1: {  	(v2sf) =	vpush v61, $0xF;
	_ =	sdelay $0xd  }
0x1b2: {  	s30 =	spop (v2sf)  }
0x1b3: {  	s31 =	spop (v2sf)  }
0x1b4: {  	s0 =	sadd.f32 s31, s30;
	_ =	sdelay $0x1  }
0x1b5: {  	v62 =	vmov s0  }
0x1b6: {  	(erf) = vrcp.f32 v62;
	_ =	sdelay $0x7  }
0x1b7: {  	p0 =	seq.s32 s26, $0x3F  }
.Ltmp3:
0x1b8: {  	v7 =	vpop (erf);
	(pc) =	sbr.rel @p0 .LBB2_6-.Ltmp3, $4  }
0x1b9: {  	[tilespmem:s28+$0x14000] =	vst v3;
	v3 =	vmul.f32 v7, v58  }
0x1ba: {  	[tilespmem:s29+$0x14000] =	vst v4;
	v63 =	vmul.f32 v7, v6  }
0x1bb: {  	[tilespmem:s28+$0x15000] =	vst v3  }
0x1bc: {  	[tilespmem:s29+$0x15000] =	vst v63  }
0x1bd: {  	v3 =	vld [tilespmem:s28+$0x40];
	_ =	sdelay $0x4  }
0x1be: {  	v3 =	vshll.u32 v3, $0x4  }
0x1bf: {  	(v2sf) =	vpush v3, $0x0;
	_ =	sdelay $0x1  }
0x1c0: {  	(v2sf) =	vpush v3, $0x1;
	_ =	sdelay $0x1  }
0x1c1: {  	(v2sf) =	vpush v3, $0x2;
	_ =	sdelay $0x2  }
0x1c2: {  	(v2sf) =	vpush v3, $0x3;
	_ =	sdelay $0x7  }
0x1c3: {  	s0 =	spop (v2sf);
	(v2sf) =	vpush v3, $0x4;
	_ =	sdelay $0x1  }
0x1c4: {  	s7 =	spop (v2sf);
	(v2sf) =	vpush v3, $0x5;
	_ =	sdelay $0x1  }
0x1c5: {  	s11 =	spop (v2sf);
	(v2sf) =	vpush v3, $0x6;
	_ =	sdelay $0x1  }
0x1c6: {  	s0 =	sand.u32 $0xFFFFF80, s0  }
0x1c7: {  	s0 =	sadd.s32 s3, s0;
	s30 =	spop (v2sf);
	(v2sf) =	vpush v3, $0x7  }
0x1c8: {  	[tilespmem:s13], [sflag:$0x1] =	stream.linear.gather [hbm4b:s0+s2], $0x400, $0x38;
	[tilespmem:$0x16000] =	vst v63  }
0x1c9: {  	s0 =	sand.u32 $0xFFFFF80, s7  }
0x1ca: {  	s1 =	simm.s32 $0x4400;
	s0 =	sadd.s32 s3, s0  }
0x1cb: {  	[tilespmem:s1], [sflag:$0x1] =	stream.linear.gather [hbm4b:s0+s2], $0x400, $0x38;
	[tilespmem:$0x16000] =	vst v63  }
0x1cc: {  	s0 =	sand.u32 $0xFFFFF80, s11  }
0x1cd: {  	s29 =	simm.s32 $0x4800;
	s0 =	sadd.s32 s3, s0  }
0x1ce: {  	[tilespmem:s29], [sflag:$0x1] =	stream.linear.gather [hbm4b:s0+s2], $0x400, $0x38;
	[tilespmem:$0x16000] =	vst v63  }
0x1cf: {  	s4 =	spop (v2sf);
	(v2sf) =	vpush v3, $0x8  }
0x1d0: {  	s0 =	sand.u32 $0xFFFFF80, s30  }
0x1d1: {  	s31 =	simm.s32 $0x4C00;
	s0 =	sadd.s32 s3, s0;
	s6 =	spop (v2sf);
	(v2sf) =	vpush v3, $0x9  }
0x1d2: {  	[tilespmem:s31], [sflag:$0x1] =	stream.linear.gather [hbm4b:s0+s2], $0x400, $0x38;
	[tilespmem:$0x16000] =	vst v63  }
0x1d3: {  	s0 =	sand.u32 $0xFFFFF80, s4;
	s11 =	spop (v2sf);
	(v2sf) =	vpush v3, $0xA  }
0x1d4: {  	s5 =	simm.s32 $0x5000;
	s0 =	sadd.s32 s3, s0  }
0x1d5: {  	[tilespmem:s5], [sflag:$0x1] =	stream.linear.gather [hbm4b:s0+s2], $0x400, $0x38;
	[tilespmem:$0x16000] =	vst v63  }
0x1d6: {  	s30 =	spop (v2sf);
	(v2sf) =	vpush v3, $0xB  }
0x1d7: {  	s0 =	sand.u32 $0xFFFFF80, s6  }
0x1d8: {  	s7 =	simm.s32 $0x5400;
	s0 =	sadd.s32 s3, s0  }
0x1d9: {  	[tilespmem:s7], [sflag:$0x1] =	stream.linear.gather [hbm4b:s0+s2], $0x400, $0x38;
	[tilespmem:$0x16000] =	vst v63  }
0x1da: {  	s0 =	sand.u32 $0xFFFFF80, s11  }
0x1db: {  	s29 =	simm.s32 $0x5800;
	s0 =	sadd.s32 s3, s0  }
0x1dc: {  	[tilespmem:s29], [sflag:$0x1] =	stream.linear.gather [hbm4b:s0+s2], $0x400, $0x38;
	[tilespmem:$0x16000] =	vst v63  }
0x1dd: {  	s0 =	sand.u32 $0xFFFFF80, s30  }
0x1de: {  	s31 =	simm.s32 $0x5C00;
	s0 =	sadd.s32 s3, s0;
	s4 =	spop (v2sf);
	(v2sf) =	vpush v3, $0xC  }
0x1df: {  	[tilespmem:s31], [sflag:$0x1] =	stream.linear.gather [hbm4b:s0+s2], $0x400, $0x38;
	[tilespmem:$0x16000] =	vst v63  }
0x1e0: {  	s6 =	spop (v2sf);
	(v2sf) =	vpush v3, $0xD  }
0x1e1: {  	s0 =	sand.u32 $0xFFFFF80, s4  }
0x1e2: {  	s5 =	simm.s32 $0x6000;
	s0 =	sadd.s32 s3, s0;
	s11 =	spop (v2sf)  }
0x1e3: {  	(v2sf) =	vpush v3, $0xE;
	[tilespmem:s5], [sflag:$0x1] =	stream.linear.gather [hbm4b:s0+s2], $0x400, $0x38;
	[tilespmem:$0x16000] =	vst v63  }
0x1e4: {  	s0 =	sand.u32 $0xFFFFF80, s6  }
0x1e5: {  	s7 =	simm.s32 $0x6400;
	s30 =	spop (v2sf);
	s0 =	sadd.s32 s3, s0  }
0x1e6: {  	(v2sf) =	vpush v3, $0xF;
	[tilespmem:s7], [sflag:$0x1] =	stream.linear.gather [hbm4b:s0+s2], $0x400, $0x38;
	[tilespmem:$0x16000] =	vst v63  }
0x1e7: {  	s0 =	sand.u32 $0xFFFFF80, s11  }
0x1e8: {  	s29 =	simm.s32 $0x6800;
	s0 =	sadd.s32 s3, s0  }
0x1e9: {  	[tilespmem:s29], [sflag:$0x1] =	stream.linear.gather [hbm4b:s0+s2], $0x400, $0x38;
	[tilespmem:$0x16000] =	vst v63  }
0x1ea: {  	s0 =	sand.u32 $0xFFFFF80, s30  }
0x1eb: {  	s31 =	simm.s32 $0x6C00;
	s0 =	sadd.s32 s3, s0  }
0x1ec: {  	[tilespmem:s31], [sflag:$0x1] =	stream.linear.gather [hbm4b:s0+s2], $0x400, $0x38;
	[tilespmem:$0x16000] =	vst v63  }
0x1ed: {  	s4 =	spop (v2sf)  }
0x1ee: {  	s0 =	sand.u32 $0xFFFFF80, s4  }
0x1ef: {  	s5 =	simm.s32 $0x7000;
	s6 =	spop (v2sf);
	s0 =	sadd.s32 s3, s0  }
0x1f0: {  	[tilespmem:s5], [sflag:$0x1] =	stream.linear.gather [hbm4b:s0+s2], $0x400, $0x38;
	[tilespmem:$0x16000] =	vst v63  }
0x1f1: {  	s0 =	sand.u32 $0xFFFFF80, s6  }
0x1f2: {  	s7 =	simm.s32 $0x7400;
	s11 =	spop (v2sf);
	s0 =	sadd.s32 s3, s0  }
0x1f3: {  	[tilespmem:s7], [sflag:$0x1] =	stream.linear.gather [hbm4b:s0+s2], $0x400, $0x38;
	[tilespmem:$0x16000] =	vst v63  }
0x1f4: {  	s0 =	sand.u32 $0xFFFFF80, s11  }
0x1f5: {  	s29 =	simm.s32 $0x7800;
	s30 =	spop (v2sf);
	s0 =	sadd.s32 s3, s0  }
0x1f6: {  	[tilespmem:s29], [sflag:$0x1] =	stream.linear.gather [hbm4b:s0+s2], $0x400, $0x38;
	[tilespmem:$0x16000] =	vst v63  }
0x1f7: {  	s0 =	sand.u32 $0xFFFFF80, s30  }
0x1f8: {  	s31 =	simm.s32 $0x7C00;
	s0 =	sadd.s32 s3, s0  }
0x1f9: {  	[tilespmem:s31], [sflag:$0x1] =	stream.linear.gather [hbm4b:s0+s2], $0x400, $0x38;
	[tilespmem:$0x16000] =	vst v63  }
0x1fa: {  	v3 =	vld [tilespmem:s28+$0x50];
	_ =	sdelay $0x4  }
0x1fb: {  	v3 =	vshll.u32 v3, $0x4  }
0x1fc: {  	(v2sf) =	vpush v3, $0x0;
	_ =	sdelay $0x1  }
0x1fd: {  	(v2sf) =	vpush v3, $0x1;
	_ =	sdelay $0x1  }
0x1fe: {  	(v2sf) =	vpush v3, $0x2;
	_ =	sdelay $0x2  }
0x1ff: {  	(v2sf) =	vpush v3, $0x3;
	_ =	sdelay $0x7  }
0x200: {  	s4 =	spop (v2sf);
	(v2sf) =	vpush v3, $0x4;
	_ =	sdelay $0x1  }
0x201: {  	s6 =	spop (v2sf);
	(v2sf) =	vpush v3, $0x5;
	_ =	sdelay $0x1  }
0x202: {  	s11 =	spop (v2sf);
	(v2sf) =	vpush v3, $0x6;
	_ =	sdelay $0x1  }
0x203: {  	s0 =	sand.u32 $0xFFFFF80, s4  }
0x204: {  	s5 =	simm.s32 $0x8000;
	s0 =	sadd.s32 s3, s0;
	s30 =	spop (v2sf);
	(v2sf) =	vpush v3, $0x7  }
0x205: {  	[tilespmem:s5], [sflag:$0x1] =	stream.linear.gather [hbm4b:s0+s2], $0x400, $0x38;
	[tilespmem:$0x16000] =	vst v63  }
0x206: {  	s0 =	sand.u32 $0xFFFFF80, s6  }
0x207: {  	s7 =	simm.s32 $0x8400;
	s0 =	sadd.s32 s3, s0  }
0x208: {  	[tilespmem:s7], [sflag:$0x1] =	stream.linear.gather [hbm4b:s0+s2], $0x400, $0x38;
	[tilespmem:$0x16000] =	vst v63  }
0x209: {  	s0 =	sand.u32 $0xFFFFF80, s11  }
0x20a: {  	s29 =	simm.s32 $0x8800;
	s0 =	sadd.s32 s3, s0  }
0x20b: {  	[tilespmem:s29], [sflag:$0x1] =	stream.linear.gather [hbm4b:s0+s2], $0x400, $0x38;
	[tilespmem:$0x16000] =	vst v63  }
0x20c: {  	s4 =	spop (v2sf);
	(v2sf) =	vpush v3, $0x8  }
0x20d: {  	s0 =	sand.u32 $0xFFFFF80, s30  }
0x20e: {  	s31 =	simm.s32 $0x8C00;
	s0 =	sadd.s32 s3, s0;
	s6 =	spop (v2sf);
	(v2sf) =	vpush v3, $0x9  }
0x20f: {  	[tilespmem:s31], [sflag:$0x1] =	stream.linear.gather [hbm4b:s0+s2], $0x400, $0x38;
	[tilespmem:$0x16000] =	vst v63  }
0x210: {  	s0 =	sand.u32 $0xFFFFF80, s4;
	s11 =	spop (v2sf);
	(v2sf) =	vpush v3, $0xA  }
0x211: {  	s5 =	simm.s32 $0x9000;
	s0 =	sadd.s32 s3, s0  }
0x212: {  	[tilespmem:s5], [sflag:$0x1] =	stream.linear.gather [hbm4b:s0+s2], $0x400, $0x38;
	[tilespmem:$0x16000] =	vst v63  }
0x213: {  	s30 =	spop (v2sf);
	(v2sf) =	vpush v3, $0xB  }
0x214: {  	s0 =	sand.u32 $0xFFFFF80, s6  }
0x215: {  	s7 =	simm.s32 $0x9400;
	s0 =	sadd.s32 s3, s0  }
0x216: {  	[tilespmem:s7], [sflag:$0x1] =	stream.linear.gather [hbm4b:s0+s2], $0x400, $0x38;
	[tilespmem:$0x16000] =	vst v63  }
0x217: {  	s0 =	sand.u32 $0xFFFFF80, s11  }
0x218: {  	s29 =	simm.s32 $0x9800;
	s0 =	sadd.s32 s3, s0  }
0x219: {  	[tilespmem:s29], [sflag:$0x1] =	stream.linear.gather [hbm4b:s0+s2], $0x400, $0x38;
	[tilespmem:$0x16000] =	vst v63  }
0x21a: {  	s0 =	sand.u32 $0xFFFFF80, s30  }
0x21b: {  	s31 =	simm.s32 $0x9C00;
	s0 =	sadd.s32 s3, s0;
	s4 =	spop (v2sf);
	(v2sf) =	vpush v3, $0xC  }
0x21c: {  	[tilespmem:s31], [sflag:$0x1] =	stream.linear.gather [hbm4b:s0+s2], $0x400, $0x38;
	[tilespmem:$0x16000] =	vst v63  }
0x21d: {  	s6 =	spop (v2sf);
	(v2sf) =	vpush v3, $0xD  }
0x21e: {  	s0 =	sand.u32 $0xFFFFF80, s4  }
0x21f: {  	s5 =	simm.s32 $0xA000;
	s0 =	sadd.s32 s3, s0;
	s11 =	spop (v2sf)  }
0x220: {  	(v2sf) =	vpush v3, $0xE;
	[tilespmem:s5], [sflag:$0x1] =	stream.linear.gather [hbm4b:s0+s2], $0x400, $0x38;
	[tilespmem:$0x16000] =	vst v63  }
0x221: {  	s0 =	sand.u32 $0xFFFFF80, s6  }
0x222: {  	s7 =	simm.s32 $0xA400;
	s30 =	spop (v2sf);
	s0 =	sadd.s32 s3, s0  }
0x223: {  	(v2sf) =	vpush v3, $0xF;
	[tilespmem:s7], [sflag:$0x1] =	stream.linear.gather [hbm4b:s0+s2], $0x400, $0x38;
	[tilespmem:$0x16000] =	vst v63  }
0x224: {  	s0 =	sand.u32 $0xFFFFF80, s11  }
0x225: {  	s29 =	simm.s32 $0xA800;
	s0 =	sadd.s32 s3, s0  }
0x226: {  	[tilespmem:s29], [sflag:$0x1] =	stream.linear.gather [hbm4b:s0+s2], $0x400, $0x38;
	[tilespmem:$0x16000] =	vst v63  }
0x227: {  	s0 =	sand.u32 $0xFFFFF80, s30  }
0x228: {  	s31 =	simm.s32 $0xAC00;
	s0 =	sadd.s32 s3, s0  }
0x229: {  	[tilespmem:s31], [sflag:$0x1] =	stream.linear.gather [hbm4b:s0+s2], $0x400, $0x38;
	[tilespmem:$0x16000] =	vst v63  }
0x22a: {  	s4 =	spop (v2sf)  }
0x22b: {  	s0 =	sand.u32 $0xFFFFF80, s4  }
0x22c: {  	s5 =	simm.s32 $0xB000;
	s6 =	spop (v2sf);
	s0 =	sadd.s32 s3, s0  }
0x22d: {  	[tilespmem:s5], [sflag:$0x1] =	stream.linear.gather [hbm4b:s0+s2], $0x400, $0x38;
	[tilespmem:$0x16000] =	vst v63  }
0x22e: {  	s0 =	sand.u32 $0xFFFFF80, s6  }
0x22f: {  	s7 =	simm.s32 $0xB400;
	s11 =	spop (v2sf);
	s0 =	sadd.s32 s3, s0  }
0x230: {  	[tilespmem:s7], [sflag:$0x1] =	stream.linear.gather [hbm4b:s0+s2], $0x400, $0x38;
	[tilespmem:$0x16000] =	vst v63  }
0x231: {  	s0 =	sand.u32 $0xFFFFF80, s11  }
0x232: {  	s29 =	simm.s32 $0xB800;
	s30 =	spop (v2sf);
	s0 =	sadd.s32 s3, s0  }
0x233: {  	[tilespmem:s29], [sflag:$0x1] =	stream.linear.gather [hbm4b:s0+s2], $0x400, $0x38;
	[tilespmem:$0x16000] =	vst v63  }
0x234: {  	s0 =	sand.u32 $0xFFFFF80, s30  }
0x235: {  	s31 =	simm.s32 $0xBC00;
	s0 =	sadd.s32 s3, s0  }
0x236: {  	[tilespmem:s31], [sflag:$0x1] =	stream.linear.gather [hbm4b:s0+s2], $0x400, $0x38;
	[tilespmem:$0x16000] =	vst v63  }
.LBB2_6:
0x237: {  	_ =	swait.ge [sflag:s25], $0x8000  }
0x238: {  	[sflag:s25] =	ssyncset.done $0x0  }
0x239: {  	[sflag:s25] =	ssyncadd.s32 $0xFFFF8000  }
0x23a: {  	v4 =	vld [tilespmem:s28+$0x1030];
	_ =	sdelay $0x1  }
0x23b: {  	s1 =	simm.s32 $0x40;
	v3 =	vld [tilespmem:s28+$0x1020]  }
0x23c: {  	s5 =	simm.s32 $0x44;
	s11 =	simm.s32 $0x42;
	v12 =	vor.u32 s1, v2  }
0x23d: {  	v5 =	vmov s1;
	v26 =	vor.u32 s5, v2;
	v32 =	vor.u32 s11, v2  }
0x23e: {  	v10 =	vand.u32 $0x30, v5;
	v5 =	vshll.u32 v4, $0x7;
	v4 =	vor.u32 $0x1, v2  }
0x23f: {  	v8 =	vor.u32 s1, v4  }
0x240: {  	v3 =	vshll.u32 v3, $0x7;
	v25 =	vor.u32 s5, v4  }
0x241: {  	v20 =	vld.idx.msk [tilespmem:v12+s12+$0x0], $0xffff;
	v3 =	vadd.s32 v0, v3;
	v36 =	vor.u32 s11, v4  }
0x242: {  	v9 =	vmov s5;
	v26 =	vld.idx.msk [tilespmem:v26+s12+$0x0], $0xffff;
	v5 =	vadd.s32 v1, v5;
	v7 =	vor.u32 v3, v10  }
0x243: {  	v28 =	vmov s11;
	v14 =	vand.u32 $0x34, v9;
	v38 =	vld.idx.msk [tilespmem:v32+s12+$0x0], $0xffff;
	v11 =	vor.u32 v5, v10  }
0x244: {  	s0 =	simm.s32 $0x4C;
	v28 =	vand.u32 $0x32, v28;
	v29 =	vor.u32 v3, v14;
	v21 =	vld.idx.msk [tilespmem:v8+s12+$0x0], $0xffff  }
0x245: {  	v13 =	vmov s0;
	v6 =	vor.u32 $0x1, v5;
	v33 =	vor.u32 v3, v28;
	v25 =	vld.idx.msk [tilespmem:v25+s12+$0x0], $0xffff  }
0x246: {  	v18 =	vand.u32 $0x3C, v13;
	v9 =	vor.u32 v6, v14;
	v49 =	vld.idx.msk [tilespmem:v36+s12+$0x0], $0xffff  }
0x247: {  	s1 =	simm.s32 $0x46;
	v16 =	vor.u32 v6, v18;
	v17 =	vld.idx.msk [tilespmem:v7+s18+$0x0], $0xffff  }
0x248: {  	v15 =	vor.u32 s0, v2;
	v13 =	vmov s1;
	v19 =	vld.idx.msk [tilespmem:v11+s18+$0x0], $0xffff  }
0x249: {  	v13 =	vand.u32 $0x36, v13;
	v7 =	vor.u32 v3, v18;
	v29 =	vld.idx.msk [tilespmem:v29+s18+$0x0], $0xffff  }
0x24a: {  	v8 =	vor.u32 $0x1, v3;
	v11 =	vor.u32 v3, v13;
	v33 =	vld.idx.msk [tilespmem:v33+s18+$0x0], $0xffff  }
0x24b: {  	s4 =	simm.s32 $0x4A;
	v22 =	vor.u32 v8, v14;
	v23 =	vld.idx.msk [tilespmem:v9+s18+$0x0], $0xffff  }
0x24c: {  	v14 =	vor.u32 v5, v14;
	v9 =	vmov s4;
	v55 =	vld.idx.msk [tilespmem:v16+s18+$0x0], $0xffff  }
0x24d: {  	v30 =	vor.u32 v8, v28;
	v27 =	vand.u32 $0x3A, v9;
	v9 =	vld.idx.msk [tilespmem:v15+s12+$0x0], $0xffff  }
0x24e: {  	v31 =	vor.u32 v8, v10;
	v24 =	vld.idx.msk [tilespmem:v7+s18+$0x0], $0xffff  }
0x24f: {  	v10 =	vor.u32 v6, v10;
	v12 =	vld.idx.msk [tilespmem:v11+s18+$0x0], $0xffff  }
0x250: {  	v34 =	vor.u32 v5, v28;
	v28 =	vor.u32 v6, v28;
	v22 =	vld.idx.msk [tilespmem:v22+s18+$0x0], $0xffff  }
0x251: {  	v39 =	vor.u32 v8, v13;
	v14 =	vld.idx.msk [tilespmem:v14+s18+$0x0], $0xffff  }
0x252: {  	v61 =	vor.u32 s1, v4;
	v30 =	vld.idx.msk [tilespmem:v30+s18+$0x0], $0xffff  }
0x253: {  	s6 =	simm.s32 $0x4E;
	v41 =	vimm.f32 $0.0e+00;
	s7 =	simm.s32 $0x48;
	v15 =	vor.u32 v5, v27;
	v31 =	vld.idx.msk [tilespmem:v31+s18+$0x0], $0xffff  }
0x254: {  	v35 =	vmov s6;
	v42 =	vor.u32 s7, v2;
	v60 =	vmov s7;
	v43 =	vld.idx.msk [tilespmem:v10+s18+$0x0], $0xffff  }
0x255: {  	v44 =	vand.u32 $0x38, v60;
	v46 =	vand.u32 $0x3E, v35;
	v16 =	vor.u32 v3, v27;
	v47 =	vld.idx.msk [tilespmem:v28+s18+$0x0], $0xffff  }
0x256: {  	v50 =	vor.u32 s7, v4;
	v52 =	vor.u32 s0, v4;
	v11 =	vor.u32 v6, v13;
	v32 =	vld.idx.msk [tilespmem:v39+s18+$0x0], $0xffff  }
0x257: {  	v0 =	vor.u32 v5, v18;
	v37 =	vor.u32 v5, v13;
	v36 =	vor.u32 s1, v2;
	v39 =	vld.idx.msk [tilespmem:v61+s12+$0x0], $0xffff  }
0x258: {  	v51 =	vor.u32 v8, v44;
	v18 =	vor.u32 v8, v18;
	v45 =	vor.u32 v6, v27;
	v15 =	vld.idx.msk [tilespmem:v15+s18+$0x0], $0xffff  }
0x259: {  	v19 =	vmul.f32 v19, v20;
	v28 =	vor.u32 v6, v44;
	v13 =	vmul.f32 v22, v25;
	v22 =	vld.idx.msk [tilespmem:v34+s18+$0x0], $0xffff  }
0x25a: {  	v17 =	vmul.f32 v17, v20;
	v40 =	vld.idx.msk [tilespmem:v16+s18+$0x0], $0xffff;
	v56 =	vmul.f32 v24, v9;
	v24 =	vor.u32 s4, v2  }
0x25b: {  	v27 =	vor.u32 v8, v27;
	v29 =	vmul.f32 v29, v26;
	v23 =	vmul.f32 v23, v25;
	v16 =	vld.idx.msk [tilespmem:v11+s18+$0x0], $0xffff  }
0x25c: {  	v25 =	vadd.f32 v19, v41;
	v19 =	vld.idx.msk [tilespmem:v37+s18+$0x0], $0xffff;
	v26 =	vmul.f32 v14, v26;
	v48 =	vmul.f32 v31, v21  }
0x25d: {  	v17 =	vadd.f32 v17, v41;
	v14 =	vld.idx.msk [tilespmem:v45+s18+$0x0], $0xffff;
	v62 =	vmul.f32 v43, v21;
	v21 =	vmul.f32 v33, v38  }
0x25e: {  	v20 =	vor.u32 s6, v2;
	v31 =	vor.u32 s4, v4;
	v34 =	vld.idx.msk [tilespmem:v28+s18+$0x0], $0xffff;
	v22 =	vmul.f32 v22, v38  }
0x25f: {  	[tilespmem:$0x1FFD0] =	vst v0;
	v33 =	vor.u32 s6, v4;
	v43 =	vor.u32 v3, v44;
	v17 =	vadd.f32 v21, v17;
	v35 =	vld.idx.msk [tilespmem:v24+s12+$0x0], $0xffff  }
0x260: {  	v37 =	vld.idx.msk [tilespmem:v50+s12+$0x0], $0xffff;
	v30 =	vmul.f32 v30, v49;
	v63 =	vmul.f32 v47, v49;
	v28 =	vadd.f32 v22, v25  }
0x261: {  	v24 =	vadd.f32 v29, v17;
	v29 =	vadd.f32 v62, v41;
	v38 =	vor.u32 v5, v46;
	v22 =	vld.idx.msk [tilespmem:v27+s18+$0x0], $0xffff  }
0x262: {  	v21 =	vor.u32 v3, v46;
	v27 =	vld.idx.msk [tilespmem:v42+s12+$0x0], $0xffff;
	v28 =	vadd.f32 v26, v28;
	v26 =	vadd.f32 v48, v41  }
0x263: {  	s29 =	sor.u32 $0x20, s28;
	v25 =	vor.u32 v8, v46;
	v42 =	vld.idx.msk [tilespmem:v51+s18+$0x0], $0xffff;
	v41 =	vor.u32 v5, v44;
	v44 =	vadd.f32 v63, v29  }
0x264: {  	s30 =	sor.u32 $0x30, s28;
	s31 =	simm.s32 $0x0;
	s0 =	simm.s32 $0x5E;
	v17 =	vmul.f32 v40, v35;
	v40 =	vor.u32 v6, v46;
	v30 =	vadd.f32 v30, v26;
	v26 =	vld.idx.msk [tilespmem:v52+s12+$0x0], $0xffff  }
.LBB2_7:
0x265: {  	v43 =	vld.idx.msk [tilespmem:v43+s18+$0x0], $0xffff  }
0x266: {  	v38 =	vld.idx.msk [tilespmem:v38+s18+$0x0], $0xffff  }
0x267: {  	v36 =	vld.idx.msk [tilespmem:v36+s12+$0x0], $0xffff  }
0x268: {  	v33 =	vld.idx.msk [tilespmem:v33+s12+$0x0], $0xffff  }
0x269: {  	s5 =	sadd.s32 $0xFFFFFFF2, s0;
	v0 =	vmov s0;
	v20 =	vld.idx.msk [tilespmem:v20+s12+$0x0], $0xffff  }
0x26a: {  	s6 =	sadd.s32 $0xFFFFFFF6, s0;
	s1 =	sadd.s32 $0xFFFFFFF8, s0;
	v15 =	vmul.f32 v15, v35;
	v41 =	vld.idx.msk [tilespmem:v41+s18+$0x0], $0xffff;
	v61 =	vmov s5;
	v35 =	vor.u32 s5, v2  }
0x26b: {  	s11 =	sadd.s32 $0xFFFFFFFE, s0;
	v40 =	vld.idx.msk [tilespmem:v40+s18+$0x0], $0xffff;
	v62 =	vor.u32 s5, v4;
	v46 =	vmov s1;
	v48 =	vmov s6  }
0x26c: {  	v29 =	vmovc v56;
	v56 =	vld.idx.msk [tilespmem:v31+s12+$0x0], $0xffff;
	v23 =	vadd.f32 v23, v44;
	v50 =	vor.u32 s11, v2;
	v13 =	vadd.f32 v13, v30  }
0x26d: {  	v21 =	vld.idx.msk [tilespmem:v21+s18+$0x0], $0xffff;
	v47 =	vand.u32 $0x30, v61;
	v48 =	vand.u32 $0x34, v48;
	v46 =	vand.u32 $0x36, v46  }
0x26e: {  	[tilespmem:$0x1FFC0] =	vst v0;
	v0 =	vld [tilespmem:$0x1FFD0];
	v63 =	vor.u32 v3, v47;
	v49 =	vor.u32 v5, v47;
	v58 =	vor.u32 v6, v48  }
0x26f: {  	s7 =	sadd.s32 $0xFFFFFFF4, s0;
	v60 =	vor.u32 v3, v48;
	v34 =	vmul.f32 v34, v37;
	v37 =	vmul.f32 v42, v37;
	v42 =	vld.idx.msk [tilespmem:v18+s18+$0x0], $0xffff  }
0x270: {  	v45 =	vmul.f32 v32, v39;
	v16 =	vmul.f32 v16, v39;
	v18 =	vmov s7;
	v31 =	vld.idx.msk [tilespmem:v62+s12+$0x0], $0xffff  }
0x271: {  	v51 =	vand.u32 $0x32, v18;
	v18 =	vmov s11;
	v12 =	vmul.f32 v12, v36;
	v35 =	vld.idx.msk [tilespmem:v35+s12+$0x0], $0xffff  }
0x272: {  	v11 =	vmovc v55;
	v19 =	vmul.f32 v19, v36;
	v41 =	vmul.f32 v41, v27;
	v18 =	vand.u32 $0x3C, v18;
	v50 =	vld.idx.msk [tilespmem:v50+s12+$0x0], $0xffff  }
0x273: {  	v27 =	vmul.f32 v43, v27;
	v16 =	vadd.f32 v16, v23;
	v23 =	vld.idx.msk [tilespmem:v25+s18+$0x0], $0xffff;
	v59 =	vor.u32 v3, v18  }
0x274: {  	v22 =	vmul.f32 v22, v56;
	v53 =	vor.u32 v3, v51;
	v55 =	vor.u32 v6, v18;
	v44 =	vld.idx.msk [tilespmem:v63+s18+$0x0], $0xffff  }
0x275: {  	v62 =	vor.u32 v5, v18;
	v19 =	vadd.f32 v19, v28;
	v28 =	vor.u32 s6, v4;
	v49 =	vld.idx.msk [tilespmem:v49+s18+$0x0], $0xffff  }
0x276: {  	v61 =	vor.u32 s6, v2;
	v54 =	vor.u32 v5, v51;
	v1 =	vmovc v62;
	v58 =	vld.idx.msk [tilespmem:v58+s18+$0x0], $0xffff;
	v62 =	vor.u32 v3, v46  }
0x277: {  	s5 =	sadd.s32 $0xFFFFFFFC, s0;
	v57 =	vor.u32 v8, v51;
	v39 =	vor.u32 v6, v51;
	v51 =	vor.u32 v5, v48;
	v0 =	vld.idx.msk [tilespmem:v0+s18+$0x0], $0xffff  }
0x278: {  	v48 =	vor.u32 v8, v48;
	v13 =	vadd.f32 v45, v13;
	v63 =	vmov s5;
	v59 =	vld.idx.msk [tilespmem:v59+s18+$0x0], $0xffff  }
0x279: {  	v14 =	vmul.f32 v14, v56;
	v24 =	vadd.f32 v12, v24;
	v63 =	vand.u32 $0x3A, v63;
	v43 =	vld.idx.msk [tilespmem:v55+s18+$0x0], $0xffff  }
0x27a: {  	v13 =	vadd.f32 v37, v13;
	v16 =	vadd.f32 v34, v16;
	v10 =	vor.u32 v5, v63;
	v28 =	vld.idx.msk [tilespmem:v28+s12+$0x0], $0xffff  }
0x27b: {  	[tilespmem:$0x1FFD0] =	vst v1;
	v1 =	vor.u32 v6, v46;
	v25 =	vor.u32 v3, v63;
	v12 =	vld.idx.msk [tilespmem:v62+s18+$0x0], $0xffff  }
0x27c: {  	v14 =	vadd.f32 v14, v16;
	v16 =	vadd.f32 v27, v24;
	v24 =	vmul.f32 v49, v35;
	v49 =	vld.idx.msk [tilespmem:v57+s18+$0x0], $0xffff  }
0x27d: {  	v0 =	vmul.f32 v0, v9;
	v9 =	vadd.f32 v41, v19;
	v19 =	vld.idx.msk [tilespmem:v48+s18+$0x0], $0xffff  }
0x27e: {  	v13 =	vadd.f32 v22, v13;
	v22 =	vmul.f32 v42, v26;
	v26 =	vmul.f32 v11, v26;
	v48 =	vld.idx.msk [tilespmem:v61+s12+$0x0], $0xffff  }
0x27f: {  	v36 =	vor.u32 s7, v4;
	v11 =	vadd.f32 v15, v9;
	v15 =	vld.idx.msk [tilespmem:v10+s18+$0x0], $0xffff  }
0x280: {  	v10 =	vadd.f32 v26, v14;
	v26 =	vld.idx.msk [tilespmem:v25+s18+$0x0], $0xffff  }
0x281: {  	v57 =	vor.u32 s5, v2;
	v14 =	vadd.f32 v17, v16;
	v16 =	vld.idx.msk [tilespmem:v1+s18+$0x0], $0xffff  }
0x282: {  	s4 =	sadd.s32 $0xFFFFFFFA, s0;
	v32 =	vor.u32 v8, v47;
	v1 =	vld [tilespmem:$0x1FFC0]  }
0x283: {  	v52 =	vor.u32 s7, v2;
	v30 =	vor.u32 s4, v2;
	v47 =	vor.u32 v6, v47;
	v25 =	vld.idx.msk [tilespmem:v60+s18+$0x0], $0xffff  }
0x284: {  	v7 =	vmov s4;
	v21 =	vmul.f32 v21, v20;
	v45 =	vmul.f32 v38, v20;
	v60 =	vld.idx.msk [tilespmem:v36+s12+$0x0], $0xffff  }
0x285: {  	v13 =	vadd.f32 v22, v13;
	v22 =	vmul.f32 v23, v33;
	v14 =	vadd.f32 v29, v14;
	v29 =	vld.idx.msk [tilespmem:v51+s18+$0x0], $0xffff  }
0x286: {  	v7 =	vand.u32 $0x38, v7;
	v0 =	vadd.f32 v0, v11;
	v9 =	vmovc v50;
	v50 =	vmul.f32 v44, v35;
	v35 =	vld.idx.msk [tilespmem:v57+s12+$0x0], $0xffff  }
0x287: {  	v62 =	vor.u32 v8, v7;
	v17 =	vadd.f32 v22, v13;
	v13 =	vmul.f32 v19, v28;
	v19 =	vld.idx.msk [tilespmem:v32+s18+$0x0], $0xffff  }
0x288: {  	v40 =	vmul.f32 v40, v33;
	v23 =	vmul.f32 v58, v28;
	v28 =	vld.idx.msk [tilespmem:v47+s18+$0x0], $0xffff;
	v0 =	vadd.f32 v45, v0  }
0x289: {  	v20 =	vor.u32 s0, v2;
	v22 =	vor.u32 v5, v46;
	v14 =	vadd.f32 v21, v14;
	v21 =	vld.idx.msk [tilespmem:v52+s12+$0x0], $0xffff  }
0x28a: {  	v18 =	vor.u32 v8, v18;
	v27 =	vor.u32 v8, v46;
	v0 =	vadd.f32 v24, v0;
	v24 =	vld.idx.msk [tilespmem:v53+s18+$0x0], $0xffff  }
0x28b: {  	v33 =	vor.u32 s0, v4;
	v61 =	vor.u32 s4, v4;
	v41 =	vor.u32 v5, v7;
	v53 =	vld.idx.msk [tilespmem:v54+s18+$0x0], $0xffff  }
0x28c: {  	v36 =	vor.u32 s1, v2;
	v55 =	vmovc v43;
	v43 =	vor.u32 v3, v7;
	v51 =	vor.u32 v6, v63;
	v42 =	vld.idx.msk [tilespmem:v62+s18+$0x0], $0xffff  }
0x28d: {  	v10 =	vadd.f32 v40, v10;
	v56 =	vmul.f32 v59, v9;
	v59 =	vor.u32 s1, v4;
	v54 =	vld.idx.msk [tilespmem:v39+s18+$0x0], $0xffff  }
0x28e: {  	v1 =	vand.u32 $0x3E, v1;
	v58 =	vmul.f32 v19, v31;
	v19 =	vld.idx.msk [tilespmem:v22+s18+$0x0], $0xffff;
	v22 =	vor.u32 v6, v7  }
0x28f: {  	v32 =	vld.idx.msk [tilespmem:v27+s18+$0x0], $0xffff;
	v25 =	vmul.f32 v25, v48;
	v27 =	vmul.f32 v28, v31;
	v28 =	vor.u32 v8, v63  }
0x290: {  	s31 =	sadd.s32 $0x8, s31;
	v37 =	vld.idx.msk [tilespmem:v61+s12+$0x0], $0xffff;
	v52 =	vadd.f32 v50, v14;
	v24 =	vmul.f32 v24, v21;
	v21 =	vmul.f32 v53, v21  }
0x291: {  	p1 =	slt.u32 s31, $0x18;
	v38 =	vor.u32 v5, v1;
	v40 =	vor.u32 v6, v1;
	v14 =	vld.idx.msk [tilespmem:v51+s18+$0x0], $0xffff;
	v63 =	vor.u32 s11, v4  }
.Ltmp4:
0x292: {  	v29 =	vmul.f32 v29, v48;
	v31 =	vor.u32 s5, v4;
	v39 =	vld.idx.msk [tilespmem:v59+s12+$0x0], $0xffff;
	v0 =	vadd.f32 v21, v0;
	(pc) =	sbr.rel @p1 .LBB2_7-.Ltmp4, $4  }
0x293: {  	v10 =	vadd.f32 v27, v10;
	v44 =	vmul.f32 v54, v60;
	v24 =	vadd.f32 v24, v52;
	v34 =	vld.idx.msk [tilespmem:v22+s18+$0x0], $0xffff  }
0x294: {  	v22 =	vld.idx.msk [tilespmem:v28+s18+$0x0], $0xffff;
	v28 =	vadd.f32 v29, v0;
	v0 =	vadd.f32 v58, v17;
	v29 =	vmul.f32 v49, v60  }
0x295: {  	v27 =	vld.idx.msk [tilespmem:v30+s12+$0x0], $0xffff;
	v21 =	vor.u32 v3, v1;
	v44 =	vadd.f32 v44, v10;
	v24 =	vadd.f32 v25, v24  }
0x296: {  	s0 =	sadd.s32 $0x10, s0;
	v25 =	vor.u32 v8, v1;
	v17 =	vmul.f32 v26, v35;
	v26 =	vld.idx.msk [tilespmem:v63+s12+$0x0], $0xffff;
	v30 =	vadd.f32 v29, v0  }
0x297: {  	_ =	sdelay $0x3  }
0x298: {  	v0 =	vld.idx.msk [tilespmem:v43+s18+$0x0], $0xffff  }
0x299: {  	v1 =	vld.idx.msk [tilespmem:v36+s12+$0x0], $0xffff  }
0x29a: {  	v11 =	vld [tilespmem:$0x1FFD0]  }
0x29b: {  	v2 =	vld.idx.msk [tilespmem:v33+s12+$0x0], $0xffff  }
0x29c: {  	v3 =	vld.idx.msk [tilespmem:v41+s18+$0x0], $0xffff  }
0x29d: {  	v5 =	vld.idx.msk [tilespmem:v18+s18+$0x0], $0xffff;
	v7 =	vmul.f32 v16, v39;
	v41 =	vadd.f32 v23, v44  }
0x29e: {  	v4 =	vmul.f32 v32, v39;
	v6 =	vmul.f32 v15, v35;
	v8 =	vld.idx.msk [tilespmem:v31+s12+$0x0], $0xffff  }
0x29f: {  	v39 =	vld.idx.msk [tilespmem:v40+s18+$0x0], $0xffff;
	v10 =	vmul.f32 v34, v37;
	v13 =	vadd.f32 v13, v30;
	v7 =	vadd.f32 v7, v41  }
0x2a0: {  	v20 =	vld.idx.msk [tilespmem:v20+s12+$0x0], $0xffff;
	v40 =	vmul.f32 v19, v1;
	v1 =	vmul.f32 v12, v1  }
0x2a1: {  	v42 =	vmul.f32 v42, v37;
	v44 =	vld.idx.msk [tilespmem:v25+s18+$0x0], $0xffff;
	v4 =	vadd.f32 v4, v13;
	v7 =	vadd.f32 v10, v7  }
0x2a2: {  	v50 =	vmul.f32 v55, v26;
	v0 =	vmul.f32 v0, v27;
	v1 =	vadd.f32 v1, v24;
	v11 =	vld.idx.msk [tilespmem:v11+s18+$0x0], $0xffff  }
0x2a3: {  	v45 =	vld.idx.msk [tilespmem:v21+s18+$0x0], $0xffff;
	v3 =	vmul.f32 v3, v27;
	v4 =	vadd.f32 v42, v4;
	v43 =	vadd.f32 v40, v28  }
0x2a4: {  	v47 =	vld.idx.msk [tilespmem:v38+s18+$0x0], $0xffff;
	v46 =	vmul.f32 v22, v8;
	v15 =	vmul.f32 v39, v2;
	v0 =	vadd.f32 v0, v1  }
0x2a5: {  	v48 =	vmul.f32 v14, v8;
	v5 =	vmul.f32 v5, v26;
	v3 =	vadd.f32 v3, v43  }
0x2a6: {  	v2 =	vmul.f32 v44, v2;
	v4 =	vadd.f32 v46, v4;
	v0 =	vadd.f32 v17, v0  }
0x2a7: {  	v1 =	vadd.f32 v48, v7;
	v3 =	vadd.f32 v6, v3;
	v49 =	vmul.f32 v11, v9  }
0x2a8: {  	v51 =	vmul.f32 v45, v20;
	v4 =	vadd.f32 v5, v4;
	v0 =	vadd.f32 v56, v0  }
0x2a9: {  	v52 =	vmul.f32 v47, v20;
	v1 =	vadd.f32 v50, v1;
	v3 =	vadd.f32 v49, v3  }
0x2aa: {  	v2 =	vadd.f32 v2, v4;
	v0 =	vadd.f32 v51, v0  }
0x2ab: {  	v1 =	vadd.f32 v15, v1;
	v3 =	vadd.f32 v52, v3  }
0x2ac: {  	v0 =	vadd.f32 v2, v0  }
0x2ad: {  	v1 =	vadd.f32 v1, v3  }
0x2ae: {  	(xrf0) =	vmax.scan.msk.f32 $0xffff, v0  }
0x2af: {  	(xrf0) =	vmax.scan.msk.f32 $0xffff, v1;
	_ =	sdelay $0x4  }
0x2b0: {  	v53, _, _ =	vpop (xrf0)  }
0x2b1: {  	(v2sf) =	vpush v53, $0xF;
	v54, _, _ =	vpop (xrf0)  }
0x2b2: {  	(v2sf) =	vpush v54, $0xF;
	_ =	sdelay $0xd  }
0x2b3: {  	s0 =	spop (v2sf)  }
0x2b4: {  	s1 =	spop (v2sf)  }
0x2b5: {  	s0 =	smax.f32 s0, s1  }
0x2b6: {  	v55 =	vmov s0  }
0x2b7: {  	v56 =	vsub.f32 v0, v55  }
0x2b8: {  	v2 =	vsub.f32 v1, v55  }
0x2b9: {  	v3 =	vmul.f32 $1.442695020e+00, v56  }
0x2ba: {  	v2 =	vmul.f32 $1.442695020e+00, v2  }
0x2bb: {  	(erf) = vpow2.f32 v3  }
0x2bc: {  	(erf) = vpow2.f32 v2;
	_ =	sdelay $0x7  }
0x2bd: {  	v57 =	vpop (erf)  }
0x2be: {  	v58 =	vpop (erf)  }
0x2bf: {  	(xrf2) =	vadd.scan.msk.f32 $0xffff, v57;
	v3 =	vnsel vm0, $0x0, v58  }
0x2c0: {  	(xrf2) =	vadd.scan.msk.f32 $0xffff, v3;
	_ =	sdelay $0x8  }
0x2c1: {  	v59, _, _ =	vpop (xrf2)  }
0x2c2: {  	(v2sf) =	vpush v59, $0xF;
	v60, _, _ =	vpop (xrf2)  }
0x2c3: {  	(v2sf) =	vpush v60, $0xF;
	_ =	sdelay $0xd  }
0x2c4: {  	s11 =	spop (v2sf)  }
0x2c5: {  	s31 =	spop (v2sf)  }
0x2c6: {  	s0 =	sadd.f32 s31, s11;
	_ =	sdelay $0x1  }
0x2c7: {  	v61 =	vmov s0  }
0x2c8: {  	(erf) = vrcp.f32 v61;
	_ =	sdelay $0x8  }
.Ltmp5:
0x2c9: {  	v4 =	vpop (erf);
	(pc) =	sbr.rel @p0 .LBB2_10-.Ltmp5, $4  }
0x2ca: {  	[tilespmem:s29+$0x14000] =	vst v0;
	v62 =	vmul.f32 v4, v57  }
0x2cb: {  	[tilespmem:s30+$0x14000] =	vst v1;
	v63 =	vmul.f32 v4, v3  }
0x2cc: {  	[tilespmem:s29+$0x15000] =	vst v62  }
0x2cd: {  	[tilespmem:s30+$0x15000] =	vst v63  }
0x2ce: {  	v0 =	vld [tilespmem:s28+$0x60];
	_ =	sdelay $0x4  }
0x2cf: {  	v0 =	vshll.u32 v0, $0x4  }
0x2d0: {  	(v2sf) =	vpush v0, $0x0;
	_ =	sdelay $0x1  }
0x2d1: {  	(v2sf) =	vpush v0, $0x1;
	_ =	sdelay $0x1  }
0x2d2: {  	(v2sf) =	vpush v0, $0x2;
	_ =	sdelay $0x2  }
0x2d3: {  	(v2sf) =	vpush v0, $0x3;
	_ =	sdelay $0x7  }
0x2d4: {  	s0 =	spop (v2sf);
	(v2sf) =	vpush v0, $0x4;
	_ =	sdelay $0x1  }
0x2d5: {  	s7 =	spop (v2sf);
	(v2sf) =	vpush v0, $0x5;
	_ =	sdelay $0x1  }
0x2d6: {  	s11 =	spop (v2sf);
	(v2sf) =	vpush v0, $0x6;
	_ =	sdelay $0x1  }
0x2d7: {  	s0 =	sand.u32 $0xFFFFF80, s0  }
0x2d8: {  	s0 =	sadd.s32 s3, s0;
	s30 =	spop (v2sf);
	(v2sf) =	vpush v0, $0x7  }
0x2d9: {  	[tilespmem:s18], [sflag:$0x2] =	stream.linear.gather [hbm4b:s0+s2], $0x400, $0x38;
	[tilespmem:$0x16000] =	vst v63  }
0x2da: {  	s0 =	sand.u32 $0xFFFFF80, s7  }
0x2db: {  	s1 =	simm.s32 $0xC400;
	s0 =	sadd.s32 s3, s0  }
0x2dc: {  	[tilespmem:s1], [sflag:$0x2] =	stream.linear.gather [hbm4b:s0+s2], $0x400, $0x38;
	[tilespmem:$0x16000] =	vst v63  }
0x2dd: {  	s0 =	sand.u32 $0xFFFFF80, s11  }
0x2de: {  	s29 =	simm.s32 $0xC800;
	s0 =	sadd.s32 s3, s0  }
0x2df: {  	[tilespmem:s29], [sflag:$0x2] =	stream.linear.gather [hbm4b:s0+s2], $0x400, $0x38;
	[tilespmem:$0x16000] =	vst v63  }
0x2e0: {  	s4 =	spop (v2sf);
	(v2sf) =	vpush v0, $0x8  }
0x2e1: {  	s0 =	sand.u32 $0xFFFFF80, s30  }
0x2e2: {  	s31 =	simm.s32 $0xCC00;
	s0 =	sadd.s32 s3, s0;
	s6 =	spop (v2sf);
	(v2sf) =	vpush v0, $0x9  }
0x2e3: {  	[tilespmem:s31], [sflag:$0x2] =	stream.linear.gather [hbm4b:s0+s2], $0x400, $0x38;
	[tilespmem:$0x16000] =	vst v63  }
0x2e4: {  	s0 =	sand.u32 $0xFFFFF80, s4;
	s11 =	spop (v2sf);
	(v2sf) =	vpush v0, $0xA  }
0x2e5: {  	s5 =	simm.s32 $0xD000;
	s0 =	sadd.s32 s3, s0  }
0x2e6: {  	[tilespmem:s5], [sflag:$0x2] =	stream.linear.gather [hbm4b:s0+s2], $0x400, $0x38;
	[tilespmem:$0x16000] =	vst v63  }
0x2e7: {  	s30 =	spop (v2sf);
	(v2sf) =	vpush v0, $0xB  }
0x2e8: {  	s0 =	sand.u32 $0xFFFFF80, s6  }
0x2e9: {  	s7 =	simm.s32 $0xD400;
	s0 =	sadd.s32 s3, s0  }
0x2ea: {  	[tilespmem:s7], [sflag:$0x2] =	stream.linear.gather [hbm4b:s0+s2], $0x400, $0x38;
	[tilespmem:$0x16000] =	vst v63  }
0x2eb: {  	s0 =	sand.u32 $0xFFFFF80, s11  }
0x2ec: {  	s29 =	simm.s32 $0xD800;
	s0 =	sadd.s32 s3, s0  }
0x2ed: {  	[tilespmem:s29], [sflag:$0x2] =	stream.linear.gather [hbm4b:s0+s2], $0x400, $0x38;
	[tilespmem:$0x16000] =	vst v63  }
0x2ee: {  	s0 =	sand.u32 $0xFFFFF80, s30  }
0x2ef: {  	s31 =	simm.s32 $0xDC00;
	s0 =	sadd.s32 s3, s0;
	s4 =	spop (v2sf);
	(v2sf) =	vpush v0, $0xC  }
0x2f0: {  	[tilespmem:s31], [sflag:$0x2] =	stream.linear.gather [hbm4b:s0+s2], $0x400, $0x38;
	[tilespmem:$0x16000] =	vst v63  }
0x2f1: {  	s6 =	spop (v2sf);
	(v2sf) =	vpush v0, $0xD  }
0x2f2: {  	s0 =	sand.u32 $0xFFFFF80, s4  }
0x2f3: {  	s5 =	simm.s32 $0xE000;
	s0 =	sadd.s32 s3, s0;
	s11 =	spop (v2sf)  }
0x2f4: {  	(v2sf) =	vpush v0, $0xE;
	[tilespmem:s5], [sflag:$0x2] =	stream.linear.gather [hbm4b:s0+s2], $0x400, $0x38;
	[tilespmem:$0x16000] =	vst v63  }
0x2f5: {  	s0 =	sand.u32 $0xFFFFF80, s6  }
0x2f6: {  	s7 =	simm.s32 $0xE400;
	s30 =	spop (v2sf);
	s0 =	sadd.s32 s3, s0  }
0x2f7: {  	(v2sf) =	vpush v0, $0xF;
	[tilespmem:s7], [sflag:$0x2] =	stream.linear.gather [hbm4b:s0+s2], $0x400, $0x38;
	[tilespmem:$0x16000] =	vst v63  }
0x2f8: {  	s0 =	sand.u32 $0xFFFFF80, s11  }
0x2f9: {  	s29 =	simm.s32 $0xE800;
	s0 =	sadd.s32 s3, s0  }
0x2fa: {  	[tilespmem:s29], [sflag:$0x2] =	stream.linear.gather [hbm4b:s0+s2], $0x400, $0x38;
	[tilespmem:$0x16000] =	vst v63  }
0x2fb: {  	s0 =	sand.u32 $0xFFFFF80, s30  }
0x2fc: {  	s31 =	simm.s32 $0xEC00;
	s0 =	sadd.s32 s3, s0  }
0x2fd: {  	[tilespmem:s31], [sflag:$0x2] =	stream.linear.gather [hbm4b:s0+s2], $0x400, $0x38;
	[tilespmem:$0x16000] =	vst v63  }
0x2fe: {  	s4 =	spop (v2sf)  }
0x2ff: {  	s0 =	sand.u32 $0xFFFFF80, s4  }
0x300: {  	s5 =	simm.s32 $0xF000;
	s6 =	spop (v2sf);
	s0 =	sadd.s32 s3, s0  }
0x301: {  	[tilespmem:s5], [sflag:$0x2] =	stream.linear.gather [hbm4b:s0+s2], $0x400, $0x38;
	[tilespmem:$0x16000] =	vst v63  }
0x302: {  	s0 =	sand.u32 $0xFFFFF80, s6  }
0x303: {  	s7 =	simm.s32 $0xF400;
	s11 =	spop (v2sf);
	s0 =	sadd.s32 s3, s0  }
0x304: {  	[tilespmem:s7], [sflag:$0x2] =	stream.linear.gather [hbm4b:s0+s2], $0x400, $0x38;
	[tilespmem:$0x16000] =	vst v63  }
0x305: {  	s0 =	sand.u32 $0xFFFFF80, s11  }
0x306: {  	s29 =	simm.s32 $0xF800;
	s30 =	spop (v2sf);
	s0 =	sadd.s32 s3, s0  }
0x307: {  	[tilespmem:s29], [sflag:$0x2] =	stream.linear.gather [hbm4b:s0+s2], $0x400, $0x38;
	[tilespmem:$0x16000] =	vst v63  }
0x308: {  	s0 =	sand.u32 $0xFFFFF80, s30  }
0x309: {  	s31 =	simm.s32 $0xFC00;
	s0 =	sadd.s32 s3, s0  }
0x30a: {  	[tilespmem:s31], [sflag:$0x2] =	stream.linear.gather [hbm4b:s0+s2], $0x400, $0x38;
	[tilespmem:$0x16000] =	vst v63  }
0x30b: {  	v0 =	vld [tilespmem:s28+$0x70];
	_ =	sdelay $0x4  }
0x30c: {  	v0 =	vshll.u32 v0, $0x4  }
0x30d: {  	(v2sf) =	vpush v0, $0x0;
	_ =	sdelay $0x1  }
0x30e: {  	(v2sf) =	vpush v0, $0x1;
	_ =	sdelay $0x1  }
0x30f: {  	(v2sf) =	vpush v0, $0x2;
	_ =	sdelay $0x2  }
0x310: {  	(v2sf) =	vpush v0, $0x3;
	_ =	sdelay $0x7  }
0x311: {  	s1 =	spop (v2sf);
	(v2sf) =	vpush v0, $0x4;
	_ =	sdelay $0x1  }
0x312: {  	s5 =	spop (v2sf);
	(v2sf) =	vpush v0, $0x5;
	_ =	sdelay $0x1  }
0x313: {  	s7 =	spop (v2sf);
	(v2sf) =	vpush v0, $0x6;
	_ =	sdelay $0x1  }
0x314: {  	s0 =	sand.u32 $0xFFFFF80, s1  }
0x315: {  	s4 =	simm.s32 $0x10000;
	s0 =	sadd.s32 s3, s0;
	s28 =	spop (v2sf);
	(v2sf) =	vpush v0, $0x7  }
0x316: {  	[tilespmem:s4], [sflag:$0x2] =	stream.linear.gather [hbm4b:s0+s2], $0x400, $0x38;
	[tilespmem:$0x16000] =	vst v63  }
0x317: {  	s0 =	sand.u32 $0xFFFFF80, s5  }
0x318: {  	s6 =	simm.s32 $0x10400;
	s0 =	sadd.s32 s3, s0  }
0x319: {  	[tilespmem:s6], [sflag:$0x2] =	stream.linear.gather [hbm4b:s0+s2], $0x400, $0x38;
	[tilespmem:$0x16000] =	vst v63  }
0x31a: {  	s0 =	sand.u32 $0xFFFFF80, s7  }
0x31b: {  	s11 =	simm.s32 $0x10800;
	s0 =	sadd.s32 s3, s0  }
0x31c: {  	[tilespmem:s11], [sflag:$0x2] =	stream.linear.gather [hbm4b:s0+s2], $0x400, $0x38;
	[tilespmem:$0x16000] =	vst v63  }
0x31d: {  	s30 =	spop (v2sf);
	(v2sf) =	vpush v0, $0x8  }
0x31e: {  	s0 =	sand.u32 $0xFFFFF80, s28  }
0x31f: {  	s29 =	simm.s32 $0x10C00;
	s0 =	sadd.s32 s3, s0;
	s31 =	spop (v2sf);
	(v2sf) =	vpush v0, $0x9  }
0x320: {  	[tilespmem:s29], [sflag:$0x2] =	stream.linear.gather [hbm4b:s0+s2], $0x400, $0x38;
	[tilespmem:$0x16000] =	vst v63  }
0x321: {  	s0 =	sand.u32 $0xFFFFF80, s30;
	s1 =	spop (v2sf);
	(v2sf) =	vpush v0, $0xA  }
0x322: {  	s0 =	sadd.s32 s3, s0  }
0x323: {  	[tilespmem:s8], [sflag:$0x2] =	stream.linear.gather [hbm4b:s0+s2], $0x400, $0x38;
	[tilespmem:$0x16000] =	vst v63  }
0x324: {  	s4 =	spop (v2sf);
	(v2sf) =	vpush v0, $0xB  }
0x325: {  	s0 =	sand.u32 $0xFFFFF80, s31  }
0x326: {  	s0 =	sadd.s32 s3, s0  }
0x327: {  	[tilespmem:s9], [sflag:$0x2] =	stream.linear.gather [hbm4b:s0+s2], $0x400, $0x38;
	[tilespmem:$0x16000] =	vst v63  }
0x328: {  	s0 =	sand.u32 $0xFFFFF80, s1  }
0x329: {  	s0 =	sadd.s32 s3, s0  }
0x32a: {  	[tilespmem:s10], [sflag:$0x2] =	stream.linear.gather [hbm4b:s0+s2], $0x400, $0x38;
	[tilespmem:$0x16000] =	vst v63  }
0x32b: {  	s0 =	sand.u32 $0xFFFFF80, s4  }
0x32c: {  	s0 =	sadd.s32 s3, s0;
	s5 =	spop (v2sf);
	(v2sf) =	vpush v0, $0xC  }
0x32d: {  	[tilespmem:s14], [sflag:$0x2] =	stream.linear.gather [hbm4b:s0+s2], $0x400, $0x38;
	[tilespmem:$0x16000] =	vst v63  }
0x32e: {  	s6 =	spop (v2sf);
	(v2sf) =	vpush v0, $0xD  }
0x32f: {  	s0 =	sand.u32 $0xFFFFF80, s5  }
0x330: {  	s0 =	sadd.s32 s3, s0;
	s7 =	spop (v2sf)  }
0x331: {  	(v2sf) =	vpush v0, $0xE;
	[tilespmem:s15], [sflag:$0x2] =	stream.linear.gather [hbm4b:s0+s2], $0x400, $0x38;
	[tilespmem:$0x16000] =	vst v63  }
0x332: {  	s0 =	sand.u32 $0xFFFFF80, s6  }
0x333: {  	s11 =	spop (v2sf);
	s0 =	sadd.s32 s3, s0  }
0x334: {  	(v2sf) =	vpush v0, $0xF;
	[tilespmem:s16], [sflag:$0x2] =	stream.linear.gather [hbm4b:s0+s2], $0x400, $0x38;
	[tilespmem:$0x16000] =	vst v63  }
0x335: {  	s0 =	sand.u32 $0xFFFFF80, s7  }
0x336: {  	s0 =	sadd.s32 s3, s0  }
0x337: {  	[tilespmem:s17], [sflag:$0x2] =	stream.linear.gather [hbm4b:s0+s2], $0x400, $0x38;
	[tilespmem:$0x16000] =	vst v63  }
0x338: {  	s0 =	sand.u32 $0xFFFFF80, s11  }
0x339: {  	s0 =	sadd.s32 s3, s0  }
0x33a: {  	[tilespmem:s19], [sflag:$0x2] =	stream.linear.gather [hbm4b:s0+s2], $0x400, $0x38;
	[tilespmem:$0x16000] =	vst v63  }
0x33b: {  	s28 =	spop (v2sf)  }
0x33c: {  	s0 =	sand.u32 $0xFFFFF80, s28  }
0x33d: {  	s29 =	spop (v2sf);
	s0 =	sadd.s32 s3, s0  }
0x33e: {  	[tilespmem:s20], [sflag:$0x2] =	stream.linear.gather [hbm4b:s0+s2], $0x400, $0x38;
	[tilespmem:$0x16000] =	vst v63  }
0x33f: {  	s0 =	sand.u32 $0xFFFFF80, s29  }
0x340: {  	s30 =	spop (v2sf);
	s0 =	sadd.s32 s3, s0  }
0x341: {  	[tilespmem:s21], [sflag:$0x2] =	stream.linear.gather [hbm4b:s0+s2], $0x400, $0x38;
	[tilespmem:$0x16000] =	vst v63  }
0x342: {  	s0 =	sand.u32 $0xFFFFF80, s30  }
.Ltmp6:
0x343: {  	s31 =	spop (v2sf);
	s0 =	sadd.s32 s3, s0;
	(pc) =	sbr.rel .LBB2_2-.Ltmp6, $4  }
0x344: {  	[tilespmem:s22], [sflag:$0x2] =	stream.linear.gather [hbm4b:s0+s2], $0x400, $0x38;
	[tilespmem:$0x16000] =	vst v63  }
0x345: {  	s0 =	sand.u32 $0xFFFFF80, s31  }
0x346: {  	s26 =	sadd.s32 $0x1, s26;
	v1 =	vld [tilespmem:$0x1FFF0];
	s0 =	sadd.s32 s3, s0  }
0x347: {  	v0 =	vld [tilespmem:$0x1FFE0];
	[tilespmem:s23], [sflag:$0x2] =	stream.linear.gather [hbm4b:s0+s2], $0x400, $0x38  }
.LBB2_11:
0x348: {  	_ =	sfence.sel $0x180000  }
0x349: {  	[bflag:$0x0] =	sbarrier.arrive $0xFFFF  }
0x34a: {  	_ =	strace $0x90000047  }
0x34b: {  	s0 =	stileid.u32;
	[bflag:$0x2] =	sbarrier.arrive $0xFFFF  }
0x34c: {  	p0 =	sne.s32 s0, $0x0;
	s0 =	rddreg [dreg:$0x3]  }
0x34d: {  	s0 =	sadd.s32 @!p0 $0x100000, s0  }
0x34e: {  	[sflag:s0] =	ssyncadd.tile.s32 @!p0 $0x1;
	_ =	shalt  }
.Lfunc_end2:
_tile_overlayer_lowered:
.L_overlay_start_2:
0x34f: {  	(tag) =	ssettag $0x2  }
0x350: {  	s0 =	rddreg [dreg:$0x0];
	s2 =	stileid.u32  }
0x351: {  	s1 =	rddreg [dreg:$0x1];
	p0 =	sne.s32 s2, $0x0  }
0x352: {  	s3 =	rddreg [dreg:$0x2];
	[bflag:$0x3] =	sbarrier.arrive $0xFFFF;
	s2 =	simm.s32 @!p0 $0x1C03  }
0x353: {  	[timem:s3], [sflag:s2] =	dma.local @!p0 [hbm:s0], s1  }
0x354: {  	s0 =	simm.s32 @!p0 $0x3  }
0x355: {  	_ =	swait.ge @!p0 [sflag:s0], s1  }
0x356: {  	s1 =	ssub.s32 @!p0 $0x0, s1;
	[sflag:s0] =	ssyncset.done @!p0 $0x0  }
0x357: {  	[sflag:s0] =	ssyncadd.s32 @!p0 s1  }
0x358: {  	[bflag:$0x3] =	sbarrier.arrive $0xFFFF  }
0x359: {  	_ =	shalt  }

</sc_bundles>
